<compile_context>
chip_gen: v7x
topology: tpu7x:2x2x1
jax: 0.10.2.dev20260603
libtpu: 0.0.44.dev20260713+nightly
codegen_flags: <defaults>
</compile_context>

<pallas_src>
import functools

import jax
import jax.numpy as jnp
from jax import lax
from jax.experimental import pallas as pl
from jax.experimental.pallas import tpu as pltpu
from jax.experimental.pallas import tpu_sc as plsc

N = 10000
E = 320000
D = 128
NC = 2
NS = 16
L = 16
NW = NC * NS
EW = E // NW
NPAD = 10240
STRIPE = NPAD // NS

CD = 80
NCHUNKD = EW // CD
NBD = 5
NITERD = NCHUNKD // NBD

CA = 80
NCHUNKA = EW // CA
NBA = 4
NTAIL = NCHUNKA - 31 * NBA
NFULL = (NCHUNKA - NTAIL) // NBA

_mesh = plsc.VectorSubcoreMesh(core_axis_name="c", subcore_axis_name="s")


@functools.partial(
    pl.kernel,
    mesh=_mesh,
    out_type=jax.ShapeDtypeStruct((NC * NPAD,), jnp.float32),
    scratch_types=(
        [pltpu.VMEM((CD,), jnp.int32) for _ in range(NBD)]
        + [pltpu.SemaphoreType.DMA for _ in range(NBD)]
        + [pltpu.SemaphoreType.DMA for _ in range(NBD)]
        + [
            pltpu.VMEM((CD,), jnp.float32),
            pltpu.VMEM((STRIPE,), jnp.float32),
            pltpu.VMEM_SHARED((NPAD,), jnp.float32),
        ]
    ),
)
def _deg_kernel(dst_hbm, out_hbm, *refs):
    didx = refs[0:NBD]
    isem = refs[NBD:2 * NBD]
    ssem = refs[2 * NBD:3 * NBD]
    ones_v, buf_v, deg_sh = refs[3 * NBD:]
    c = lax.axis_index("c")
    s = lax.axis_index("s")
    wid = c * NS + s
    base0 = wid * EW

    for i in range(CD // L):
        ones_v[pl.ds(i * L, L)] = jnp.ones((L,), jnp.float32)

    def _zero(i, carry):
        buf_v[pl.ds(i * L, L)] = jnp.zeros((L,), jnp.float32)
        return carry

    lax.fori_loop(0, STRIPE // L, _zero, 0)
    pltpu.sync_copy(buf_v, deg_sh.at[pl.ds(s * STRIPE, STRIPE)])
    plsc.subcore_barrier()

    def _idx_load(chunk, b):
        pltpu.async_copy(dst_hbm.at[pl.ds(base0 + chunk * CD, CD)], didx[b],
                         isem[b])

    def _iwait(chunk, b):
        pltpu.make_async_copy(dst_hbm.at[pl.ds(base0 + chunk * CD, CD)],
                              didx[b], isem[b]).wait()

    def _scatter(b):
        pltpu.async_copy(ones_v, deg_sh.at[didx[b]], ssem[b], add=True)

    def _sdrain(b):
        pltpu.make_async_copy(ones_v, deg_sh.at[didx[b]], ssem[b]).wait()

    for b in range(NBD):
        _idx_load(b, b)
    for b in range(NBD):
        _iwait(b, b)
        _scatter(b)

    def _body(jj, carry):
        for b in range(NBD):
            chunk = jj * NBD + b
            _sdrain(b)
            _idx_load(chunk, b)
        for b in range(NBD):
            chunk = jj * NBD + b
            _iwait(chunk, b)
            _scatter(b)
        return carry

    lax.fori_loop(1, NITERD, _body, 0)
    for b in range(NBD):
        _sdrain(b)
    plsc.subcore_barrier()

    pltpu.sync_copy(deg_sh.at[pl.ds(s * STRIPE, STRIPE)], buf_v)
    pltpu.sync_copy(buf_v, out_hbm.at[pl.ds(c * NPAD + s * STRIPE, STRIPE)])


@functools.partial(
    pl.kernel,
    mesh=_mesh,
    out_type=jax.ShapeDtypeStruct((NC * NPAD, D), jnp.float32),
    scratch_types=(
        [pltpu.VMEM((CA, D), jnp.float32) for _ in range(NBA)]
        + [pltpu.VMEM((CA,), jnp.int32) for _ in range(NBA)]
        + [pltpu.VMEM((CA,), jnp.int32) for _ in range(2 * NBA)]
        + [pltpu.SemaphoreType.DMA for _ in range(NBA)]
        + [pltpu.SemaphoreType.DMA for _ in range(NBA)]
        + [pltpu.SemaphoreType.DMA for _ in range(2 * NBA)]
        + [pltpu.SemaphoreType.DMA for _ in range(NBA)]
        + [pltpu.VMEM_SHARED((NPAD, D), jnp.float32)]
    ),
)
def _agg_kernel(src_hbm, dst_hbm, y_hbm, out_hbm, *refs):
    rows = refs[0:NBA]
    didx = refs[NBA:2 * NBA]
    sidx = refs[2 * NBA:4 * NBA]
    gsem = refs[4 * NBA:5 * NBA]
    dsem = refs[5 * NBA:6 * NBA]
    ssem_s = refs[6 * NBA:8 * NBA]
    ssem = refs[8 * NBA:9 * NBA]
    agg_sh = refs[9 * NBA]
    c = lax.axis_index("c")
    s = lax.axis_index("s")
    wid = c * NS + s
    base0 = wid * EW

    def _zero(i, carry):
        rows[0][i // (D // L), pl.ds((i % (D // L)) * L, L)] = (
            jnp.zeros((L,), jnp.float32))
        return carry

    lax.fori_loop(0, CA * D // L, _zero, 0)
    for k in range(STRIPE // CA):
        pltpu.sync_copy(rows[0], agg_sh.at[pl.ds(s * STRIPE + k * CA, CA)])
    plsc.subcore_barrier()

    def _didx_load(chunk, b):
        pltpu.async_copy(dst_hbm.at[pl.ds(base0 + chunk * CA, CA)], didx[b],
                         dsem[b])

    def _diwait(chunk, b):
        pltpu.make_async_copy(dst_hbm.at[pl.ds(base0 + chunk * CA, CA)],
                              didx[b], dsem[b]).wait()

    def _sidx_load(chunk, b2):
        pltpu.async_copy(src_hbm.at[pl.ds(base0 + chunk * CA, CA)], sidx[b2],
                         ssem_s[b2])

    def _siwait(chunk, b2):
        pltpu.make_async_copy(src_hbm.at[pl.ds(base0 + chunk * CA, CA)],
                              sidx[b2], ssem_s[b2]).wait()

    def _gather(b, b2):
        pltpu.async_copy(y_hbm.at[sidx[b2]], rows[b], gsem[b])

    def _gwait(b, b2):
        pltpu.make_async_copy(y_hbm.at[sidx[b2]], rows[b], gsem[b]).wait()

    def _scatter(b):
        pltpu.async_copy(rows[b], agg_sh.at[didx[b]], ssem[b], add=True)

    def _sdrain(b):
        pltpu.make_async_copy(rows[b], agg_sh.at[didx[b]], ssem[b]).wait()

    for t in range(NTAIL):
        tchunk = NCHUNKA - NTAIL + t
        _didx_load(tchunk, 0)
        _sidx_load(tchunk, 0)
        _siwait(tchunk, 0)
        _gather(0, 0)
        _diwait(tchunk, 0)
        _gwait(0, 0)
        _scatter(0)
        _sdrain(0)

    for b in range(NBA):
        _didx_load(b, b)
        _sidx_load(b, b)
        _sidx_load(b + NBA, b + NBA)
    for b in range(NBA):
        _siwait(b, b)
        _gather(b, b)
    for b in range(NBA):
        _diwait(b, b)
        _gwait(b, b)
        _scatter(b)

    def _round(jj, parity, prefetch):
        po = parity * NBA
        npo = (1 - parity) * NBA
        for b in range(NBA):
            chunk = jj * NBA + b
            _sdrain(b)
            _didx_load(chunk, b)
            if prefetch:
                _sidx_load(chunk + NBA, b + npo)
        for b in range(NBA):
            chunk = jj * NBA + b
            _siwait(chunk, b + po)
            _gather(b, b + po)
        for b in range(NBA):
            chunk = jj * NBA + b
            _diwait(chunk, b)
            _gwait(b, b + po)
            _scatter(b)

    def _body(p, carry):
        _round(2 * p + 1, 1, True)
        _round(2 * p + 2, 0, True)
        return carry

    lax.fori_loop(0, (NFULL - 3) // 2, _body, 0)
    _round(NFULL - 2, 1, True)
    _round(NFULL - 1, 0, False)
    for b in range(NBA):
        _sdrain(b)
    plsc.subcore_barrier()

    for k in range(STRIPE // CA):
        off = s * STRIPE + k * CA
        pltpu.sync_copy(agg_sh.at[pl.ds(off, CA)], rows[0])
        pltpu.sync_copy(rows[0], out_hbm.at[pl.ds(c * NPAD + off, CA)])


def _lin_body(x_ref, w_ref, deg_ref, y_ref, dinv_ref):
    x_lin = jnp.dot(x_ref[...], w_ref[...], preferred_element_type=jnp.float32)
    deg = deg_ref[0:N, :] + deg_ref[NPAD:NPAD + N, :] + 1.0
    dinv = lax.rsqrt(deg)
    dinv_ref[...] = dinv
    y_ref[...] = x_lin * dinv


_lin = pl.pallas_call(
    _lin_body,
    out_shape=(
        jax.ShapeDtypeStruct((N, D), jnp.float32),
        jax.ShapeDtypeStruct((N, 1), jnp.float32),
    ),
)


def _final_body(x_ref, y_ref, agg_ref, dinv_ref, bg_ref, g1_ref, be1_ref,
                w1_ref, b1_ref, w2_ref, b2_ref, g2_ref, be2_ref, out_ref):
    a = agg_ref[0:N, :] + agg_ref[NPAD:NPAD + N, :]
    h_local = (a + y_ref[...]) * dinv_ref[...] + bg_ref[...]
    h = x_ref[...] + h_local
    mean = jnp.mean(h, axis=0)
    var = jnp.mean((h - mean) ** 2, axis=0)
    h = (h - mean) * lax.rsqrt(var + 1e-5) * g1_ref[...] + be1_ref[...]
    ff = jnp.maximum(
        jnp.dot(h, w1_ref[...], preferred_element_type=jnp.float32)
        + b1_ref[...], 0.0)
    ff = jnp.dot(ff, w2_ref[...], preferred_element_type=jnp.float32) + b2_ref[...]
    h2 = h + ff
    mean2 = jnp.mean(h2, axis=0)
    var2 = jnp.mean((h2 - mean2) ** 2, axis=0)
    out_ref[...] = ((h2 - mean2) * lax.rsqrt(var2 + 1e-5) * g2_ref[...]
                    + be2_ref[...])


_final = pl.pallas_call(
    _final_body,
    out_shape=jax.ShapeDtypeStruct((N, D), jnp.float32),
)


def kernel(x, edge_index, edge_attr, W_gcn, b_gcn, gamma1, beta1, W1, b1, W2,
           b2, gamma2, beta2):
    src = edge_index[0]
    dst = edge_index[1]
    deg = _deg_kernel(dst).reshape(NC * NPAD, 1)
    y, dinv = _lin(x, W_gcn, deg)
    agg = _agg_kernel(src, dst, y)
    out = _final(x, y, agg, dinv,
                 b_gcn.reshape(1, D), gamma1.reshape(1, D),
                 beta1.reshape(1, D), W1, b1.reshape(1, 2 * D), W2,
                 b2.reshape(1, D), gamma2.reshape(1, D), beta2.reshape(1, D))
    return out

# --- scband reference (transcript-rebuilt; emitter-appended) ---
"""Pipeline reference for scband-multi-model-75453985456962 (READ-ONLY COPY).

The authoritative reference and input builder live on the scoring server;
editing this copy changes nothing except your own understanding.
"""

import jax, jax.numpy as jnp
import numpy as np

N_NODES = 10000
N_EDGES = 320000
DIM_H = 128
DIM_E = 16


def setup_inputs(seed: int = 0) -> dict:
    key = jax.random.key(seed)
    ks = jax.random.split(key, 12)
    x = jax.random.normal(ks[0], (N_NODES, DIM_H), dtype=jnp.float32)
    edge_index = jax.random.randint(ks[1], (2, N_EDGES), 0, N_NODES, dtype=jnp.int32)
    edge_attr = jax.random.normal(ks[2], (N_EDGES, DIM_E), dtype=jnp.float32)
    # GCNConv linear weight + bias
    W_gcn = jax.random.normal(ks[3], (DIM_H, DIM_H), dtype=jnp.float32) * (1.0 / np.sqrt(DIM_H))
    b_gcn = jnp.zeros((DIM_H,), dtype=jnp.float32)
    # BatchNorm after local model
    gamma1 = jnp.ones((DIM_H,), dtype=jnp.float32)
    beta1 = jnp.zeros((DIM_H,), dtype=jnp.float32)
    # Feed-forward block
    W1 = jax.random.normal(ks[4], (DIM_H, 2 * DIM_H), dtype=jnp.float32) * (1.0 / np.sqrt(DIM_H))
    b1 = jnp.zeros((2 * DIM_H,), dtype=jnp.float32)
    W2 = jax.random.normal(ks[5], (2 * DIM_H, DIM_H), dtype=jnp.float32) * (1.0 / np.sqrt(2 * DIM_H))
    b2 = jnp.zeros((DIM_H,), dtype=jnp.float32)
    # BatchNorm after FF block (norm2)
    gamma2 = jnp.ones((DIM_H,), dtype=jnp.float32)
    beta2 = jnp.zeros((DIM_H,), dtype=jnp.float32)
    return {"x": x, "edge_index": edge_index, "edge_attr": edge_attr,
            "W_gcn": W_gcn, "b_gcn": b_gcn, "gamma1": gamma1, "beta1": beta1,
            "W1": W1, "b1": b1, "W2": W2, "b2": b2,
            "gamma2": gamma2, "beta2": beta2}


def _batchnorm(h, gamma, beta, eps=1e-5):
    mean = jnp.mean(h, axis=0)
    var = jnp.mean((h - mean) ** 2, axis=0)
    return (h - mean) * jax.lax.rsqrt(var + eps) * gamma + beta


def reference(x, edge_index, edge_attr, W_gcn, b_gcn, gamma1, beta1, W1, b1, W2, b2, gamma2, beta2):
    # LocalModel with GCNConv (add_self_loops=True, symmetric normalization)
    n = x.shape[0]
    src = edge_index[0]
    dst = edge_index[1]
    loop = jnp.arange(n, dtype=src.dtype)
    src = jnp.concatenate([src, loop])
    dst = jnp.concatenate([dst, loop])
    deg = jax.ops.segment_sum(jnp.ones(src.shape[0], dtype=x.dtype), dst, num_segments=n)
    dinv = jnp.where(deg > 0, jax.lax.rsqrt(deg), 0.0)
    norm = dinv[src] * dinv[dst]
    x_lin = x @ W_gcn
    msg = x_lin[src] * norm[:, None]
    h_local = jax.ops.segment_sum(msg, dst, num_segments=n) + b_gcn
    # dropout p=0 -> identity; residual; batch norm (training-mode batch stats)
    h = x + h_local
    h = _batchnorm(h, gamma1, beta1)
    # Feed-forward block with residual + norm2 (batch norm)
    ff = jax.nn.relu(h @ W1 + b1) @ W2 + b2
    h2 = h + ff
    out = _batchnorm(h2, gamma2, beta2)
    return out

if __name__ == "__main__":
    import jax
    _d = setup_inputs()
    print(jax.jit(kernel)(*tuple(_d.values())))

</pallas_src>

<mosaic_0001>
#map = affine_map<(d0, d1) -> (0)>
module attributes {stable_mosaic.version = 14 : i64} {
  func.func @_deg_kernel(%arg0: i32, %arg1: i32, %arg2: memref<320000xi32, #tpu.memory_space<hbm>>, %arg3: memref<20480xf32, #tpu.memory_space<hbm>>, %arg4: memref<80xi32, #tpu.memory_space<vmem>>, %arg5: memref<80xi32, #tpu.memory_space<vmem>>, %arg6: memref<80xi32, #tpu.memory_space<vmem>>, %arg7: memref<80xi32, #tpu.memory_space<vmem>>, %arg8: memref<80xi32, #tpu.memory_space<vmem>>, %arg9: memref<!tpu.dma_semaphore, #tpu.memory_space<semaphore_mem>>, %arg10: memref<!tpu.dma_semaphore, #tpu.memory_space<semaphore_mem>>, %arg11: memref<!tpu.dma_semaphore, #tpu.memory_space<semaphore_mem>>, %arg12: memref<!tpu.dma_semaphore, #tpu.memory_space<semaphore_mem>>, %arg13: memref<!tpu.dma_semaphore, #tpu.memory_space<semaphore_mem>>, %arg14: memref<!tpu.dma_semaphore, #tpu.memory_space<semaphore_mem>>, %arg15: memref<!tpu.dma_semaphore, #tpu.memory_space<semaphore_mem>>, %arg16: memref<!tpu.dma_semaphore, #tpu.memory_space<semaphore_mem>>, %arg17: memref<!tpu.dma_semaphore, #tpu.memory_space<semaphore_mem>>, %arg18: memref<!tpu.dma_semaphore, #tpu.memory_space<semaphore_mem>>, %arg19: memref<80xf32, #tpu.memory_space<vmem>>, %arg20: memref<640xf32, #tpu.memory_space<vmem>>, %arg21: memref<10240xf32, #tpu.memory_space<vmem_shared>>) attributes {dimension_semantics = [#tpu.dimension_semantics<core_parallel>, #tpu.dimension_semantics<subcore_parallel>], iteration_bounds = array<i64: 2, 16>, scalar_prefetch = 0 : i64, scratch_operands = 18 : i64, tpu.core_type = #tpu.core_type<sc_vector_subcore>, window_params = [{transform_indices = #map}, {transform_indices = #map}]} {
    %mul3A = arith.constant 16 : i32
    %mul3A_0 = arith.muli %arg0, %mul3A : i32
    %add3A = arith.addi %mul3A_0, %arg1 : i32
    %mul3A_1 = arith.constant 10000 : i32
    %mul3A_2 = arith.muli %add3A, %mul3A_1 : i32
    %broadcast_in_dim3A = arith.constant 1.000000e+00 : f32
    %broadcast_in_dim3A_3 = vector.broadcast %broadcast_in_dim3A : f32 to vector<16xf32>
    %swap3A = arith.constant 0 : index
    %swap3A_4 = tpu.vector_load %arg19[%swap3A] {strides = array<i32>} : memref<80xf32, #tpu.memory_space<vmem>>, vector<16xf32>,
    %swap3A_5 = vector.shape_cast %swap3A_4 : vector<16xf32> to vector<16xf32>
    %swap3A_6 = vector.shape_cast %broadcast_in_dim3A_3 : vector<16xf32> to vector<16xf32>
    tpu.vector_store %arg19[%swap3A], %swap3A_6 {strides = array<i32>} : memref<80xf32, #tpu.memory_space<vmem>>, vector<16xf32>,
    %broadcast_in_dim3A_7 = arith.constant 1.000000e+00 : f32
    %broadcast_in_dim3A_8 = vector.broadcast %broadcast_in_dim3A_7 : f32 to vector<16xf32>
    %swap3A_9 = arith.constant 16 : index
    %swap3A_10 = tpu.vector_load %arg19[%swap3A_9] {strides = array<i32>} : memref<80xf32, #tpu.memory_space<vmem>>, vector<16xf32>,
    %swap3A_11 = vector.shape_cast %swap3A_10 : vector<16xf32> to vector<16xf32>
    %swap3A_12 = vector.shape_cast %broadcast_in_dim3A_8 : vector<16xf32> to vector<16xf32>
    tpu.vector_store %arg19[%swap3A_9], %swap3A_12 {strides = array<i32>} : memref<80xf32, #tpu.memory_space<vmem>>, vector<16xf32>,
    %broadcast_in_dim3A_13 = arith.constant 1.000000e+00 : f32
    %broadcast_in_dim3A_14 = vector.broadcast %broadcast_in_dim3A_13 : f32 to vector<16xf32>
    %swap3A_15 = arith.constant 32 : index
    %swap3A_16 = tpu.vector_load %arg19[%swap3A_15] {strides = array<i32>} : memref<80xf32, #tpu.memory_space<vmem>>, vector<16xf32>,
    %swap3A_17 = vector.shape_cast %swap3A_16 : vector<16xf32> to vector<16xf32>
    %swap3A_18 = vector.shape_cast %broadcast_in_dim3A_14 : vector<16xf32> to vector<16xf32>
    tpu.vector_store %arg19[%swap3A_15], %swap3A_18 {strides = array<i32>} : memref<80xf32, #tpu.memory_space<vmem>>, vector<16xf32>,
    %broadcast_in_dim3A_19 = arith.constant 1.000000e+00 : f32
    %broadcast_in_dim3A_20 = vector.broadcast %broadcast_in_dim3A_19 : f32 to vector<16xf32>
    %swap3A_21 = arith.constant 48 : index
    %swap3A_22 = tpu.vector_load %arg19[%swap3A_21] {strides = array<i32>} : memref<80xf32, #tpu.memory_space<vmem>>, vector<16xf32>,
    %swap3A_23 = vector.shape_cast %swap3A_22 : vector<16xf32> to vector<16xf32>
    %swap3A_24 = vector.shape_cast %broadcast_in_dim3A_20 : vector<16xf32> to vector<16xf32>
    tpu.vector_store %arg19[%swap3A_21], %swap3A_24 {strides = array<i32>} : memref<80xf32, #tpu.memory_space<vmem>>, vector<16xf32>,
    %broadcast_in_dim3A_25 = arith.constant 1.000000e+00 : f32
    %broadcast_in_dim3A_26 = vector.broadcast %broadcast_in_dim3A_25 : f32 to vector<16xf32>
    %swap3A_27 = arith.constant 64 : index
    %swap3A_28 = tpu.vector_load %arg19[%swap3A_27] {strides = array<i32>} : memref<80xf32, #tpu.memory_space<vmem>>, vector<16xf32>,
    %swap3A_29 = vector.shape_cast %swap3A_28 : vector<16xf32> to vector<16xf32>
    %swap3A_30 = vector.shape_cast %broadcast_in_dim3A_26 : vector<16xf32> to vector<16xf32>
    tpu.vector_store %arg19[%swap3A_27], %swap3A_30 {strides = array<i32>} : memref<80xf32, #tpu.memory_space<vmem>>, vector<16xf32>,
    %scan3A = arith.constant 0 : i32
    %scan3A_31 = arith.constant 0 : i32
    %scan3A_32 = arith.constant 40 : i32
    %scan3A_33 = arith.addi %scan3A_31, %scan3A_32 : i32
    %scan3A_34 = arith.constant 1 : i32
    scf.for %scan3A_110 = %scan3A_31 to %scan3A_33 step %scan3A_34  : i32 {
      %broadcast_in_dim3A_111 = arith.constant 0.000000e+00 : f32
      %broadcast_in_dim3A_112 = vector.broadcast %broadcast_in_dim3A_111 : f32 to vector<16xf32>
      %mul3A_113 = arith.constant 16 : i32
      %mul3A_114 = arith.muli %scan3A_110, %mul3A_113 : i32
      %swap3A_115 = arith.index_cast %mul3A_114 : i32 to index
      %swap3A_116 = tpu.vector_load %arg20[%swap3A_115] {strides = array<i32>} : memref<640xf32, #tpu.memory_space<vmem>>, vector<16xf32>,
      %swap3A_117 = vector.shape_cast %swap3A_116 : vector<16xf32> to vector<16xf32>
      %swap3A_118 = vector.shape_cast %broadcast_in_dim3A_112 : vector<16xf32> to vector<16xf32>
      tpu.vector_store %arg20[%swap3A_115], %swap3A_118 {strides = array<i32>} : memref<640xf32, #tpu.memory_space<vmem>>, vector<16xf32>,
    }
    %scan3A_35 = arith.constant 40 : i32
    %mul3A_36 = arith.constant 640 : i32
    %mul3A_37 = arith.muli %arg1, %mul3A_36 : i32
    "tpu.region"() ({
      %run_scoped3A = tpu.sem_alloc : memref<!tpu.dma_semaphore, #tpu.memory_space<semaphore_mem>>
      %dma_start3A_110 = tpu.memref_slice %arg21[%mul3A_37] : memref<10240xf32, #tpu.memory_space<vmem_shared>> -> memref<640xf32, #tpu.memory_space<vmem_shared>>
      %dma_start3A_111 = tpu.memref_slice %arg21[%mul3A_37] : memref<10240xf32, #tpu.memory_space<vmem_shared>> -> memref<640xf32, #tpu.memory_space<vmem_shared>>
      tpu.enqueue_dma source(%arg20 : memref<640xf32, #tpu.memory_space<vmem>>) target(%dma_start3A_111 : memref<640xf32, #tpu.memory_space<vmem_shared>>) target_semaphore(%run_scoped3A : memref<!tpu.dma_semaphore, #tpu.memory_space<semaphore_mem>>)
      %dma_wait3A_112 = tpu.memref_slice %arg21[%mul3A_37] : memref<10240xf32, #tpu.memory_space<vmem_shared>> -> memref<640xf32, #tpu.memory_space<vmem_shared>>
      %dma_wait3A_113 = tpu.memref_slice %arg21[%mul3A_37] : memref<10240xf32, #tpu.memory_space<vmem_shared>> -> memref<640xf32, #tpu.memory_space<vmem_shared>>
      tpu.wait_dma2 semaphore(%run_scoped3A : memref<!tpu.dma_semaphore, #tpu.memory_space<semaphore_mem>>) src(%arg20 : memref<640xf32, #tpu.memory_space<vmem>>) dst(%dma_wait3A_113 : memref<640xf32, #tpu.memory_space<vmem_shared>>)
      tpu.yield
    }) : () -> ()
    %barrier3A = arith.constant 0 : index
    tpu.barrier barrier_id(%barrier3A)
    %add3A_38 = arith.constant 0 : i32
    %add3A_39 = arith.addi %mul3A_2, %add3A_38 : i32
    %dma_start3A = tpu.memref_slice %arg2[%add3A_39] : memref<320000xi32, #tpu.memory_space<hbm>> -> memref<80xi32, #tpu.memory_space<hbm>>
    %dma_start3A_40 = tpu.memref_slice %arg2[%add3A_39] : memref<320000xi32, #tpu.memory_space<hbm>> -> memref<80xi32, #tpu.memory_space<hbm>>
    tpu.enqueue_dma source(%dma_start3A_40 : memref<80xi32, #tpu.memory_space<hbm>>) target(%arg4 : memref<80xi32, #tpu.memory_space<vmem>>) target_semaphore(%arg9 : memref<!tpu.dma_semaphore, #tpu.memory_space<semaphore_mem>>)
    %add3A_41 = arith.constant 80 : i32
    %add3A_42 = arith.addi %mul3A_2, %add3A_41 : i32
    %dma_start3A_43 = tpu.memref_slice %arg2[%add3A_42] : memref<320000xi32, #tpu.memory_space<hbm>> -> memref<80xi32, #tpu.memory_space<hbm>>
    %dma_start3A_44 = tpu.memref_slice %arg2[%add3A_42] : memref<320000xi32, #tpu.memory_space<hbm>> -> memref<80xi32, #tpu.memory_space<hbm>>
    tpu.enqueue_dma source(%dma_start3A_44 : memref<80xi32, #tpu.memory_space<hbm>>) target(%arg5 : memref<80xi32, #tpu.memory_space<vmem>>) target_semaphore(%arg10 : memref<!tpu.dma_semaphore, #tpu.memory_space<semaphore_mem>>)
    %add3A_45 = arith.constant 160 : i32
    %add3A_46 = arith.addi %mul3A_2, %add3A_45 : i32
    %dma_start3A_47 = tpu.memref_slice %arg2[%add3A_46] : memref<320000xi32, #tpu.memory_space<hbm>> -> memref<80xi32, #tpu.memory_space<hbm>>
    %dma_start3A_48 = tpu.memref_slice %arg2[%add3A_46] : memref<320000xi32, #tpu.memory_space<hbm>> -> memref<80xi32, #tpu.memory_space<hbm>>
    tpu.enqueue_dma source(%dma_start3A_48 : memref<80xi32, #tpu.memory_space<hbm>>) target(%arg6 : memref<80xi32, #tpu.memory_space<vmem>>) target_semaphore(%arg11 : memref<!tpu.dma_semaphore, #tpu.memory_space<semaphore_mem>>)
    %add3A_49 = arith.constant 240 : i32
    %add3A_50 = arith.addi %mul3A_2, %add3A_49 : i32
    %dma_start3A_51 = tpu.memref_slice %arg2[%add3A_50] : memref<320000xi32, #tpu.memory_space<hbm>> -> memref<80xi32, #tpu.memory_space<hbm>>
    %dma_start3A_52 = tpu.memref_slice %arg2[%add3A_50] : memref<320000xi32, #tpu.memory_space<hbm>> -> memref<80xi32, #tpu.memory_space<hbm>>
    tpu.enqueue_dma source(%dma_start3A_52 : memref<80xi32, #tpu.memory_space<hbm>>) target(%arg7 : memref<80xi32, #tpu.memory_space<vmem>>) target_semaphore(%arg12 : memref<!tpu.dma_semaphore, #tpu.memory_space<semaphore_mem>>)
    %add3A_53 = arith.constant 320 : i32
    %add3A_54 = arith.addi %mul3A_2, %add3A_53 : i32
    %dma_start3A_55 = tpu.memref_slice %arg2[%add3A_54] : memref<320000xi32, #tpu.memory_space<hbm>> -> memref<80xi32, #tpu.memory_space<hbm>>
    %dma_start3A_56 = tpu.memref_slice %arg2[%add3A_54] : memref<320000xi32, #tpu.memory_space<hbm>> -> memref<80xi32, #tpu.memory_space<hbm>>
    tpu.enqueue_dma source(%dma_start3A_56 : memref<80xi32, #tpu.memory_space<hbm>>) target(%arg8 : memref<80xi32, #tpu.memory_space<vmem>>) target_semaphore(%arg13 : memref<!tpu.dma_semaphore, #tpu.memory_space<semaphore_mem>>)
    %add3A_57 = arith.constant 0 : i32
    %add3A_58 = arith.addi %mul3A_2, %add3A_57 : i32
    %dma_wait3A = tpu.memref_slice %arg2[%add3A_58] : memref<320000xi32, #tpu.memory_space<hbm>> -> memref<80xi32, #tpu.memory_space<hbm>>
    %dma_wait3A_59 = tpu.memref_slice %arg2[%add3A_58] : memref<320000xi32, #tpu.memory_space<hbm>> -> memref<80xi32, #tpu.memory_space<hbm>>
    tpu.wait_dma2 semaphore(%arg9 : memref<!tpu.dma_semaphore, #tpu.memory_space<semaphore_mem>>) src(%dma_wait3A_59 : memref<80xi32, #tpu.memory_space<hbm>>) dst(%arg4 : memref<80xi32, #tpu.memory_space<vmem>>)
    %dma_start3A_60 = arith.constant 0 : i32
    %dma_start3A_61 = tpu.memref_slice %arg21[%dma_start3A_60] : memref<10240xf32, #tpu.memory_space<vmem_shared>> -> memref<10240xf32, #tpu.memory_space<vmem_shared>>
    tpu.enqueue_indirect_dma source(%arg19 : memref<80xf32, #tpu.memory_space<vmem>>) target(%dma_start3A_61 : memref<10240xf32, #tpu.memory_space<vmem_shared>>) offsets(%arg4 : memref<80xi32, #tpu.memory_space<vmem>>) semaphore(%arg14 : memref<!tpu.dma_semaphore, #tpu.memory_space<semaphore_mem>>) {add = true}
    %add3A_62 = arith.constant 80 : i32
    %add3A_63 = arith.addi %mul3A_2, %add3A_62 : i32
    %dma_wait3A_64 = tpu.memref_slice %arg2[%add3A_63] : memref<320000xi32, #tpu.memory_space<hbm>> -> memref<80xi32, #tpu.memory_space<hbm>>
    %dma_wait3A_65 = tpu.memref_slice %arg2[%add3A_63] : memref<320000xi32, #tpu.memory_space<hbm>> -> memref<80xi32, #tpu.memory_space<hbm>>
    tpu.wait_dma2 semaphore(%arg10 : memref<!tpu.dma_semaphore, #tpu.memory_space<semaphore_mem>>) src(%dma_wait3A_65 : memref<80xi32, #tpu.memory_space<hbm>>) dst(%arg5 : memref<80xi32, #tpu.memory_space<vmem>>)
    %dma_start3A_66 = arith.constant 0 : i32
    %dma_start3A_67 = tpu.memref_slice %arg21[%dma_start3A_66] : memref<10240xf32, #tpu.memory_space<vmem_shared>> -> memref<10240xf32, #tpu.memory_space<vmem_shared>>
    tpu.enqueue_indirect_dma source(%arg19 : memref<80xf32, #tpu.memory_space<vmem>>) target(%dma_start3A_67 : memref<10240xf32, #tpu.memory_space<vmem_shared>>) offsets(%arg5 : memref<80xi32, #tpu.memory_space<vmem>>) semaphore(%arg15 : memref<!tpu.dma_semaphore, #tpu.memory_space<semaphore_mem>>) {add = true}
    %add3A_68 = arith.constant 160 : i32
    %add3A_69 = arith.addi %mul3A_2, %add3A_68 : i32
    %dma_wait3A_70 = tpu.memref_slice %arg2[%add3A_69] : memref<320000xi32, #tpu.memory_space<hbm>> -> memref<80xi32, #tpu.memory_space<hbm>>
    %dma_wait3A_71 = tpu.memref_slice %arg2[%add3A_69] : memref<320000xi32, #tpu.memory_space<hbm>> -> memref<80xi32, #tpu.memory_space<hbm>>
    tpu.wait_dma2 semaphore(%arg11 : memref<!tpu.dma_semaphore, #tpu.memory_space<semaphore_mem>>) src(%dma_wait3A_71 : memref<80xi32, #tpu.memory_space<hbm>>) dst(%arg6 : memref<80xi32, #tpu.memory_space<vmem>>)
    %dma_start3A_72 = arith.constant 0 : i32
    %dma_start3A_73 = tpu.memref_slice %arg21[%dma_start3A_72] : memref<10240xf32, #tpu.memory_space<vmem_shared>> -> memref<10240xf32, #tpu.memory_space<vmem_shared>>
    tpu.enqueue_indirect_dma source(%arg19 : memref<80xf32, #tpu.memory_space<vmem>>) target(%dma_start3A_73 : memref<10240xf32, #tpu.memory_space<vmem_shared>>) offsets(%arg6 : memref<80xi32, #tpu.memory_space<vmem>>) semaphore(%arg16 : memref<!tpu.dma_semaphore, #tpu.memory_space<semaphore_mem>>) {add = true}
    %add3A_74 = arith.constant 240 : i32
    %add3A_75 = arith.addi %mul3A_2, %add3A_74 : i32
    %dma_wait3A_76 = tpu.memref_slice %arg2[%add3A_75] : memref<320000xi32, #tpu.memory_space<hbm>> -> memref<80xi32, #tpu.memory_space<hbm>>
    %dma_wait3A_77 = tpu.memref_slice %arg2[%add3A_75] : memref<320000xi32, #tpu.memory_space<hbm>> -> memref<80xi32, #tpu.memory_space<hbm>>
    tpu.wait_dma2 semaphore(%arg12 : memref<!tpu.dma_semaphore, #tpu.memory_space<semaphore_mem>>) src(%dma_wait3A_77 : memref<80xi32, #tpu.memory_space<hbm>>) dst(%arg7 : memref<80xi32, #tpu.memory_space<vmem>>)
    %dma_start3A_78 = arith.constant 0 : i32
    %dma_start3A_79 = tpu.memref_slice %arg21[%dma_start3A_78] : memref<10240xf32, #tpu.memory_space<vmem_shared>> -> memref<10240xf32, #tpu.memory_space<vmem_shared>>
    tpu.enqueue_indirect_dma source(%arg19 : memref<80xf32, #tpu.memory_space<vmem>>) target(%dma_start3A_79 : memref<10240xf32, #tpu.memory_space<vmem_shared>>) offsets(%arg7 : memref<80xi32, #tpu.memory_space<vmem>>) semaphore(%arg17 : memref<!tpu.dma_semaphore, #tpu.memory_space<semaphore_mem>>) {add = true}
    %add3A_80 = arith.constant 320 : i32
    %add3A_81 = arith.addi %mul3A_2, %add3A_80 : i32
    %dma_wait3A_82 = tpu.memref_slice %arg2[%add3A_81] : memref<320000xi32, #tpu.memory_space<hbm>> -> memref<80xi32, #tpu.memory_space<hbm>>
    %dma_wait3A_83 = tpu.memref_slice %arg2[%add3A_81] : memref<320000xi32, #tpu.memory_space<hbm>> -> memref<80xi32, #tpu.memory_space<hbm>>
    tpu.wait_dma2 semaphore(%arg13 : memref<!tpu.dma_semaphore, #tpu.memory_space<semaphore_mem>>) src(%dma_wait3A_83 : memref<80xi32, #tpu.memory_space<hbm>>) dst(%arg8 : memref<80xi32, #tpu.memory_space<vmem>>)
    %dma_start3A_84 = arith.constant 0 : i32
    %dma_start3A_85 = tpu.memref_slice %arg21[%dma_start3A_84] : memref<10240xf32, #tpu.memory_space<vmem_shared>> -> memref<10240xf32, #tpu.memory_space<vmem_shared>>
    tpu.enqueue_indirect_dma source(%arg19 : memref<80xf32, #tpu.memory_space<vmem>>) target(%dma_start3A_85 : memref<10240xf32, #tpu.memory_space<vmem_shared>>) offsets(%arg8 : memref<80xi32, #tpu.memory_space<vmem>>) semaphore(%arg18 : memref<!tpu.dma_semaphore, #tpu.memory_space<semaphore_mem>>) {add = true}
    %scan3A_86 = arith.constant 0 : i32
    %scan3A_87 = arith.constant 1 : i32
    %scan3A_88 = arith.constant 24 : i32
    %scan3A_89 = arith.addi %scan3A_87, %scan3A_88 : i32
    %scan3A_90 = arith.constant 1 : i32
    scf.for %scan3A_110 = %scan3A_87 to %scan3A_89 step %scan3A_90  : i32 {
      %mul3A_111 = arith.constant 5 : i32
      %mul3A_112 = arith.muli %scan3A_110, %mul3A_111 : i32
      %add3A_113 = arith.constant 0 : i32
      %add3A_114 = arith.addi %mul3A_112, %add3A_113 : i32
      %dma_wait3A_115 = arith.constant 0 : i32
      %dma_wait3A_116 = tpu.memref_slice %arg21[%dma_wait3A_115] : memref<10240xf32, #tpu.memory_space<vmem_shared>> -> memref<10240xf32, #tpu.memory_space<vmem_shared>>
      tpu.wait_indirect_dma semaphore(%arg14 : memref<!tpu.dma_semaphore, #tpu.memory_space<semaphore_mem>>) src(%arg19 : memref<80xf32, #tpu.memory_space<vmem>>) dst(%dma_wait3A_116 : memref<10240xf32, #tpu.memory_space<vmem_shared>>)
      %mul3A_117 = arith.constant 80 : i32
      %mul3A_118 = arith.muli %add3A_114, %mul3A_117 : i32
      %add3A_119 = arith.addi %mul3A_2, %mul3A_118 : i32
      %dma_start3A_120 = tpu.memref_slice %arg2[%add3A_119] : memref<320000xi32, #tpu.memory_space<hbm>> -> memref<80xi32, #tpu.memory_space<hbm>>
      %dma_start3A_121 = tpu.memref_slice %arg2[%add3A_119] : memref<320000xi32, #tpu.memory_space<hbm>> -> memref<80xi32, #tpu.memory_space<hbm>>
      tpu.enqueue_dma source(%dma_start3A_121 : memref<80xi32, #tpu.memory_space<hbm>>) target(%arg4 : memref<80xi32, #tpu.memory_space<vmem>>) target_semaphore(%arg9 : memref<!tpu.dma_semaphore, #tpu.memory_space<semaphore_mem>>)
      %mul3A_122 = arith.constant 5 : i32
      %mul3A_123 = arith.muli %scan3A_110, %mul3A_122 : i32
      %add3A_124 = arith.constant 1 : i32
      %add3A_125 = arith.addi %mul3A_123, %add3A_124 : i32
      %dma_wait3A_126 = arith.constant 0 : i32
      %dma_wait3A_127 = tpu.memref_slice %arg21[%dma_wait3A_126] : memref<10240xf32, #tpu.memory_space<vmem_shared>> -> memref<10240xf32, #tpu.memory_space<vmem_shared>>
      tpu.wait_indirect_dma semaphore(%arg15 : memref<!tpu.dma_semaphore, #tpu.memory_space<semaphore_mem>>) src(%arg19 : memref<80xf32, #tpu.memory_space<vmem>>) dst(%dma_wait3A_127 : memref<10240xf32, #tpu.memory_space<vmem_shared>>)
      %mul3A_128 = arith.constant 80 : i32
      %mul3A_129 = arith.muli %add3A_125, %mul3A_128 : i32
      %add3A_130 = arith.addi %mul3A_2, %mul3A_129 : i32
      %dma_start3A_131 = tpu.memref_slice %arg2[%add3A_130] : memref<320000xi32, #tpu.memory_space<hbm>> -> memref<80xi32, #tpu.memory_space<hbm>>
      %dma_start3A_132 = tpu.memref_slice %arg2[%add3A_130] : memref<320000xi32, #tpu.memory_space<hbm>> -> memref<80xi32, #tpu.memory_space<hbm>>
      tpu.enqueue_dma source(%dma_start3A_132 : memref<80xi32, #tpu.memory_space<hbm>>) target(%arg5 : memref<80xi32, #tpu.memory_space<vmem>>) target_semaphore(%arg10 : memref<!tpu.dma_semaphore, #tpu.memory_space<semaphore_mem>>)
      %mul3A_133 = arith.constant 5 : i32
      %mul3A_134 = arith.muli %scan3A_110, %mul3A_133 : i32
      %add3A_135 = arith.constant 2 : i32
      %add3A_136 = arith.addi %mul3A_134, %add3A_135 : i32
      %dma_wait3A_137 = arith.constant 0 : i32
      %dma_wait3A_138 = tpu.memref_slice %arg21[%dma_wait3A_137] : memref<10240xf32, #tpu.memory_space<vmem_shared>> -> memref<10240xf32, #tpu.memory_space<vmem_shared>>
      tpu.wait_indirect_dma semaphore(%arg16 : memref<!tpu.dma_semaphore, #tpu.memory_space<semaphore_mem>>) src(%arg19 : memref<80xf32, #tpu.memory_space<vmem>>) dst(%dma_wait3A_138 : memref<10240xf32, #tpu.memory_space<vmem_shared>>)
      %mul3A_139 = arith.constant 80 : i32
      %mul3A_140 = arith.muli %add3A_136, %mul3A_139 : i32
      %add3A_141 = arith.addi %mul3A_2, %mul3A_140 : i32
      %dma_start3A_142 = tpu.memref_slice %arg2[%add3A_141] : memref<320000xi32, #tpu.memory_space<hbm>> -> memref<80xi32, #tpu.memory_space<hbm>>
      %dma_start3A_143 = tpu.memref_slice %arg2[%add3A_141] : memref<320000xi32, #tpu.memory_space<hbm>> -> memref<80xi32, #tpu.memory_space<hbm>>
      tpu.enqueue_dma source(%dma_start3A_143 : memref<80xi32, #tpu.memory_space<hbm>>) target(%arg6 : memref<80xi32, #tpu.memory_space<vmem>>) target_semaphore(%arg11 : memref<!tpu.dma_semaphore, #tpu.memory_space<semaphore_mem>>)
      %mul3A_144 = arith.constant 5 : i32
      %mul3A_145 = arith.muli %scan3A_110, %mul3A_144 : i32
      %add3A_146 = arith.constant 3 : i32
      %add3A_147 = arith.addi %mul3A_145, %add3A_146 : i32
      %dma_wait3A_148 = arith.constant 0 : i32
      %dma_wait3A_149 = tpu.memref_slice %arg21[%dma_wait3A_148] : memref<10240xf32, #tpu.memory_space<vmem_shared>> -> memref<10240xf32, #tpu.memory_space<vmem_shared>>
      tpu.wait_indirect_dma semaphore(%arg17 : memref<!tpu.dma_semaphore, #tpu.memory_space<semaphore_mem>>) src(%arg19 : memref<80xf32, #tpu.memory_space<vmem>>) dst(%dma_wait3A_149 : memref<10240xf32, #tpu.memory_space<vmem_shared>>)
      %mul3A_150 = arith.constant 80 : i32
      %mul3A_151 = arith.muli %add3A_147, %mul3A_150 : i32
      %add3A_152 = arith.addi %mul3A_2, %mul3A_151 : i32
      %dma_start3A_153 = tpu.memref_slice %arg2[%add3A_152] : memref<320000xi32, #tpu.memory_space<hbm>> -> memref<80xi32, #tpu.memory_space<hbm>>
      %dma_start3A_154 = tpu.memref_slice %arg2[%add3A_152] : memref<320000xi32, #tpu.memory_space<hbm>> -> memref<80xi32, #tpu.memory_space<hbm>>
      tpu.enqueue_dma source(%dma_start3A_154 : memref<80xi32, #tpu.memory_space<hbm>>) target(%arg7 : memref<80xi32, #tpu.memory_space<vmem>>) target_semaphore(%arg12 : memref<!tpu.dma_semaphore, #tpu.memory_space<semaphore_mem>>)
      %mul3A_155 = arith.constant 5 : i32
      %mul3A_156 = arith.muli %scan3A_110, %mul3A_155 : i32
      %add3A_157 = arith.constant 4 : i32
      %add3A_158 = arith.addi %mul3A_156, %add3A_157 : i32
      %dma_wait3A_159 = arith.constant 0 : i32
      %dma_wait3A_160 = tpu.memref_slice %arg21[%dma_wait3A_159] : memref<10240xf32, #tpu.memory_space<vmem_shared>> -> memref<10240xf32, #tpu.memory_space<vmem_shared>>
      tpu.wait_indirect_dma semaphore(%arg18 : memref<!tpu.dma_semaphore, #tpu.memory_space<semaphore_mem>>) src(%arg19 : memref<80xf32, #tpu.memory_space<vmem>>) dst(%dma_wait3A_160 : memref<10240xf32, #tpu.memory_space<vmem_shared>>)
      %mul3A_161 = arith.constant 80 : i32
      %mul3A_162 = arith.muli %add3A_158, %mul3A_161 : i32
      %add3A_163 = arith.addi %mul3A_2, %mul3A_162 : i32
      %dma_start3A_164 = tpu.memref_slice %arg2[%add3A_163] : memref<320000xi32, #tpu.memory_space<hbm>> -> memref<80xi32, #tpu.memory_space<hbm>>
      %dma_start3A_165 = tpu.memref_slice %arg2[%add3A_163] : memref<320000xi32, #tpu.memory_space<hbm>> -> memref<80xi32, #tpu.memory_space<hbm>>
      tpu.enqueue_dma source(%dma_start3A_165 : memref<80xi32, #tpu.memory_space<hbm>>) target(%arg8 : memref<80xi32, #tpu.memory_space<vmem>>) target_semaphore(%arg13 : memref<!tpu.dma_semaphore, #tpu.memory_space<semaphore_mem>>)
      %mul3A_166 = arith.constant 5 : i32
      %mul3A_167 = arith.muli %scan3A_110, %mul3A_166 : i32
      %add3A_168 = arith.constant 0 : i32
      %add3A_169 = arith.addi %mul3A_167, %add3A_168 : i32
      %mul3A_170 = arith.constant 80 : i32
      %mul3A_171 = arith.muli %add3A_169, %mul3A_170 : i32
      %add3A_172 = arith.addi %mul3A_2, %mul3A_171 : i32
      %dma_wait3A_173 = tpu.memref_slice %arg2[%add3A_172] : memref<320000xi32, #tpu.memory_space<hbm>> -> memref<80xi32, #tpu.memory_space<hbm>>
      %dma_wait3A_174 = tpu.memref_slice %arg2[%add3A_172] : memref<320000xi32, #tpu.memory_space<hbm>> -> memref<80xi32, #tpu.memory_space<hbm>>
      tpu.wait_dma2 semaphore(%arg9 : memref<!tpu.dma_semaphore, #tpu.memory_space<semaphore_mem>>) src(%dma_wait3A_174 : memref<80xi32, #tpu.memory_space<hbm>>) dst(%arg4 : memref<80xi32, #tpu.memory_space<vmem>>)
      %dma_start3A_175 = arith.constant 0 : i32
      %dma_start3A_176 = tpu.memref_slice %arg21[%dma_start3A_175] : memref<10240xf32, #tpu.memory_space<vmem_shared>> -> memref<10240xf32, #tpu.memory_space<vmem_shared>>
      tpu.enqueue_indirect_dma source(%arg19 : memref<80xf32, #tpu.memory_space<vmem>>) target(%dma_start3A_176 : memref<10240xf32, #tpu.memory_space<vmem_shared>>) offsets(%arg4 : memref<80xi32, #tpu.memory_space<vmem>>) semaphore(%arg14 : memref<!tpu.dma_semaphore, #tpu.memory_space<semaphore_mem>>) {add = true}
      %mul3A_177 = arith.constant 5 : i32
      %mul3A_178 = arith.muli %scan3A_110, %mul3A_177 : i32
      %add3A_179 = arith.constant 1 : i32
      %add3A_180 = arith.addi %mul3A_178, %add3A_179 : i32
      %mul3A_181 = arith.constant 80 : i32
      %mul3A_182 = arith.muli %add3A_180, %mul3A_181 : i32
      %add3A_183 = arith.addi %mul3A_2, %mul3A_182 : i32
      %dma_wait3A_184 = tpu.memref_slice %arg2[%add3A_183] : memref<320000xi32, #tpu.memory_space<hbm>> -> memref<80xi32, #tpu.memory_space<hbm>>
      %dma_wait3A_185 = tpu.memref_slice %arg2[%add3A_183] : memref<320000xi32, #tpu.memory_space<hbm>> -> memref<80xi32, #tpu.memory_space<hbm>>
      tpu.wait_dma2 semaphore(%arg10 : memref<!tpu.dma_semaphore, #tpu.memory_space<semaphore_mem>>) src(%dma_wait3A_185 : memref<80xi32, #tpu.memory_space<hbm>>) dst(%arg5 : memref<80xi32, #tpu.memory_space<vmem>>)
      %dma_start3A_186 = arith.constant 0 : i32
      %dma_start3A_187 = tpu.memref_slice %arg21[%dma_start3A_186] : memref<10240xf32, #tpu.memory_space<vmem_shared>> -> memref<10240xf32, #tpu.memory_space<vmem_shared>>
      tpu.enqueue_indirect_dma source(%arg19 : memref<80xf32, #tpu.memory_space<vmem>>) target(%dma_start3A_187 : memref<10240xf32, #tpu.memory_space<vmem_shared>>) offsets(%arg5 : memref<80xi32, #tpu.memory_space<vmem>>) semaphore(%arg15 : memref<!tpu.dma_semaphore, #tpu.memory_space<semaphore_mem>>) {add = true}
      %mul3A_188 = arith.constant 5 : i32
      %mul3A_189 = arith.muli %scan3A_110, %mul3A_188 : i32
      %add3A_190 = arith.constant 2 : i32
      %add3A_191 = arith.addi %mul3A_189, %add3A_190 : i32
      %mul3A_192 = arith.constant 80 : i32
      %mul3A_193 = arith.muli %add3A_191, %mul3A_192 : i32
      %add3A_194 = arith.addi %mul3A_2, %mul3A_193 : i32
      %dma_wait3A_195 = tpu.memref_slice %arg2[%add3A_194] : memref<320000xi32, #tpu.memory_space<hbm>> -> memref<80xi32, #tpu.memory_space<hbm>>
      %dma_wait3A_196 = tpu.memref_slice %arg2[%add3A_194] : memref<320000xi32, #tpu.memory_space<hbm>> -> memref<80xi32, #tpu.memory_space<hbm>>
      tpu.wait_dma2 semaphore(%arg11 : memref<!tpu.dma_semaphore, #tpu.memory_space<semaphore_mem>>) src(%dma_wait3A_196 : memref<80xi32, #tpu.memory_space<hbm>>) dst(%arg6 : memref<80xi32, #tpu.memory_space<vmem>>)
      %dma_start3A_197 = arith.constant 0 : i32
      %dma_start3A_198 = tpu.memref_slice %arg21[%dma_start3A_197] : memref<10240xf32, #tpu.memory_space<vmem_shared>> -> memref<10240xf32, #tpu.memory_space<vmem_shared>>
      tpu.enqueue_indirect_dma source(%arg19 : memref<80xf32, #tpu.memory_space<vmem>>) target(%dma_start3A_198 : memref<10240xf32, #tpu.memory_space<vmem_shared>>) offsets(%arg6 : memref<80xi32, #tpu.memory_space<vmem>>) semaphore(%arg16 : memref<!tpu.dma_semaphore, #tpu.memory_space<semaphore_mem>>) {add = true}
      %mul3A_199 = arith.constant 5 : i32
      %mul3A_200 = arith.muli %scan3A_110, %mul3A_199 : i32
      %add3A_201 = arith.constant 3 : i32
      %add3A_202 = arith.addi %mul3A_200, %add3A_201 : i32
      %mul3A_203 = arith.constant 80 : i32
      %mul3A_204 = arith.muli %add3A_202, %mul3A_203 : i32
      %add3A_205 = arith.addi %mul3A_2, %mul3A_204 : i32
      %dma_wait3A_206 = tpu.memref_slice %arg2[%add3A_205] : memref<320000xi32, #tpu.memory_space<hbm>> -> memref<80xi32, #tpu.memory_space<hbm>>
      %dma_wait3A_207 = tpu.memref_slice %arg2[%add3A_205] : memref<320000xi32, #tpu.memory_space<hbm>> -> memref<80xi32, #tpu.memory_space<hbm>>
      tpu.wait_dma2 semaphore(%arg12 : memref<!tpu.dma_semaphore, #tpu.memory_space<semaphore_mem>>) src(%dma_wait3A_207 : memref<80xi32, #tpu.memory_space<hbm>>) dst(%arg7 : memref<80xi32, #tpu.memory_space<vmem>>)
      %dma_start3A_208 = arith.constant 0 : i32
      %dma_start3A_209 = tpu.memref_slice %arg21[%dma_start3A_208] : memref<10240xf32, #tpu.memory_space<vmem_shared>> -> memref<10240xf32, #tpu.memory_space<vmem_shared>>
      tpu.enqueue_indirect_dma source(%arg19 : memref<80xf32, #tpu.memory_space<vmem>>) target(%dma_start3A_209 : memref<10240xf32, #tpu.memory_space<vmem_shared>>) offsets(%arg7 : memref<80xi32, #tpu.memory_space<vmem>>) semaphore(%arg17 : memref<!tpu.dma_semaphore, #tpu.memory_space<semaphore_mem>>) {add = true}
      %mul3A_210 = arith.constant 5 : i32
      %mul3A_211 = arith.muli %scan3A_110, %mul3A_210 : i32
      %add3A_212 = arith.constant 4 : i32
      %add3A_213 = arith.addi %mul3A_211, %add3A_212 : i32
      %mul3A_214 = arith.constant 80 : i32
      %mul3A_215 = arith.muli %add3A_213, %mul3A_214 : i32
      %add3A_216 = arith.addi %mul3A_2, %mul3A_215 : i32
      %dma_wait3A_217 = tpu.memref_slice %arg2[%add3A_216] : memref<320000xi32, #tpu.memory_space<hbm>> -> memref<80xi32, #tpu.memory_space<hbm>>
      %dma_wait3A_218 = tpu.memref_slice %arg2[%add3A_216] : memref<320000xi32, #tpu.memory_space<hbm>> -> memref<80xi32, #tpu.memory_space<hbm>>
      tpu.wait_dma2 semaphore(%arg13 : memref<!tpu.dma_semaphore, #tpu.memory_space<semaphore_mem>>) src(%dma_wait3A_218 : memref<80xi32, #tpu.memory_space<hbm>>) dst(%arg8 : memref<80xi32, #tpu.memory_space<vmem>>)
      %dma_start3A_219 = arith.constant 0 : i32
      %dma_start3A_220 = tpu.memref_slice %arg21[%dma_start3A_219] : memref<10240xf32, #tpu.memory_space<vmem_shared>> -> memref<10240xf32, #tpu.memory_space<vmem_shared>>
      tpu.enqueue_indirect_dma source(%arg19 : memref<80xf32, #tpu.memory_space<vmem>>) target(%dma_start3A_220 : memref<10240xf32, #tpu.memory_space<vmem_shared>>) offsets(%arg8 : memref<80xi32, #tpu.memory_space<vmem>>) semaphore(%arg18 : memref<!tpu.dma_semaphore, #tpu.memory_space<semaphore_mem>>) {add = true}
    }
    %scan3A_91 = arith.constant 24 : i32
    %dma_wait3A_92 = arith.constant 0 : i32
    %dma_wait3A_93 = tpu.memref_slice %arg21[%dma_wait3A_92] : memref<10240xf32, #tpu.memory_space<vmem_shared>> -> memref<10240xf32, #tpu.memory_space<vmem_shared>>
    tpu.wait_indirect_dma semaphore(%arg14 : memref<!tpu.dma_semaphore, #tpu.memory_space<semaphore_mem>>) src(%arg19 : memref<80xf32, #tpu.memory_space<vmem>>) dst(%dma_wait3A_93 : memref<10240xf32, #tpu.memory_space<vmem_shared>>)
    %dma_wait3A_94 = arith.constant 0 : i32
    %dma_wait3A_95 = tpu.memref_slice %arg21[%dma_wait3A_94] : memref<10240xf32, #tpu.memory_space<vmem_shared>> -> memref<10240xf32, #tpu.memory_space<vmem_shared>>
    tpu.wait_indirect_dma semaphore(%arg15 : memref<!tpu.dma_semaphore, #tpu.memory_space<semaphore_mem>>) src(%arg19 : memref<80xf32, #tpu.memory_space<vmem>>) dst(%dma_wait3A_95 : memref<10240xf32, #tpu.memory_space<vmem_shared>>)
    %dma_wait3A_96 = arith.constant 0 : i32
    %dma_wait3A_97 = tpu.memref_slice %arg21[%dma_wait3A_96] : memref<10240xf32, #tpu.memory_space<vmem_shared>> -> memref<10240xf32, #tpu.memory_space<vmem_shared>>
    tpu.wait_indirect_dma semaphore(%arg16 : memref<!tpu.dma_semaphore, #tpu.memory_space<semaphore_mem>>) src(%arg19 : memref<80xf32, #tpu.memory_space<vmem>>) dst(%dma_wait3A_97 : memref<10240xf32, #tpu.memory_space<vmem_shared>>)
    %dma_wait3A_98 = arith.constant 0 : i32
    %dma_wait3A_99 = tpu.memref_slice %arg21[%dma_wait3A_98] : memref<10240xf32, #tpu.memory_space<vmem_shared>> -> memref<10240xf32, #tpu.memory_space<vmem_shared>>
    tpu.wait_indirect_dma semaphore(%arg17 : memref<!tpu.dma_semaphore, #tpu.memory_space<semaphore_mem>>) src(%arg19 : memref<80xf32, #tpu.memory_space<vmem>>) dst(%dma_wait3A_99 : memref<10240xf32, #tpu.memory_space<vmem_shared>>)
    %dma_wait3A_100 = arith.constant 0 : i32
    %dma_wait3A_101 = tpu.memref_slice %arg21[%dma_wait3A_100] : memref<10240xf32, #tpu.memory_space<vmem_shared>> -> memref<10240xf32, #tpu.memory_space<vmem_shared>>
    tpu.wait_indirect_dma semaphore(%arg18 : memref<!tpu.dma_semaphore, #tpu.memory_space<semaphore_mem>>) src(%arg19 : memref<80xf32, #tpu.memory_space<vmem>>) dst(%dma_wait3A_101 : memref<10240xf32, #tpu.memory_space<vmem_shared>>)
    %barrier3A_102 = arith.constant 0 : index
    tpu.barrier barrier_id(%barrier3A_102)
    %mul3A_103 = arith.constant 640 : i32
    %mul3A_104 = arith.muli %arg1, %mul3A_103 : i32
    "tpu.region"() ({
      %run_scoped3A = tpu.sem_alloc : memref<!tpu.dma_semaphore, #tpu.memory_space<semaphore_mem>>
      %dma_start3A_110 = tpu.memref_slice %arg21[%mul3A_104] : memref<10240xf32, #tpu.memory_space<vmem_shared>> -> memref<640xf32, #tpu.memory_space<vmem_shared>>
      %dma_start3A_111 = tpu.memref_slice %arg21[%mul3A_104] : memref<10240xf32, #tpu.memory_space<vmem_shared>> -> memref<640xf32, #tpu.memory_space<vmem_shared>>
      tpu.enqueue_dma source(%dma_start3A_111 : memref<640xf32, #tpu.memory_space<vmem_shared>>) target(%arg20 : memref<640xf32, #tpu.memory_space<vmem>>) target_semaphore(%run_scoped3A : memref<!tpu.dma_semaphore, #tpu.memory_space<semaphore_mem>>)
      %dma_wait3A_112 = tpu.memref_slice %arg21[%mul3A_104] : memref<10240xf32, #tpu.memory_space<vmem_shared>> -> memref<640xf32, #tpu.memory_space<vmem_shared>>
      %dma_wait3A_113 = tpu.memref_slice %arg21[%mul3A_104] : memref<10240xf32, #tpu.memory_space<vmem_shared>> -> memref<640xf32, #tpu.memory_space<vmem_shared>>
      tpu.wait_dma2 semaphore(%run_scoped3A : memref<!tpu.dma_semaphore, #tpu.memory_space<semaphore_mem>>) src(%dma_wait3A_113 : memref<640xf32, #tpu.memory_space<vmem_shared>>) dst(%arg20 : memref<640xf32, #tpu.memory_space<vmem>>)
      tpu.yield
    }) : () -> ()
    %mul3A_105 = arith.constant 10240 : i32
    %mul3A_106 = arith.muli %arg0, %mul3A_105 : i32
    %mul3A_107 = arith.constant 640 : i32
    %mul3A_108 = arith.muli %arg1, %mul3A_107 : i32
    %add3A_109 = arith.addi %mul3A_106, %mul3A_108 : i32
    "tpu.region"() ({
      %run_scoped3A = tpu.sem_alloc : memref<!tpu.dma_semaphore, #tpu.memory_space<semaphore_mem>>
      %dma_start3A_110 = tpu.memref_slice %arg3[%add3A_109] : memref<20480xf32, #tpu.memory_space<hbm>> -> memref<640xf32, #tpu.memory_space<hbm>>
      %dma_start3A_111 = tpu.memref_slice %arg3[%add3A_109] : memref<20480xf32, #tpu.memory_space<hbm>> -> memref<640xf32, #tpu.memory_space<hbm>>
      tpu.enqueue_dma source(%arg20 : memref<640xf32, #tpu.memory_space<vmem>>) target(%dma_start3A_111 : memref<640xf32, #tpu.memory_space<hbm>>) target_semaphore(%run_scoped3A : memref<!tpu.dma_semaphore, #tpu.memory_space<semaphore_mem>>)
      %dma_wait3A_112 = tpu.memref_slice %arg3[%add3A_109] : memref<20480xf32, #tpu.memory_space<hbm>> -> memref<640xf32, #tpu.memory_space<hbm>>
      %dma_wait3A_113 = tpu.memref_slice %arg3[%add3A_109] : memref<20480xf32, #tpu.memory_space<hbm>> -> memref<640xf32, #tpu.memory_space<hbm>>
      tpu.wait_dma2 semaphore(%run_scoped3A : memref<!tpu.dma_semaphore, #tpu.memory_space<semaphore_mem>>) src(%arg20 : memref<640xf32, #tpu.memory_space<vmem>>) dst(%dma_wait3A_113 : memref<640xf32, #tpu.memory_space<hbm>>)
      tpu.yield
    }) : () -> ()
    return
  }
}

#map = affine_map<(d0, d1) -> (0)>
#map1 = affine_map<(d0, d1) -> (0, 0)>
module attributes {stable_mosaic.version = 14 : i64} {
  func.func @_agg_kernel(%arg0: i32, %arg1: i32, %arg2: memref<320000xi32, #tpu.memory_space<hbm>>, %arg3: memref<320000xi32, #tpu.memory_space<hbm>>, %arg4: memref<10000x128xf32, #tpu.memory_space<hbm>>, %arg5: memref<20480x128xf32, #tpu.memory_space<hbm>>, %arg6: memref<80x128xf32, #tpu.memory_space<vmem>>, %arg7: memref<80x128xf32, #tpu.memory_space<vmem>>, %arg8: memref<80x128xf32, #tpu.memory_space<vmem>>, %arg9: memref<80x128xf32, #tpu.memory_space<vmem>>, %arg10: memref<80xi32, #tpu.memory_space<vmem>>, %arg11: memref<80xi32, #tpu.memory_space<vmem>>, %arg12: memref<80xi32, #tpu.memory_space<vmem>>, %arg13: memref<80xi32, #tpu.memory_space<vmem>>, %arg14: memref<80xi32, #tpu.memory_space<vmem>>, %arg15: memref<80xi32, #tpu.memory_space<vmem>>, %arg16: memref<80xi32, #tpu.memory_space<vmem>>, %arg17: memref<80xi32, #tpu.memory_space<vmem>>, %arg18: memref<80xi32, #tpu.memory_space<vmem>>, %arg19: memref<80xi32, #tpu.memory_space<vmem>>, %arg20: memref<80xi32, #tpu.memory_space<vmem>>, %arg21: memref<80xi32, #tpu.memory_space<vmem>>, %arg22: memref<!tpu.dma_semaphore, #tpu.memory_space<semaphore_mem>>, %arg23: memref<!tpu.dma_semaphore, #tpu.memory_space<semaphore_mem>>, %arg24: memref<!tpu.dma_semaphore, #tpu.memory_space<semaphore_mem>>, %arg25: memref<!tpu.dma_semaphore, #tpu.memory_space<semaphore_mem>>, %arg26: memref<!tpu.dma_semaphore, #tpu.memory_space<semaphore_mem>>, %arg27: memref<!tpu.dma_semaphore, #tpu.memory_space<semaphore_mem>>, %arg28: memref<!tpu.dma_semaphore, #tpu.memory_space<semaphore_mem>>, %arg29: memref<!tpu.dma_semaphore, #tpu.memory_space<semaphore_mem>>, %arg30: memref<!tpu.dma_semaphore, #tpu.memory_space<semaphore_mem>>, %arg31: memref<!tpu.dma_semaphore, #tpu.memory_space<semaphore_mem>>, %arg32: memref<!tpu.dma_semaphore, #tpu.memory_space<semaphore_mem>>, %arg33: memref<!tpu.dma_semaphore, #tpu.memory_space<semaphore_mem>>, %arg34: memref<!tpu.dma_semaphore, #tpu.memory_space<semaphore_mem>>, %arg35: memref<!tpu.dma_semaphore, #tpu.memory_space<semaphore_mem>>, %arg36: memref<!tpu.dma_semaphore, #tpu.memory_space<semaphore_mem>>, %arg37: memref<!tpu.dma_semaphore, #tpu.memory_space<semaphore_mem>>, %arg38: memref<!tpu.dma_semaphore, #tpu.memory_space<semaphore_mem>>, %arg39: memref<!tpu.dma_semaphore, #tpu.memory_space<semaphore_mem>>, %arg40: memref<!tpu.dma_semaphore, #tpu.memory_space<semaphore_mem>>, %arg41: memref<!tpu.dma_semaphore, #tpu.memory_space<semaphore_mem>>, %arg42: memref<10240x128xf32, #tpu.memory_space<vmem_shared>>) attributes {dimension_semantics = [#tpu.dimension_semantics<core_parallel>, #tpu.dimension_semantics<subcore_parallel>], iteration_bounds = array<i64: 2, 16>, scalar_prefetch = 0 : i64, scratch_operands = 37 : i64, tpu.core_type = #tpu.core_type<sc_vector_subcore>, window_params = [{transform_indices = #map}, {transform_indices = #map}, {transform_indices = #map1}, {transform_indices = #map1}]} {
    %mul3A = arith.constant 16 : i32
    %mul3A_0 = arith.muli %arg0, %mul3A : i32
    %add3A = arith.addi %mul3A_0, %arg1 : i32
    %mul3A_1 = arith.constant 10000 : i32
    %mul3A_2 = arith.muli %add3A, %mul3A_1 : i32
    %scan3A = arith.constant 0 : i32
    %scan3A_3 = arith.constant 0 : i32
    %scan3A_4 = arith.constant 640 : i32
    %scan3A_5 = arith.addi %scan3A_3, %scan3A_4 : i32
    %scan3A_6 = arith.constant 1 : i32
    scf.for %scan3A_465 = %scan3A_3 to %scan3A_5 step %scan3A_6  : i32 {
      %broadcast_in_dim3A = arith.constant 0.000000e+00 : f32
      %broadcast_in_dim3A_466 = vector.broadcast %broadcast_in_dim3A : f32 to vector<16xf32>
      %jit3A = arith.constant 8 : i32
      %div3A = arith.divsi %scan3A_465, %jit3A : i32
      %sign3A = arith.constant 0 : i32
      %sign3A_467 = arith.cmpi sgt, %scan3A_465, %sign3A : i32
      %sign3A_468 = arith.extui %sign3A_467 : i1 to i32
      %sign3A_469 = arith.constant 0 : i32
      %sign3A_470 = arith.cmpi slt, %scan3A_465, %sign3A_469 : i32
      %sign3A_471 = arith.extui %sign3A_470 : i1 to i32
      %sign3A_472 = arith.subi %sign3A_468, %sign3A_471 : i32
      %sign3A_473 = arith.constant 0 : i32
      %sign3A_474 = arith.cmpi sgt, %jit3A, %sign3A_473 : i32
      %sign3A_475 = arith.extui %sign3A_474 : i1 to i32
      %sign3A_476 = arith.constant 0 : i32
      %sign3A_477 = arith.cmpi slt, %jit3A, %sign3A_476 : i32
      %sign3A_478 = arith.extui %sign3A_477 : i1 to i32
      %sign3A_479 = arith.subi %sign3A_475, %sign3A_478 : i32
      %ne3A = arith.cmpi ne, %sign3A_472, %sign3A_479 : i32
      %rem3A = arith.remsi %scan3A_465, %jit3A : i32
      %ne3A_480 = arith.constant 0 : i32
      %ne3A_481 = arith.cmpi ne, %rem3A, %ne3A_480 : i32
      %and3A = arith.andi %ne3A, %ne3A_481 : i1
      %sub3A = arith.constant 1 : i32
      %sub3A_482 = arith.subi %div3A, %sub3A : i32
      %select_n3A = arith.select %and3A, %sub3A_482, %div3A : i32
      %jit3A_483 = arith.constant 8 : i32
      %eq3A = arith.constant 0 : i32
      %eq3A_484 = arith.cmpi eq, %jit3A_483, %eq3A : i32
      %jit3A_485 = arith.constant 1 : i32
      %select_n3A_486 = arith.select %eq3A_484, %jit3A_485, %jit3A_483 : i32
      %rem3A_487 = arith.remsi %scan3A_465, %select_n3A_486 : i32
      %ne3A_488 = arith.constant 0 : i32
      %ne3A_489 = arith.cmpi ne, %rem3A_487, %ne3A_488 : i32
      %lt3A = arith.constant 0 : i32
      %lt3A_490 = arith.cmpi slt, %rem3A_487, %lt3A : i32
      %lt3A_491 = arith.constant 0 : i32
      %lt3A_492 = arith.cmpi slt, %select_n3A_486, %lt3A_491 : i32
      %ne3A_493 = arith.xori %lt3A_490, %lt3A_492 : i1
      %and3A_494 = arith.andi %ne3A_493, %ne3A_489 : i1
      %add3A_495 = arith.addi %rem3A_487, %select_n3A_486 : i32
      %select_n3A_496 = arith.select %and3A_494, %add3A_495, %rem3A_487 : i32
      %mul3A_497 = arith.constant 16 : i32
      %mul3A_498 = arith.muli %select_n3A_496, %mul3A_497 : i32
      %swap3A = arith.index_cast %select_n3A : i32 to index
      %swap3A_499 = arith.index_cast %mul3A_498 : i32 to index
      %swap3A_500 = tpu.vector_load %arg6[%swap3A, %swap3A_499] {strides = array<i32>} : memref<80x128xf32, #tpu.memory_space<vmem>>, vector<1x16xf32>,
      %swap3A_501 = vector.shape_cast %swap3A_500 : vector<1x16xf32> to vector<16xf32>
      %swap3A_502 = vector.shape_cast %broadcast_in_dim3A_466 : vector<16xf32> to vector<1x16xf32>
      tpu.vector_store %arg6[%swap3A, %swap3A_499], %swap3A_502 {strides = array<i32>} : memref<80x128xf32, #tpu.memory_space<vmem>>, vector<1x16xf32>,
    }
    %scan3A_7 = arith.constant 640 : i32
    %mul3A_8 = arith.constant 640 : i32
    %mul3A_9 = arith.muli %arg1, %mul3A_8 : i32
    %add3A_10 = arith.constant 0 : i32
    %add3A_11 = arith.addi %mul3A_9, %add3A_10 : i32
    "tpu.region"() ({
      %run_scoped3A = tpu.sem_alloc : memref<!tpu.dma_semaphore, #tpu.memory_space<semaphore_mem>>
      %dma_start3A_465 = arith.constant 0 : i32
      %dma_start3A_466 = tpu.memref_slice %arg42[%add3A_11, %dma_start3A_465] : memref<10240x128xf32, #tpu.memory_space<vmem_shared>> -> memref<80x128xf32, #tpu.memory_space<vmem_shared>>
      %dma_start3A_467 = arith.constant 0 : i32
      %dma_start3A_468 = tpu.memref_slice %arg42[%add3A_11, %dma_start3A_467] : memref<10240x128xf32, #tpu.memory_space<vmem_shared>> -> memref<80x128xf32, #tpu.memory_space<vmem_shared>>
      tpu.enqueue_dma source(%arg6 : memref<80x128xf32, #tpu.memory_space<vmem>>) target(%dma_start3A_468 : memref<80x128xf32, #tpu.memory_space<vmem_shared>>) target_semaphore(%run_scoped3A : memref<!tpu.dma_semaphore, #tpu.memory_space<semaphore_mem>>)
      %dma_wait3A_469 = arith.constant 0 : i32
      %dma_wait3A_470 = tpu.memref_slice %arg42[%add3A_11, %dma_wait3A_469] : memref<10240x128xf32, #tpu.memory_space<vmem_shared>> -> memref<80x128xf32, #tpu.memory_space<vmem_shared>>
      %dma_wait3A_471 = arith.constant 0 : i32
      %dma_wait3A_472 = tpu.memref_slice %arg42[%add3A_11, %dma_wait3A_471] : memref<10240x128xf32, #tpu.memory_space<vmem_shared>> -> memref<80x128xf32, #tpu.memory_space<vmem_shared>>
      tpu.wait_dma2 semaphore(%run_scoped3A : memref<!tpu.dma_semaphore, #tpu.memory_space<semaphore_mem>>) src(%arg6 : memref<80x128xf32, #tpu.memory_space<vmem>>) dst(%dma_wait3A_472 : memref<80x128xf32, #tpu.memory_space<vmem_shared>>)
      tpu.yield
    }) : () -> ()
    %mul3A_12 = arith.constant 640 : i32
    %mul3A_13 = arith.muli %arg1, %mul3A_12 : i32
    %add3A_14 = arith.constant 80 : i32
    %add3A_15 = arith.addi %mul3A_13, %add3A_14 : i32
    "tpu.region"() ({
      %run_scoped3A = tpu.sem_alloc : memref<!tpu.dma_semaphore, #tpu.memory_space<semaphore_mem>>
      %dma_start3A_465 = arith.constant 0 : i32
      %dma_start3A_466 = tpu.memref_slice %arg42[%add3A_15, %dma_start3A_465] : memref<10240x128xf32, #tpu.memory_space<vmem_shared>> -> memref<80x128xf32, #tpu.memory_space<vmem_shared>>
      %dma_start3A_467 = arith.constant 0 : i32
      %dma_start3A_468 = tpu.memref_slice %arg42[%add3A_15, %dma_start3A_467] : memref<10240x128xf32, #tpu.memory_space<vmem_shared>> -> memref<80x128xf32, #tpu.memory_space<vmem_shared>>
      tpu.enqueue_dma source(%arg6 : memref<80x128xf32, #tpu.memory_space<vmem>>) target(%dma_start3A_468 : memref<80x128xf32, #tpu.memory_space<vmem_shared>>) target_semaphore(%run_scoped3A : memref<!tpu.dma_semaphore, #tpu.memory_space<semaphore_mem>>)
      %dma_wait3A_469 = arith.constant 0 : i32
      %dma_wait3A_470 = tpu.memref_slice %arg42[%add3A_15, %dma_wait3A_469] : memref<10240x128xf32, #tpu.memory_space<vmem_shared>> -> memref<80x128xf32, #tpu.memory_space<vmem_shared>>
      %dma_wait3A_471 = arith.constant 0 : i32
      %dma_wait3A_472 = tpu.memref_slice %arg42[%add3A_15, %dma_wait3A_471] : memref<10240x128xf32, #tpu.memory_space<vmem_shared>> -> memref<80x128xf32, #tpu.memory_space<vmem_shared>>
      tpu.wait_dma2 semaphore(%run_scoped3A : memref<!tpu.dma_semaphore, #tpu.memory_space<semaphore_mem>>) src(%arg6 : memref<80x128xf32, #tpu.memory_space<vmem>>) dst(%dma_wait3A_472 : memref<80x128xf32, #tpu.memory_space<vmem_shared>>)
      tpu.yield
    }) : () -> ()
    %mul3A_16 = arith.constant 640 : i32
    %mul3A_17 = arith.muli %arg1, %mul3A_16 : i32
    %add3A_18 = arith.constant 160 : i32
    %add3A_19 = arith.addi %mul3A_17, %add3A_18 : i32
    "tpu.region"() ({
      %run_scoped3A = tpu.sem_alloc : memref<!tpu.dma_semaphore, #tpu.memory_space<semaphore_mem>>
      %dma_start3A_465 = arith.constant 0 : i32
      %dma_start3A_466 = tpu.memref_slice %arg42[%add3A_19, %dma_start3A_465] : memref<10240x128xf32, #tpu.memory_space<vmem_shared>> -> memref<80x128xf32, #tpu.memory_space<vmem_shared>>
      %dma_start3A_467 = arith.constant 0 : i32
      %dma_start3A_468 = tpu.memref_slice %arg42[%add3A_19, %dma_start3A_467] : memref<10240x128xf32, #tpu.memory_space<vmem_shared>> -> memref<80x128xf32, #tpu.memory_space<vmem_shared>>
      tpu.enqueue_dma source(%arg6 : memref<80x128xf32, #tpu.memory_space<vmem>>) target(%dma_start3A_468 : memref<80x128xf32, #tpu.memory_space<vmem_shared>>) target_semaphore(%run_scoped3A : memref<!tpu.dma_semaphore, #tpu.memory_space<semaphore_mem>>)
      %dma_wait3A_469 = arith.constant 0 : i32
      %dma_wait3A_470 = tpu.memref_slice %arg42[%add3A_19, %dma_wait3A_469] : memref<10240x128xf32, #tpu.memory_space<vmem_shared>> -> memref<80x128xf32, #tpu.memory_space<vmem_shared>>
      %dma_wait3A_471 = arith.constant 0 : i32
      %dma_wait3A_472 = tpu.memref_slice %arg42[%add3A_19, %dma_wait3A_471] : memref<10240x128xf32, #tpu.memory_space<vmem_shared>> -> memref<80x128xf32, #tpu.memory_space<vmem_shared>>
      tpu.wait_dma2 semaphore(%run_scoped3A : memref<!tpu.dma_semaphore, #tpu.memory_space<semaphore_mem>>) src(%arg6 : memref<80x128xf32, #tpu.memory_space<vmem>>) dst(%dma_wait3A_472 : memref<80x128xf32, #tpu.memory_space<vmem_shared>>)
      tpu.yield
    }) : () -> ()
    %mul3A_20 = arith.constant 640 : i32
    %mul3A_21 = arith.muli %arg1, %mul3A_20 : i32
    %add3A_22 = arith.constant 240 : i32
    %add3A_23 = arith.addi %mul3A_21, %add3A_22 : i32
    "tpu.region"() ({
      %run_scoped3A = tpu.sem_alloc : memref<!tpu.dma_semaphore, #tpu.memory_space<semaphore_mem>>
      %dma_start3A_465 = arith.constant 0 : i32
      %dma_start3A_466 = tpu.memref_slice %arg42[%add3A_23, %dma_start3A_465] : memref<10240x128xf32, #tpu.memory_space<vmem_shared>> -> memref<80x128xf32, #tpu.memory_space<vmem_shared>>
      %dma_start3A_467 = arith.constant 0 : i32
      %dma_start3A_468 = tpu.memref_slice %arg42[%add3A_23, %dma_start3A_467] : memref<10240x128xf32, #tpu.memory_space<vmem_shared>> -> memref<80x128xf32, #tpu.memory_space<vmem_shared>>
      tpu.enqueue_dma source(%arg6 : memref<80x128xf32, #tpu.memory_space<vmem>>) target(%dma_start3A_468 : memref<80x128xf32, #tpu.memory_space<vmem_shared>>) target_semaphore(%run_scoped3A : memref<!tpu.dma_semaphore, #tpu.memory_space<semaphore_mem>>)
      %dma_wait3A_469 = arith.constant 0 : i32
      %dma_wait3A_470 = tpu.memref_slice %arg42[%add3A_23, %dma_wait3A_469] : memref<10240x128xf32, #tpu.memory_space<vmem_shared>> -> memref<80x128xf32, #tpu.memory_space<vmem_shared>>
      %dma_wait3A_471 = arith.constant 0 : i32
      %dma_wait3A_472 = tpu.memref_slice %arg42[%add3A_23, %dma_wait3A_471] : memref<10240x128xf32, #tpu.memory_space<vmem_shared>> -> memref<80x128xf32, #tpu.memory_space<vmem_shared>>
      tpu.wait_dma2 semaphore(%run_scoped3A : memref<!tpu.dma_semaphore, #tpu.memory_space<semaphore_mem>>) src(%arg6 : memref<80x128xf32, #tpu.memory_space<vmem>>) dst(%dma_wait3A_472 : memref<80x128xf32, #tpu.memory_space<vmem_shared>>)
      tpu.yield
    }) : () -> ()
    %mul3A_24 = arith.constant 640 : i32
    %mul3A_25 = arith.muli %arg1, %mul3A_24 : i32
    %add3A_26 = arith.constant 320 : i32
    %add3A_27 = arith.addi %mul3A_25, %add3A_26 : i32
    "tpu.region"() ({
      %run_scoped3A = tpu.sem_alloc : memref<!tpu.dma_semaphore, #tpu.memory_space<semaphore_mem>>
      %dma_start3A_465 = arith.constant 0 : i32
      %dma_start3A_466 = tpu.memref_slice %arg42[%add3A_27, %dma_start3A_465] : memref<10240x128xf32, #tpu.memory_space<vmem_shared>> -> memref<80x128xf32, #tpu.memory_space<vmem_shared>>
      %dma_start3A_467 = arith.constant 0 : i32
      %dma_start3A_468 = tpu.memref_slice %arg42[%add3A_27, %dma_start3A_467] : memref<10240x128xf32, #tpu.memory_space<vmem_shared>> -> memref<80x128xf32, #tpu.memory_space<vmem_shared>>
      tpu.enqueue_dma source(%arg6 : memref<80x128xf32, #tpu.memory_space<vmem>>) target(%dma_start3A_468 : memref<80x128xf32, #tpu.memory_space<vmem_shared>>) target_semaphore(%run_scoped3A : memref<!tpu.dma_semaphore, #tpu.memory_space<semaphore_mem>>)
      %dma_wait3A_469 = arith.constant 0 : i32
      %dma_wait3A_470 = tpu.memref_slice %arg42[%add3A_27, %dma_wait3A_469] : memref<10240x128xf32, #tpu.memory_space<vmem_shared>> -> memref<80x128xf32, #tpu.memory_space<vmem_shared>>
      %dma_wait3A_471 = arith.constant 0 : i32
      %dma_wait3A_472 = tpu.memref_slice %arg42[%add3A_27, %dma_wait3A_471] : memref<10240x128xf32, #tpu.memory_space<vmem_shared>> -> memref<80x128xf32, #tpu.memory_space<vmem_shared>>
      tpu.wait_dma2 semaphore(%run_scoped3A : memref<!tpu.dma_semaphore, #tpu.memory_space<semaphore_mem>>) src(%arg6 : memref<80x128xf32, #tpu.memory_space<vmem>>) dst(%dma_wait3A_472 : memref<80x128xf32, #tpu.memory_space<vmem_shared>>)
      tpu.yield
    }) : () -> ()
    %mul3A_28 = arith.constant 640 : i32
    %mul3A_29 = arith.muli %arg1, %mul3A_28 : i32
    %add3A_30 = arith.constant 400 : i32
    %add3A_31 = arith.addi %mul3A_29, %add3A_30 : i32
    "tpu.region"() ({
      %run_scoped3A = tpu.sem_alloc : memref<!tpu.dma_semaphore, #tpu.memory_space<semaphore_mem>>
      %dma_start3A_465 = arith.constant 0 : i32
      %dma_start3A_466 = tpu.memref_slice %arg42[%add3A_31, %dma_start3A_465] : memref<10240x128xf32, #tpu.memory_space<vmem_shared>> -> memref<80x128xf32, #tpu.memory_space<vmem_shared>>
      %dma_start3A_467 = arith.constant 0 : i32
      %dma_start3A_468 = tpu.memref_slice %arg42[%add3A_31, %dma_start3A_467] : memref<10240x128xf32, #tpu.memory_space<vmem_shared>> -> memref<80x128xf32, #tpu.memory_space<vmem_shared>>
      tpu.enqueue_dma source(%arg6 : memref<80x128xf32, #tpu.memory_space<vmem>>) target(%dma_start3A_468 : memref<80x128xf32, #tpu.memory_space<vmem_shared>>) target_semaphore(%run_scoped3A : memref<!tpu.dma_semaphore, #tpu.memory_space<semaphore_mem>>)
      %dma_wait3A_469 = arith.constant 0 : i32
      %dma_wait3A_470 = tpu.memref_slice %arg42[%add3A_31, %dma_wait3A_469] : memref<10240x128xf32, #tpu.memory_space<vmem_shared>> -> memref<80x128xf32, #tpu.memory_space<vmem_shared>>
      %dma_wait3A_471 = arith.constant 0 : i32
      %dma_wait3A_472 = tpu.memref_slice %arg42[%add3A_31, %dma_wait3A_471] : memref<10240x128xf32, #tpu.memory_space<vmem_shared>> -> memref<80x128xf32, #tpu.memory_space<vmem_shared>>
      tpu.wait_dma2 semaphore(%run_scoped3A : memref<!tpu.dma_semaphore, #tpu.memory_space<semaphore_mem>>) src(%arg6 : memref<80x128xf32, #tpu.memory_space<vmem>>) dst(%dma_wait3A_472 : memref<80x128xf32, #tpu.memory_space<vmem_shared>>)
      tpu.yield
    }) : () -> ()
    %mul3A_32 = arith.constant 640 : i32
    %mul3A_33 = arith.muli %arg1, %mul3A_32 : i32
    %add3A_34 = arith.constant 480 : i32
    %add3A_35 = arith.addi %mul3A_33, %add3A_34 : i32
    "tpu.region"() ({
      %run_scoped3A = tpu.sem_alloc : memref<!tpu.dma_semaphore, #tpu.memory_space<semaphore_mem>>
      %dma_start3A_465 = arith.constant 0 : i32
      %dma_start3A_466 = tpu.memref_slice %arg42[%add3A_35, %dma_start3A_465] : memref<10240x128xf32, #tpu.memory_space<vmem_shared>> -> memref<80x128xf32, #tpu.memory_space<vmem_shared>>
      %dma_start3A_467 = arith.constant 0 : i32
      %dma_start3A_468 = tpu.memref_slice %arg42[%add3A_35, %dma_start3A_467] : memref<10240x128xf32, #tpu.memory_space<vmem_shared>> -> memref<80x128xf32, #tpu.memory_space<vmem_shared>>
      tpu.enqueue_dma source(%arg6 : memref<80x128xf32, #tpu.memory_space<vmem>>) target(%dma_start3A_468 : memref<80x128xf32, #tpu.memory_space<vmem_shared>>) target_semaphore(%run_scoped3A : memref<!tpu.dma_semaphore, #tpu.memory_space<semaphore_mem>>)
      %dma_wait3A_469 = arith.constant 0 : i32
      %dma_wait3A_470 = tpu.memref_slice %arg42[%add3A_35, %dma_wait3A_469] : memref<10240x128xf32, #tpu.memory_space<vmem_shared>> -> memref<80x128xf32, #tpu.memory_space<vmem_shared>>
      %dma_wait3A_471 = arith.constant 0 : i32
      %dma_wait3A_472 = tpu.memref_slice %arg42[%add3A_35, %dma_wait3A_471] : memref<10240x128xf32, #tpu.memory_space<vmem_shared>> -> memref<80x128xf32, #tpu.memory_space<vmem_shared>>
      tpu.wait_dma2 semaphore(%run_scoped3A : memref<!tpu.dma_semaphore, #tpu.memory_space<semaphore_mem>>) src(%arg6 : memref<80x128xf32, #tpu.memory_space<vmem>>) dst(%dma_wait3A_472 : memref<80x128xf32, #tpu.memory_space<vmem_shared>>)
      tpu.yield
    }) : () -> ()
    %mul3A_36 = arith.constant 640 : i32
    %mul3A_37 = arith.muli %arg1, %mul3A_36 : i32
    %add3A_38 = arith.constant 560 : i32
    %add3A_39 = arith.addi %mul3A_37, %add3A_38 : i32
    "tpu.region"() ({
      %run_scoped3A = tpu.sem_alloc : memref<!tpu.dma_semaphore, #tpu.memory_space<semaphore_mem>>
      %dma_start3A_465 = arith.constant 0 : i32
      %dma_start3A_466 = tpu.memref_slice %arg42[%add3A_39, %dma_start3A_465] : memref<10240x128xf32, #tpu.memory_space<vmem_shared>> -> memref<80x128xf32, #tpu.memory_space<vmem_shared>>
      %dma_start3A_467 = arith.constant 0 : i32
      %dma_start3A_468 = tpu.memref_slice %arg42[%add3A_39, %dma_start3A_467] : memref<10240x128xf32, #tpu.memory_space<vmem_shared>> -> memref<80x128xf32, #tpu.memory_space<vmem_shared>>
      tpu.enqueue_dma source(%arg6 : memref<80x128xf32, #tpu.memory_space<vmem>>) target(%dma_start3A_468 : memref<80x128xf32, #tpu.memory_space<vmem_shared>>) target_semaphore(%run_scoped3A : memref<!tpu.dma_semaphore, #tpu.memory_space<semaphore_mem>>)
      %dma_wait3A_469 = arith.constant 0 : i32
      %dma_wait3A_470 = tpu.memref_slice %arg42[%add3A_39, %dma_wait3A_469] : memref<10240x128xf32, #tpu.memory_space<vmem_shared>> -> memref<80x128xf32, #tpu.memory_space<vmem_shared>>
      %dma_wait3A_471 = arith.constant 0 : i32
      %dma_wait3A_472 = tpu.memref_slice %arg42[%add3A_39, %dma_wait3A_471] : memref<10240x128xf32, #tpu.memory_space<vmem_shared>> -> memref<80x128xf32, #tpu.memory_space<vmem_shared>>
      tpu.wait_dma2 semaphore(%run_scoped3A : memref<!tpu.dma_semaphore, #tpu.memory_space<semaphore_mem>>) src(%arg6 : memref<80x128xf32, #tpu.memory_space<vmem>>) dst(%dma_wait3A_472 : memref<80x128xf32, #tpu.memory_space<vmem_shared>>)
      tpu.yield
    }) : () -> ()
    %barrier3A = arith.constant 0 : index
    tpu.barrier barrier_id(%barrier3A)
    %add3A_40 = arith.constant 9920 : i32
    %add3A_41 = arith.addi %mul3A_2, %add3A_40 : i32
    %dma_start3A = tpu.memref_slice %arg3[%add3A_41] : memref<320000xi32, #tpu.memory_space<hbm>> -> memref<80xi32, #tpu.memory_space<hbm>>
    %dma_start3A_42 = tpu.memref_slice %arg3[%add3A_41] : memref<320000xi32, #tpu.memory_space<hbm>> -> memref<80xi32, #tpu.memory_space<hbm>>
    tpu.enqueue_dma source(%dma_start3A_42 : memref<80xi32, #tpu.memory_space<hbm>>) target(%arg10 : memref<80xi32, #tpu.memory_space<vmem>>) target_semaphore(%arg26 : memref<!tpu.dma_semaphore, #tpu.memory_space<semaphore_mem>>)
    %add3A_43 = arith.constant 9920 : i32
    %add3A_44 = arith.addi %mul3A_2, %add3A_43 : i32
    %dma_start3A_45 = tpu.memref_slice %arg2[%add3A_44] : memref<320000xi32, #tpu.memory_space<hbm>> -> memref<80xi32, #tpu.memory_space<hbm>>
    %dma_start3A_46 = tpu.memref_slice %arg2[%add3A_44] : memref<320000xi32, #tpu.memory_space<hbm>> -> memref<80xi32, #tpu.memory_space<hbm>>
    tpu.enqueue_dma source(%dma_start3A_46 : memref<80xi32, #tpu.memory_space<hbm>>) target(%arg14 : memref<80xi32, #tpu.memory_space<vmem>>) target_semaphore(%arg30 : memref<!tpu.dma_semaphore, #tpu.memory_space<semaphore_mem>>)
    %add3A_47 = arith.constant 9920 : i32
    %add3A_48 = arith.addi %mul3A_2, %add3A_47 : i32
    %dma_wait3A = tpu.memref_slice %arg2[%add3A_48] : memref<320000xi32, #tpu.memory_space<hbm>> -> memref<80xi32, #tpu.memory_space<hbm>>
    %dma_wait3A_49 = tpu.memref_slice %arg2[%add3A_48] : memref<320000xi32, #tpu.memory_space<hbm>> -> memref<80xi32, #tpu.memory_space<hbm>>
    tpu.wait_dma2 semaphore(%arg30 : memref<!tpu.dma_semaphore, #tpu.memory_space<semaphore_mem>>) src(%dma_wait3A_49 : memref<80xi32, #tpu.memory_space<hbm>>) dst(%arg14 : memref<80xi32, #tpu.memory_space<vmem>>)
    %dma_start3A_50 = arith.constant 0 : i32
    %dma_start3A_51 = arith.constant 0 : i32
    %dma_start3A_52 = tpu.memref_slice %arg4[%dma_start3A_50, %dma_start3A_51] : memref<10000x128xf32, #tpu.memory_space<hbm>> -> memref<10000x128xf32, #tpu.memory_space<hbm>>
    tpu.enqueue_indirect_dma source(%dma_start3A_52 : memref<10000x128xf32, #tpu.memory_space<hbm>>) target(%arg6 : memref<80x128xf32, #tpu.memory_space<vmem>>) offsets(%arg14 : memref<80xi32, #tpu.memory_space<vmem>>) semaphore(%arg22 : memref<!tpu.dma_semaphore, #tpu.memory_space<semaphore_mem>>)
    %add3A_53 = arith.constant 9920 : i32
    %add3A_54 = arith.addi %mul3A_2, %add3A_53 : i32
    %dma_wait3A_55 = tpu.memref_slice %arg3[%add3A_54] : memref<320000xi32, #tpu.memory_space<hbm>> -> memref<80xi32, #tpu.memory_space<hbm>>
    %dma_wait3A_56 = tpu.memref_slice %arg3[%add3A_54] : memref<320000xi32, #tpu.memory_space<hbm>> -> memref<80xi32, #tpu.memory_space<hbm>>
    tpu.wait_dma2 semaphore(%arg26 : memref<!tpu.dma_semaphore, #tpu.memory_space<semaphore_mem>>) src(%dma_wait3A_56 : memref<80xi32, #tpu.memory_space<hbm>>) dst(%arg10 : memref<80xi32, #tpu.memory_space<vmem>>)
    %dma_wait3A_57 = arith.constant 0 : i32
    %dma_wait3A_58 = arith.constant 0 : i32
    %dma_wait3A_59 = tpu.memref_slice %arg4[%dma_wait3A_57, %dma_wait3A_58] : memref<10000x128xf32, #tpu.memory_space<hbm>> -> memref<10000x128xf32, #tpu.memory_space<hbm>>
    tpu.wait_indirect_dma semaphore(%arg22 : memref<!tpu.dma_semaphore, #tpu.memory_space<semaphore_mem>>) src(%dma_wait3A_59 : memref<10000x128xf32, #tpu.memory_space<hbm>>) dst(%arg6 : memref<80x128xf32, #tpu.memory_space<vmem>>)
    %dma_start3A_60 = arith.constant 0 : i32
    %dma_start3A_61 = arith.constant 0 : i32
    %dma_start3A_62 = tpu.memref_slice %arg42[%dma_start3A_60, %dma_start3A_61] : memref<10240x128xf32, #tpu.memory_space<vmem_shared>> -> memref<10240x128xf32, #tpu.memory_space<vmem_shared>>
    tpu.enqueue_indirect_dma source(%arg6 : memref<80x128xf32, #tpu.memory_space<vmem>>) target(%dma_start3A_62 : memref<10240x128xf32, #tpu.memory_space<vmem_shared>>) offsets(%arg10 : memref<80xi32, #tpu.memory_space<vmem>>) semaphore(%arg38 : memref<!tpu.dma_semaphore, #tpu.memory_space<semaphore_mem>>) {add = true}
    %dma_wait3A_63 = arith.constant 0 : i32
    %dma_wait3A_64 = arith.constant 0 : i32
    %dma_wait3A_65 = tpu.memref_slice %arg42[%dma_wait3A_63, %dma_wait3A_64] : memref<10240x128xf32, #tpu.memory_space<vmem_shared>> -> memref<10240x128xf32, #tpu.memory_space<vmem_shared>>
    tpu.wait_indirect_dma semaphore(%arg38 : memref<!tpu.dma_semaphore, #tpu.memory_space<semaphore_mem>>) src(%arg6 : memref<80x128xf32, #tpu.memory_space<vmem>>) dst(%dma_wait3A_65 : memref<10240x128xf32, #tpu.memory_space<vmem_shared>>)
    %add3A_66 = arith.constant 0 : i32
    %add3A_67 = arith.addi %mul3A_2, %add3A_66 : i32
    %dma_start3A_68 = tpu.memref_slice %arg3[%add3A_67] : memref<320000xi32, #tpu.memory_space<hbm>> -> memref<80xi32, #tpu.memory_space<hbm>>
    %dma_start3A_69 = tpu.memref_slice %arg3[%add3A_67] : memref<320000xi32, #tpu.memory_space<hbm>> -> memref<80xi32, #tpu.memory_space<hbm>>
    tpu.enqueue_dma source(%dma_start3A_69 : memref<80xi32, #tpu.memory_space<hbm>>) target(%arg10 : memref<80xi32, #tpu.memory_space<vmem>>) target_semaphore(%arg26 : memref<!tpu.dma_semaphore, #tpu.memory_space<semaphore_mem>>)
    %add3A_70 = arith.constant 0 : i32
    %add3A_71 = arith.addi %mul3A_2, %add3A_70 : i32
    %dma_start3A_72 = tpu.memref_slice %arg2[%add3A_71] : memref<320000xi32, #tpu.memory_space<hbm>> -> memref<80xi32, #tpu.memory_space<hbm>>
    %dma_start3A_73 = tpu.memref_slice %arg2[%add3A_71] : memref<320000xi32, #tpu.memory_space<hbm>> -> memref<80xi32, #tpu.memory_space<hbm>>
    tpu.enqueue_dma source(%dma_start3A_73 : memref<80xi32, #tpu.memory_space<hbm>>) target(%arg14 : memref<80xi32, #tpu.memory_space<vmem>>) target_semaphore(%arg30 : memref<!tpu.dma_semaphore, #tpu.memory_space<semaphore_mem>>)
    %add3A_74 = arith.constant 320 : i32
    %add3A_75 = arith.addi %mul3A_2, %add3A_74 : i32
    %dma_start3A_76 = tpu.memref_slice %arg2[%add3A_75] : memref<320000xi32, #tpu.memory_space<hbm>> -> memref<80xi32, #tpu.memory_space<hbm>>
    %dma_start3A_77 = tpu.memref_slice %arg2[%add3A_75] : memref<320000xi32, #tpu.memory_space<hbm>> -> memref<80xi32, #tpu.memory_space<hbm>>
    tpu.enqueue_dma source(%dma_start3A_77 : memref<80xi32, #tpu.memory_space<hbm>>) target(%arg18 : memref<80xi32, #tpu.memory_space<vmem>>) target_semaphore(%arg34 : memref<!tpu.dma_semaphore, #tpu.memory_space<semaphore_mem>>)
    %add3A_78 = arith.constant 80 : i32
    %add3A_79 = arith.addi %mul3A_2, %add3A_78 : i32
    %dma_start3A_80 = tpu.memref_slice %arg3[%add3A_79] : memref<320000xi32, #tpu.memory_space<hbm>> -> memref<80xi32, #tpu.memory_space<hbm>>
    %dma_start3A_81 = tpu.memref_slice %arg3[%add3A_79] : memref<320000xi32, #tpu.memory_space<hbm>> -> memref<80xi32, #tpu.memory_space<hbm>>
    tpu.enqueue_dma source(%dma_start3A_81 : memref<80xi32, #tpu.memory_space<hbm>>) target(%arg11 : memref<80xi32, #tpu.memory_space<vmem>>) target_semaphore(%arg27 : memref<!tpu.dma_semaphore, #tpu.memory_space<semaphore_mem>>)
    %add3A_82 = arith.constant 80 : i32
    %add3A_83 = arith.addi %mul3A_2, %add3A_82 : i32
    %dma_start3A_84 = tpu.memref_slice %arg2[%add3A_83] : memref<320000xi32, #tpu.memory_space<hbm>> -> memref<80xi32, #tpu.memory_space<hbm>>
    %dma_start3A_85 = tpu.memref_slice %arg2[%add3A_83] : memref<320000xi32, #tpu.memory_space<hbm>> -> memref<80xi32, #tpu.memory_space<hbm>>
    tpu.enqueue_dma source(%dma_start3A_85 : memref<80xi32, #tpu.memory_space<hbm>>) target(%arg15 : memref<80xi32, #tpu.memory_space<vmem>>) target_semaphore(%arg31 : memref<!tpu.dma_semaphore, #tpu.memory_space<semaphore_mem>>)
    %add3A_86 = arith.constant 400 : i32
    %add3A_87 = arith.addi %mul3A_2, %add3A_86 : i32
    %dma_start3A_88 = tpu.memref_slice %arg2[%add3A_87] : memref<320000xi32, #tpu.memory_space<hbm>> -> memref<80xi32, #tpu.memory_space<hbm>>
    %dma_start3A_89 = tpu.memref_slice %arg2[%add3A_87] : memref<320000xi32, #tpu.memory_space<hbm>> -> memref<80xi32, #tpu.memory_space<hbm>>
    tpu.enqueue_dma source(%dma_start3A_89 : memref<80xi32, #tpu.memory_space<hbm>>) target(%arg19 : memref<80xi32, #tpu.memory_space<vmem>>) target_semaphore(%arg35 : memref<!tpu.dma_semaphore, #tpu.memory_space<semaphore_mem>>)
    %add3A_90 = arith.constant 160 : i32
    %add3A_91 = arith.addi %mul3A_2, %add3A_90 : i32
    %dma_start3A_92 = tpu.memref_slice %arg3[%add3A_91] : memref<320000xi32, #tpu.memory_space<hbm>> -> memref<80xi32, #tpu.memory_space<hbm>>
    %dma_start3A_93 = tpu.memref_slice %arg3[%add3A_91] : memref<320000xi32, #tpu.memory_space<hbm>> -> memref<80xi32, #tpu.memory_space<hbm>>
    tpu.enqueue_dma source(%dma_start3A_93 : memref<80xi32, #tpu.memory_space<hbm>>) target(%arg12 : memref<80xi32, #tpu.memory_space<vmem>>) target_semaphore(%arg28 : memref<!tpu.dma_semaphore, #tpu.memory_space<semaphore_mem>>)
    %add3A_94 = arith.constant 160 : i32
    %add3A_95 = arith.addi %mul3A_2, %add3A_94 : i32
    %dma_start3A_96 = tpu.memref_slice %arg2[%add3A_95] : memref<320000xi32, #tpu.memory_space<hbm>> -> memref<80xi32, #tpu.memory_space<hbm>>
    %dma_start3A_97 = tpu.memref_slice %arg2[%add3A_95] : memref<320000xi32, #tpu.memory_space<hbm>> -> memref<80xi32, #tpu.memory_space<hbm>>
    tpu.enqueue_dma source(%dma_start3A_97 : memref<80xi32, #tpu.memory_space<hbm>>) target(%arg16 : memref<80xi32, #tpu.memory_space<vmem>>) target_semaphore(%arg32 : memref<!tpu.dma_semaphore, #tpu.memory_space<semaphore_mem>>)
    %add3A_98 = arith.constant 480 : i32
    %add3A_99 = arith.addi %mul3A_2, %add3A_98 : i32
    %dma_start3A_100 = tpu.memref_slice %arg2[%add3A_99] : memref<320000xi32, #tpu.memory_space<hbm>> -> memref<80xi32, #tpu.memory_space<hbm>>
    %dma_start3A_101 = tpu.memref_slice %arg2[%add3A_99] : memref<320000xi32, #tpu.memory_space<hbm>> -> memref<80xi32, #tpu.memory_space<hbm>>
    tpu.enqueue_dma source(%dma_start3A_101 : memref<80xi32, #tpu.memory_space<hbm>>) target(%arg20 : memref<80xi32, #tpu.memory_space<vmem>>) target_semaphore(%arg36 : memref<!tpu.dma_semaphore, #tpu.memory_space<semaphore_mem>>)
    %add3A_102 = arith.constant 240 : i32
    %add3A_103 = arith.addi %mul3A_2, %add3A_102 : i32
    %dma_start3A_104 = tpu.memref_slice %arg3[%add3A_103] : memref<320000xi32, #tpu.memory_space<hbm>> -> memref<80xi32, #tpu.memory_space<hbm>>
    %dma_start3A_105 = tpu.memref_slice %arg3[%add3A_103] : memref<320000xi32, #tpu.memory_space<hbm>> -> memref<80xi32, #tpu.memory_space<hbm>>
    tpu.enqueue_dma source(%dma_start3A_105 : memref<80xi32, #tpu.memory_space<hbm>>) target(%arg13 : memref<80xi32, #tpu.memory_space<vmem>>) target_semaphore(%arg29 : memref<!tpu.dma_semaphore, #tpu.memory_space<semaphore_mem>>)
    %add3A_106 = arith.constant 240 : i32
    %add3A_107 = arith.addi %mul3A_2, %add3A_106 : i32
    %dma_start3A_108 = tpu.memref_slice %arg2[%add3A_107] : memref<320000xi32, #tpu.memory_space<hbm>> -> memref<80xi32, #tpu.memory_space<hbm>>
    %dma_start3A_109 = tpu.memref_slice %arg2[%add3A_107] : memref<320000xi32, #tpu.memory_space<hbm>> -> memref<80xi32, #tpu.memory_space<hbm>>
    tpu.enqueue_dma source(%dma_start3A_109 : memref<80xi32, #tpu.memory_space<hbm>>) target(%arg17 : memref<80xi32, #tpu.memory_space<vmem>>) target_semaphore(%arg33 : memref<!tpu.dma_semaphore, #tpu.memory_space<semaphore_mem>>)
    %add3A_110 = arith.constant 560 : i32
    %add3A_111 = arith.addi %mul3A_2, %add3A_110 : i32
    %dma_start3A_112 = tpu.memref_slice %arg2[%add3A_111] : memref<320000xi32, #tpu.memory_space<hbm>> -> memref<80xi32, #tpu.memory_space<hbm>>
    %dma_start3A_113 = tpu.memref_slice %arg2[%add3A_111] : memref<320000xi32, #tpu.memory_space<hbm>> -> memref<80xi32, #tpu.memory_space<hbm>>
    tpu.enqueue_dma source(%dma_start3A_113 : memref<80xi32, #tpu.memory_space<hbm>>) target(%arg21 : memref<80xi32, #tpu.memory_space<vmem>>) target_semaphore(%arg37 : memref<!tpu.dma_semaphore, #tpu.memory_space<semaphore_mem>>)
    %add3A_114 = arith.constant 0 : i32
    %add3A_115 = arith.addi %mul3A_2, %add3A_114 : i32
    %dma_wait3A_116 = tpu.memref_slice %arg2[%add3A_115] : memref<320000xi32, #tpu.memory_space<hbm>> -> memref<80xi32, #tpu.memory_space<hbm>>
    %dma_wait3A_117 = tpu.memref_slice %arg2[%add3A_115] : memref<320000xi32, #tpu.memory_space<hbm>> -> memref<80xi32, #tpu.memory_space<hbm>>
    tpu.wait_dma2 semaphore(%arg30 : memref<!tpu.dma_semaphore, #tpu.memory_space<semaphore_mem>>) src(%dma_wait3A_117 : memref<80xi32, #tpu.memory_space<hbm>>) dst(%arg14 : memref<80xi32, #tpu.memory_space<vmem>>)
    %dma_start3A_118 = arith.constant 0 : i32
    %dma_start3A_119 = arith.constant 0 : i32
    %dma_start3A_120 = tpu.memref_slice %arg4[%dma_start3A_118, %dma_start3A_119] : memref<10000x128xf32, #tpu.memory_space<hbm>> -> memref<10000x128xf32, #tpu.memory_space<hbm>>
    tpu.enqueue_indirect_dma source(%dma_start3A_120 : memref<10000x128xf32, #tpu.memory_space<hbm>>) target(%arg6 : memref<80x128xf32, #tpu.memory_space<vmem>>) offsets(%arg14 : memref<80xi32, #tpu.memory_space<vmem>>) semaphore(%arg22 : memref<!tpu.dma_semaphore, #tpu.memory_space<semaphore_mem>>)
    %add3A_121 = arith.constant 80 : i32
    %add3A_122 = arith.addi %mul3A_2, %add3A_121 : i32
    %dma_wait3A_123 = tpu.memref_slice %arg2[%add3A_122] : memref<320000xi32, #tpu.memory_space<hbm>> -> memref<80xi32, #tpu.memory_space<hbm>>
    %dma_wait3A_124 = tpu.memref_slice %arg2[%add3A_122] : memref<320000xi32, #tpu.memory_space<hbm>> -> memref<80xi32, #tpu.memory_space<hbm>>
    tpu.wait_dma2 semaphore(%arg31 : memref<!tpu.dma_semaphore, #tpu.memory_space<semaphore_mem>>) src(%dma_wait3A_124 : memref<80xi32, #tpu.memory_space<hbm>>) dst(%arg15 : memref<80xi32, #tpu.memory_space<vmem>>)
    %dma_start3A_125 = arith.constant 0 : i32
    %dma_start3A_126 = arith.constant 0 : i32
    %dma_start3A_127 = tpu.memref_slice %arg4[%dma_start3A_125, %dma_start3A_126] : memref<10000x128xf32, #tpu.memory_space<hbm>> -> memref<10000x128xf32, #tpu.memory_space<hbm>>
    tpu.enqueue_indirect_dma source(%dma_start3A_127 : memref<10000x128xf32, #tpu.memory_space<hbm>>) target(%arg7 : memref<80x128xf32, #tpu.memory_space<vmem>>) offsets(%arg15 : memref<80xi32, #tpu.memory_space<vmem>>) semaphore(%arg23 : memref<!tpu.dma_semaphore, #tpu.memory_space<semaphore_mem>>)
    %add3A_128 = arith.constant 160 : i32
    %add3A_129 = arith.addi %mul3A_2, %add3A_128 : i32
    %dma_wait3A_130 = tpu.memref_slice %arg2[%add3A_129] : memref<320000xi32, #tpu.memory_space<hbm>> -> memref<80xi32, #tpu.memory_space<hbm>>
    %dma_wait3A_131 = tpu.memref_slice %arg2[%add3A_129] : memref<320000xi32, #tpu.memory_space<hbm>> -> memref<80xi32, #tpu.memory_space<hbm>>
    tpu.wait_dma2 semaphore(%arg32 : memref<!tpu.dma_semaphore, #tpu.memory_space<semaphore_mem>>) src(%dma_wait3A_131 : memref<80xi32, #tpu.memory_space<hbm>>) dst(%arg16 : memref<80xi32, #tpu.memory_space<vmem>>)
    %dma_start3A_132 = arith.constant 0 : i32
    %dma_start3A_133 = arith.constant 0 : i32
    %dma_start3A_134 = tpu.memref_slice %arg4[%dma_start3A_132, %dma_start3A_133] : memref<10000x128xf32, #tpu.memory_space<hbm>> -> memref<10000x128xf32, #tpu.memory_space<hbm>>
    tpu.enqueue_indirect_dma source(%dma_start3A_134 : memref<10000x128xf32, #tpu.memory_space<hbm>>) target(%arg8 : memref<80x128xf32, #tpu.memory_space<vmem>>) offsets(%arg16 : memref<80xi32, #tpu.memory_space<vmem>>) semaphore(%arg24 : memref<!tpu.dma_semaphore, #tpu.memory_space<semaphore_mem>>)
    %add3A_135 = arith.constant 240 : i32
    %add3A_136 = arith.addi %mul3A_2, %add3A_135 : i32
    %dma_wait3A_137 = tpu.memref_slice %arg2[%add3A_136] : memref<320000xi32, #tpu.memory_space<hbm>> -> memref<80xi32, #tpu.memory_space<hbm>>
    %dma_wait3A_138 = tpu.memref_slice %arg2[%add3A_136] : memref<320000xi32, #tpu.memory_space<hbm>> -> memref<80xi32, #tpu.memory_space<hbm>>
    tpu.wait_dma2 semaphore(%arg33 : memref<!tpu.dma_semaphore, #tpu.memory_space<semaphore_mem>>) src(%dma_wait3A_138 : memref<80xi32, #tpu.memory_space<hbm>>) dst(%arg17 : memref<80xi32, #tpu.memory_space<vmem>>)
    %dma_start3A_139 = arith.constant 0 : i32
    %dma_start3A_140 = arith.constant 0 : i32
    %dma_start3A_141 = tpu.memref_slice %arg4[%dma_start3A_139, %dma_start3A_140] : memref<10000x128xf32, #tpu.memory_space<hbm>> -> memref<10000x128xf32, #tpu.memory_space<hbm>>
    tpu.enqueue_indirect_dma source(%dma_start3A_141 : memref<10000x128xf32, #tpu.memory_space<hbm>>) target(%arg9 : memref<80x128xf32, #tpu.memory_space<vmem>>) offsets(%arg17 : memref<80xi32, #tpu.memory_space<vmem>>) semaphore(%arg25 : memref<!tpu.dma_semaphore, #tpu.memory_space<semaphore_mem>>)
    %add3A_142 = arith.constant 0 : i32
    %add3A_143 = arith.addi %mul3A_2, %add3A_142 : i32
    %dma_wait3A_144 = tpu.memref_slice %arg3[%add3A_143] : memref<320000xi32, #tpu.memory_space<hbm>> -> memref<80xi32, #tpu.memory_space<hbm>>
    %dma_wait3A_145 = tpu.memref_slice %arg3[%add3A_143] : memref<320000xi32, #tpu.memory_space<hbm>> -> memref<80xi32, #tpu.memory_space<hbm>>
    tpu.wait_dma2 semaphore(%arg26 : memref<!tpu.dma_semaphore, #tpu.memory_space<semaphore_mem>>) src(%dma_wait3A_145 : memref<80xi32, #tpu.memory_space<hbm>>) dst(%arg10 : memref<80xi32, #tpu.memory_space<vmem>>)
    %dma_wait3A_146 = arith.constant 0 : i32
    %dma_wait3A_147 = arith.constant 0 : i32
    %dma_wait3A_148 = tpu.memref_slice %arg4[%dma_wait3A_146, %dma_wait3A_147] : memref<10000x128xf32, #tpu.memory_space<hbm>> -> memref<10000x128xf32, #tpu.memory_space<hbm>>
    tpu.wait_indirect_dma semaphore(%arg22 : memref<!tpu.dma_semaphore, #tpu.memory_space<semaphore_mem>>) src(%dma_wait3A_148 : memref<10000x128xf32, #tpu.memory_space<hbm>>) dst(%arg6 : memref<80x128xf32, #tpu.memory_space<vmem>>)
    %dma_start3A_149 = arith.constant 0 : i32
    %dma_start3A_150 = arith.constant 0 : i32
    %dma_start3A_151 = tpu.memref_slice %arg42[%dma_start3A_149, %dma_start3A_150] : memref<10240x128xf32, #tpu.memory_space<vmem_shared>> -> memref<10240x128xf32, #tpu.memory_space<vmem_shared>>
    tpu.enqueue_indirect_dma source(%arg6 : memref<80x128xf32, #tpu.memory_space<vmem>>) target(%dma_start3A_151 : memref<10240x128xf32, #tpu.memory_space<vmem_shared>>) offsets(%arg10 : memref<80xi32, #tpu.memory_space<vmem>>) semaphore(%arg38 : memref<!tpu.dma_semaphore, #tpu.memory_space<semaphore_mem>>) {add = true}
    %add3A_152 = arith.constant 80 : i32
    %add3A_153 = arith.addi %mul3A_2, %add3A_152 : i32
    %dma_wait3A_154 = tpu.memref_slice %arg3[%add3A_153] : memref<320000xi32, #tpu.memory_space<hbm>> -> memref<80xi32, #tpu.memory_space<hbm>>
    %dma_wait3A_155 = tpu.memref_slice %arg3[%add3A_153] : memref<320000xi32, #tpu.memory_space<hbm>> -> memref<80xi32, #tpu.memory_space<hbm>>
    tpu.wait_dma2 semaphore(%arg27 : memref<!tpu.dma_semaphore, #tpu.memory_space<semaphore_mem>>) src(%dma_wait3A_155 : memref<80xi32, #tpu.memory_space<hbm>>) dst(%arg11 : memref<80xi32, #tpu.memory_space<vmem>>)
    %dma_wait3A_156 = arith.constant 0 : i32
    %dma_wait3A_157 = arith.constant 0 : i32
    %dma_wait3A_158 = tpu.memref_slice %arg4[%dma_wait3A_156, %dma_wait3A_157] : memref<10000x128xf32, #tpu.memory_space<hbm>> -> memref<10000x128xf32, #tpu.memory_space<hbm>>
    tpu.wait_indirect_dma semaphore(%arg23 : memref<!tpu.dma_semaphore, #tpu.memory_space<semaphore_mem>>) src(%dma_wait3A_158 : memref<10000x128xf32, #tpu.memory_space<hbm>>) dst(%arg7 : memref<80x128xf32, #tpu.memory_space<vmem>>)
    %dma_start3A_159 = arith.constant 0 : i32
    %dma_start3A_160 = arith.constant 0 : i32
    %dma_start3A_161 = tpu.memref_slice %arg42[%dma_start3A_159, %dma_start3A_160] : memref<10240x128xf32, #tpu.memory_space<vmem_shared>> -> memref<10240x128xf32, #tpu.memory_space<vmem_shared>>
    tpu.enqueue_indirect_dma source(%arg7 : memref<80x128xf32, #tpu.memory_space<vmem>>) target(%dma_start3A_161 : memref<10240x128xf32, #tpu.memory_space<vmem_shared>>) offsets(%arg11 : memref<80xi32, #tpu.memory_space<vmem>>) semaphore(%arg39 : memref<!tpu.dma_semaphore, #tpu.memory_space<semaphore_mem>>) {add = true}
    %add3A_162 = arith.constant 160 : i32
    %add3A_163 = arith.addi %mul3A_2, %add3A_162 : i32
    %dma_wait3A_164 = tpu.memref_slice %arg3[%add3A_163] : memref<320000xi32, #tpu.memory_space<hbm>> -> memref<80xi32, #tpu.memory_space<hbm>>
    %dma_wait3A_165 = tpu.memref_slice %arg3[%add3A_163] : memref<320000xi32, #tpu.memory_space<hbm>> -> memref<80xi32, #tpu.memory_space<hbm>>
    tpu.wait_dma2 semaphore(%arg28 : memref<!tpu.dma_semaphore, #tpu.memory_space<semaphore_mem>>) src(%dma_wait3A_165 : memref<80xi32, #tpu.memory_space<hbm>>) dst(%arg12 : memref<80xi32, #tpu.memory_space<vmem>>)
    %dma_wait3A_166 = arith.constant 0 : i32
    %dma_wait3A_167 = arith.constant 0 : i32
    %dma_wait3A_168 = tpu.memref_slice %arg4[%dma_wait3A_166, %dma_wait3A_167] : memref<10000x128xf32, #tpu.memory_space<hbm>> -> memref<10000x128xf32, #tpu.memory_space<hbm>>
    tpu.wait_indirect_dma semaphore(%arg24 : memref<!tpu.dma_semaphore, #tpu.memory_space<semaphore_mem>>) src(%dma_wait3A_168 : memref<10000x128xf32, #tpu.memory_space<hbm>>) dst(%arg8 : memref<80x128xf32, #tpu.memory_space<vmem>>)
    %dma_start3A_169 = arith.constant 0 : i32
    %dma_start3A_170 = arith.constant 0 : i32
    %dma_start3A_171 = tpu.memref_slice %arg42[%dma_start3A_169, %dma_start3A_170] : memref<10240x128xf32, #tpu.memory_space<vmem_shared>> -> memref<10240x128xf32, #tpu.memory_space<vmem_shared>>
    tpu.enqueue_indirect_dma source(%arg8 : memref<80x128xf32, #tpu.memory_space<vmem>>) target(%dma_start3A_171 : memref<10240x128xf32, #tpu.memory_space<vmem_shared>>) offsets(%arg12 : memref<80xi32, #tpu.memory_space<vmem>>) semaphore(%arg40 : memref<!tpu.dma_semaphore, #tpu.memory_space<semaphore_mem>>) {add = true}
    %add3A_172 = arith.constant 240 : i32
    %add3A_173 = arith.addi %mul3A_2, %add3A_172 : i32
    %dma_wait3A_174 = tpu.memref_slice %arg3[%add3A_173] : memref<320000xi32, #tpu.memory_space<hbm>> -> memref<80xi32, #tpu.memory_space<hbm>>
    %dma_wait3A_175 = tpu.memref_slice %arg3[%add3A_173] : memref<320000xi32, #tpu.memory_space<hbm>> -> memref<80xi32, #tpu.memory_space<hbm>>
    tpu.wait_dma2 semaphore(%arg29 : memref<!tpu.dma_semaphore, #tpu.memory_space<semaphore_mem>>) src(%dma_wait3A_175 : memref<80xi32, #tpu.memory_space<hbm>>) dst(%arg13 : memref<80xi32, #tpu.memory_space<vmem>>)
    %dma_wait3A_176 = arith.constant 0 : i32
    %dma_wait3A_177 = arith.constant 0 : i32
    %dma_wait3A_178 = tpu.memref_slice %arg4[%dma_wait3A_176, %dma_wait3A_177] : memref<10000x128xf32, #tpu.memory_space<hbm>> -> memref<10000x128xf32, #tpu.memory_space<hbm>>
    tpu.wait_indirect_dma semaphore(%arg25 : memref<!tpu.dma_semaphore, #tpu.memory_space<semaphore_mem>>) src(%dma_wait3A_178 : memref<10000x128xf32, #tpu.memory_space<hbm>>) dst(%arg9 : memref<80x128xf32, #tpu.memory_space<vmem>>)
    %dma_start3A_179 = arith.constant 0 : i32
    %dma_start3A_180 = arith.constant 0 : i32
    %dma_start3A_181 = tpu.memref_slice %arg42[%dma_start3A_179, %dma_start3A_180] : memref<10240x128xf32, #tpu.memory_space<vmem_shared>> -> memref<10240x128xf32, #tpu.memory_space<vmem_shared>>
    tpu.enqueue_indirect_dma source(%arg9 : memref<80x128xf32, #tpu.memory_space<vmem>>) target(%dma_start3A_181 : memref<10240x128xf32, #tpu.memory_space<vmem_shared>>) offsets(%arg13 : memref<80xi32, #tpu.memory_space<vmem>>) semaphore(%arg41 : memref<!tpu.dma_semaphore, #tpu.memory_space<semaphore_mem>>) {add = true}
    %scan3A_182 = arith.constant 0 : i32
    %scan3A_183 = arith.constant 0 : i32
    %scan3A_184 = arith.constant 14 : i32
    %scan3A_185 = arith.addi %scan3A_183, %scan3A_184 : i32
    %scan3A_186 = arith.constant 1 : i32
    scf.for %scan3A_465 = %scan3A_183 to %scan3A_185 step %scan3A_186  : i32 {
      %mul3A_466 = arith.constant 2 : i32
      %mul3A_467 = arith.muli %mul3A_466, %scan3A_465 : i32
      %add3A_468 = arith.constant 1 : i32
      %add3A_469 = arith.addi %mul3A_467, %add3A_468 : i32
      %mul3A_470 = arith.constant 4 : i32
      %mul3A_471 = arith.muli %add3A_469, %mul3A_470 : i32
      %add3A_472 = arith.constant 0 : i32
      %add3A_473 = arith.addi %mul3A_471, %add3A_472 : i32
      %dma_wait3A_474 = arith.constant 0 : i32
      %dma_wait3A_475 = arith.constant 0 : i32
      %dma_wait3A_476 = tpu.memref_slice %arg42[%dma_wait3A_474, %dma_wait3A_475] : memref<10240x128xf32, #tpu.memory_space<vmem_shared>> -> memref<10240x128xf32, #tpu.memory_space<vmem_shared>>
      tpu.wait_indirect_dma semaphore(%arg38 : memref<!tpu.dma_semaphore, #tpu.memory_space<semaphore_mem>>) src(%arg6 : memref<80x128xf32, #tpu.memory_space<vmem>>) dst(%dma_wait3A_476 : memref<10240x128xf32, #tpu.memory_space<vmem_shared>>)
      %mul3A_477 = arith.constant 80 : i32
      %mul3A_478 = arith.muli %add3A_473, %mul3A_477 : i32
      %add3A_479 = arith.addi %mul3A_2, %mul3A_478 : i32
      %dma_start3A_480 = tpu.memref_slice %arg3[%add3A_479] : memref<320000xi32, #tpu.memory_space<hbm>> -> memref<80xi32, #tpu.memory_space<hbm>>
      %dma_start3A_481 = tpu.memref_slice %arg3[%add3A_479] : memref<320000xi32, #tpu.memory_space<hbm>> -> memref<80xi32, #tpu.memory_space<hbm>>
      tpu.enqueue_dma source(%dma_start3A_481 : memref<80xi32, #tpu.memory_space<hbm>>) target(%arg10 : memref<80xi32, #tpu.memory_space<vmem>>) target_semaphore(%arg26 : memref<!tpu.dma_semaphore, #tpu.memory_space<semaphore_mem>>)
      %add3A_482 = arith.constant 4 : i32
      %add3A_483 = arith.addi %add3A_473, %add3A_482 : i32
      %mul3A_484 = arith.constant 80 : i32
      %mul3A_485 = arith.muli %add3A_483, %mul3A_484 : i32
      %add3A_486 = arith.addi %mul3A_2, %mul3A_485 : i32
      %dma_start3A_487 = tpu.memref_slice %arg2[%add3A_486] : memref<320000xi32, #tpu.memory_space<hbm>> -> memref<80xi32, #tpu.memory_space<hbm>>
      %dma_start3A_488 = tpu.memref_slice %arg2[%add3A_486] : memref<320000xi32, #tpu.memory_space<hbm>> -> memref<80xi32, #tpu.memory_space<hbm>>
      tpu.enqueue_dma source(%dma_start3A_488 : memref<80xi32, #tpu.memory_space<hbm>>) target(%arg14 : memref<80xi32, #tpu.memory_space<vmem>>) target_semaphore(%arg30 : memref<!tpu.dma_semaphore, #tpu.memory_space<semaphore_mem>>)
      %mul3A_489 = arith.constant 4 : i32
      %mul3A_490 = arith.muli %add3A_469, %mul3A_489 : i32
      %add3A_491 = arith.constant 1 : i32
      %add3A_492 = arith.addi %mul3A_490, %add3A_491 : i32
      %dma_wait3A_493 = arith.constant 0 : i32
      %dma_wait3A_494 = arith.constant 0 : i32
      %dma_wait3A_495 = tpu.memref_slice %arg42[%dma_wait3A_493, %dma_wait3A_494] : memref<10240x128xf32, #tpu.memory_space<vmem_shared>> -> memref<10240x128xf32, #tpu.memory_space<vmem_shared>>
      tpu.wait_indirect_dma semaphore(%arg39 : memref<!tpu.dma_semaphore, #tpu.memory_space<semaphore_mem>>) src(%arg7 : memref<80x128xf32, #tpu.memory_space<vmem>>) dst(%dma_wait3A_495 : memref<10240x128xf32, #tpu.memory_space<vmem_shared>>)
      %mul3A_496 = arith.constant 80 : i32
      %mul3A_497 = arith.muli %add3A_492, %mul3A_496 : i32
      %add3A_498 = arith.addi %mul3A_2, %mul3A_497 : i32
      %dma_start3A_499 = tpu.memref_slice %arg3[%add3A_498] : memref<320000xi32, #tpu.memory_space<hbm>> -> memref<80xi32, #tpu.memory_space<hbm>>
      %dma_start3A_500 = tpu.memref_slice %arg3[%add3A_498] : memref<320000xi32, #tpu.memory_space<hbm>> -> memref<80xi32, #tpu.memory_space<hbm>>
      tpu.enqueue_dma source(%dma_start3A_500 : memref<80xi32, #tpu.memory_space<hbm>>) target(%arg11 : memref<80xi32, #tpu.memory_space<vmem>>) target_semaphore(%arg27 : memref<!tpu.dma_semaphore, #tpu.memory_space<semaphore_mem>>)
      %add3A_501 = arith.constant 4 : i32
      %add3A_502 = arith.addi %add3A_492, %add3A_501 : i32
      %mul3A_503 = arith.constant 80 : i32
      %mul3A_504 = arith.muli %add3A_502, %mul3A_503 : i32
      %add3A_505 = arith.addi %mul3A_2, %mul3A_504 : i32
      %dma_start3A_506 = tpu.memref_slice %arg2[%add3A_505] : memref<320000xi32, #tpu.memory_space<hbm>> -> memref<80xi32, #tpu.memory_space<hbm>>
      %dma_start3A_507 = tpu.memref_slice %arg2[%add3A_505] : memref<320000xi32, #tpu.memory_space<hbm>> -> memref<80xi32, #tpu.memory_space<hbm>>
      tpu.enqueue_dma source(%dma_start3A_507 : memref<80xi32, #tpu.memory_space<hbm>>) target(%arg15 : memref<80xi32, #tpu.memory_space<vmem>>) target_semaphore(%arg31 : memref<!tpu.dma_semaphore, #tpu.memory_space<semaphore_mem>>)
      %mul3A_508 = arith.constant 4 : i32
      %mul3A_509 = arith.muli %add3A_469, %mul3A_508 : i32
      %add3A_510 = arith.constant 2 : i32
      %add3A_511 = arith.addi %mul3A_509, %add3A_510 : i32
      %dma_wait3A_512 = arith.constant 0 : i32
      %dma_wait3A_513 = arith.constant 0 : i32
      %dma_wait3A_514 = tpu.memref_slice %arg42[%dma_wait3A_512, %dma_wait3A_513] : memref<10240x128xf32, #tpu.memory_space<vmem_shared>> -> memref<10240x128xf32, #tpu.memory_space<vmem_shared>>
      tpu.wait_indirect_dma semaphore(%arg40 : memref<!tpu.dma_semaphore, #tpu.memory_space<semaphore_mem>>) src(%arg8 : memref<80x128xf32, #tpu.memory_space<vmem>>) dst(%dma_wait3A_514 : memref<10240x128xf32, #tpu.memory_space<vmem_shared>>)
      %mul3A_515 = arith.constant 80 : i32
      %mul3A_516 = arith.muli %add3A_511, %mul3A_515 : i32
      %add3A_517 = arith.addi %mul3A_2, %mul3A_516 : i32
      %dma_start3A_518 = tpu.memref_slice %arg3[%add3A_517] : memref<320000xi32, #tpu.memory_space<hbm>> -> memref<80xi32, #tpu.memory_space<hbm>>
      %dma_start3A_519 = tpu.memref_slice %arg3[%add3A_517] : memref<320000xi32, #tpu.memory_space<hbm>> -> memref<80xi32, #tpu.memory_space<hbm>>
      tpu.enqueue_dma source(%dma_start3A_519 : memref<80xi32, #tpu.memory_space<hbm>>) target(%arg12 : memref<80xi32, #tpu.memory_space<vmem>>) target_semaphore(%arg28 : memref<!tpu.dma_semaphore, #tpu.memory_space<semaphore_mem>>)
      %add3A_520 = arith.constant 4 : i32
      %add3A_521 = arith.addi %add3A_511, %add3A_520 : i32
      %mul3A_522 = arith.constant 80 : i32
      %mul3A_523 = arith.muli %add3A_521, %mul3A_522 : i32
      %add3A_524 = arith.addi %mul3A_2, %mul3A_523 : i32
      %dma_start3A_525 = tpu.memref_slice %arg2[%add3A_524] : memref<320000xi32, #tpu.memory_space<hbm>> -> memref<80xi32, #tpu.memory_space<hbm>>
      %dma_start3A_526 = tpu.memref_slice %arg2[%add3A_524] : memref<320000xi32, #tpu.memory_space<hbm>> -> memref<80xi32, #tpu.memory_space<hbm>>
      tpu.enqueue_dma source(%dma_start3A_526 : memref<80xi32, #tpu.memory_space<hbm>>) target(%arg16 : memref<80xi32, #tpu.memory_space<vmem>>) target_semaphore(%arg32 : memref<!tpu.dma_semaphore, #tpu.memory_space<semaphore_mem>>)
      %mul3A_527 = arith.constant 4 : i32
      %mul3A_528 = arith.muli %add3A_469, %mul3A_527 : i32
      %add3A_529 = arith.constant 3 : i32
      %add3A_530 = arith.addi %mul3A_528, %add3A_529 : i32
      %dma_wait3A_531 = arith.constant 0 : i32
      %dma_wait3A_532 = arith.constant 0 : i32
      %dma_wait3A_533 = tpu.memref_slice %arg42[%dma_wait3A_531, %dma_wait3A_532] : memref<10240x128xf32, #tpu.memory_space<vmem_shared>> -> memref<10240x128xf32, #tpu.memory_space<vmem_shared>>
      tpu.wait_indirect_dma semaphore(%arg41 : memref<!tpu.dma_semaphore, #tpu.memory_space<semaphore_mem>>) src(%arg9 : memref<80x128xf32, #tpu.memory_space<vmem>>) dst(%dma_wait3A_533 : memref<10240x128xf32, #tpu.memory_space<vmem_shared>>)
      %mul3A_534 = arith.constant 80 : i32
      %mul3A_535 = arith.muli %add3A_530, %mul3A_534 : i32
      %add3A_536 = arith.addi %mul3A_2, %mul3A_535 : i32
      %dma_start3A_537 = tpu.memref_slice %arg3[%add3A_536] : memref<320000xi32, #tpu.memory_space<hbm>> -> memref<80xi32, #tpu.memory_space<hbm>>
      %dma_start3A_538 = tpu.memref_slice %arg3[%add3A_536] : memref<320000xi32, #tpu.memory_space<hbm>> -> memref<80xi32, #tpu.memory_space<hbm>>
      tpu.enqueue_dma source(%dma_start3A_538 : memref<80xi32, #tpu.memory_space<hbm>>) target(%arg13 : memref<80xi32, #tpu.memory_space<vmem>>) target_semaphore(%arg29 : memref<!tpu.dma_semaphore, #tpu.memory_space<semaphore_mem>>)
      %add3A_539 = arith.constant 4 : i32
      %add3A_540 = arith.addi %add3A_530, %add3A_539 : i32
      %mul3A_541 = arith.constant 80 : i32
      %mul3A_542 = arith.muli %add3A_540, %mul3A_541 : i32
      %add3A_543 = arith.addi %mul3A_2, %mul3A_542 : i32
      %dma_start3A_544 = tpu.memref_slice %arg2[%add3A_543] : memref<320000xi32, #tpu.memory_space<hbm>> -> memref<80xi32, #tpu.memory_space<hbm>>
      %dma_start3A_545 = tpu.memref_slice %arg2[%add3A_543] : memref<320000xi32, #tpu.memory_space<hbm>> -> memref<80xi32, #tpu.memory_space<hbm>>
      tpu.enqueue_dma source(%dma_start3A_545 : memref<80xi32, #tpu.memory_space<hbm>>) target(%arg17 : memref<80xi32, #tpu.memory_space<vmem>>) target_semaphore(%arg33 : memref<!tpu.dma_semaphore, #tpu.memory_space<semaphore_mem>>)
      %mul3A_546 = arith.constant 4 : i32
      %mul3A_547 = arith.muli %add3A_469, %mul3A_546 : i32
      %add3A_548 = arith.constant 0 : i32
      %add3A_549 = arith.addi %mul3A_547, %add3A_548 : i32
      %mul3A_550 = arith.constant 80 : i32
      %mul3A_551 = arith.muli %add3A_549, %mul3A_550 : i32
      %add3A_552 = arith.addi %mul3A_2, %mul3A_551 : i32
      %dma_wait3A_553 = tpu.memref_slice %arg2[%add3A_552] : memref<320000xi32, #tpu.memory_space<hbm>> -> memref<80xi32, #tpu.memory_space<hbm>>
      %dma_wait3A_554 = tpu.memref_slice %arg2[%add3A_552] : memref<320000xi32, #tpu.memory_space<hbm>> -> memref<80xi32, #tpu.memory_space<hbm>>
      tpu.wait_dma2 semaphore(%arg34 : memref<!tpu.dma_semaphore, #tpu.memory_space<semaphore_mem>>) src(%dma_wait3A_554 : memref<80xi32, #tpu.memory_space<hbm>>) dst(%arg18 : memref<80xi32, #tpu.memory_space<vmem>>)
      %dma_start3A_555 = arith.constant 0 : i32
      %dma_start3A_556 = arith.constant 0 : i32
      %dma_start3A_557 = tpu.memref_slice %arg4[%dma_start3A_555, %dma_start3A_556] : memref<10000x128xf32, #tpu.memory_space<hbm>> -> memref<10000x128xf32, #tpu.memory_space<hbm>>
      tpu.enqueue_indirect_dma source(%dma_start3A_557 : memref<10000x128xf32, #tpu.memory_space<hbm>>) target(%arg6 : memref<80x128xf32, #tpu.memory_space<vmem>>) offsets(%arg18 : memref<80xi32, #tpu.memory_space<vmem>>) semaphore(%arg22 : memref<!tpu.dma_semaphore, #tpu.memory_space<semaphore_mem>>)
      %mul3A_558 = arith.constant 4 : i32
      %mul3A_559 = arith.muli %add3A_469, %mul3A_558 : i32
      %add3A_560 = arith.constant 1 : i32
      %add3A_561 = arith.addi %mul3A_559, %add3A_560 : i32
      %mul3A_562 = arith.constant 80 : i32
      %mul3A_563 = arith.muli %add3A_561, %mul3A_562 : i32
      %add3A_564 = arith.addi %mul3A_2, %mul3A_563 : i32
      %dma_wait3A_565 = tpu.memref_slice %arg2[%add3A_564] : memref<320000xi32, #tpu.memory_space<hbm>> -> memref<80xi32, #tpu.memory_space<hbm>>
      %dma_wait3A_566 = tpu.memref_slice %arg2[%add3A_564] : memref<320000xi32, #tpu.memory_space<hbm>> -> memref<80xi32, #tpu.memory_space<hbm>>
      tpu.wait_dma2 semaphore(%arg35 : memref<!tpu.dma_semaphore, #tpu.memory_space<semaphore_mem>>) src(%dma_wait3A_566 : memref<80xi32, #tpu.memory_space<hbm>>) dst(%arg19 : memref<80xi32, #tpu.memory_space<vmem>>)
      %dma_start3A_567 = arith.constant 0 : i32
      %dma_start3A_568 = arith.constant 0 : i32
      %dma_start3A_569 = tpu.memref_slice %arg4[%dma_start3A_567, %dma_start3A_568] : memref<10000x128xf32, #tpu.memory_space<hbm>> -> memref<10000x128xf32, #tpu.memory_space<hbm>>
      tpu.enqueue_indirect_dma source(%dma_start3A_569 : memref<10000x128xf32, #tpu.memory_space<hbm>>) target(%arg7 : memref<80x128xf32, #tpu.memory_space<vmem>>) offsets(%arg19 : memref<80xi32, #tpu.memory_space<vmem>>) semaphore(%arg23 : memref<!tpu.dma_semaphore, #tpu.memory_space<semaphore_mem>>)
      %mul3A_570 = arith.constant 4 : i32
      %mul3A_571 = arith.muli %add3A_469, %mul3A_570 : i32
      %add3A_572 = arith.constant 2 : i32
      %add3A_573 = arith.addi %mul3A_571, %add3A_572 : i32
      %mul3A_574 = arith.constant 80 : i32
      %mul3A_575 = arith.muli %add3A_573, %mul3A_574 : i32
      %add3A_576 = arith.addi %mul3A_2, %mul3A_575 : i32
      %dma_wait3A_577 = tpu.memref_slice %arg2[%add3A_576] : memref<320000xi32, #tpu.memory_space<hbm>> -> memref<80xi32, #tpu.memory_space<hbm>>
      %dma_wait3A_578 = tpu.memref_slice %arg2[%add3A_576] : memref<320000xi32, #tpu.memory_space<hbm>> -> memref<80xi32, #tpu.memory_space<hbm>>
      tpu.wait_dma2 semaphore(%arg36 : memref<!tpu.dma_semaphore, #tpu.memory_space<semaphore_mem>>) src(%dma_wait3A_578 : memref<80xi32, #tpu.memory_space<hbm>>) dst(%arg20 : memref<80xi32, #tpu.memory_space<vmem>>)
      %dma_start3A_579 = arith.constant 0 : i32
      %dma_start3A_580 = arith.constant 0 : i32
      %dma_start3A_581 = tpu.memref_slice %arg4[%dma_start3A_579, %dma_start3A_580] : memref<10000x128xf32, #tpu.memory_space<hbm>> -> memref<10000x128xf32, #tpu.memory_space<hbm>>
      tpu.enqueue_indirect_dma source(%dma_start3A_581 : memref<10000x128xf32, #tpu.memory_space<hbm>>) target(%arg8 : memref<80x128xf32, #tpu.memory_space<vmem>>) offsets(%arg20 : memref<80xi32, #tpu.memory_space<vmem>>) semaphore(%arg24 : memref<!tpu.dma_semaphore, #tpu.memory_space<semaphore_mem>>)
      %mul3A_582 = arith.constant 4 : i32
      %mul3A_583 = arith.muli %add3A_469, %mul3A_582 : i32
      %add3A_584 = arith.constant 3 : i32
      %add3A_585 = arith.addi %mul3A_583, %add3A_584 : i32
      %mul3A_586 = arith.constant 80 : i32
      %mul3A_587 = arith.muli %add3A_585, %mul3A_586 : i32
      %add3A_588 = arith.addi %mul3A_2, %mul3A_587 : i32
      %dma_wait3A_589 = tpu.memref_slice %arg2[%add3A_588] : memref<320000xi32, #tpu.memory_space<hbm>> -> memref<80xi32, #tpu.memory_space<hbm>>
      %dma_wait3A_590 = tpu.memref_slice %arg2[%add3A_588] : memref<320000xi32, #tpu.memory_space<hbm>> -> memref<80xi32, #tpu.memory_space<hbm>>
      tpu.wait_dma2 semaphore(%arg37 : memref<!tpu.dma_semaphore, #tpu.memory_space<semaphore_mem>>) src(%dma_wait3A_590 : memref<80xi32, #tpu.memory_space<hbm>>) dst(%arg21 : memref<80xi32, #tpu.memory_space<vmem>>)
      %dma_start3A_591 = arith.constant 0 : i32
      %dma_start3A_592 = arith.constant 0 : i32
      %dma_start3A_593 = tpu.memref_slice %arg4[%dma_start3A_591, %dma_start3A_592] : memref<10000x128xf32, #tpu.memory_space<hbm>> -> memref<10000x128xf32, #tpu.memory_space<hbm>>
      tpu.enqueue_indirect_dma source(%dma_start3A_593 : memref<10000x128xf32, #tpu.memory_space<hbm>>) target(%arg9 : memref<80x128xf32, #tpu.memory_space<vmem>>) offsets(%arg21 : memref<80xi32, #tpu.memory_space<vmem>>) semaphore(%arg25 : memref<!tpu.dma_semaphore, #tpu.memory_space<semaphore_mem>>)
      %mul3A_594 = arith.constant 4 : i32
      %mul3A_595 = arith.muli %add3A_469, %mul3A_594 : i32
      %add3A_596 = arith.constant 0 : i32
      %add3A_597 = arith.addi %mul3A_595, %add3A_596 : i32
      %mul3A_598 = arith.constant 80 : i32
      %mul3A_599 = arith.muli %add3A_597, %mul3A_598 : i32
      %add3A_600 = arith.addi %mul3A_2, %mul3A_599 : i32
      %dma_wait3A_601 = tpu.memref_slice %arg3[%add3A_600] : memref<320000xi32, #tpu.memory_space<hbm>> -> memref<80xi32, #tpu.memory_space<hbm>>
      %dma_wait3A_602 = tpu.memref_slice %arg3[%add3A_600] : memref<320000xi32, #tpu.memory_space<hbm>> -> memref<80xi32, #tpu.memory_space<hbm>>
      tpu.wait_dma2 semaphore(%arg26 : memref<!tpu.dma_semaphore, #tpu.memory_space<semaphore_mem>>) src(%dma_wait3A_602 : memref<80xi32, #tpu.memory_space<hbm>>) dst(%arg10 : memref<80xi32, #tpu.memory_space<vmem>>)
      %dma_wait3A_603 = arith.constant 0 : i32
      %dma_wait3A_604 = arith.constant 0 : i32
      %dma_wait3A_605 = tpu.memref_slice %arg4[%dma_wait3A_603, %dma_wait3A_604] : memref<10000x128xf32, #tpu.memory_space<hbm>> -> memref<10000x128xf32, #tpu.memory_space<hbm>>
      tpu.wait_indirect_dma semaphore(%arg22 : memref<!tpu.dma_semaphore, #tpu.memory_space<semaphore_mem>>) src(%dma_wait3A_605 : memref<10000x128xf32, #tpu.memory_space<hbm>>) dst(%arg6 : memref<80x128xf32, #tpu.memory_space<vmem>>)
      %dma_start3A_606 = arith.constant 0 : i32
      %dma_start3A_607 = arith.constant 0 : i32
      %dma_start3A_608 = tpu.memref_slice %arg42[%dma_start3A_606, %dma_start3A_607] : memref<10240x128xf32, #tpu.memory_space<vmem_shared>> -> memref<10240x128xf32, #tpu.memory_space<vmem_shared>>
      tpu.enqueue_indirect_dma source(%arg6 : memref<80x128xf32, #tpu.memory_space<vmem>>) target(%dma_start3A_608 : memref<10240x128xf32, #tpu.memory_space<vmem_shared>>) offsets(%arg10 : memref<80xi32, #tpu.memory_space<vmem>>) semaphore(%arg38 : memref<!tpu.dma_semaphore, #tpu.memory_space<semaphore_mem>>) {add = true}
      %mul3A_609 = arith.constant 4 : i32
      %mul3A_610 = arith.muli %add3A_469, %mul3A_609 : i32
      %add3A_611 = arith.constant 1 : i32
      %add3A_612 = arith.addi %mul3A_610, %add3A_611 : i32
      %mul3A_613 = arith.constant 80 : i32
      %mul3A_614 = arith.muli %add3A_612, %mul3A_613 : i32
      %add3A_615 = arith.addi %mul3A_2, %mul3A_614 : i32
      %dma_wait3A_616 = tpu.memref_slice %arg3[%add3A_615] : memref<320000xi32, #tpu.memory_space<hbm>> -> memref<80xi32, #tpu.memory_space<hbm>>
      %dma_wait3A_617 = tpu.memref_slice %arg3[%add3A_615] : memref<320000xi32, #tpu.memory_space<hbm>> -> memref<80xi32, #tpu.memory_space<hbm>>
      tpu.wait_dma2 semaphore(%arg27 : memref<!tpu.dma_semaphore, #tpu.memory_space<semaphore_mem>>) src(%dma_wait3A_617 : memref<80xi32, #tpu.memory_space<hbm>>) dst(%arg11 : memref<80xi32, #tpu.memory_space<vmem>>)
      %dma_wait3A_618 = arith.constant 0 : i32
      %dma_wait3A_619 = arith.constant 0 : i32
      %dma_wait3A_620 = tpu.memref_slice %arg4[%dma_wait3A_618, %dma_wait3A_619] : memref<10000x128xf32, #tpu.memory_space<hbm>> -> memref<10000x128xf32, #tpu.memory_space<hbm>>
      tpu.wait_indirect_dma semaphore(%arg23 : memref<!tpu.dma_semaphore, #tpu.memory_space<semaphore_mem>>) src(%dma_wait3A_620 : memref<10000x128xf32, #tpu.memory_space<hbm>>) dst(%arg7 : memref<80x128xf32, #tpu.memory_space<vmem>>)
      %dma_start3A_621 = arith.constant 0 : i32
      %dma_start3A_622 = arith.constant 0 : i32
      %dma_start3A_623 = tpu.memref_slice %arg42[%dma_start3A_621, %dma_start3A_622] : memref<10240x128xf32, #tpu.memory_space<vmem_shared>> -> memref<10240x128xf32, #tpu.memory_space<vmem_shared>>
      tpu.enqueue_indirect_dma source(%arg7 : memref<80x128xf32, #tpu.memory_space<vmem>>) target(%dma_start3A_623 : memref<10240x128xf32, #tpu.memory_space<vmem_shared>>) offsets(%arg11 : memref<80xi32, #tpu.memory_space<vmem>>) semaphore(%arg39 : memref<!tpu.dma_semaphore, #tpu.memory_space<semaphore_mem>>) {add = true}
      %mul3A_624 = arith.constant 4 : i32
      %mul3A_625 = arith.muli %add3A_469, %mul3A_624 : i32
      %add3A_626 = arith.constant 2 : i32
      %add3A_627 = arith.addi %mul3A_625, %add3A_626 : i32
      %mul3A_628 = arith.constant 80 : i32
      %mul3A_629 = arith.muli %add3A_627, %mul3A_628 : i32
      %add3A_630 = arith.addi %mul3A_2, %mul3A_629 : i32
      %dma_wait3A_631 = tpu.memref_slice %arg3[%add3A_630] : memref<320000xi32, #tpu.memory_space<hbm>> -> memref<80xi32, #tpu.memory_space<hbm>>
      %dma_wait3A_632 = tpu.memref_slice %arg3[%add3A_630] : memref<320000xi32, #tpu.memory_space<hbm>> -> memref<80xi32, #tpu.memory_space<hbm>>
      tpu.wait_dma2 semaphore(%arg28 : memref<!tpu.dma_semaphore, #tpu.memory_space<semaphore_mem>>) src(%dma_wait3A_632 : memref<80xi32, #tpu.memory_space<hbm>>) dst(%arg12 : memref<80xi32, #tpu.memory_space<vmem>>)
      %dma_wait3A_633 = arith.constant 0 : i32
      %dma_wait3A_634 = arith.constant 0 : i32
      %dma_wait3A_635 = tpu.memref_slice %arg4[%dma_wait3A_633, %dma_wait3A_634] : memref<10000x128xf32, #tpu.memory_space<hbm>> -> memref<10000x128xf32, #tpu.memory_space<hbm>>
      tpu.wait_indirect_dma semaphore(%arg24 : memref<!tpu.dma_semaphore, #tpu.memory_space<semaphore_mem>>) src(%dma_wait3A_635 : memref<10000x128xf32, #tpu.memory_space<hbm>>) dst(%arg8 : memref<80x128xf32, #tpu.memory_space<vmem>>)
      %dma_start3A_636 = arith.constant 0 : i32
      %dma_start3A_637 = arith.constant 0 : i32
      %dma_start3A_638 = tpu.memref_slice %arg42[%dma_start3A_636, %dma_start3A_637] : memref<10240x128xf32, #tpu.memory_space<vmem_shared>> -> memref<10240x128xf32, #tpu.memory_space<vmem_shared>>
      tpu.enqueue_indirect_dma source(%arg8 : memref<80x128xf32, #tpu.memory_space<vmem>>) target(%dma_start3A_638 : memref<10240x128xf32, #tpu.memory_space<vmem_shared>>) offsets(%arg12 : memref<80xi32, #tpu.memory_space<vmem>>) semaphore(%arg40 : memref<!tpu.dma_semaphore, #tpu.memory_space<semaphore_mem>>) {add = true}
      %mul3A_639 = arith.constant 4 : i32
      %mul3A_640 = arith.muli %add3A_469, %mul3A_639 : i32
      %add3A_641 = arith.constant 3 : i32
      %add3A_642 = arith.addi %mul3A_640, %add3A_641 : i32
      %mul3A_643 = arith.constant 80 : i32
      %mul3A_644 = arith.muli %add3A_642, %mul3A_643 : i32
      %add3A_645 = arith.addi %mul3A_2, %mul3A_644 : i32
      %dma_wait3A_646 = tpu.memref_slice %arg3[%add3A_645] : memref<320000xi32, #tpu.memory_space<hbm>> -> memref<80xi32, #tpu.memory_space<hbm>>
      %dma_wait3A_647 = tpu.memref_slice %arg3[%add3A_645] : memref<320000xi32, #tpu.memory_space<hbm>> -> memref<80xi32, #tpu.memory_space<hbm>>
      tpu.wait_dma2 semaphore(%arg29 : memref<!tpu.dma_semaphore, #tpu.memory_space<semaphore_mem>>) src(%dma_wait3A_647 : memref<80xi32, #tpu.memory_space<hbm>>) dst(%arg13 : memref<80xi32, #tpu.memory_space<vmem>>)
      %dma_wait3A_648 = arith.constant 0 : i32
      %dma_wait3A_649 = arith.constant 0 : i32
      %dma_wait3A_650 = tpu.memref_slice %arg4[%dma_wait3A_648, %dma_wait3A_649] : memref<10000x128xf32, #tpu.memory_space<hbm>> -> memref<10000x128xf32, #tpu.memory_space<hbm>>
      tpu.wait_indirect_dma semaphore(%arg25 : memref<!tpu.dma_semaphore, #tpu.memory_space<semaphore_mem>>) src(%dma_wait3A_650 : memref<10000x128xf32, #tpu.memory_space<hbm>>) dst(%arg9 : memref<80x128xf32, #tpu.memory_space<vmem>>)
      %dma_start3A_651 = arith.constant 0 : i32
      %dma_start3A_652 = arith.constant 0 : i32
      %dma_start3A_653 = tpu.memref_slice %arg42[%dma_start3A_651, %dma_start3A_652] : memref<10240x128xf32, #tpu.memory_space<vmem_shared>> -> memref<10240x128xf32, #tpu.memory_space<vmem_shared>>
      tpu.enqueue_indirect_dma source(%arg9 : memref<80x128xf32, #tpu.memory_space<vmem>>) target(%dma_start3A_653 : memref<10240x128xf32, #tpu.memory_space<vmem_shared>>) offsets(%arg13 : memref<80xi32, #tpu.memory_space<vmem>>) semaphore(%arg41 : memref<!tpu.dma_semaphore, #tpu.memory_space<semaphore_mem>>) {add = true}
      %mul3A_654 = arith.constant 2 : i32
      %mul3A_655 = arith.muli %mul3A_654, %scan3A_465 : i32
      %add3A_656 = arith.constant 2 : i32
      %add3A_657 = arith.addi %mul3A_655, %add3A_656 : i32
      %mul3A_658 = arith.constant 4 : i32
      %mul3A_659 = arith.muli %add3A_657, %mul3A_658 : i32
      %add3A_660 = arith.constant 0 : i32
      %add3A_661 = arith.addi %mul3A_659, %add3A_660 : i32
      %dma_wait3A_662 = arith.constant 0 : i32
      %dma_wait3A_663 = arith.constant 0 : i32
      %dma_wait3A_664 = tpu.memref_slice %arg42[%dma_wait3A_662, %dma_wait3A_663] : memref<10240x128xf32, #tpu.memory_space<vmem_shared>> -> memref<10240x128xf32, #tpu.memory_space<vmem_shared>>
      tpu.wait_indirect_dma semaphore(%arg38 : memref<!tpu.dma_semaphore, #tpu.memory_space<semaphore_mem>>) src(%arg6 : memref<80x128xf32, #tpu.memory_space<vmem>>) dst(%dma_wait3A_664 : memref<10240x128xf32, #tpu.memory_space<vmem_shared>>)
      %mul3A_665 = arith.constant 80 : i32
      %mul3A_666 = arith.muli %add3A_661, %mul3A_665 : i32
      %add3A_667 = arith.addi %mul3A_2, %mul3A_666 : i32
      %dma_start3A_668 = tpu.memref_slice %arg3[%add3A_667] : memref<320000xi32, #tpu.memory_space<hbm>> -> memref<80xi32, #tpu.memory_space<hbm>>
      %dma_start3A_669 = tpu.memref_slice %arg3[%add3A_667] : memref<320000xi32, #tpu.memory_space<hbm>> -> memref<80xi32, #tpu.memory_space<hbm>>
      tpu.enqueue_dma source(%dma_start3A_669 : memref<80xi32, #tpu.memory_space<hbm>>) target(%arg10 : memref<80xi32, #tpu.memory_space<vmem>>) target_semaphore(%arg26 : memref<!tpu.dma_semaphore, #tpu.memory_space<semaphore_mem>>)
      %add3A_670 = arith.constant 4 : i32
      %add3A_671 = arith.addi %add3A_661, %add3A_670 : i32
      %mul3A_672 = arith.constant 80 : i32
      %mul3A_673 = arith.muli %add3A_671, %mul3A_672 : i32
      %add3A_674 = arith.addi %mul3A_2, %mul3A_673 : i32
      %dma_start3A_675 = tpu.memref_slice %arg2[%add3A_674] : memref<320000xi32, #tpu.memory_space<hbm>> -> memref<80xi32, #tpu.memory_space<hbm>>
      %dma_start3A_676 = tpu.memref_slice %arg2[%add3A_674] : memref<320000xi32, #tpu.memory_space<hbm>> -> memref<80xi32, #tpu.memory_space<hbm>>
      tpu.enqueue_dma source(%dma_start3A_676 : memref<80xi32, #tpu.memory_space<hbm>>) target(%arg18 : memref<80xi32, #tpu.memory_space<vmem>>) target_semaphore(%arg34 : memref<!tpu.dma_semaphore, #tpu.memory_space<semaphore_mem>>)
      %mul3A_677 = arith.constant 4 : i32
      %mul3A_678 = arith.muli %add3A_657, %mul3A_677 : i32
      %add3A_679 = arith.constant 1 : i32
      %add3A_680 = arith.addi %mul3A_678, %add3A_679 : i32
      %dma_wait3A_681 = arith.constant 0 : i32
      %dma_wait3A_682 = arith.constant 0 : i32
      %dma_wait3A_683 = tpu.memref_slice %arg42[%dma_wait3A_681, %dma_wait3A_682] : memref<10240x128xf32, #tpu.memory_space<vmem_shared>> -> memref<10240x128xf32, #tpu.memory_space<vmem_shared>>
      tpu.wait_indirect_dma semaphore(%arg39 : memref<!tpu.dma_semaphore, #tpu.memory_space<semaphore_mem>>) src(%arg7 : memref<80x128xf32, #tpu.memory_space<vmem>>) dst(%dma_wait3A_683 : memref<10240x128xf32, #tpu.memory_space<vmem_shared>>)
      %mul3A_684 = arith.constant 80 : i32
      %mul3A_685 = arith.muli %add3A_680, %mul3A_684 : i32
      %add3A_686 = arith.addi %mul3A_2, %mul3A_685 : i32
      %dma_start3A_687 = tpu.memref_slice %arg3[%add3A_686] : memref<320000xi32, #tpu.memory_space<hbm>> -> memref<80xi32, #tpu.memory_space<hbm>>
      %dma_start3A_688 = tpu.memref_slice %arg3[%add3A_686] : memref<320000xi32, #tpu.memory_space<hbm>> -> memref<80xi32, #tpu.memory_space<hbm>>
      tpu.enqueue_dma source(%dma_start3A_688 : memref<80xi32, #tpu.memory_space<hbm>>) target(%arg11 : memref<80xi32, #tpu.memory_space<vmem>>) target_semaphore(%arg27 : memref<!tpu.dma_semaphore, #tpu.memory_space<semaphore_mem>>)
      %add3A_689 = arith.constant 4 : i32
      %add3A_690 = arith.addi %add3A_680, %add3A_689 : i32
      %mul3A_691 = arith.constant 80 : i32
      %mul3A_692 = arith.muli %add3A_690, %mul3A_691 : i32
      %add3A_693 = arith.addi %mul3A_2, %mul3A_692 : i32
      %dma_start3A_694 = tpu.memref_slice %arg2[%add3A_693] : memref<320000xi32, #tpu.memory_space<hbm>> -> memref<80xi32, #tpu.memory_space<hbm>>
      %dma_start3A_695 = tpu.memref_slice %arg2[%add3A_693] : memref<320000xi32, #tpu.memory_space<hbm>> -> memref<80xi32, #tpu.memory_space<hbm>>
      tpu.enqueue_dma source(%dma_start3A_695 : memref<80xi32, #tpu.memory_space<hbm>>) target(%arg19 : memref<80xi32, #tpu.memory_space<vmem>>) target_semaphore(%arg35 : memref<!tpu.dma_semaphore, #tpu.memory_space<semaphore_mem>>)
      %mul3A_696 = arith.constant 4 : i32
      %mul3A_697 = arith.muli %add3A_657, %mul3A_696 : i32
      %add3A_698 = arith.constant 2 : i32
      %add3A_699 = arith.addi %mul3A_697, %add3A_698 : i32
      %dma_wait3A_700 = arith.constant 0 : i32
      %dma_wait3A_701 = arith.constant 0 : i32
      %dma_wait3A_702 = tpu.memref_slice %arg42[%dma_wait3A_700, %dma_wait3A_701] : memref<10240x128xf32, #tpu.memory_space<vmem_shared>> -> memref<10240x128xf32, #tpu.memory_space<vmem_shared>>
      tpu.wait_indirect_dma semaphore(%arg40 : memref<!tpu.dma_semaphore, #tpu.memory_space<semaphore_mem>>) src(%arg8 : memref<80x128xf32, #tpu.memory_space<vmem>>) dst(%dma_wait3A_702 : memref<10240x128xf32, #tpu.memory_space<vmem_shared>>)
      %mul3A_703 = arith.constant 80 : i32
      %mul3A_704 = arith.muli %add3A_699, %mul3A_703 : i32
      %add3A_705 = arith.addi %mul3A_2, %mul3A_704 : i32
      %dma_start3A_706 = tpu.memref_slice %arg3[%add3A_705] : memref<320000xi32, #tpu.memory_space<hbm>> -> memref<80xi32, #tpu.memory_space<hbm>>
      %dma_start3A_707 = tpu.memref_slice %arg3[%add3A_705] : memref<320000xi32, #tpu.memory_space<hbm>> -> memref<80xi32, #tpu.memory_space<hbm>>
      tpu.enqueue_dma source(%dma_start3A_707 : memref<80xi32, #tpu.memory_space<hbm>>) target(%arg12 : memref<80xi32, #tpu.memory_space<vmem>>) target_semaphore(%arg28 : memref<!tpu.dma_semaphore, #tpu.memory_space<semaphore_mem>>)
      %add3A_708 = arith.constant 4 : i32
      %add3A_709 = arith.addi %add3A_699, %add3A_708 : i32
      %mul3A_710 = arith.constant 80 : i32
      %mul3A_711 = arith.muli %add3A_709, %mul3A_710 : i32
      %add3A_712 = arith.addi %mul3A_2, %mul3A_711 : i32
      %dma_start3A_713 = tpu.memref_slice %arg2[%add3A_712] : memref<320000xi32, #tpu.memory_space<hbm>> -> memref<80xi32, #tpu.memory_space<hbm>>
      %dma_start3A_714 = tpu.memref_slice %arg2[%add3A_712] : memref<320000xi32, #tpu.memory_space<hbm>> -> memref<80xi32, #tpu.memory_space<hbm>>
      tpu.enqueue_dma source(%dma_start3A_714 : memref<80xi32, #tpu.memory_space<hbm>>) target(%arg20 : memref<80xi32, #tpu.memory_space<vmem>>) target_semaphore(%arg36 : memref<!tpu.dma_semaphore, #tpu.memory_space<semaphore_mem>>)
      %mul3A_715 = arith.constant 4 : i32
      %mul3A_716 = arith.muli %add3A_657, %mul3A_715 : i32
      %add3A_717 = arith.constant 3 : i32
      %add3A_718 = arith.addi %mul3A_716, %add3A_717 : i32
      %dma_wait3A_719 = arith.constant 0 : i32
      %dma_wait3A_720 = arith.constant 0 : i32
      %dma_wait3A_721 = tpu.memref_slice %arg42[%dma_wait3A_719, %dma_wait3A_720] : memref<10240x128xf32, #tpu.memory_space<vmem_shared>> -> memref<10240x128xf32, #tpu.memory_space<vmem_shared>>
      tpu.wait_indirect_dma semaphore(%arg41 : memref<!tpu.dma_semaphore, #tpu.memory_space<semaphore_mem>>) src(%arg9 : memref<80x128xf32, #tpu.memory_space<vmem>>) dst(%dma_wait3A_721 : memref<10240x128xf32, #tpu.memory_space<vmem_shared>>)
      %mul3A_722 = arith.constant 80 : i32
      %mul3A_723 = arith.muli %add3A_718, %mul3A_722 : i32
      %add3A_724 = arith.addi %mul3A_2, %mul3A_723 : i32
      %dma_start3A_725 = tpu.memref_slice %arg3[%add3A_724] : memref<320000xi32, #tpu.memory_space<hbm>> -> memref<80xi32, #tpu.memory_space<hbm>>
      %dma_start3A_726 = tpu.memref_slice %arg3[%add3A_724] : memref<320000xi32, #tpu.memory_space<hbm>> -> memref<80xi32, #tpu.memory_space<hbm>>
      tpu.enqueue_dma source(%dma_start3A_726 : memref<80xi32, #tpu.memory_space<hbm>>) target(%arg13 : memref<80xi32, #tpu.memory_space<vmem>>) target_semaphore(%arg29 : memref<!tpu.dma_semaphore, #tpu.memory_space<semaphore_mem>>)
      %add3A_727 = arith.constant 4 : i32
      %add3A_728 = arith.addi %add3A_718, %add3A_727 : i32
      %mul3A_729 = arith.constant 80 : i32
      %mul3A_730 = arith.muli %add3A_728, %mul3A_729 : i32
      %add3A_731 = arith.addi %mul3A_2, %mul3A_730 : i32
      %dma_start3A_732 = tpu.memref_slice %arg2[%add3A_731] : memref<320000xi32, #tpu.memory_space<hbm>> -> memref<80xi32, #tpu.memory_space<hbm>>
      %dma_start3A_733 = tpu.memref_slice %arg2[%add3A_731] : memref<320000xi32, #tpu.memory_space<hbm>> -> memref<80xi32, #tpu.memory_space<hbm>>
      tpu.enqueue_dma source(%dma_start3A_733 : memref<80xi32, #tpu.memory_space<hbm>>) target(%arg21 : memref<80xi32, #tpu.memory_space<vmem>>) target_semaphore(%arg37 : memref<!tpu.dma_semaphore, #tpu.memory_space<semaphore_mem>>)
      %mul3A_734 = arith.constant 4 : i32
      %mul3A_735 = arith.muli %add3A_657, %mul3A_734 : i32
      %add3A_736 = arith.constant 0 : i32
      %add3A_737 = arith.addi %mul3A_735, %add3A_736 : i32
      %mul3A_738 = arith.constant 80 : i32
      %mul3A_739 = arith.muli %add3A_737, %mul3A_738 : i32
      %add3A_740 = arith.addi %mul3A_2, %mul3A_739 : i32
      %dma_wait3A_741 = tpu.memref_slice %arg2[%add3A_740] : memref<320000xi32, #tpu.memory_space<hbm>> -> memref<80xi32, #tpu.memory_space<hbm>>
      %dma_wait3A_742 = tpu.memref_slice %arg2[%add3A_740] : memref<320000xi32, #tpu.memory_space<hbm>> -> memref<80xi32, #tpu.memory_space<hbm>>
      tpu.wait_dma2 semaphore(%arg30 : memref<!tpu.dma_semaphore, #tpu.memory_space<semaphore_mem>>) src(%dma_wait3A_742 : memref<80xi32, #tpu.memory_space<hbm>>) dst(%arg14 : memref<80xi32, #tpu.memory_space<vmem>>)
      %dma_start3A_743 = arith.constant 0 : i32
      %dma_start3A_744 = arith.constant 0 : i32
      %dma_start3A_745 = tpu.memref_slice %arg4[%dma_start3A_743, %dma_start3A_744] : memref<10000x128xf32, #tpu.memory_space<hbm>> -> memref<10000x128xf32, #tpu.memory_space<hbm>>
      tpu.enqueue_indirect_dma source(%dma_start3A_745 : memref<10000x128xf32, #tpu.memory_space<hbm>>) target(%arg6 : memref<80x128xf32, #tpu.memory_space<vmem>>) offsets(%arg14 : memref<80xi32, #tpu.memory_space<vmem>>) semaphore(%arg22 : memref<!tpu.dma_semaphore, #tpu.memory_space<semaphore_mem>>)
      %mul3A_746 = arith.constant 4 : i32
      %mul3A_747 = arith.muli %add3A_657, %mul3A_746 : i32
      %add3A_748 = arith.constant 1 : i32
      %add3A_749 = arith.addi %mul3A_747, %add3A_748 : i32
      %mul3A_750 = arith.constant 80 : i32
      %mul3A_751 = arith.muli %add3A_749, %mul3A_750 : i32
      %add3A_752 = arith.addi %mul3A_2, %mul3A_751 : i32
      %dma_wait3A_753 = tpu.memref_slice %arg2[%add3A_752] : memref<320000xi32, #tpu.memory_space<hbm>> -> memref<80xi32, #tpu.memory_space<hbm>>
      %dma_wait3A_754 = tpu.memref_slice %arg2[%add3A_752] : memref<320000xi32, #tpu.memory_space<hbm>> -> memref<80xi32, #tpu.memory_space<hbm>>
      tpu.wait_dma2 semaphore(%arg31 : memref<!tpu.dma_semaphore, #tpu.memory_space<semaphore_mem>>) src(%dma_wait3A_754 : memref<80xi32, #tpu.memory_space<hbm>>) dst(%arg15 : memref<80xi32, #tpu.memory_space<vmem>>)
      %dma_start3A_755 = arith.constant 0 : i32
      %dma_start3A_756 = arith.constant 0 : i32
      %dma_start3A_757 = tpu.memref_slice %arg4[%dma_start3A_755, %dma_start3A_756] : memref<10000x128xf32, #tpu.memory_space<hbm>> -> memref<10000x128xf32, #tpu.memory_space<hbm>>
      tpu.enqueue_indirect_dma source(%dma_start3A_757 : memref<10000x128xf32, #tpu.memory_space<hbm>>) target(%arg7 : memref<80x128xf32, #tpu.memory_space<vmem>>) offsets(%arg15 : memref<80xi32, #tpu.memory_space<vmem>>) semaphore(%arg23 : memref<!tpu.dma_semaphore, #tpu.memory_space<semaphore_mem>>)
      %mul3A_758 = arith.constant 4 : i32
      %mul3A_759 = arith.muli %add3A_657, %mul3A_758 : i32
      %add3A_760 = arith.constant 2 : i32
      %add3A_761 = arith.addi %mul3A_759, %add3A_760 : i32
      %mul3A_762 = arith.constant 80 : i32
      %mul3A_763 = arith.muli %add3A_761, %mul3A_762 : i32
      %add3A_764 = arith.addi %mul3A_2, %mul3A_763 : i32
      %dma_wait3A_765 = tpu.memref_slice %arg2[%add3A_764] : memref<320000xi32, #tpu.memory_space<hbm>> -> memref<80xi32, #tpu.memory_space<hbm>>
      %dma_wait3A_766 = tpu.memref_slice %arg2[%add3A_764] : memref<320000xi32, #tpu.memory_space<hbm>> -> memref<80xi32, #tpu.memory_space<hbm>>
      tpu.wait_dma2 semaphore(%arg32 : memref<!tpu.dma_semaphore, #tpu.memory_space<semaphore_mem>>) src(%dma_wait3A_766 : memref<80xi32, #tpu.memory_space<hbm>>) dst(%arg16 : memref<80xi32, #tpu.memory_space<vmem>>)
      %dma_start3A_767 = arith.constant 0 : i32
      %dma_start3A_768 = arith.constant 0 : i32
      %dma_start3A_769 = tpu.memref_slice %arg4[%dma_start3A_767, %dma_start3A_768] : memref<10000x128xf32, #tpu.memory_space<hbm>> -> memref<10000x128xf32, #tpu.memory_space<hbm>>
      tpu.enqueue_indirect_dma source(%dma_start3A_769 : memref<10000x128xf32, #tpu.memory_space<hbm>>) target(%arg8 : memref<80x128xf32, #tpu.memory_space<vmem>>) offsets(%arg16 : memref<80xi32, #tpu.memory_space<vmem>>) semaphore(%arg24 : memref<!tpu.dma_semaphore, #tpu.memory_space<semaphore_mem>>)
      %mul3A_770 = arith.constant 4 : i32
      %mul3A_771 = arith.muli %add3A_657, %mul3A_770 : i32
      %add3A_772 = arith.constant 3 : i32
      %add3A_773 = arith.addi %mul3A_771, %add3A_772 : i32
      %mul3A_774 = arith.constant 80 : i32
      %mul3A_775 = arith.muli %add3A_773, %mul3A_774 : i32
      %add3A_776 = arith.addi %mul3A_2, %mul3A_775 : i32
      %dma_wait3A_777 = tpu.memref_slice %arg2[%add3A_776] : memref<320000xi32, #tpu.memory_space<hbm>> -> memref<80xi32, #tpu.memory_space<hbm>>
      %dma_wait3A_778 = tpu.memref_slice %arg2[%add3A_776] : memref<320000xi32, #tpu.memory_space<hbm>> -> memref<80xi32, #tpu.memory_space<hbm>>
      tpu.wait_dma2 semaphore(%arg33 : memref<!tpu.dma_semaphore, #tpu.memory_space<semaphore_mem>>) src(%dma_wait3A_778 : memref<80xi32, #tpu.memory_space<hbm>>) dst(%arg17 : memref<80xi32, #tpu.memory_space<vmem>>)
      %dma_start3A_779 = arith.constant 0 : i32
      %dma_start3A_780 = arith.constant 0 : i32
      %dma_start3A_781 = tpu.memref_slice %arg4[%dma_start3A_779, %dma_start3A_780] : memref<10000x128xf32, #tpu.memory_space<hbm>> -> memref<10000x128xf32, #tpu.memory_space<hbm>>
      tpu.enqueue_indirect_dma source(%dma_start3A_781 : memref<10000x128xf32, #tpu.memory_space<hbm>>) target(%arg9 : memref<80x128xf32, #tpu.memory_space<vmem>>) offsets(%arg17 : memref<80xi32, #tpu.memory_space<vmem>>) semaphore(%arg25 : memref<!tpu.dma_semaphore, #tpu.memory_space<semaphore_mem>>)
      %mul3A_782 = arith.constant 4 : i32
      %mul3A_783 = arith.muli %add3A_657, %mul3A_782 : i32
      %add3A_784 = arith.constant 0 : i32
      %add3A_785 = arith.addi %mul3A_783, %add3A_784 : i32
      %mul3A_786 = arith.constant 80 : i32
      %mul3A_787 = arith.muli %add3A_785, %mul3A_786 : i32
      %add3A_788 = arith.addi %mul3A_2, %mul3A_787 : i32
      %dma_wait3A_789 = tpu.memref_slice %arg3[%add3A_788] : memref<320000xi32, #tpu.memory_space<hbm>> -> memref<80xi32, #tpu.memory_space<hbm>>
      %dma_wait3A_790 = tpu.memref_slice %arg3[%add3A_788] : memref<320000xi32, #tpu.memory_space<hbm>> -> memref<80xi32, #tpu.memory_space<hbm>>
      tpu.wait_dma2 semaphore(%arg26 : memref<!tpu.dma_semaphore, #tpu.memory_space<semaphore_mem>>) src(%dma_wait3A_790 : memref<80xi32, #tpu.memory_space<hbm>>) dst(%arg10 : memref<80xi32, #tpu.memory_space<vmem>>)
      %dma_wait3A_791 = arith.constant 0 : i32
      %dma_wait3A_792 = arith.constant 0 : i32
      %dma_wait3A_793 = tpu.memref_slice %arg4[%dma_wait3A_791, %dma_wait3A_792] : memref<10000x128xf32, #tpu.memory_space<hbm>> -> memref<10000x128xf32, #tpu.memory_space<hbm>>
      tpu.wait_indirect_dma semaphore(%arg22 : memref<!tpu.dma_semaphore, #tpu.memory_space<semaphore_mem>>) src(%dma_wait3A_793 : memref<10000x128xf32, #tpu.memory_space<hbm>>) dst(%arg6 : memref<80x128xf32, #tpu.memory_space<vmem>>)
      %dma_start3A_794 = arith.constant 0 : i32
      %dma_start3A_795 = arith.constant 0 : i32
      %dma_start3A_796 = tpu.memref_slice %arg42[%dma_start3A_794, %dma_start3A_795] : memref<10240x128xf32, #tpu.memory_space<vmem_shared>> -> memref<10240x128xf32, #tpu.memory_space<vmem_shared>>
      tpu.enqueue_indirect_dma source(%arg6 : memref<80x128xf32, #tpu.memory_space<vmem>>) target(%dma_start3A_796 : memref<10240x128xf32, #tpu.memory_space<vmem_shared>>) offsets(%arg10 : memref<80xi32, #tpu.memory_space<vmem>>) semaphore(%arg38 : memref<!tpu.dma_semaphore, #tpu.memory_space<semaphore_mem>>) {add = true}
      %mul3A_797 = arith.constant 4 : i32
      %mul3A_798 = arith.muli %add3A_657, %mul3A_797 : i32
      %add3A_799 = arith.constant 1 : i32
      %add3A_800 = arith.addi %mul3A_798, %add3A_799 : i32
      %mul3A_801 = arith.constant 80 : i32
      %mul3A_802 = arith.muli %add3A_800, %mul3A_801 : i32
      %add3A_803 = arith.addi %mul3A_2, %mul3A_802 : i32
      %dma_wait3A_804 = tpu.memref_slice %arg3[%add3A_803] : memref<320000xi32, #tpu.memory_space<hbm>> -> memref<80xi32, #tpu.memory_space<hbm>>
      %dma_wait3A_805 = tpu.memref_slice %arg3[%add3A_803] : memref<320000xi32, #tpu.memory_space<hbm>> -> memref<80xi32, #tpu.memory_space<hbm>>
      tpu.wait_dma2 semaphore(%arg27 : memref<!tpu.dma_semaphore, #tpu.memory_space<semaphore_mem>>) src(%dma_wait3A_805 : memref<80xi32, #tpu.memory_space<hbm>>) dst(%arg11 : memref<80xi32, #tpu.memory_space<vmem>>)
      %dma_wait3A_806 = arith.constant 0 : i32
      %dma_wait3A_807 = arith.constant 0 : i32
      %dma_wait3A_808 = tpu.memref_slice %arg4[%dma_wait3A_806, %dma_wait3A_807] : memref<10000x128xf32, #tpu.memory_space<hbm>> -> memref<10000x128xf32, #tpu.memory_space<hbm>>
      tpu.wait_indirect_dma semaphore(%arg23 : memref<!tpu.dma_semaphore, #tpu.memory_space<semaphore_mem>>) src(%dma_wait3A_808 : memref<10000x128xf32, #tpu.memory_space<hbm>>) dst(%arg7 : memref<80x128xf32, #tpu.memory_space<vmem>>)
      %dma_start3A_809 = arith.constant 0 : i32
      %dma_start3A_810 = arith.constant 0 : i32
      %dma_start3A_811 = tpu.memref_slice %arg42[%dma_start3A_809, %dma_start3A_810] : memref<10240x128xf32, #tpu.memory_space<vmem_shared>> -> memref<10240x128xf32, #tpu.memory_space<vmem_shared>>
      tpu.enqueue_indirect_dma source(%arg7 : memref<80x128xf32, #tpu.memory_space<vmem>>) target(%dma_start3A_811 : memref<10240x128xf32, #tpu.memory_space<vmem_shared>>) offsets(%arg11 : memref<80xi32, #tpu.memory_space<vmem>>) semaphore(%arg39 : memref<!tpu.dma_semaphore, #tpu.memory_space<semaphore_mem>>) {add = true}
      %mul3A_812 = arith.constant 4 : i32
      %mul3A_813 = arith.muli %add3A_657, %mul3A_812 : i32
      %add3A_814 = arith.constant 2 : i32
      %add3A_815 = arith.addi %mul3A_813, %add3A_814 : i32
      %mul3A_816 = arith.constant 80 : i32
      %mul3A_817 = arith.muli %add3A_815, %mul3A_816 : i32
      %add3A_818 = arith.addi %mul3A_2, %mul3A_817 : i32
      %dma_wait3A_819 = tpu.memref_slice %arg3[%add3A_818] : memref<320000xi32, #tpu.memory_space<hbm>> -> memref<80xi32, #tpu.memory_space<hbm>>
      %dma_wait3A_820 = tpu.memref_slice %arg3[%add3A_818] : memref<320000xi32, #tpu.memory_space<hbm>> -> memref<80xi32, #tpu.memory_space<hbm>>
      tpu.wait_dma2 semaphore(%arg28 : memref<!tpu.dma_semaphore, #tpu.memory_space<semaphore_mem>>) src(%dma_wait3A_820 : memref<80xi32, #tpu.memory_space<hbm>>) dst(%arg12 : memref<80xi32, #tpu.memory_space<vmem>>)
      %dma_wait3A_821 = arith.constant 0 : i32
      %dma_wait3A_822 = arith.constant 0 : i32
      %dma_wait3A_823 = tpu.memref_slice %arg4[%dma_wait3A_821, %dma_wait3A_822] : memref<10000x128xf32, #tpu.memory_space<hbm>> -> memref<10000x128xf32, #tpu.memory_space<hbm>>
      tpu.wait_indirect_dma semaphore(%arg24 : memref<!tpu.dma_semaphore, #tpu.memory_space<semaphore_mem>>) src(%dma_wait3A_823 : memref<10000x128xf32, #tpu.memory_space<hbm>>) dst(%arg8 : memref<80x128xf32, #tpu.memory_space<vmem>>)
      %dma_start3A_824 = arith.constant 0 : i32
      %dma_start3A_825 = arith.constant 0 : i32
      %dma_start3A_826 = tpu.memref_slice %arg42[%dma_start3A_824, %dma_start3A_825] : memref<10240x128xf32, #tpu.memory_space<vmem_shared>> -> memref<10240x128xf32, #tpu.memory_space<vmem_shared>>
      tpu.enqueue_indirect_dma source(%arg8 : memref<80x128xf32, #tpu.memory_space<vmem>>) target(%dma_start3A_826 : memref<10240x128xf32, #tpu.memory_space<vmem_shared>>) offsets(%arg12 : memref<80xi32, #tpu.memory_space<vmem>>) semaphore(%arg40 : memref<!tpu.dma_semaphore, #tpu.memory_space<semaphore_mem>>) {add = true}
      %mul3A_827 = arith.constant 4 : i32
      %mul3A_828 = arith.muli %add3A_657, %mul3A_827 : i32
      %add3A_829 = arith.constant 3 : i32
      %add3A_830 = arith.addi %mul3A_828, %add3A_829 : i32
      %mul3A_831 = arith.constant 80 : i32
      %mul3A_832 = arith.muli %add3A_830, %mul3A_831 : i32
      %add3A_833 = arith.addi %mul3A_2, %mul3A_832 : i32
      %dma_wait3A_834 = tpu.memref_slice %arg3[%add3A_833] : memref<320000xi32, #tpu.memory_space<hbm>> -> memref<80xi32, #tpu.memory_space<hbm>>
      %dma_wait3A_835 = tpu.memref_slice %arg3[%add3A_833] : memref<320000xi32, #tpu.memory_space<hbm>> -> memref<80xi32, #tpu.memory_space<hbm>>
      tpu.wait_dma2 semaphore(%arg29 : memref<!tpu.dma_semaphore, #tpu.memory_space<semaphore_mem>>) src(%dma_wait3A_835 : memref<80xi32, #tpu.memory_space<hbm>>) dst(%arg13 : memref<80xi32, #tpu.memory_space<vmem>>)
      %dma_wait3A_836 = arith.constant 0 : i32
      %dma_wait3A_837 = arith.constant 0 : i32
      %dma_wait3A_838 = tpu.memref_slice %arg4[%dma_wait3A_836, %dma_wait3A_837] : memref<10000x128xf32, #tpu.memory_space<hbm>> -> memref<10000x128xf32, #tpu.memory_space<hbm>>
      tpu.wait_indirect_dma semaphore(%arg25 : memref<!tpu.dma_semaphore, #tpu.memory_space<semaphore_mem>>) src(%dma_wait3A_838 : memref<10000x128xf32, #tpu.memory_space<hbm>>) dst(%arg9 : memref<80x128xf32, #tpu.memory_space<vmem>>)
      %dma_start3A_839 = arith.constant 0 : i32
      %dma_start3A_840 = arith.constant 0 : i32
      %dma_start3A_841 = tpu.memref_slice %arg42[%dma_start3A_839, %dma_start3A_840] : memref<10240x128xf32, #tpu.memory_space<vmem_shared>> -> memref<10240x128xf32, #tpu.memory_space<vmem_shared>>
      tpu.enqueue_indirect_dma source(%arg9 : memref<80x128xf32, #tpu.memory_space<vmem>>) target(%dma_start3A_841 : memref<10240x128xf32, #tpu.memory_space<vmem_shared>>) offsets(%arg13 : memref<80xi32, #tpu.memory_space<vmem>>) semaphore(%arg41 : memref<!tpu.dma_semaphore, #tpu.memory_space<semaphore_mem>>) {add = true}
    }
    %scan3A_187 = arith.constant 14 : i32
    %dma_wait3A_188 = arith.constant 0 : i32
    %dma_wait3A_189 = arith.constant 0 : i32
    %dma_wait3A_190 = tpu.memref_slice %arg42[%dma_wait3A_188, %dma_wait3A_189] : memref<10240x128xf32, #tpu.memory_space<vmem_shared>> -> memref<10240x128xf32, #tpu.memory_space<vmem_shared>>
    tpu.wait_indirect_dma semaphore(%arg38 : memref<!tpu.dma_semaphore, #tpu.memory_space<semaphore_mem>>) src(%arg6 : memref<80x128xf32, #tpu.memory_space<vmem>>) dst(%dma_wait3A_190 : memref<10240x128xf32, #tpu.memory_space<vmem_shared>>)
    %add3A_191 = arith.constant 9280 : i32
    %add3A_192 = arith.addi %mul3A_2, %add3A_191 : i32
    %dma_start3A_193 = tpu.memref_slice %arg3[%add3A_192] : memref<320000xi32, #tpu.memory_space<hbm>> -> memref<80xi32, #tpu.memory_space<hbm>>
    %dma_start3A_194 = tpu.memref_slice %arg3[%add3A_192] : memref<320000xi32, #tpu.memory_space<hbm>> -> memref<80xi32, #tpu.memory_space<hbm>>
    tpu.enqueue_dma source(%dma_start3A_194 : memref<80xi32, #tpu.memory_space<hbm>>) target(%arg10 : memref<80xi32, #tpu.memory_space<vmem>>) target_semaphore(%arg26 : memref<!tpu.dma_semaphore, #tpu.memory_space<semaphore_mem>>)
    %add3A_195 = arith.constant 9600 : i32
    %add3A_196 = arith.addi %mul3A_2, %add3A_195 : i32
    %dma_start3A_197 = tpu.memref_slice %arg2[%add3A_196] : memref<320000xi32, #tpu.memory_space<hbm>> -> memref<80xi32, #tpu.memory_space<hbm>>
    %dma_start3A_198 = tpu.memref_slice %arg2[%add3A_196] : memref<320000xi32, #tpu.memory_space<hbm>> -> memref<80xi32, #tpu.memory_space<hbm>>
    tpu.enqueue_dma source(%dma_start3A_198 : memref<80xi32, #tpu.memory_space<hbm>>) target(%arg14 : memref<80xi32, #tpu.memory_space<vmem>>) target_semaphore(%arg30 : memref<!tpu.dma_semaphore, #tpu.memory_space<semaphore_mem>>)
    %dma_wait3A_199 = arith.constant 0 : i32
    %dma_wait3A_200 = arith.constant 0 : i32
    %dma_wait3A_201 = tpu.memref_slice %arg42[%dma_wait3A_199, %dma_wait3A_200] : memref<10240x128xf32, #tpu.memory_space<vmem_shared>> -> memref<10240x128xf32, #tpu.memory_space<vmem_shared>>
    tpu.wait_indirect_dma semaphore(%arg39 : memref<!tpu.dma_semaphore, #tpu.memory_space<semaphore_mem>>) src(%arg7 : memref<80x128xf32, #tpu.memory_space<vmem>>) dst(%dma_wait3A_201 : memref<10240x128xf32, #tpu.memory_space<vmem_shared>>)
    %add3A_202 = arith.constant 9360 : i32
    %add3A_203 = arith.addi %mul3A_2, %add3A_202 : i32
    %dma_start3A_204 = tpu.memref_slice %arg3[%add3A_203] : memref<320000xi32, #tpu.memory_space<hbm>> -> memref<80xi32, #tpu.memory_space<hbm>>
    %dma_start3A_205 = tpu.memref_slice %arg3[%add3A_203] : memref<320000xi32, #tpu.memory_space<hbm>> -> memref<80xi32, #tpu.memory_space<hbm>>
    tpu.enqueue_dma source(%dma_start3A_205 : memref<80xi32, #tpu.memory_space<hbm>>) target(%arg11 : memref<80xi32, #tpu.memory_space<vmem>>) target_semaphore(%arg27 : memref<!tpu.dma_semaphore, #tpu.memory_space<semaphore_mem>>)
    %add3A_206 = arith.constant 9680 : i32
    %add3A_207 = arith.addi %mul3A_2, %add3A_206 : i32
    %dma_start3A_208 = tpu.memref_slice %arg2[%add3A_207] : memref<320000xi32, #tpu.memory_space<hbm>> -> memref<80xi32, #tpu.memory_space<hbm>>
    %dma_start3A_209 = tpu.memref_slice %arg2[%add3A_207] : memref<320000xi32, #tpu.memory_space<hbm>> -> memref<80xi32, #tpu.memory_space<hbm>>
    tpu.enqueue_dma source(%dma_start3A_209 : memref<80xi32, #tpu.memory_space<hbm>>) target(%arg15 : memref<80xi32, #tpu.memory_space<vmem>>) target_semaphore(%arg31 : memref<!tpu.dma_semaphore, #tpu.memory_space<semaphore_mem>>)
    %dma_wait3A_210 = arith.constant 0 : i32
    %dma_wait3A_211 = arith.constant 0 : i32
    %dma_wait3A_212 = tpu.memref_slice %arg42[%dma_wait3A_210, %dma_wait3A_211] : memref<10240x128xf32, #tpu.memory_space<vmem_shared>> -> memref<10240x128xf32, #tpu.memory_space<vmem_shared>>
    tpu.wait_indirect_dma semaphore(%arg40 : memref<!tpu.dma_semaphore, #tpu.memory_space<semaphore_mem>>) src(%arg8 : memref<80x128xf32, #tpu.memory_space<vmem>>) dst(%dma_wait3A_212 : memref<10240x128xf32, #tpu.memory_space<vmem_shared>>)
    %add3A_213 = arith.constant 9440 : i32
    %add3A_214 = arith.addi %mul3A_2, %add3A_213 : i32
    %dma_start3A_215 = tpu.memref_slice %arg3[%add3A_214] : memref<320000xi32, #tpu.memory_space<hbm>> -> memref<80xi32, #tpu.memory_space<hbm>>
    %dma_start3A_216 = tpu.memref_slice %arg3[%add3A_214] : memref<320000xi32, #tpu.memory_space<hbm>> -> memref<80xi32, #tpu.memory_space<hbm>>
    tpu.enqueue_dma source(%dma_start3A_216 : memref<80xi32, #tpu.memory_space<hbm>>) target(%arg12 : memref<80xi32, #tpu.memory_space<vmem>>) target_semaphore(%arg28 : memref<!tpu.dma_semaphore, #tpu.memory_space<semaphore_mem>>)
    %add3A_217 = arith.constant 9760 : i32
    %add3A_218 = arith.addi %mul3A_2, %add3A_217 : i32
    %dma_start3A_219 = tpu.memref_slice %arg2[%add3A_218] : memref<320000xi32, #tpu.memory_space<hbm>> -> memref<80xi32, #tpu.memory_space<hbm>>
    %dma_start3A_220 = tpu.memref_slice %arg2[%add3A_218] : memref<320000xi32, #tpu.memory_space<hbm>> -> memref<80xi32, #tpu.memory_space<hbm>>
    tpu.enqueue_dma source(%dma_start3A_220 : memref<80xi32, #tpu.memory_space<hbm>>) target(%arg16 : memref<80xi32, #tpu.memory_space<vmem>>) target_semaphore(%arg32 : memref<!tpu.dma_semaphore, #tpu.memory_space<semaphore_mem>>)
    %dma_wait3A_221 = arith.constant 0 : i32
    %dma_wait3A_222 = arith.constant 0 : i32
    %dma_wait3A_223 = tpu.memref_slice %arg42[%dma_wait3A_221, %dma_wait3A_222] : memref<10240x128xf32, #tpu.memory_space<vmem_shared>> -> memref<10240x128xf32, #tpu.memory_space<vmem_shared>>
    tpu.wait_indirect_dma semaphore(%arg41 : memref<!tpu.dma_semaphore, #tpu.memory_space<semaphore_mem>>) src(%arg9 : memref<80x128xf32, #tpu.memory_space<vmem>>) dst(%dma_wait3A_223 : memref<10240x128xf32, #tpu.memory_space<vmem_shared>>)
    %add3A_224 = arith.constant 9520 : i32
    %add3A_225 = arith.addi %mul3A_2, %add3A_224 : i32
    %dma_start3A_226 = tpu.memref_slice %arg3[%add3A_225] : memref<320000xi32, #tpu.memory_space<hbm>> -> memref<80xi32, #tpu.memory_space<hbm>>
    %dma_start3A_227 = tpu.memref_slice %arg3[%add3A_225] : memref<320000xi32, #tpu.memory_space<hbm>> -> memref<80xi32, #tpu.memory_space<hbm>>
    tpu.enqueue_dma source(%dma_start3A_227 : memref<80xi32, #tpu.memory_space<hbm>>) target(%arg13 : memref<80xi32, #tpu.memory_space<vmem>>) target_semaphore(%arg29 : memref<!tpu.dma_semaphore, #tpu.memory_space<semaphore_mem>>)
    %add3A_228 = arith.constant 9840 : i32
    %add3A_229 = arith.addi %mul3A_2, %add3A_228 : i32
    %dma_start3A_230 = tpu.memref_slice %arg2[%add3A_229] : memref<320000xi32, #tpu.memory_space<hbm>> -> memref<80xi32, #tpu.memory_space<hbm>>
    %dma_start3A_231 = tpu.memref_slice %arg2[%add3A_229] : memref<320000xi32, #tpu.memory_space<hbm>> -> memref<80xi32, #tpu.memory_space<hbm>>
    tpu.enqueue_dma source(%dma_start3A_231 : memref<80xi32, #tpu.memory_space<hbm>>) target(%arg17 : memref<80xi32, #tpu.memory_space<vmem>>) target_semaphore(%arg33 : memref<!tpu.dma_semaphore, #tpu.memory_space<semaphore_mem>>)
    %add3A_232 = arith.constant 9280 : i32
    %add3A_233 = arith.addi %mul3A_2, %add3A_232 : i32
    %dma_wait3A_234 = tpu.memref_slice %arg2[%add3A_233] : memref<320000xi32, #tpu.memory_space<hbm>> -> memref<80xi32, #tpu.memory_space<hbm>>
    %dma_wait3A_235 = tpu.memref_slice %arg2[%add3A_233] : memref<320000xi32, #tpu.memory_space<hbm>> -> memref<80xi32, #tpu.memory_space<hbm>>
    tpu.wait_dma2 semaphore(%arg34 : memref<!tpu.dma_semaphore, #tpu.memory_space<semaphore_mem>>) src(%dma_wait3A_235 : memref<80xi32, #tpu.memory_space<hbm>>) dst(%arg18 : memref<80xi32, #tpu.memory_space<vmem>>)
    %dma_start3A_236 = arith.constant 0 : i32
    %dma_start3A_237 = arith.constant 0 : i32
    %dma_start3A_238 = tpu.memref_slice %arg4[%dma_start3A_236, %dma_start3A_237] : memref<10000x128xf32, #tpu.memory_space<hbm>> -> memref<10000x128xf32, #tpu.memory_space<hbm>>
    tpu.enqueue_indirect_dma source(%dma_start3A_238 : memref<10000x128xf32, #tpu.memory_space<hbm>>) target(%arg6 : memref<80x128xf32, #tpu.memory_space<vmem>>) offsets(%arg18 : memref<80xi32, #tpu.memory_space<vmem>>) semaphore(%arg22 : memref<!tpu.dma_semaphore, #tpu.memory_space<semaphore_mem>>)
    %add3A_239 = arith.constant 9360 : i32
    %add3A_240 = arith.addi %mul3A_2, %add3A_239 : i32
    %dma_wait3A_241 = tpu.memref_slice %arg2[%add3A_240] : memref<320000xi32, #tpu.memory_space<hbm>> -> memref<80xi32, #tpu.memory_space<hbm>>
    %dma_wait3A_242 = tpu.memref_slice %arg2[%add3A_240] : memref<320000xi32, #tpu.memory_space<hbm>> -> memref<80xi32, #tpu.memory_space<hbm>>
    tpu.wait_dma2 semaphore(%arg35 : memref<!tpu.dma_semaphore, #tpu.memory_space<semaphore_mem>>) src(%dma_wait3A_242 : memref<80xi32, #tpu.memory_space<hbm>>) dst(%arg19 : memref<80xi32, #tpu.memory_space<vmem>>)
    %dma_start3A_243 = arith.constant 0 : i32
    %dma_start3A_244 = arith.constant 0 : i32
    %dma_start3A_245 = tpu.memref_slice %arg4[%dma_start3A_243, %dma_start3A_244] : memref<10000x128xf32, #tpu.memory_space<hbm>> -> memref<10000x128xf32, #tpu.memory_space<hbm>>
    tpu.enqueue_indirect_dma source(%dma_start3A_245 : memref<10000x128xf32, #tpu.memory_space<hbm>>) target(%arg7 : memref<80x128xf32, #tpu.memory_space<vmem>>) offsets(%arg19 : memref<80xi32, #tpu.memory_space<vmem>>) semaphore(%arg23 : memref<!tpu.dma_semaphore, #tpu.memory_space<semaphore_mem>>)
    %add3A_246 = arith.constant 9440 : i32
    %add3A_247 = arith.addi %mul3A_2, %add3A_246 : i32
    %dma_wait3A_248 = tpu.memref_slice %arg2[%add3A_247] : memref<320000xi32, #tpu.memory_space<hbm>> -> memref<80xi32, #tpu.memory_space<hbm>>
    %dma_wait3A_249 = tpu.memref_slice %arg2[%add3A_247] : memref<320000xi32, #tpu.memory_space<hbm>> -> memref<80xi32, #tpu.memory_space<hbm>>
    tpu.wait_dma2 semaphore(%arg36 : memref<!tpu.dma_semaphore, #tpu.memory_space<semaphore_mem>>) src(%dma_wait3A_249 : memref<80xi32, #tpu.memory_space<hbm>>) dst(%arg20 : memref<80xi32, #tpu.memory_space<vmem>>)
    %dma_start3A_250 = arith.constant 0 : i32
    %dma_start3A_251 = arith.constant 0 : i32
    %dma_start3A_252 = tpu.memref_slice %arg4[%dma_start3A_250, %dma_start3A_251] : memref<10000x128xf32, #tpu.memory_space<hbm>> -> memref<10000x128xf32, #tpu.memory_space<hbm>>
    tpu.enqueue_indirect_dma source(%dma_start3A_252 : memref<10000x128xf32, #tpu.memory_space<hbm>>) target(%arg8 : memref<80x128xf32, #tpu.memory_space<vmem>>) offsets(%arg20 : memref<80xi32, #tpu.memory_space<vmem>>) semaphore(%arg24 : memref<!tpu.dma_semaphore, #tpu.memory_space<semaphore_mem>>)
    %add3A_253 = arith.constant 9520 : i32
    %add3A_254 = arith.addi %mul3A_2, %add3A_253 : i32
    %dma_wait3A_255 = tpu.memref_slice %arg2[%add3A_254] : memref<320000xi32, #tpu.memory_space<hbm>> -> memref<80xi32, #tpu.memory_space<hbm>>
    %dma_wait3A_256 = tpu.memref_slice %arg2[%add3A_254] : memref<320000xi32, #tpu.memory_space<hbm>> -> memref<80xi32, #tpu.memory_space<hbm>>
    tpu.wait_dma2 semaphore(%arg37 : memref<!tpu.dma_semaphore, #tpu.memory_space<semaphore_mem>>) src(%dma_wait3A_256 : memref<80xi32, #tpu.memory_space<hbm>>) dst(%arg21 : memref<80xi32, #tpu.memory_space<vmem>>)
    %dma_start3A_257 = arith.constant 0 : i32
    %dma_start3A_258 = arith.constant 0 : i32
    %dma_start3A_259 = tpu.memref_slice %arg4[%dma_start3A_257, %dma_start3A_258] : memref<10000x128xf32, #tpu.memory_space<hbm>> -> memref<10000x128xf32, #tpu.memory_space<hbm>>
    tpu.enqueue_indirect_dma source(%dma_start3A_259 : memref<10000x128xf32, #tpu.memory_space<hbm>>) target(%arg9 : memref<80x128xf32, #tpu.memory_space<vmem>>) offsets(%arg21 : memref<80xi32, #tpu.memory_space<vmem>>) semaphore(%arg25 : memref<!tpu.dma_semaphore, #tpu.memory_space<semaphore_mem>>)
    %add3A_260 = arith.constant 9280 : i32
    %add3A_261 = arith.addi %mul3A_2, %add3A_260 : i32
    %dma_wait3A_262 = tpu.memref_slice %arg3[%add3A_261] : memref<320000xi32, #tpu.memory_space<hbm>> -> memref<80xi32, #tpu.memory_space<hbm>>
    %dma_wait3A_263 = tpu.memref_slice %arg3[%add3A_261] : memref<320000xi32, #tpu.memory_space<hbm>> -> memref<80xi32, #tpu.memory_space<hbm>>
    tpu.wait_dma2 semaphore(%arg26 : memref<!tpu.dma_semaphore, #tpu.memory_space<semaphore_mem>>) src(%dma_wait3A_263 : memref<80xi32, #tpu.memory_space<hbm>>) dst(%arg10 : memref<80xi32, #tpu.memory_space<vmem>>)
    %dma_wait3A_264 = arith.constant 0 : i32
    %dma_wait3A_265 = arith.constant 0 : i32
    %dma_wait3A_266 = tpu.memref_slice %arg4[%dma_wait3A_264, %dma_wait3A_265] : memref<10000x128xf32, #tpu.memory_space<hbm>> -> memref<10000x128xf32, #tpu.memory_space<hbm>>
    tpu.wait_indirect_dma semaphore(%arg22 : memref<!tpu.dma_semaphore, #tpu.memory_space<semaphore_mem>>) src(%dma_wait3A_266 : memref<10000x128xf32, #tpu.memory_space<hbm>>) dst(%arg6 : memref<80x128xf32, #tpu.memory_space<vmem>>)
    %dma_start3A_267 = arith.constant 0 : i32
    %dma_start3A_268 = arith.constant 0 : i32
    %dma_start3A_269 = tpu.memref_slice %arg42[%dma_start3A_267, %dma_start3A_268] : memref<10240x128xf32, #tpu.memory_space<vmem_shared>> -> memref<10240x128xf32, #tpu.memory_space<vmem_shared>>
    tpu.enqueue_indirect_dma source(%arg6 : memref<80x128xf32, #tpu.memory_space<vmem>>) target(%dma_start3A_269 : memref<10240x128xf32, #tpu.memory_space<vmem_shared>>) offsets(%arg10 : memref<80xi32, #tpu.memory_space<vmem>>) semaphore(%arg38 : memref<!tpu.dma_semaphore, #tpu.memory_space<semaphore_mem>>) {add = true}
    %add3A_270 = arith.constant 9360 : i32
    %add3A_271 = arith.addi %mul3A_2, %add3A_270 : i32
    %dma_wait3A_272 = tpu.memref_slice %arg3[%add3A_271] : memref<320000xi32, #tpu.memory_space<hbm>> -> memref<80xi32, #tpu.memory_space<hbm>>
    %dma_wait3A_273 = tpu.memref_slice %arg3[%add3A_271] : memref<320000xi32, #tpu.memory_space<hbm>> -> memref<80xi32, #tpu.memory_space<hbm>>
    tpu.wait_dma2 semaphore(%arg27 : memref<!tpu.dma_semaphore, #tpu.memory_space<semaphore_mem>>) src(%dma_wait3A_273 : memref<80xi32, #tpu.memory_space<hbm>>) dst(%arg11 : memref<80xi32, #tpu.memory_space<vmem>>)
    %dma_wait3A_274 = arith.constant 0 : i32
    %dma_wait3A_275 = arith.constant 0 : i32
    %dma_wait3A_276 = tpu.memref_slice %arg4[%dma_wait3A_274, %dma_wait3A_275] : memref<10000x128xf32, #tpu.memory_space<hbm>> -> memref<10000x128xf32, #tpu.memory_space<hbm>>
    tpu.wait_indirect_dma semaphore(%arg23 : memref<!tpu.dma_semaphore, #tpu.memory_space<semaphore_mem>>) src(%dma_wait3A_276 : memref<10000x128xf32, #tpu.memory_space<hbm>>) dst(%arg7 : memref<80x128xf32, #tpu.memory_space<vmem>>)
    %dma_start3A_277 = arith.constant 0 : i32
    %dma_start3A_278 = arith.constant 0 : i32
    %dma_start3A_279 = tpu.memref_slice %arg42[%dma_start3A_277, %dma_start3A_278] : memref<10240x128xf32, #tpu.memory_space<vmem_shared>> -> memref<10240x128xf32, #tpu.memory_space<vmem_shared>>
    tpu.enqueue_indirect_dma source(%arg7 : memref<80x128xf32, #tpu.memory_space<vmem>>) target(%dma_start3A_279 : memref<10240x128xf32, #tpu.memory_space<vmem_shared>>) offsets(%arg11 : memref<80xi32, #tpu.memory_space<vmem>>) semaphore(%arg39 : memref<!tpu.dma_semaphore, #tpu.memory_space<semaphore_mem>>) {add = true}
    %add3A_280 = arith.constant 9440 : i32
    %add3A_281 = arith.addi %mul3A_2, %add3A_280 : i32
    %dma_wait3A_282 = tpu.memref_slice %arg3[%add3A_281] : memref<320000xi32, #tpu.memory_space<hbm>> -> memref<80xi32, #tpu.memory_space<hbm>>
    %dma_wait3A_283 = tpu.memref_slice %arg3[%add3A_281] : memref<320000xi32, #tpu.memory_space<hbm>> -> memref<80xi32, #tpu.memory_space<hbm>>
    tpu.wait_dma2 semaphore(%arg28 : memref<!tpu.dma_semaphore, #tpu.memory_space<semaphore_mem>>) src(%dma_wait3A_283 : memref<80xi32, #tpu.memory_space<hbm>>) dst(%arg12 : memref<80xi32, #tpu.memory_space<vmem>>)
    %dma_wait3A_284 = arith.constant 0 : i32
    %dma_wait3A_285 = arith.constant 0 : i32
    %dma_wait3A_286 = tpu.memref_slice %arg4[%dma_wait3A_284, %dma_wait3A_285] : memref<10000x128xf32, #tpu.memory_space<hbm>> -> memref<10000x128xf32, #tpu.memory_space<hbm>>
    tpu.wait_indirect_dma semaphore(%arg24 : memref<!tpu.dma_semaphore, #tpu.memory_space<semaphore_mem>>) src(%dma_wait3A_286 : memref<10000x128xf32, #tpu.memory_space<hbm>>) dst(%arg8 : memref<80x128xf32, #tpu.memory_space<vmem>>)
    %dma_start3A_287 = arith.constant 0 : i32
    %dma_start3A_288 = arith.constant 0 : i32
    %dma_start3A_289 = tpu.memref_slice %arg42[%dma_start3A_287, %dma_start3A_288] : memref<10240x128xf32, #tpu.memory_space<vmem_shared>> -> memref<10240x128xf32, #tpu.memory_space<vmem_shared>>
    tpu.enqueue_indirect_dma source(%arg8 : memref<80x128xf32, #tpu.memory_space<vmem>>) target(%dma_start3A_289 : memref<10240x128xf32, #tpu.memory_space<vmem_shared>>) offsets(%arg12 : memref<80xi32, #tpu.memory_space<vmem>>) semaphore(%arg40 : memref<!tpu.dma_semaphore, #tpu.memory_space<semaphore_mem>>) {add = true}
    %add3A_290 = arith.constant 9520 : i32
    %add3A_291 = arith.addi %mul3A_2, %add3A_290 : i32
    %dma_wait3A_292 = tpu.memref_slice %arg3[%add3A_291] : memref<320000xi32, #tpu.memory_space<hbm>> -> memref<80xi32, #tpu.memory_space<hbm>>
    %dma_wait3A_293 = tpu.memref_slice %arg3[%add3A_291] : memref<320000xi32, #tpu.memory_space<hbm>> -> memref<80xi32, #tpu.memory_space<hbm>>
    tpu.wait_dma2 semaphore(%arg29 : memref<!tpu.dma_semaphore, #tpu.memory_space<semaphore_mem>>) src(%dma_wait3A_293 : memref<80xi32, #tpu.memory_space<hbm>>) dst(%arg13 : memref<80xi32, #tpu.memory_space<vmem>>)
    %dma_wait3A_294 = arith.constant 0 : i32
    %dma_wait3A_295 = arith.constant 0 : i32
    %dma_wait3A_296 = tpu.memref_slice %arg4[%dma_wait3A_294, %dma_wait3A_295] : memref<10000x128xf32, #tpu.memory_space<hbm>> -> memref<10000x128xf32, #tpu.memory_space<hbm>>
    tpu.wait_indirect_dma semaphore(%arg25 : memref<!tpu.dma_semaphore, #tpu.memory_space<semaphore_mem>>) src(%dma_wait3A_296 : memref<10000x128xf32, #tpu.memory_space<hbm>>) dst(%arg9 : memref<80x128xf32, #tpu.memory_space<vmem>>)
    %dma_start3A_297 = arith.constant 0 : i32
    %dma_start3A_298 = arith.constant 0 : i32
    %dma_start3A_299 = tpu.memref_slice %arg42[%dma_start3A_297, %dma_start3A_298] : memref<10240x128xf32, #tpu.memory_space<vmem_shared>> -> memref<10240x128xf32, #tpu.memory_space<vmem_shared>>
    tpu.enqueue_indirect_dma source(%arg9 : memref<80x128xf32, #tpu.memory_space<vmem>>) target(%dma_start3A_299 : memref<10240x128xf32, #tpu.memory_space<vmem_shared>>) offsets(%arg13 : memref<80xi32, #tpu.memory_space<vmem>>) semaphore(%arg41 : memref<!tpu.dma_semaphore, #tpu.memory_space<semaphore_mem>>) {add = true}
    %dma_wait3A_300 = arith.constant 0 : i32
    %dma_wait3A_301 = arith.constant 0 : i32
    %dma_wait3A_302 = tpu.memref_slice %arg42[%dma_wait3A_300, %dma_wait3A_301] : memref<10240x128xf32, #tpu.memory_space<vmem_shared>> -> memref<10240x128xf32, #tpu.memory_space<vmem_shared>>
    tpu.wait_indirect_dma semaphore(%arg38 : memref<!tpu.dma_semaphore, #tpu.memory_space<semaphore_mem>>) src(%arg6 : memref<80x128xf32, #tpu.memory_space<vmem>>) dst(%dma_wait3A_302 : memref<10240x128xf32, #tpu.memory_space<vmem_shared>>)
    %add3A_303 = arith.constant 9600 : i32
    %add3A_304 = arith.addi %mul3A_2, %add3A_303 : i32
    %dma_start3A_305 = tpu.memref_slice %arg3[%add3A_304] : memref<320000xi32, #tpu.memory_space<hbm>> -> memref<80xi32, #tpu.memory_space<hbm>>
    %dma_start3A_306 = tpu.memref_slice %arg3[%add3A_304] : memref<320000xi32, #tpu.memory_space<hbm>> -> memref<80xi32, #tpu.memory_space<hbm>>
    tpu.enqueue_dma source(%dma_start3A_306 : memref<80xi32, #tpu.memory_space<hbm>>) target(%arg10 : memref<80xi32, #tpu.memory_space<vmem>>) target_semaphore(%arg26 : memref<!tpu.dma_semaphore, #tpu.memory_space<semaphore_mem>>)
    %dma_wait3A_307 = arith.constant 0 : i32
    %dma_wait3A_308 = arith.constant 0 : i32
    %dma_wait3A_309 = tpu.memref_slice %arg42[%dma_wait3A_307, %dma_wait3A_308] : memref<10240x128xf32, #tpu.memory_space<vmem_shared>> -> memref<10240x128xf32, #tpu.memory_space<vmem_shared>>
    tpu.wait_indirect_dma semaphore(%arg39 : memref<!tpu.dma_semaphore, #tpu.memory_space<semaphore_mem>>) src(%arg7 : memref<80x128xf32, #tpu.memory_space<vmem>>) dst(%dma_wait3A_309 : memref<10240x128xf32, #tpu.memory_space<vmem_shared>>)
    %add3A_310 = arith.constant 9680 : i32
    %add3A_311 = arith.addi %mul3A_2, %add3A_310 : i32
    %dma_start3A_312 = tpu.memref_slice %arg3[%add3A_311] : memref<320000xi32, #tpu.memory_space<hbm>> -> memref<80xi32, #tpu.memory_space<hbm>>
    %dma_start3A_313 = tpu.memref_slice %arg3[%add3A_311] : memref<320000xi32, #tpu.memory_space<hbm>> -> memref<80xi32, #tpu.memory_space<hbm>>
    tpu.enqueue_dma source(%dma_start3A_313 : memref<80xi32, #tpu.memory_space<hbm>>) target(%arg11 : memref<80xi32, #tpu.memory_space<vmem>>) target_semaphore(%arg27 : memref<!tpu.dma_semaphore, #tpu.memory_space<semaphore_mem>>)
    %dma_wait3A_314 = arith.constant 0 : i32
    %dma_wait3A_315 = arith.constant 0 : i32
    %dma_wait3A_316 = tpu.memref_slice %arg42[%dma_wait3A_314, %dma_wait3A_315] : memref<10240x128xf32, #tpu.memory_space<vmem_shared>> -> memref<10240x128xf32, #tpu.memory_space<vmem_shared>>
    tpu.wait_indirect_dma semaphore(%arg40 : memref<!tpu.dma_semaphore, #tpu.memory_space<semaphore_mem>>) src(%arg8 : memref<80x128xf32, #tpu.memory_space<vmem>>) dst(%dma_wait3A_316 : memref<10240x128xf32, #tpu.memory_space<vmem_shared>>)
    %add3A_317 = arith.constant 9760 : i32
    %add3A_318 = arith.addi %mul3A_2, %add3A_317 : i32
    %dma_start3A_319 = tpu.memref_slice %arg3[%add3A_318] : memref<320000xi32, #tpu.memory_space<hbm>> -> memref<80xi32, #tpu.memory_space<hbm>>
    %dma_start3A_320 = tpu.memref_slice %arg3[%add3A_318] : memref<320000xi32, #tpu.memory_space<hbm>> -> memref<80xi32, #tpu.memory_space<hbm>>
    tpu.enqueue_dma source(%dma_start3A_320 : memref<80xi32, #tpu.memory_space<hbm>>) target(%arg12 : memref<80xi32, #tpu.memory_space<vmem>>) target_semaphore(%arg28 : memref<!tpu.dma_semaphore, #tpu.memory_space<semaphore_mem>>)
    %dma_wait3A_321 = arith.constant 0 : i32
    %dma_wait3A_322 = arith.constant 0 : i32
    %dma_wait3A_323 = tpu.memref_slice %arg42[%dma_wait3A_321, %dma_wait3A_322] : memref<10240x128xf32, #tpu.memory_space<vmem_shared>> -> memref<10240x128xf32, #tpu.memory_space<vmem_shared>>
    tpu.wait_indirect_dma semaphore(%arg41 : memref<!tpu.dma_semaphore, #tpu.memory_space<semaphore_mem>>) src(%arg9 : memref<80x128xf32, #tpu.memory_space<vmem>>) dst(%dma_wait3A_323 : memref<10240x128xf32, #tpu.memory_space<vmem_shared>>)
    %add3A_324 = arith.constant 9840 : i32
    %add3A_325 = arith.addi %mul3A_2, %add3A_324 : i32
    %dma_start3A_326 = tpu.memref_slice %arg3[%add3A_325] : memref<320000xi32, #tpu.memory_space<hbm>> -> memref<80xi32, #tpu.memory_space<hbm>>
    %dma_start3A_327 = tpu.memref_slice %arg3[%add3A_325] : memref<320000xi32, #tpu.memory_space<hbm>> -> memref<80xi32, #tpu.memory_space<hbm>>
    tpu.enqueue_dma source(%dma_start3A_327 : memref<80xi32, #tpu.memory_space<hbm>>) target(%arg13 : memref<80xi32, #tpu.memory_space<vmem>>) target_semaphore(%arg29 : memref<!tpu.dma_semaphore, #tpu.memory_space<semaphore_mem>>)
    %add3A_328 = arith.constant 9600 : i32
    %add3A_329 = arith.addi %mul3A_2, %add3A_328 : i32
    %dma_wait3A_330 = tpu.memref_slice %arg2[%add3A_329] : memref<320000xi32, #tpu.memory_space<hbm>> -> memref<80xi32, #tpu.memory_space<hbm>>
    %dma_wait3A_331 = tpu.memref_slice %arg2[%add3A_329] : memref<320000xi32, #tpu.memory_space<hbm>> -> memref<80xi32, #tpu.memory_space<hbm>>
    tpu.wait_dma2 semaphore(%arg30 : memref<!tpu.dma_semaphore, #tpu.memory_space<semaphore_mem>>) src(%dma_wait3A_331 : memref<80xi32, #tpu.memory_space<hbm>>) dst(%arg14 : memref<80xi32, #tpu.memory_space<vmem>>)
    %dma_start3A_332 = arith.constant 0 : i32
    %dma_start3A_333 = arith.constant 0 : i32
    %dma_start3A_334 = tpu.memref_slice %arg4[%dma_start3A_332, %dma_start3A_333] : memref<10000x128xf32, #tpu.memory_space<hbm>> -> memref<10000x128xf32, #tpu.memory_space<hbm>>
    tpu.enqueue_indirect_dma source(%dma_start3A_334 : memref<10000x128xf32, #tpu.memory_space<hbm>>) target(%arg6 : memref<80x128xf32, #tpu.memory_space<vmem>>) offsets(%arg14 : memref<80xi32, #tpu.memory_space<vmem>>) semaphore(%arg22 : memref<!tpu.dma_semaphore, #tpu.memory_space<semaphore_mem>>)
    %add3A_335 = arith.constant 9680 : i32
    %add3A_336 = arith.addi %mul3A_2, %add3A_335 : i32
    %dma_wait3A_337 = tpu.memref_slice %arg2[%add3A_336] : memref<320000xi32, #tpu.memory_space<hbm>> -> memref<80xi32, #tpu.memory_space<hbm>>
    %dma_wait3A_338 = tpu.memref_slice %arg2[%add3A_336] : memref<320000xi32, #tpu.memory_space<hbm>> -> memref<80xi32, #tpu.memory_space<hbm>>
    tpu.wait_dma2 semaphore(%arg31 : memref<!tpu.dma_semaphore, #tpu.memory_space<semaphore_mem>>) src(%dma_wait3A_338 : memref<80xi32, #tpu.memory_space<hbm>>) dst(%arg15 : memref<80xi32, #tpu.memory_space<vmem>>)
    %dma_start3A_339 = arith.constant 0 : i32
    %dma_start3A_340 = arith.constant 0 : i32
    %dma_start3A_341 = tpu.memref_slice %arg4[%dma_start3A_339, %dma_start3A_340] : memref<10000x128xf32, #tpu.memory_space<hbm>> -> memref<10000x128xf32, #tpu.memory_space<hbm>>
    tpu.enqueue_indirect_dma source(%dma_start3A_341 : memref<10000x128xf32, #tpu.memory_space<hbm>>) target(%arg7 : memref<80x128xf32, #tpu.memory_space<vmem>>) offsets(%arg15 : memref<80xi32, #tpu.memory_space<vmem>>) semaphore(%arg23 : memref<!tpu.dma_semaphore, #tpu.memory_space<semaphore_mem>>)
    %add3A_342 = arith.constant 9760 : i32
    %add3A_343 = arith.addi %mul3A_2, %add3A_342 : i32
    %dma_wait3A_344 = tpu.memref_slice %arg2[%add3A_343] : memref<320000xi32, #tpu.memory_space<hbm>> -> memref<80xi32, #tpu.memory_space<hbm>>
    %dma_wait3A_345 = tpu.memref_slice %arg2[%add3A_343] : memref<320000xi32, #tpu.memory_space<hbm>> -> memref<80xi32, #tpu.memory_space<hbm>>
    tpu.wait_dma2 semaphore(%arg32 : memref<!tpu.dma_semaphore, #tpu.memory_space<semaphore_mem>>) src(%dma_wait3A_345 : memref<80xi32, #tpu.memory_space<hbm>>) dst(%arg16 : memref<80xi32, #tpu.memory_space<vmem>>)
    %dma_start3A_346 = arith.constant 0 : i32
    %dma_start3A_347 = arith.constant 0 : i32
    %dma_start3A_348 = tpu.memref_slice %arg4[%dma_start3A_346, %dma_start3A_347] : memref<10000x128xf32, #tpu.memory_space<hbm>> -> memref<10000x128xf32, #tpu.memory_space<hbm>>
    tpu.enqueue_indirect_dma source(%dma_start3A_348 : memref<10000x128xf32, #tpu.memory_space<hbm>>) target(%arg8 : memref<80x128xf32, #tpu.memory_space<vmem>>) offsets(%arg16 : memref<80xi32, #tpu.memory_space<vmem>>) semaphore(%arg24 : memref<!tpu.dma_semaphore, #tpu.memory_space<semaphore_mem>>)
    %add3A_349 = arith.constant 9840 : i32
    %add3A_350 = arith.addi %mul3A_2, %add3A_349 : i32
    %dma_wait3A_351 = tpu.memref_slice %arg2[%add3A_350] : memref<320000xi32, #tpu.memory_space<hbm>> -> memref<80xi32, #tpu.memory_space<hbm>>
    %dma_wait3A_352 = tpu.memref_slice %arg2[%add3A_350] : memref<320000xi32, #tpu.memory_space<hbm>> -> memref<80xi32, #tpu.memory_space<hbm>>
    tpu.wait_dma2 semaphore(%arg33 : memref<!tpu.dma_semaphore, #tpu.memory_space<semaphore_mem>>) src(%dma_wait3A_352 : memref<80xi32, #tpu.memory_space<hbm>>) dst(%arg17 : memref<80xi32, #tpu.memory_space<vmem>>)
    %dma_start3A_353 = arith.constant 0 : i32
    %dma_start3A_354 = arith.constant 0 : i32
    %dma_start3A_355 = tpu.memref_slice %arg4[%dma_start3A_353, %dma_start3A_354] : memref<10000x128xf32, #tpu.memory_space<hbm>> -> memref<10000x128xf32, #tpu.memory_space<hbm>>
    tpu.enqueue_indirect_dma source(%dma_start3A_355 : memref<10000x128xf32, #tpu.memory_space<hbm>>) target(%arg9 : memref<80x128xf32, #tpu.memory_space<vmem>>) offsets(%arg17 : memref<80xi32, #tpu.memory_space<vmem>>) semaphore(%arg25 : memref<!tpu.dma_semaphore, #tpu.memory_space<semaphore_mem>>)
    %add3A_356 = arith.constant 9600 : i32
    %add3A_357 = arith.addi %mul3A_2, %add3A_356 : i32
    %dma_wait3A_358 = tpu.memref_slice %arg3[%add3A_357] : memref<320000xi32, #tpu.memory_space<hbm>> -> memref<80xi32, #tpu.memory_space<hbm>>
    %dma_wait3A_359 = tpu.memref_slice %arg3[%add3A_357] : memref<320000xi32, #tpu.memory_space<hbm>> -> memref<80xi32, #tpu.memory_space<hbm>>
    tpu.wait_dma2 semaphore(%arg26 : memref<!tpu.dma_semaphore, #tpu.memory_space<semaphore_mem>>) src(%dma_wait3A_359 : memref<80xi32, #tpu.memory_space<hbm>>) dst(%arg10 : memref<80xi32, #tpu.memory_space<vmem>>)
    %dma_wait3A_360 = arith.constant 0 : i32
    %dma_wait3A_361 = arith.constant 0 : i32
    %dma_wait3A_362 = tpu.memref_slice %arg4[%dma_wait3A_360, %dma_wait3A_361] : memref<10000x128xf32, #tpu.memory_space<hbm>> -> memref<10000x128xf32, #tpu.memory_space<hbm>>
    tpu.wait_indirect_dma semaphore(%arg22 : memref<!tpu.dma_semaphore, #tpu.memory_space<semaphore_mem>>) src(%dma_wait3A_362 : memref<10000x128xf32, #tpu.memory_space<hbm>>) dst(%arg6 : memref<80x128xf32, #tpu.memory_space<vmem>>)
    %dma_start3A_363 = arith.constant 0 : i32
    %dma_start3A_364 = arith.constant 0 : i32
    %dma_start3A_365 = tpu.memref_slice %arg42[%dma_start3A_363, %dma_start3A_364] : memref<10240x128xf32, #tpu.memory_space<vmem_shared>> -> memref<10240x128xf32, #tpu.memory_space<vmem_shared>>
    tpu.enqueue_indirect_dma source(%arg6 : memref<80x128xf32, #tpu.memory_space<vmem>>) target(%dma_start3A_365 : memref<10240x128xf32, #tpu.memory_space<vmem_shared>>) offsets(%arg10 : memref<80xi32, #tpu.memory_space<vmem>>) semaphore(%arg38 : memref<!tpu.dma_semaphore, #tpu.memory_space<semaphore_mem>>) {add = true}
    %add3A_366 = arith.constant 9680 : i32
    %add3A_367 = arith.addi %mul3A_2, %add3A_366 : i32
    %dma_wait3A_368 = tpu.memref_slice %arg3[%add3A_367] : memref<320000xi32, #tpu.memory_space<hbm>> -> memref<80xi32, #tpu.memory_space<hbm>>
    %dma_wait3A_369 = tpu.memref_slice %arg3[%add3A_367] : memref<320000xi32, #tpu.memory_space<hbm>> -> memref<80xi32, #tpu.memory_space<hbm>>
    tpu.wait_dma2 semaphore(%arg27 : memref<!tpu.dma_semaphore, #tpu.memory_space<semaphore_mem>>) src(%dma_wait3A_369 : memref<80xi32, #tpu.memory_space<hbm>>) dst(%arg11 : memref<80xi32, #tpu.memory_space<vmem>>)
    %dma_wait3A_370 = arith.constant 0 : i32
    %dma_wait3A_371 = arith.constant 0 : i32
    %dma_wait3A_372 = tpu.memref_slice %arg4[%dma_wait3A_370, %dma_wait3A_371] : memref<10000x128xf32, #tpu.memory_space<hbm>> -> memref<10000x128xf32, #tpu.memory_space<hbm>>
    tpu.wait_indirect_dma semaphore(%arg23 : memref<!tpu.dma_semaphore, #tpu.memory_space<semaphore_mem>>) src(%dma_wait3A_372 : memref<10000x128xf32, #tpu.memory_space<hbm>>) dst(%arg7 : memref<80x128xf32, #tpu.memory_space<vmem>>)
    %dma_start3A_373 = arith.constant 0 : i32
    %dma_start3A_374 = arith.constant 0 : i32
    %dma_start3A_375 = tpu.memref_slice %arg42[%dma_start3A_373, %dma_start3A_374] : memref<10240x128xf32, #tpu.memory_space<vmem_shared>> -> memref<10240x128xf32, #tpu.memory_space<vmem_shared>>
    tpu.enqueue_indirect_dma source(%arg7 : memref<80x128xf32, #tpu.memory_space<vmem>>) target(%dma_start3A_375 : memref<10240x128xf32, #tpu.memory_space<vmem_shared>>) offsets(%arg11 : memref<80xi32, #tpu.memory_space<vmem>>) semaphore(%arg39 : memref<!tpu.dma_semaphore, #tpu.memory_space<semaphore_mem>>) {add = true}
    %add3A_376 = arith.constant 9760 : i32
    %add3A_377 = arith.addi %mul3A_2, %add3A_376 : i32
    %dma_wait3A_378 = tpu.memref_slice %arg3[%add3A_377] : memref<320000xi32, #tpu.memory_space<hbm>> -> memref<80xi32, #tpu.memory_space<hbm>>
    %dma_wait3A_379 = tpu.memref_slice %arg3[%add3A_377] : memref<320000xi32, #tpu.memory_space<hbm>> -> memref<80xi32, #tpu.memory_space<hbm>>
    tpu.wait_dma2 semaphore(%arg28 : memref<!tpu.dma_semaphore, #tpu.memory_space<semaphore_mem>>) src(%dma_wait3A_379 : memref<80xi32, #tpu.memory_space<hbm>>) dst(%arg12 : memref<80xi32, #tpu.memory_space<vmem>>)
    %dma_wait3A_380 = arith.constant 0 : i32
    %dma_wait3A_381 = arith.constant 0 : i32
    %dma_wait3A_382 = tpu.memref_slice %arg4[%dma_wait3A_380, %dma_wait3A_381] : memref<10000x128xf32, #tpu.memory_space<hbm>> -> memref<10000x128xf32, #tpu.memory_space<hbm>>
    tpu.wait_indirect_dma semaphore(%arg24 : memref<!tpu.dma_semaphore, #tpu.memory_space<semaphore_mem>>) src(%dma_wait3A_382 : memref<10000x128xf32, #tpu.memory_space<hbm>>) dst(%arg8 : memref<80x128xf32, #tpu.memory_space<vmem>>)
    %dma_start3A_383 = arith.constant 0 : i32
    %dma_start3A_384 = arith.constant 0 : i32
    %dma_start3A_385 = tpu.memref_slice %arg42[%dma_start3A_383, %dma_start3A_384] : memref<10240x128xf32, #tpu.memory_space<vmem_shared>> -> memref<10240x128xf32, #tpu.memory_space<vmem_shared>>
    tpu.enqueue_indirect_dma source(%arg8 : memref<80x128xf32, #tpu.memory_space<vmem>>) target(%dma_start3A_385 : memref<10240x128xf32, #tpu.memory_space<vmem_shared>>) offsets(%arg12 : memref<80xi32, #tpu.memory_space<vmem>>) semaphore(%arg40 : memref<!tpu.dma_semaphore, #tpu.memory_space<semaphore_mem>>) {add = true}
    %add3A_386 = arith.constant 9840 : i32
    %add3A_387 = arith.addi %mul3A_2, %add3A_386 : i32
    %dma_wait3A_388 = tpu.memref_slice %arg3[%add3A_387] : memref<320000xi32, #tpu.memory_space<hbm>> -> memref<80xi32, #tpu.memory_space<hbm>>
    %dma_wait3A_389 = tpu.memref_slice %arg3[%add3A_387] : memref<320000xi32, #tpu.memory_space<hbm>> -> memref<80xi32, #tpu.memory_space<hbm>>
    tpu.wait_dma2 semaphore(%arg29 : memref<!tpu.dma_semaphore, #tpu.memory_space<semaphore_mem>>) src(%dma_wait3A_389 : memref<80xi32, #tpu.memory_space<hbm>>) dst(%arg13 : memref<80xi32, #tpu.memory_space<vmem>>)
    %dma_wait3A_390 = arith.constant 0 : i32
    %dma_wait3A_391 = arith.constant 0 : i32
    %dma_wait3A_392 = tpu.memref_slice %arg4[%dma_wait3A_390, %dma_wait3A_391] : memref<10000x128xf32, #tpu.memory_space<hbm>> -> memref<10000x128xf32, #tpu.memory_space<hbm>>
    tpu.wait_indirect_dma semaphore(%arg25 : memref<!tpu.dma_semaphore, #tpu.memory_space<semaphore_mem>>) src(%dma_wait3A_392 : memref<10000x128xf32, #tpu.memory_space<hbm>>) dst(%arg9 : memref<80x128xf32, #tpu.memory_space<vmem>>)
    %dma_start3A_393 = arith.constant 0 : i32
    %dma_start3A_394 = arith.constant 0 : i32
    %dma_start3A_395 = tpu.memref_slice %arg42[%dma_start3A_393, %dma_start3A_394] : memref<10240x128xf32, #tpu.memory_space<vmem_shared>> -> memref<10240x128xf32, #tpu.memory_space<vmem_shared>>
    tpu.enqueue_indirect_dma source(%arg9 : memref<80x128xf32, #tpu.memory_space<vmem>>) target(%dma_start3A_395 : memref<10240x128xf32, #tpu.memory_space<vmem_shared>>) offsets(%arg13 : memref<80xi32, #tpu.memory_space<vmem>>) semaphore(%arg41 : memref<!tpu.dma_semaphore, #tpu.memory_space<semaphore_mem>>) {add = true}
    %dma_wait3A_396 = arith.constant 0 : i32
    %dma_wait3A_397 = arith.constant 0 : i32
    %dma_wait3A_398 = tpu.memref_slice %arg42[%dma_wait3A_396, %dma_wait3A_397] : memref<10240x128xf32, #tpu.memory_space<vmem_shared>> -> memref<10240x128xf32, #tpu.memory_space<vmem_shared>>
    tpu.wait_indirect_dma semaphore(%arg38 : memref<!tpu.dma_semaphore, #tpu.memory_space<semaphore_mem>>) src(%arg6 : memref<80x128xf32, #tpu.memory_space<vmem>>) dst(%dma_wait3A_398 : memref<10240x128xf32, #tpu.memory_space<vmem_shared>>)
    %dma_wait3A_399 = arith.constant 0 : i32
    %dma_wait3A_400 = arith.constant 0 : i32
    %dma_wait3A_401 = tpu.memref_slice %arg42[%dma_wait3A_399, %dma_wait3A_400] : memref<10240x128xf32, #tpu.memory_space<vmem_shared>> -> memref<10240x128xf32, #tpu.memory_space<vmem_shared>>
    tpu.wait_indirect_dma semaphore(%arg39 : memref<!tpu.dma_semaphore, #tpu.memory_space<semaphore_mem>>) src(%arg7 : memref<80x128xf32, #tpu.memory_space<vmem>>) dst(%dma_wait3A_401 : memref<10240x128xf32, #tpu.memory_space<vmem_shared>>)
    %dma_wait3A_402 = arith.constant 0 : i32
    %dma_wait3A_403 = arith.constant 0 : i32
    %dma_wait3A_404 = tpu.memref_slice %arg42[%dma_wait3A_402, %dma_wait3A_403] : memref<10240x128xf32, #tpu.memory_space<vmem_shared>> -> memref<10240x128xf32, #tpu.memory_space<vmem_shared>>
    tpu.wait_indirect_dma semaphore(%arg40 : memref<!tpu.dma_semaphore, #tpu.memory_space<semaphore_mem>>) src(%arg8 : memref<80x128xf32, #tpu.memory_space<vmem>>) dst(%dma_wait3A_404 : memref<10240x128xf32, #tpu.memory_space<vmem_shared>>)
    %dma_wait3A_405 = arith.constant 0 : i32
    %dma_wait3A_406 = arith.constant 0 : i32
    %dma_wait3A_407 = tpu.memref_slice %arg42[%dma_wait3A_405, %dma_wait3A_406] : memref<10240x128xf32, #tpu.memory_space<vmem_shared>> -> memref<10240x128xf32, #tpu.memory_space<vmem_shared>>
    tpu.wait_indirect_dma semaphore(%arg41 : memref<!tpu.dma_semaphore, #tpu.memory_space<semaphore_mem>>) src(%arg9 : memref<80x128xf32, #tpu.memory_space<vmem>>) dst(%dma_wait3A_407 : memref<10240x128xf32, #tpu.memory_space<vmem_shared>>)
    %barrier3A_408 = arith.constant 0 : index
    tpu.barrier barrier_id(%barrier3A_408)
    %mul3A_409 = arith.constant 640 : i32
    %mul3A_410 = arith.muli %arg1, %mul3A_409 : i32
    %add3A_411 = arith.constant 0 : i32
    %add3A_412 = arith.addi %mul3A_410, %add3A_411 : i32
    "tpu.region"() ({
      %run_scoped3A = tpu.sem_alloc : memref<!tpu.dma_semaphore, #tpu.memory_space<semaphore_mem>>
      %dma_start3A_465 = arith.constant 0 : i32
      %dma_start3A_466 = tpu.memref_slice %arg42[%add3A_412, %dma_start3A_465] : memref<10240x128xf32, #tpu.memory_space<vmem_shared>> -> memref<80x128xf32, #tpu.memory_space<vmem_shared>>
      %dma_start3A_467 = arith.constant 0 : i32
      %dma_start3A_468 = tpu.memref_slice %arg42[%add3A_412, %dma_start3A_467] : memref<10240x128xf32, #tpu.memory_space<vmem_shared>> -> memref<80x128xf32, #tpu.memory_space<vmem_shared>>
      tpu.enqueue_dma source(%dma_start3A_468 : memref<80x128xf32, #tpu.memory_space<vmem_shared>>) target(%arg6 : memref<80x128xf32, #tpu.memory_space<vmem>>) target_semaphore(%run_scoped3A : memref<!tpu.dma_semaphore, #tpu.memory_space<semaphore_mem>>)
      %dma_wait3A_469 = arith.constant 0 : i32
      %dma_wait3A_470 = tpu.memref_slice %arg42[%add3A_412, %dma_wait3A_469] : memref<10240x128xf32, #tpu.memory_space<vmem_shared>> -> memref<80x128xf32, #tpu.memory_space<vmem_shared>>
      %dma_wait3A_471 = arith.constant 0 : i32
      %dma_wait3A_472 = tpu.memref_slice %arg42[%add3A_412, %dma_wait3A_471] : memref<10240x128xf32, #tpu.memory_space<vmem_shared>> -> memref<80x128xf32, #tpu.memory_space<vmem_shared>>
      tpu.wait_dma2 semaphore(%run_scoped3A : memref<!tpu.dma_semaphore, #tpu.memory_space<semaphore_mem>>) src(%dma_wait3A_472 : memref<80x128xf32, #tpu.memory_space<vmem_shared>>) dst(%arg6 : memref<80x128xf32, #tpu.memory_space<vmem>>)
      tpu.yield
    }) : () -> ()
    %mul3A_413 = arith.constant 10240 : i32
    %mul3A_414 = arith.muli %arg0, %mul3A_413 : i32
    %add3A_415 = arith.addi %mul3A_414, %add3A_412 : i32
    "tpu.region"() ({
      %run_scoped3A = tpu.sem_alloc : memref<!tpu.dma_semaphore, #tpu.memory_space<semaphore_mem>>
      %dma_start3A_465 = arith.constant 0 : i32
      %dma_start3A_466 = tpu.memref_slice %arg5[%add3A_415, %dma_start3A_465] : memref<20480x128xf32, #tpu.memory_space<hbm>> -> memref<80x128xf32, #tpu.memory_space<hbm>>
      %dma_start3A_467 = arith.constant 0 : i32
      %dma_start3A_468 = tpu.memref_slice %arg5[%add3A_415, %dma_start3A_467] : memref<20480x128xf32, #tpu.memory_space<hbm>> -> memref<80x128xf32, #tpu.memory_space<hbm>>
      tpu.enqueue_dma source(%arg6 : memref<80x128xf32, #tpu.memory_space<vmem>>) target(%dma_start3A_468 : memref<80x128xf32, #tpu.memory_space<hbm>>) target_semaphore(%run_scoped3A : memref<!tpu.dma_semaphore, #tpu.memory_space<semaphore_mem>>)
      %dma_wait3A_469 = arith.constant 0 : i32
      %dma_wait3A_470 = tpu.memref_slice %arg5[%add3A_415, %dma_wait3A_469] : memref<20480x128xf32, #tpu.memory_space<hbm>> -> memref<80x128xf32, #tpu.memory_space<hbm>>
      %dma_wait3A_471 = arith.constant 0 : i32
      %dma_wait3A_472 = tpu.memref_slice %arg5[%add3A_415, %dma_wait3A_471] : memref<20480x128xf32, #tpu.memory_space<hbm>> -> memref<80x128xf32, #tpu.memory_space<hbm>>
      tpu.wait_dma2 semaphore(%run_scoped3A : memref<!tpu.dma_semaphore, #tpu.memory_space<semaphore_mem>>) src(%arg6 : memref<80x128xf32, #tpu.memory_space<vmem>>) dst(%dma_wait3A_472 : memref<80x128xf32, #tpu.memory_space<hbm>>)
      tpu.yield
    }) : () -> ()
    %mul3A_416 = arith.constant 640 : i32
    %mul3A_417 = arith.muli %arg1, %mul3A_416 : i32
    %add3A_418 = arith.constant 80 : i32
    %add3A_419 = arith.addi %mul3A_417, %add3A_418 : i32
    "tpu.region"() ({
      %run_scoped3A = tpu.sem_alloc : memref<!tpu.dma_semaphore, #tpu.memory_space<semaphore_mem>>
      %dma_start3A_465 = arith.constant 0 : i32
      %dma_start3A_466 = tpu.memref_slice %arg42[%add3A_419, %dma_start3A_465] : memref<10240x128xf32, #tpu.memory_space<vmem_shared>> -> memref<80x128xf32, #tpu.memory_space<vmem_shared>>
      %dma_start3A_467 = arith.constant 0 : i32
      %dma_start3A_468 = tpu.memref_slice %arg42[%add3A_419, %dma_start3A_467] : memref<10240x128xf32, #tpu.memory_space<vmem_shared>> -> memref<80x128xf32, #tpu.memory_space<vmem_shared>>
      tpu.enqueue_dma source(%dma_start3A_468 : memref<80x128xf32, #tpu.memory_space<vmem_shared>>) target(%arg6 : memref<80x128xf32, #tpu.memory_space<vmem>>) target_semaphore(%run_scoped3A : memref<!tpu.dma_semaphore, #tpu.memory_space<semaphore_mem>>)
      %dma_wait3A_469 = arith.constant 0 : i32
      %dma_wait3A_470 = tpu.memref_slice %arg42[%add3A_419, %dma_wait3A_469] : memref<10240x128xf32, #tpu.memory_space<vmem_shared>> -> memref<80x128xf32, #tpu.memory_space<vmem_shared>>
      %dma_wait3A_471 = arith.constant 0 : i32
      %dma_wait3A_472 = tpu.memref_slice %arg42[%add3A_419, %dma_wait3A_471] : memref<10240x128xf32, #tpu.memory_space<vmem_shared>> -> memref<80x128xf32, #tpu.memory_space<vmem_shared>>
      tpu.wait_dma2 semaphore(%run_scoped3A : memref<!tpu.dma_semaphore, #tpu.memory_space<semaphore_mem>>) src(%dma_wait3A_472 : memref<80x128xf32, #tpu.memory_space<vmem_shared>>) dst(%arg6 : memref<80x128xf32, #tpu.memory_space<vmem>>)
      tpu.yield
    }) : () -> ()
    %mul3A_420 = arith.constant 10240 : i32
    %mul3A_421 = arith.muli %arg0, %mul3A_420 : i32
    %add3A_422 = arith.addi %mul3A_421, %add3A_419 : i32
    "tpu.region"() ({
      %run_scoped3A = tpu.sem_alloc : memref<!tpu.dma_semaphore, #tpu.memory_space<semaphore_mem>>
      %dma_start3A_465 = arith.constant 0 : i32
      %dma_start3A_466 = tpu.memref_slice %arg5[%add3A_422, %dma_start3A_465] : memref<20480x128xf32, #tpu.memory_space<hbm>> -> memref<80x128xf32, #tpu.memory_space<hbm>>
      %dma_start3A_467 = arith.constant 0 : i32
      %dma_start3A_468 = tpu.memref_slice %arg5[%add3A_422, %dma_start3A_467] : memref<20480x128xf32, #tpu.memory_space<hbm>> -> memref<80x128xf32, #tpu.memory_space<hbm>>
      tpu.enqueue_dma source(%arg6 : memref<80x128xf32, #tpu.memory_space<vmem>>) target(%dma_start3A_468 : memref<80x128xf32, #tpu.memory_space<hbm>>) target_semaphore(%run_scoped3A : memref<!tpu.dma_semaphore, #tpu.memory_space<semaphore_mem>>)
      %dma_wait3A_469 = arith.constant 0 : i32
      %dma_wait3A_470 = tpu.memref_slice %arg5[%add3A_422, %dma_wait3A_469] : memref<20480x128xf32, #tpu.memory_space<hbm>> -> memref<80x128xf32, #tpu.memory_space<hbm>>
      %dma_wait3A_471 = arith.constant 0 : i32
      %dma_wait3A_472 = tpu.memref_slice %arg5[%add3A_422, %dma_wait3A_471] : memref<20480x128xf32, #tpu.memory_space<hbm>> -> memref<80x128xf32, #tpu.memory_space<hbm>>
      tpu.wait_dma2 semaphore(%run_scoped3A : memref<!tpu.dma_semaphore, #tpu.memory_space<semaphore_mem>>) src(%arg6 : memref<80x128xf32, #tpu.memory_space<vmem>>) dst(%dma_wait3A_472 : memref<80x128xf32, #tpu.memory_space<hbm>>)
      tpu.yield
    }) : () -> ()
    %mul3A_423 = arith.constant 640 : i32
    %mul3A_424 = arith.muli %arg1, %mul3A_423 : i32
    %add3A_425 = arith.constant 160 : i32
    %add3A_426 = arith.addi %mul3A_424, %add3A_425 : i32
    "tpu.region"() ({
      %run_scoped3A = tpu.sem_alloc : memref<!tpu.dma_semaphore, #tpu.memory_space<semaphore_mem>>
      %dma_start3A_465 = arith.constant 0 : i32
      %dma_start3A_466 = tpu.memref_slice %arg42[%add3A_426, %dma_start3A_465] : memref<10240x128xf32, #tpu.memory_space<vmem_shared>> -> memref<80x128xf32, #tpu.memory_space<vmem_shared>>
      %dma_start3A_467 = arith.constant 0 : i32
      %dma_start3A_468 = tpu.memref_slice %arg42[%add3A_426, %dma_start3A_467] : memref<10240x128xf32, #tpu.memory_space<vmem_shared>> -> memref<80x128xf32, #tpu.memory_space<vmem_shared>>
      tpu.enqueue_dma source(%dma_start3A_468 : memref<80x128xf32, #tpu.memory_space<vmem_shared>>) target(%arg6 : memref<80x128xf32, #tpu.memory_space<vmem>>) target_semaphore(%run_scoped3A : memref<!tpu.dma_semaphore, #tpu.memory_space<semaphore_mem>>)
      %dma_wait3A_469 = arith.constant 0 : i32
      %dma_wait3A_470 = tpu.memref_slice %arg42[%add3A_426, %dma_wait3A_469] : memref<10240x128xf32, #tpu.memory_space<vmem_shared>> -> memref<80x128xf32, #tpu.memory_space<vmem_shared>>
      %dma_wait3A_471 = arith.constant 0 : i32
      %dma_wait3A_472 = tpu.memref_slice %arg42[%add3A_426, %dma_wait3A_471] : memref<10240x128xf32, #tpu.memory_space<vmem_shared>> -> memref<80x128xf32, #tpu.memory_space<vmem_shared>>
      tpu.wait_dma2 semaphore(%run_scoped3A : memref<!tpu.dma_semaphore, #tpu.memory_space<semaphore_mem>>) src(%dma_wait3A_472 : memref<80x128xf32, #tpu.memory_space<vmem_shared>>) dst(%arg6 : memref<80x128xf32, #tpu.memory_space<vmem>>)
      tpu.yield
    }) : () -> ()
    %mul3A_427 = arith.constant 10240 : i32
    %mul3A_428 = arith.muli %arg0, %mul3A_427 : i32
    %add3A_429 = arith.addi %mul3A_428, %add3A_426 : i32
    "tpu.region"() ({
      %run_scoped3A = tpu.sem_alloc : memref<!tpu.dma_semaphore, #tpu.memory_space<semaphore_mem>>
      %dma_start3A_465 = arith.constant 0 : i32
      %dma_start3A_466 = tpu.memref_slice %arg5[%add3A_429, %dma_start3A_465] : memref<20480x128xf32, #tpu.memory_space<hbm>> -> memref<80x128xf32, #tpu.memory_space<hbm>>
      %dma_start3A_467 = arith.constant 0 : i32
      %dma_start3A_468 = tpu.memref_slice %arg5[%add3A_429, %dma_start3A_467] : memref<20480x128xf32, #tpu.memory_space<hbm>> -> memref<80x128xf32, #tpu.memory_space<hbm>>
      tpu.enqueue_dma source(%arg6 : memref<80x128xf32, #tpu.memory_space<vmem>>) target(%dma_start3A_468 : memref<80x128xf32, #tpu.memory_space<hbm>>) target_semaphore(%run_scoped3A : memref<!tpu.dma_semaphore, #tpu.memory_space<semaphore_mem>>)
      %dma_wait3A_469 = arith.constant 0 : i32
      %dma_wait3A_470 = tpu.memref_slice %arg5[%add3A_429, %dma_wait3A_469] : memref<20480x128xf32, #tpu.memory_space<hbm>> -> memref<80x128xf32, #tpu.memory_space<hbm>>
      %dma_wait3A_471 = arith.constant 0 : i32
      %dma_wait3A_472 = tpu.memref_slice %arg5[%add3A_429, %dma_wait3A_471] : memref<20480x128xf32, #tpu.memory_space<hbm>> -> memref<80x128xf32, #tpu.memory_space<hbm>>
      tpu.wait_dma2 semaphore(%run_scoped3A : memref<!tpu.dma_semaphore, #tpu.memory_space<semaphore_mem>>) src(%arg6 : memref<80x128xf32, #tpu.memory_space<vmem>>) dst(%dma_wait3A_472 : memref<80x128xf32, #tpu.memory_space<hbm>>)
      tpu.yield
    }) : () -> ()
    %mul3A_430 = arith.constant 640 : i32
    %mul3A_431 = arith.muli %arg1, %mul3A_430 : i32
    %add3A_432 = arith.constant 240 : i32
    %add3A_433 = arith.addi %mul3A_431, %add3A_432 : i32
    "tpu.region"() ({
      %run_scoped3A = tpu.sem_alloc : memref<!tpu.dma_semaphore, #tpu.memory_space<semaphore_mem>>
      %dma_start3A_465 = arith.constant 0 : i32
      %dma_start3A_466 = tpu.memref_slice %arg42[%add3A_433, %dma_start3A_465] : memref<10240x128xf32, #tpu.memory_space<vmem_shared>> -> memref<80x128xf32, #tpu.memory_space<vmem_shared>>
      %dma_start3A_467 = arith.constant 0 : i32
      %dma_start3A_468 = tpu.memref_slice %arg42[%add3A_433, %dma_start3A_467] : memref<10240x128xf32, #tpu.memory_space<vmem_shared>> -> memref<80x128xf32, #tpu.memory_space<vmem_shared>>
      tpu.enqueue_dma source(%dma_start3A_468 : memref<80x128xf32, #tpu.memory_space<vmem_shared>>) target(%arg6 : memref<80x128xf32, #tpu.memory_space<vmem>>) target_semaphore(%run_scoped3A : memref<!tpu.dma_semaphore, #tpu.memory_space<semaphore_mem>>)
      %dma_wait3A_469 = arith.constant 0 : i32
      %dma_wait3A_470 = tpu.memref_slice %arg42[%add3A_433, %dma_wait3A_469] : memref<10240x128xf32, #tpu.memory_space<vmem_shared>> -> memref<80x128xf32, #tpu.memory_space<vmem_shared>>
      %dma_wait3A_471 = arith.constant 0 : i32
      %dma_wait3A_472 = tpu.memref_slice %arg42[%add3A_433, %dma_wait3A_471] : memref<10240x128xf32, #tpu.memory_space<vmem_shared>> -> memref<80x128xf32, #tpu.memory_space<vmem_shared>>
      tpu.wait_dma2 semaphore(%run_scoped3A : memref<!tpu.dma_semaphore, #tpu.memory_space<semaphore_mem>>) src(%dma_wait3A_472 : memref<80x128xf32, #tpu.memory_space<vmem_shared>>) dst(%arg6 : memref<80x128xf32, #tpu.memory_space<vmem>>)
      tpu.yield
    }) : () -> ()
    %mul3A_434 = arith.constant 10240 : i32
    %mul3A_435 = arith.muli %arg0, %mul3A_434 : i32
    %add3A_436 = arith.addi %mul3A_435, %add3A_433 : i32
    "tpu.region"() ({
      %run_scoped3A = tpu.sem_alloc : memref<!tpu.dma_semaphore, #tpu.memory_space<semaphore_mem>>
      %dma_start3A_465 = arith.constant 0 : i32
      %dma_start3A_466 = tpu.memref_slice %arg5[%add3A_436, %dma_start3A_465] : memref<20480x128xf32, #tpu.memory_space<hbm>> -> memref<80x128xf32, #tpu.memory_space<hbm>>
      %dma_start3A_467 = arith.constant 0 : i32
      %dma_start3A_468 = tpu.memref_slice %arg5[%add3A_436, %dma_start3A_467] : memref<20480x128xf32, #tpu.memory_space<hbm>> -> memref<80x128xf32, #tpu.memory_space<hbm>>
      tpu.enqueue_dma source(%arg6 : memref<80x128xf32, #tpu.memory_space<vmem>>) target(%dma_start3A_468 : memref<80x128xf32, #tpu.memory_space<hbm>>) target_semaphore(%run_scoped3A : memref<!tpu.dma_semaphore, #tpu.memory_space<semaphore_mem>>)
      %dma_wait3A_469 = arith.constant 0 : i32
      %dma_wait3A_470 = tpu.memref_slice %arg5[%add3A_436, %dma_wait3A_469] : memref<20480x128xf32, #tpu.memory_space<hbm>> -> memref<80x128xf32, #tpu.memory_space<hbm>>
      %dma_wait3A_471 = arith.constant 0 : i32
      %dma_wait3A_472 = tpu.memref_slice %arg5[%add3A_436, %dma_wait3A_471] : memref<20480x128xf32, #tpu.memory_space<hbm>> -> memref<80x128xf32, #tpu.memory_space<hbm>>
      tpu.wait_dma2 semaphore(%run_scoped3A : memref<!tpu.dma_semaphore, #tpu.memory_space<semaphore_mem>>) src(%arg6 : memref<80x128xf32, #tpu.memory_space<vmem>>) dst(%dma_wait3A_472 : memref<80x128xf32, #tpu.memory_space<hbm>>)
      tpu.yield
    }) : () -> ()
    %mul3A_437 = arith.constant 640 : i32
    %mul3A_438 = arith.muli %arg1, %mul3A_437 : i32
    %add3A_439 = arith.constant 320 : i32
    %add3A_440 = arith.addi %mul3A_438, %add3A_439 : i32
    "tpu.region"() ({
      %run_scoped3A = tpu.sem_alloc : memref<!tpu.dma_semaphore, #tpu.memory_space<semaphore_mem>>
      %dma_start3A_465 = arith.constant 0 : i32
      %dma_start3A_466 = tpu.memref_slice %arg42[%add3A_440, %dma_start3A_465] : memref<10240x128xf32, #tpu.memory_space<vmem_shared>> -> memref<80x128xf32, #tpu.memory_space<vmem_shared>>
      %dma_start3A_467 = arith.constant 0 : i32
      %dma_start3A_468 = tpu.memref_slice %arg42[%add3A_440, %dma_start3A_467] : memref<10240x128xf32, #tpu.memory_space<vmem_shared>> -> memref<80x128xf32, #tpu.memory_space<vmem_shared>>
      tpu.enqueue_dma source(%dma_start3A_468 : memref<80x128xf32, #tpu.memory_space<vmem_shared>>) target(%arg6 : memref<80x128xf32, #tpu.memory_space<vmem>>) target_semaphore(%run_scoped3A : memref<!tpu.dma_semaphore, #tpu.memory_space<semaphore_mem>>)
      %dma_wait3A_469 = arith.constant 0 : i32
      %dma_wait3A_470 = tpu.memref_slice %arg42[%add3A_440, %dma_wait3A_469] : memref<10240x128xf32, #tpu.memory_space<vmem_shared>> -> memref<80x128xf32, #tpu.memory_space<vmem_shared>>
      %dma_wait3A_471 = arith.constant 0 : i32
      %dma_wait3A_472 = tpu.memref_slice %arg42[%add3A_440, %dma_wait3A_471] : memref<10240x128xf32, #tpu.memory_space<vmem_shared>> -> memref<80x128xf32, #tpu.memory_space<vmem_shared>>
      tpu.wait_dma2 semaphore(%run_scoped3A : memref<!tpu.dma_semaphore, #tpu.memory_space<semaphore_mem>>) src(%dma_wait3A_472 : memref<80x128xf32, #tpu.memory_space<vmem_shared>>) dst(%arg6 : memref<80x128xf32, #tpu.memory_space<vmem>>)
      tpu.yield
    }) : () -> ()
    %mul3A_441 = arith.constant 10240 : i32
    %mul3A_442 = arith.muli %arg0, %mul3A_441 : i32
    %add3A_443 = arith.addi %mul3A_442, %add3A_440 : i32
    "tpu.region"() ({
      %run_scoped3A = tpu.sem_alloc : memref<!tpu.dma_semaphore, #tpu.memory_space<semaphore_mem>>
      %dma_start3A_465 = arith.constant 0 : i32
      %dma_start3A_466 = tpu.memref_slice %arg5[%add3A_443, %dma_start3A_465] : memref<20480x128xf32, #tpu.memory_space<hbm>> -> memref<80x128xf32, #tpu.memory_space<hbm>>
      %dma_start3A_467 = arith.constant 0 : i32
      %dma_start3A_468 = tpu.memref_slice %arg5[%add3A_443, %dma_start3A_467] : memref<20480x128xf32, #tpu.memory_space<hbm>> -> memref<80x128xf32, #tpu.memory_space<hbm>>
      tpu.enqueue_dma source(%arg6 : memref<80x128xf32, #tpu.memory_space<vmem>>) target(%dma_start3A_468 : memref<80x128xf32, #tpu.memory_space<hbm>>) target_semaphore(%run_scoped3A : memref<!tpu.dma_semaphore, #tpu.memory_space<semaphore_mem>>)
      %dma_wait3A_469 = arith.constant 0 : i32
      %dma_wait3A_470 = tpu.memref_slice %arg5[%add3A_443, %dma_wait3A_469] : memref<20480x128xf32, #tpu.memory_space<hbm>> -> memref<80x128xf32, #tpu.memory_space<hbm>>
      %dma_wait3A_471 = arith.constant 0 : i32
      %dma_wait3A_472 = tpu.memref_slice %arg5[%add3A_443, %dma_wait3A_471] : memref<20480x128xf32, #tpu.memory_space<hbm>> -> memref<80x128xf32, #tpu.memory_space<hbm>>
      tpu.wait_dma2 semaphore(%run_scoped3A : memref<!tpu.dma_semaphore, #tpu.memory_space<semaphore_mem>>) src(%arg6 : memref<80x128xf32, #tpu.memory_space<vmem>>) dst(%dma_wait3A_472 : memref<80x128xf32, #tpu.memory_space<hbm>>)
      tpu.yield
    }) : () -> ()
    %mul3A_444 = arith.constant 640 : i32
    %mul3A_445 = arith.muli %arg1, %mul3A_444 : i32
    %add3A_446 = arith.constant 400 : i32
    %add3A_447 = arith.addi %mul3A_445, %add3A_446 : i32
    "tpu.region"() ({
      %run_scoped3A = tpu.sem_alloc : memref<!tpu.dma_semaphore, #tpu.memory_space<semaphore_mem>>
      %dma_start3A_465 = arith.constant 0 : i32
      %dma_start3A_466 = tpu.memref_slice %arg42[%add3A_447, %dma_start3A_465] : memref<10240x128xf32, #tpu.memory_space<vmem_shared>> -> memref<80x128xf32, #tpu.memory_space<vmem_shared>>
      %dma_start3A_467 = arith.constant 0 : i32
      %dma_start3A_468 = tpu.memref_slice %arg42[%add3A_447, %dma_start3A_467] : memref<10240x128xf32, #tpu.memory_space<vmem_shared>> -> memref<80x128xf32, #tpu.memory_space<vmem_shared>>
      tpu.enqueue_dma source(%dma_start3A_468 : memref<80x128xf32, #tpu.memory_space<vmem_shared>>) target(%arg6 : memref<80x128xf32, #tpu.memory_space<vmem>>) target_semaphore(%run_scoped3A : memref<!tpu.dma_semaphore, #tpu.memory_space<semaphore_mem>>)
      %dma_wait3A_469 = arith.constant 0 : i32
      %dma_wait3A_470 = tpu.memref_slice %arg42[%add3A_447, %dma_wait3A_469] : memref<10240x128xf32, #tpu.memory_space<vmem_shared>> -> memref<80x128xf32, #tpu.memory_space<vmem_shared>>
      %dma_wait3A_471 = arith.constant 0 : i32
      %dma_wait3A_472 = tpu.memref_slice %arg42[%add3A_447, %dma_wait3A_471] : memref<10240x128xf32, #tpu.memory_space<vmem_shared>> -> memref<80x128xf32, #tpu.memory_space<vmem_shared>>
      tpu.wait_dma2 semaphore(%run_scoped3A : memref<!tpu.dma_semaphore, #tpu.memory_space<semaphore_mem>>) src(%dma_wait3A_472 : memref<80x128xf32, #tpu.memory_space<vmem_shared>>) dst(%arg6 : memref<80x128xf32, #tpu.memory_space<vmem>>)
      tpu.yield
    }) : () -> ()
    %mul3A_448 = arith.constant 10240 : i32
    %mul3A_449 = arith.muli %arg0, %mul3A_448 : i32
    %add3A_450 = arith.addi %mul3A_449, %add3A_447 : i32
    "tpu.region"() ({
      %run_scoped3A = tpu.sem_alloc : memref<!tpu.dma_semaphore, #tpu.memory_space<semaphore_mem>>
      %dma_start3A_465 = arith.constant 0 : i32
      %dma_start3A_466 = tpu.memref_slice %arg5[%add3A_450, %dma_start3A_465] : memref<20480x128xf32, #tpu.memory_space<hbm>> -> memref<80x128xf32, #tpu.memory_space<hbm>>
      %dma_start3A_467 = arith.constant 0 : i32
      %dma_start3A_468 = tpu.memref_slice %arg5[%add3A_450, %dma_start3A_467] : memref<20480x128xf32, #tpu.memory_space<hbm>> -> memref<80x128xf32, #tpu.memory_space<hbm>>
      tpu.enqueue_dma source(%arg6 : memref<80x128xf32, #tpu.memory_space<vmem>>) target(%dma_start3A_468 : memref<80x128xf32, #tpu.memory_space<hbm>>) target_semaphore(%run_scoped3A : memref<!tpu.dma_semaphore, #tpu.memory_space<semaphore_mem>>)
      %dma_wait3A_469 = arith.constant 0 : i32
      %dma_wait3A_470 = tpu.memref_slice %arg5[%add3A_450, %dma_wait3A_469] : memref<20480x128xf32, #tpu.memory_space<hbm>> -> memref<80x128xf32, #tpu.memory_space<hbm>>
      %dma_wait3A_471 = arith.constant 0 : i32
      %dma_wait3A_472 = tpu.memref_slice %arg5[%add3A_450, %dma_wait3A_471] : memref<20480x128xf32, #tpu.memory_space<hbm>> -> memref<80x128xf32, #tpu.memory_space<hbm>>
      tpu.wait_dma2 semaphore(%run_scoped3A : memref<!tpu.dma_semaphore, #tpu.memory_space<semaphore_mem>>) src(%arg6 : memref<80x128xf32, #tpu.memory_space<vmem>>) dst(%dma_wait3A_472 : memref<80x128xf32, #tpu.memory_space<hbm>>)
      tpu.yield
    }) : () -> ()
    %mul3A_451 = arith.constant 640 : i32
    %mul3A_452 = arith.muli %arg1, %mul3A_451 : i32
    %add3A_453 = arith.constant 480 : i32
    %add3A_454 = arith.addi %mul3A_452, %add3A_453 : i32
    "tpu.region"() ({
      %run_scoped3A = tpu.sem_alloc : memref<!tpu.dma_semaphore, #tpu.memory_space<semaphore_mem>>
      %dma_start3A_465 = arith.constant 0 : i32
      %dma_start3A_466 = tpu.memref_slice %arg42[%add3A_454, %dma_start3A_465] : memref<10240x128xf32, #tpu.memory_space<vmem_shared>> -> memref<80x128xf32, #tpu.memory_space<vmem_shared>>
      %dma_start3A_467 = arith.constant 0 : i32
      %dma_start3A_468 = tpu.memref_slice %arg42[%add3A_454, %dma_start3A_467] : memref<10240x128xf32, #tpu.memory_space<vmem_shared>> -> memref<80x128xf32, #tpu.memory_space<vmem_shared>>
      tpu.enqueue_dma source(%dma_start3A_468 : memref<80x128xf32, #tpu.memory_space<vmem_shared>>) target(%arg6 : memref<80x128xf32, #tpu.memory_space<vmem>>) target_semaphore(%run_scoped3A : memref<!tpu.dma_semaphore, #tpu.memory_space<semaphore_mem>>)
      %dma_wait3A_469 = arith.constant 0 : i32
      %dma_wait3A_470 = tpu.memref_slice %arg42[%add3A_454, %dma_wait3A_469] : memref<10240x128xf32, #tpu.memory_space<vmem_shared>> -> memref<80x128xf32, #tpu.memory_space<vmem_shared>>
      %dma_wait3A_471 = arith.constant 0 : i32
      %dma_wait3A_472 = tpu.memref_slice %arg42[%add3A_454, %dma_wait3A_471] : memref<10240x128xf32, #tpu.memory_space<vmem_shared>> -> memref<80x128xf32, #tpu.memory_space<vmem_shared>>
      tpu.wait_dma2 semaphore(%run_scoped3A : memref<!tpu.dma_semaphore, #tpu.memory_space<semaphore_mem>>) src(%dma_wait3A_472 : memref<80x128xf32, #tpu.memory_space<vmem_shared>>) dst(%arg6 : memref<80x128xf32, #tpu.memory_space<vmem>>)
      tpu.yield
    }) : () -> ()
    %mul3A_455 = arith.constant 10240 : i32
    %mul3A_456 = arith.muli %arg0, %mul3A_455 : i32
    %add3A_457 = arith.addi %mul3A_456, %add3A_454 : i32
    "tpu.region"() ({
      %run_scoped3A = tpu.sem_alloc : memref<!tpu.dma_semaphore, #tpu.memory_space<semaphore_mem>>
      %dma_start3A_465 = arith.constant 0 : i32
      %dma_start3A_466 = tpu.memref_slice %arg5[%add3A_457, %dma_start3A_465] : memref<20480x128xf32, #tpu.memory_space<hbm>> -> memref<80x128xf32, #tpu.memory_space<hbm>>
      %dma_start3A_467 = arith.constant 0 : i32
      %dma_start3A_468 = tpu.memref_slice %arg5[%add3A_457, %dma_start3A_467] : memref<20480x128xf32, #tpu.memory_space<hbm>> -> memref<80x128xf32, #tpu.memory_space<hbm>>
      tpu.enqueue_dma source(%arg6 : memref<80x128xf32, #tpu.memory_space<vmem>>) target(%dma_start3A_468 : memref<80x128xf32, #tpu.memory_space<hbm>>) target_semaphore(%run_scoped3A : memref<!tpu.dma_semaphore, #tpu.memory_space<semaphore_mem>>)
      %dma_wait3A_469 = arith.constant 0 : i32
      %dma_wait3A_470 = tpu.memref_slice %arg5[%add3A_457, %dma_wait3A_469] : memref<20480x128xf32, #tpu.memory_space<hbm>> -> memref<80x128xf32, #tpu.memory_space<hbm>>
      %dma_wait3A_471 = arith.constant 0 : i32
      %dma_wait3A_472 = tpu.memref_slice %arg5[%add3A_457, %dma_wait3A_471] : memref<20480x128xf32, #tpu.memory_space<hbm>> -> memref<80x128xf32, #tpu.memory_space<hbm>>
      tpu.wait_dma2 semaphore(%run_scoped3A : memref<!tpu.dma_semaphore, #tpu.memory_space<semaphore_mem>>) src(%arg6 : memref<80x128xf32, #tpu.memory_space<vmem>>) dst(%dma_wait3A_472 : memref<80x128xf32, #tpu.memory_space<hbm>>)
      tpu.yield
    }) : () -> ()
    %mul3A_458 = arith.constant 640 : i32
    %mul3A_459 = arith.muli %arg1, %mul3A_458 : i32
    %add3A_460 = arith.constant 560 : i32
    %add3A_461 = arith.addi %mul3A_459, %add3A_460 : i32
    "tpu.region"() ({
      %run_scoped3A = tpu.sem_alloc : memref<!tpu.dma_semaphore, #tpu.memory_space<semaphore_mem>>
      %dma_start3A_465 = arith.constant 0 : i32
      %dma_start3A_466 = tpu.memref_slice %arg42[%add3A_461, %dma_start3A_465] : memref<10240x128xf32, #tpu.memory_space<vmem_shared>> -> memref<80x128xf32, #tpu.memory_space<vmem_shared>>
      %dma_start3A_467 = arith.constant 0 : i32
      %dma_start3A_468 = tpu.memref_slice %arg42[%add3A_461, %dma_start3A_467] : memref<10240x128xf32, #tpu.memory_space<vmem_shared>> -> memref<80x128xf32, #tpu.memory_space<vmem_shared>>
      tpu.enqueue_dma source(%dma_start3A_468 : memref<80x128xf32, #tpu.memory_space<vmem_shared>>) target(%arg6 : memref<80x128xf32, #tpu.memory_space<vmem>>) target_semaphore(%run_scoped3A : memref<!tpu.dma_semaphore, #tpu.memory_space<semaphore_mem>>)
      %dma_wait3A_469 = arith.constant 0 : i32
      %dma_wait3A_470 = tpu.memref_slice %arg42[%add3A_461, %dma_wait3A_469] : memref<10240x128xf32, #tpu.memory_space<vmem_shared>> -> memref<80x128xf32, #tpu.memory_space<vmem_shared>>
      %dma_wait3A_471 = arith.constant 0 : i32
      %dma_wait3A_472 = tpu.memref_slice %arg42[%add3A_461, %dma_wait3A_471] : memref<10240x128xf32, #tpu.memory_space<vmem_shared>> -> memref<80x128xf32, #tpu.memory_space<vmem_shared>>
      tpu.wait_dma2 semaphore(%run_scoped3A : memref<!tpu.dma_semaphore, #tpu.memory_space<semaphore_mem>>) src(%dma_wait3A_472 : memref<80x128xf32, #tpu.memory_space<vmem_shared>>) dst(%arg6 : memref<80x128xf32, #tpu.memory_space<vmem>>)
      tpu.yield
    }) : () -> ()
    %mul3A_462 = arith.constant 10240 : i32
    %mul3A_463 = arith.muli %arg0, %mul3A_462 : i32
    %add3A_464 = arith.addi %mul3A_463, %add3A_461 : i32
    "tpu.region"() ({
      %run_scoped3A = tpu.sem_alloc : memref<!tpu.dma_semaphore, #tpu.memory_space<semaphore_mem>>
      %dma_start3A_465 = arith.constant 0 : i32
      %dma_start3A_466 = tpu.memref_slice %arg5[%add3A_464, %dma_start3A_465] : memref<20480x128xf32, #tpu.memory_space<hbm>> -> memref<80x128xf32, #tpu.memory_space<hbm>>
      %dma_start3A_467 = arith.constant 0 : i32
      %dma_start3A_468 = tpu.memref_slice %arg5[%add3A_464, %dma_start3A_467] : memref<20480x128xf32, #tpu.memory_space<hbm>> -> memref<80x128xf32, #tpu.memory_space<hbm>>
      tpu.enqueue_dma source(%arg6 : memref<80x128xf32, #tpu.memory_space<vmem>>) target(%dma_start3A_468 : memref<80x128xf32, #tpu.memory_space<hbm>>) target_semaphore(%run_scoped3A : memref<!tpu.dma_semaphore, #tpu.memory_space<semaphore_mem>>)
      %dma_wait3A_469 = arith.constant 0 : i32
      %dma_wait3A_470 = tpu.memref_slice %arg5[%add3A_464, %dma_wait3A_469] : memref<20480x128xf32, #tpu.memory_space<hbm>> -> memref<80x128xf32, #tpu.memory_space<hbm>>
      %dma_wait3A_471 = arith.constant 0 : i32
      %dma_wait3A_472 = tpu.memref_slice %arg5[%add3A_464, %dma_wait3A_471] : memref<20480x128xf32, #tpu.memory_space<hbm>> -> memref<80x128xf32, #tpu.memory_space<hbm>>
      tpu.wait_dma2 semaphore(%run_scoped3A : memref<!tpu.dma_semaphore, #tpu.memory_space<semaphore_mem>>) src(%arg6 : memref<80x128xf32, #tpu.memory_space<vmem>>) dst(%dma_wait3A_472 : memref<80x128xf32, #tpu.memory_space<hbm>>)
      tpu.yield
    }) : () -> ()
    return
  }
}

module attributes {stable_mosaic.version = 14 : i64} {
  func.func @_final_body(%arg0: memref<10000x128xf32, #tpu.memory_space<vmem>>, %arg1: memref<10000x128xf32, #tpu.memory_space<vmem>>, %arg2: memref<20480x128xf32, #tpu.memory_space<vmem>>, %arg3: memref<10000x1xf32, #tpu.memory_space<vmem>>, %arg4: memref<1x128xf32, #tpu.memory_space<vmem>>, %arg5: memref<1x128xf32, #tpu.memory_space<vmem>>, %arg6: memref<1x128xf32, #tpu.memory_space<vmem>>, %arg7: memref<128x256xf32, #tpu.memory_space<vmem>>, %arg8: memref<1x256xf32, #tpu.memory_space<vmem>>, %arg9: memref<256x128xf32, #tpu.memory_space<vmem>>, %arg10: memref<1x128xf32, #tpu.memory_space<vmem>>, %arg11: memref<1x128xf32, #tpu.memory_space<vmem>>, %arg12: memref<1x128xf32, #tpu.memory_space<vmem>>, %arg13: memref<10000x128xf32, #tpu.memory_space<vmem>>) attributes {dimension_semantics = [], scalar_prefetch = 0 : i64, scratch_operands = 0 : i64, tpu.core_type = #tpu.core_type<tc>} {
    %get3A = arith.constant 0 : index
    %get3A_0 = arith.constant 0 : index
    %get3A_1 = vector.load %arg2[%get3A, %get3A_0] : memref<20480x128xf32, #tpu.memory_space<vmem>>, vector<10000x128xf32>
    %get3A_2 = arith.constant 10240 : index
    %get3A_3 = arith.constant 0 : index
    %get3A_4 = vector.load %arg2[%get3A_2, %get3A_3] : memref<20480x128xf32, #tpu.memory_space<vmem>>, vector<10000x128xf32>
    %add3A = arith.addf %get3A_1, %get3A_4 : vector<10000x128xf32>
    %get3A_5 = arith.constant 0 : index
    %get3A_6 = arith.constant 0 : index
    %get3A_7 = vector.load %arg1[%get3A_5, %get3A_6] : memref<10000x128xf32, #tpu.memory_space<vmem>>, vector<10000x128xf32>
    %add3A_8 = arith.addf %add3A, %get3A_7 : vector<10000x128xf32>
    %get3A_9 = arith.constant 0 : index
    %get3A_10 = arith.constant 0 : index
    %get3A_11 = vector.load %arg3[%get3A_9, %get3A_10] : memref<10000x1xf32, #tpu.memory_space<vmem>>, vector<10000x1xf32>
    %mul3A = vector.broadcast %get3A_11 : vector<10000x1xf32> to vector<10000x128xf32>
    %mul3A_12 = arith.mulf %add3A_8, %mul3A : vector<10000x128xf32>
    %get3A_13 = arith.constant 0 : index
    %get3A_14 = arith.constant 0 : index
    %get3A_15 = vector.load %arg4[%get3A_13, %get3A_14] : memref<1x128xf32, #tpu.memory_space<vmem>>, vector<1x128xf32>
    %add3A_16 = vector.broadcast %get3A_15 : vector<1x128xf32> to vector<10000x128xf32>
    %add3A_17 = arith.addf %mul3A_12, %add3A_16 : vector<10000x128xf32>
    %get3A_18 = arith.constant 0 : index
    %get3A_19 = arith.constant 0 : index
    %get3A_20 = vector.load %arg0[%get3A_18, %get3A_19] : memref<10000x128xf32, #tpu.memory_space<vmem>>, vector<10000x128xf32>
    %add3A_21 = arith.addf %get3A_20, %add3A_17 : vector<10000x128xf32>
    %reduce_sum3A = arith.constant dense<0.000000e+00> : vector<128xf32>
    %reduce_sum3A_22 = vector.multi_reduction <add>, %add3A_21, %reduce_sum3A [0] : vector<10000x128xf32> to vector<128xf32>
    %div3A = arith.constant 1.000000e+04 : f32
    %div3A_23 = vector.broadcast %div3A : f32 to vector<128xf32>
    %div3A_24 = arith.divf %reduce_sum3A_22, %div3A_23 : vector<128xf32>
    %broadcast_in_dim3A = vector.shape_cast %div3A_24 : vector<128xf32> to vector<1x128xf32>
    %sub3A = vector.broadcast %broadcast_in_dim3A : vector<1x128xf32> to vector<10000x128xf32>
    %sub3A_25 = arith.subf %add3A_21, %sub3A : vector<10000x128xf32>
    %integer_pow3A = arith.mulf %sub3A_25, %sub3A_25 : vector<10000x128xf32>
    %reduce_sum3A_26 = arith.constant dense<0.000000e+00> : vector<128xf32>
    %reduce_sum3A_27 = vector.multi_reduction <add>, %integer_pow3A, %reduce_sum3A_26 [0] : vector<10000x128xf32> to vector<128xf32>
    %div3A_28 = arith.constant 1.000000e+04 : f32
    %div3A_29 = vector.broadcast %div3A_28 : f32 to vector<128xf32>
    %div3A_30 = arith.divf %reduce_sum3A_27, %div3A_29 : vector<128xf32>
    %broadcast_in_dim3A_31 = vector.shape_cast %div3A_24 : vector<128xf32> to vector<1x128xf32>
    %sub3A_32 = vector.broadcast %broadcast_in_dim3A_31 : vector<1x128xf32> to vector<10000x128xf32>
    %sub3A_33 = arith.subf %add3A_21, %sub3A_32 : vector<10000x128xf32>
    %add3A_34 = arith.constant 9.99999974E-6 : f32
    %add3A_35 = vector.broadcast %add3A_34 : f32 to vector<128xf32>
    %add3A_36 = arith.addf %div3A_30, %add3A_35 : vector<128xf32>
    %rsqrt3A = math.rsqrt %add3A_36 : vector<128xf32>
    %broadcast_in_dim3A_37 = vector.shape_cast %rsqrt3A : vector<128xf32> to vector<1x128xf32>
    %mul3A_38 = vector.broadcast %broadcast_in_dim3A_37 : vector<1x128xf32> to vector<10000x128xf32>
    %mul3A_39 = arith.mulf %sub3A_33, %mul3A_38 : vector<10000x128xf32>
    %get3A_40 = arith.constant 0 : index
    %get3A_41 = arith.constant 0 : index
    %get3A_42 = vector.load %arg5[%get3A_40, %get3A_41] : memref<1x128xf32, #tpu.memory_space<vmem>>, vector<1x128xf32>
    %mul3A_43 = vector.broadcast %get3A_42 : vector<1x128xf32> to vector<10000x128xf32>
    %mul3A_44 = arith.mulf %mul3A_39, %mul3A_43 : vector<10000x128xf32>
    %get3A_45 = arith.constant 0 : index
    %get3A_46 = arith.constant 0 : index
    %get3A_47 = vector.load %arg6[%get3A_45, %get3A_46] : memref<1x128xf32, #tpu.memory_space<vmem>>, vector<1x128xf32>
    %add3A_48 = vector.broadcast %get3A_47 : vector<1x128xf32> to vector<10000x128xf32>
    %add3A_49 = arith.addf %mul3A_44, %add3A_48 : vector<10000x128xf32>
    %get3A_50 = arith.constant 0 : index
    %get3A_51 = arith.constant 0 : index
    %get3A_52 = vector.load %arg7[%get3A_50, %get3A_51] : memref<128x256xf32, #tpu.memory_space<vmem>>, vector<128x256xf32>
    %dot_general3A = arith.constant dense<0.000000e+00> : vector<10000x256xf32>
    %dot_general3A_53 = tpu.matmul %add3A_49, %get3A_52, %dot_general3A {dimension_numbers = #tpu.dot_dimension_numbers<[1], [0], [0], [1], [0, 0, 1, 1], [], []>, transpose_lhs_hint = false} : vector<10000x128xf32>, vector<128x256xf32>, vector<10000x256xf32> -> vector<10000x256xf32>
    %get3A_54 = arith.constant 0 : index
    %get3A_55 = arith.constant 0 : index
    %get3A_56 = vector.load %arg8[%get3A_54, %get3A_55] : memref<1x256xf32, #tpu.memory_space<vmem>>, vector<1x256xf32>
    %add3A_57 = vector.broadcast %get3A_56 : vector<1x256xf32> to vector<10000x256xf32>
    %add3A_58 = arith.addf %dot_general3A_53, %add3A_57 : vector<10000x256xf32>
    %max3A = arith.constant 0.000000e+00 : f32
    %max3A_59 = vector.broadcast %max3A : f32 to vector<10000x256xf32>
    %max3A_60 = arith.maximumf %add3A_58, %max3A_59 : vector<10000x256xf32>
    %get3A_61 = arith.constant 0 : index
    %get3A_62 = arith.constant 0 : index
    %get3A_63 = vector.load %arg9[%get3A_61, %get3A_62] : memref<256x128xf32, #tpu.memory_space<vmem>>, vector<256x128xf32>
    %dot_general3A_64 = arith.constant dense<0.000000e+00> : vector<10000x128xf32>
    %dot_general3A_65 = tpu.matmul %max3A_60, %get3A_63, %dot_general3A_64 {dimension_numbers = #tpu.dot_dimension_numbers<[1], [0], [0], [1], [0, 0, 1, 1], [], []>, transpose_lhs_hint = false} : vector<10000x256xf32>, vector<256x128xf32>, vector<10000x128xf32> -> vector<10000x128xf32>
    %get3A_66 = arith.constant 0 : index
    %get3A_67 = arith.constant 0 : index
    %get3A_68 = vector.load %arg10[%get3A_66, %get3A_67] : memref<1x128xf32, #tpu.memory_space<vmem>>, vector<1x128xf32>
    %add3A_69 = vector.broadcast %get3A_68 : vector<1x128xf32> to vector<10000x128xf32>
    %add3A_70 = arith.addf %dot_general3A_65, %add3A_69 : vector<10000x128xf32>
    %add3A_71 = arith.addf %add3A_49, %add3A_70 : vector<10000x128xf32>
    %reduce_sum3A_72 = arith.constant dense<0.000000e+00> : vector<128xf32>
    %reduce_sum3A_73 = vector.multi_reduction <add>, %add3A_71, %reduce_sum3A_72 [0] : vector<10000x128xf32> to vector<128xf32>
    %div3A_74 = arith.constant 1.000000e+04 : f32
    %div3A_75 = vector.broadcast %div3A_74 : f32 to vector<128xf32>
    %div3A_76 = arith.divf %reduce_sum3A_73, %div3A_75 : vector<128xf32>
    %broadcast_in_dim3A_77 = vector.shape_cast %div3A_76 : vector<128xf32> to vector<1x128xf32>
    %sub3A_78 = vector.broadcast %broadcast_in_dim3A_77 : vector<1x128xf32> to vector<10000x128xf32>
    %sub3A_79 = arith.subf %add3A_71, %sub3A_78 : vector<10000x128xf32>
    %integer_pow3A_80 = arith.mulf %sub3A_79, %sub3A_79 : vector<10000x128xf32>
    %reduce_sum3A_81 = arith.constant dense<0.000000e+00> : vector<128xf32>
    %reduce_sum3A_82 = vector.multi_reduction <add>, %integer_pow3A_80, %reduce_sum3A_81 [0] : vector<10000x128xf32> to vector<128xf32>
    %div3A_83 = arith.constant 1.000000e+04 : f32
    %div3A_84 = vector.broadcast %div3A_83 : f32 to vector<128xf32>
    %div3A_85 = arith.divf %reduce_sum3A_82, %div3A_84 : vector<128xf32>
    %broadcast_in_dim3A_86 = vector.shape_cast %div3A_76 : vector<128xf32> to vector<1x128xf32>
    %sub3A_87 = vector.broadcast %broadcast_in_dim3A_86 : vector<1x128xf32> to vector<10000x128xf32>
    %sub3A_88 = arith.subf %add3A_71, %sub3A_87 : vector<10000x128xf32>
    %add3A_89 = arith.constant 9.99999974E-6 : f32
    %add3A_90 = vector.broadcast %add3A_89 : f32 to vector<128xf32>
    %add3A_91 = arith.addf %div3A_85, %add3A_90 : vector<128xf32>
    %rsqrt3A_92 = math.rsqrt %add3A_91 : vector<128xf32>
    %broadcast_in_dim3A_93 = vector.shape_cast %rsqrt3A_92 : vector<128xf32> to vector<1x128xf32>
    %mul3A_94 = vector.broadcast %broadcast_in_dim3A_93 : vector<1x128xf32> to vector<10000x128xf32>
    %mul3A_95 = arith.mulf %sub3A_88, %mul3A_94 : vector<10000x128xf32>
    %get3A_96 = arith.constant 0 : index
    %get3A_97 = arith.constant 0 : index
    %get3A_98 = vector.load %arg11[%get3A_96, %get3A_97] : memref<1x128xf32, #tpu.memory_space<vmem>>, vector<1x128xf32>
    %mul3A_99 = vector.broadcast %get3A_98 : vector<1x128xf32> to vector<10000x128xf32>
    %mul3A_100 = arith.mulf %mul3A_95, %mul3A_99 : vector<10000x128xf32>
    %get3A_101 = arith.constant 0 : index
    %get3A_102 = arith.constant 0 : index
    %get3A_103 = vector.load %arg12[%get3A_101, %get3A_102] : memref<1x128xf32, #tpu.memory_space<vmem>>, vector<1x128xf32>
    %add3A_104 = vector.broadcast %get3A_103 : vector<1x128xf32> to vector<10000x128xf32>
    %add3A_105 = arith.addf %mul3A_100, %add3A_104 : vector<10000x128xf32>
    %swap3A = arith.constant 0 : index
    %swap3A_106 = arith.constant 0 : index
    %swap3A_107 = vector.load %arg13[%swap3A, %swap3A_106] : memref<10000x128xf32, #tpu.memory_space<vmem>>, vector<10000x128xf32>
    tpu.vector_store %arg13[%swap3A, %swap3A_106], %add3A_105 {strides = array<i32>} : memref<10000x128xf32, #tpu.memory_space<vmem>>, vector<10000x128xf32>,
    return
  }
}

module attributes {stable_mosaic.version = 14 : i64} {
  func.func @_lin_body(%arg0: memref<10000x128xf32, #tpu.memory_space<vmem>>, %arg1: memref<128x128xf32, #tpu.memory_space<vmem>>, %arg2: memref<20480x1xf32, #tpu.memory_space<vmem>>, %arg3: memref<10000x128xf32, #tpu.memory_space<vmem>>, %arg4: memref<10000x1xf32, #tpu.memory_space<vmem>>) attributes {dimension_semantics = [], scalar_prefetch = 0 : i64, scratch_operands = 0 : i64, tpu.core_type = #tpu.core_type<tc>} {
    %get3A = arith.constant 0 : index
    %get3A_0 = arith.constant 0 : index
    %get3A_1 = vector.load %arg0[%get3A, %get3A_0] : memref<10000x128xf32, #tpu.memory_space<vmem>>, vector<10000x128xf32>
    %get3A_2 = arith.constant 0 : index
    %get3A_3 = arith.constant 0 : index
    %get3A_4 = vector.load %arg1[%get3A_2, %get3A_3] : memref<128x128xf32, #tpu.memory_space<vmem>>, vector<128x128xf32>
    %dot_general3A = arith.constant dense<0.000000e+00> : vector<10000x128xf32>
    %dot_general3A_5 = tpu.matmul %get3A_1, %get3A_4, %dot_general3A {dimension_numbers = #tpu.dot_dimension_numbers<[1], [0], [0], [1], [0, 0, 1, 1], [], []>, transpose_lhs_hint = false} : vector<10000x128xf32>, vector<128x128xf32>, vector<10000x128xf32> -> vector<10000x128xf32>
    %get3A_6 = arith.constant 0 : index
    %get3A_7 = arith.constant 0 : index
    %get3A_8 = vector.load %arg2[%get3A_6, %get3A_7] : memref<20480x1xf32, #tpu.memory_space<vmem>>, vector<10000x1xf32>
    %get3A_9 = arith.constant 10240 : index
    %get3A_10 = arith.constant 0 : index
    %get3A_11 = vector.load %arg2[%get3A_9, %get3A_10] : memref<20480x1xf32, #tpu.memory_space<vmem>>, vector<10000x1xf32>
    %add3A = arith.addf %get3A_8, %get3A_11 : vector<10000x1xf32>
    %add3A_12 = arith.constant 1.000000e+00 : f32
    %add3A_13 = vector.broadcast %add3A_12 : f32 to vector<10000x1xf32>
    %add3A_14 = arith.addf %add3A, %add3A_13 : vector<10000x1xf32>
    %rsqrt3A = math.rsqrt %add3A_14 : vector<10000x1xf32>
    %swap3A = arith.constant 0 : index
    %swap3A_15 = arith.constant 0 : index
    %swap3A_16 = vector.load %arg4[%swap3A, %swap3A_15] : memref<10000x1xf32, #tpu.memory_space<vmem>>, vector<10000x1xf32>
    tpu.vector_store %arg4[%swap3A, %swap3A_15], %rsqrt3A {strides = array<i32>} : memref<10000x1xf32, #tpu.memory_space<vmem>>, vector<10000x1xf32>,
    %mul3A = vector.broadcast %rsqrt3A : vector<10000x1xf32> to vector<10000x128xf32>
    %mul3A_17 = arith.mulf %dot_general3A_5, %mul3A : vector<10000x128xf32>
    %swap3A_18 = arith.constant 0 : index
    %swap3A_19 = arith.constant 0 : index
    %swap3A_20 = vector.load %arg3[%swap3A_18, %swap3A_19] : memref<10000x128xf32, #tpu.memory_space<vmem>>, vector<10000x128xf32>
    tpu.vector_store %arg3[%swap3A_18, %swap3A_19], %mul3A_17 {strides = array<i32>} : memref<10000x128xf32, #tpu.memory_space<vmem>>, vector<10000x128xf32>,
    return
  }
}

</mosaic_0001>

<sc_bundles>
// kernel: kernel.6.cloned.1.call-start
scs
__scs_entry_jumppad:
0x0: {  	(pc) =	sbr.rel $0x88, $3  }
0x1: {  	(tag) =	ssettag $0x0;
	lr =	simm.s32 $0x1  }
0x2: {  	[smem:$0x3F95] =	sst lr;
	_ =	strace $0xD0000000  }
0x3: {  	_ = 	snop  }
0x4: {  	_ = 	snop  }
0x5: {  	_ = 	snop  }
0x6: {  	_ = 	snop  }
0x7: {  	_ = 	snop  }
__scs_overlays_trampoline_lowered:
0x8: {  	[smem:$0x3FA4] =	sst s0  }
0x9: {  	[smem:$0x3FA5] =	sst s1  }
0xa: {  	[smem:$0x3FA6] =	sst s2  }
0xb: {  	[smem:$0x3FA7] =	sst s3  }
0xc: {  	[smem:$0x3FA8] =	sst s4  }
0xd: {  	[smem:$0x3FA9] =	sst s5  }
0xe: {  	[smem:$0x3FAA] =	sst s6  }
0xf: {  	[smem:$0x3FAB] =	sst s7  }
0x10: {  	[smem:$0x3FAC] =	sst s8  }
0x11: {  	[smem:$0x3FAD] =	sst s9;
	s0 =	simm.s32 @!p0 $0x0  }
0x12: {  	s1 =	sld [smem:$0x3F93];
	s0 =	simm.s32 @p0 $0x1  }
0x13: {  	[smem:$0x3FAE] =	sst s0;
	s0 =	simm.s32 @!p1 $0x0  }
0x14: {  	s2 =	sld [smem:$0x3F92];
	s0 =	simm.s32 @p1 $0x1  }
0x15: {  	[smem:$0x3FAF] =	sst s0;
	s0 =	simm.s32 @!p2 $0x0  }
0x16: {  	s3 =	sld [smem:$0x3FDB];
	s0 =	simm.s32 @p2 $0x1  }
0x17: {  	s4 =	simm.s32 $0x1BF5;
	[smem:$0x3FB1] =	sst s0  }
0x18: {  	s0 =	sld [smem:$0x3F94];
	_ =	swait.ge [sflag:s4], $0x0  }
0x19: {  	s7 =	sld [smem:$0x3F95]  }
0x1a: {  	s8 =	sadd.s32 $0xFFFFE003, lr  }
0x1b: {  	s9 =	sadd.s32 $0xFFFFFEF7, lr;
	s5 =	simm.s32 $0xFFFFFFFF;
	p2 =	slt.u32 s8, $0xFFFFF086  }
0x1c: {  	p1 =	slt.u32 s9, $0xF7A;
	s5 =	simm.s32 @!p2 $0x0  }
0x1d: {  	s5 =	simm.s32 @p1 $0x1;
	p0 =	seq.s32 s7, s2  }
0x1e: {  	s7 =	smul.u32 @!p0 $0xF7A, s2;
	p2 =	seq.s32 @!p0 s5, $0x0  }
0x1f: {  	s9 =	smul.u32 $0xF7A, s1;
	s8 =	simm.s32 @!p0 $0x1BF5;
	p2 =	por !p2, p0  }
0x20: {  	[sflag:s8] =	ssyncset.s32 @!p0 $0xFFFFF086;
	s6 =	sadd.s32 @!p0 s3, s7;
	s7 =	simm.s32 @!p0 $0x108  }
0x21: {  	s3 =	sadd.s32 s3, s9;
	s6 =	sadd.s32 @!p0 $0x88, s6;
	s7 =	simm.s32 @p2 $0x1082  }
0x22: {  	[simem:s7], [sflag:s8] =	dma.local @!p0 [hbm:s6], $0xF7A  }
0x23: {  	s9 =	sor.u32 $0xD0000000, s2;
	s6 =	simm.s32 $0x108;
	_ =	swait.ge @!p0 [sflag:s8], $0x0  }
0x24: {  	s3 =	sadd.s32 $0x88, s3;
	s6 =	simm.s32 @!p1 $0x1082;
	[sflag:s4] =	ssyncset.s32 $0xFFFFF086  }
0x25: {  	[simem:s6], [sflag:s4] =	dma.local [hbm:s3], $0xF7A  }
0x26: {  	[smem:$0x3F95] =	sst s1;
	(tag) =	ssettag s2;
	_ =	strace s9  }
0x27: {  	s1 =	sld [smem:$0x3FA5]  }
0x28: {  	s2 =	sld [smem:$0x3FA6]  }
0x29: {  	s4 =	sld [smem:$0x3FA8]  }
0x2a: {  	p0 =	seq.s32 s5, $0x0;
	s5 =	sld [smem:$0x3FA9]  }
0x2b: {  	s6 =	sld [smem:$0x3FAA]  }
0x2c: {  	s7 =	sld [smem:$0x3FAB]  }
0x2d: {  	s3 =	simm.s32 $0x108;
	s8 =	sld [smem:$0x3FAC]  }
0x2e: {  	s3 =	simm.s32 @!p0 $0x1082;
	s9 =	sld [smem:$0x3FAD]  }
0x2f: {  	lr =	sadd.s32 s0, s3;
	s0 =	sld [smem:$0x3FA4]  }
0x30: {  	s3 =	sld [smem:$0x3FA7]  }
0x31: {  	[smem:$0x3FB0] =	sst s10  }
0x32: {  	s10 =	sld [smem:$0x3FAE];
	_ =	sdelay $0x3  }
0x33: {  	p0 =	seq.s32 s10, $0x1;
	s10 =	sld [smem:$0x3FB0];
	_ =	sdelay $0x3  }
0x34: {  	[smem:$0x3FB0] =	sst s10  }
0x35: {  	s10 =	sld [smem:$0x3FAF];
	_ =	sdelay $0x3  }
0x36: {  	p1 =	seq.s32 s10, $0x1;
	s10 =	sld [smem:$0x3FB0];
	_ =	sdelay $0x3  }
0x37: {  	[smem:$0x3FB0] =	sst s10  }
0x38: {  	s10 =	sld [smem:$0x3FB1]  }
0x39: {  	_ = 	snop;
	(pc) =	sbr.ind lr, $3  }
0x3a: {  	_ = 	snop  }
0x3b: {  	_ = 	snop  }
0x3c: {  	p2 =	seq.s32 s10, $0x1;
	s10 =	sld [smem:$0x3FB0]  }
0x3d: {  	_ =	shalt  }
0x3e: {  	_ =	shalt  }
0x3f: {  	_ =	shalt  }
0x40: {  	_ =	shalt  }
0x41: {  	_ =	shalt  }
0x42: {  	_ =	shalt  }
0x43: {  	_ =	shalt  }
0x44: {  	_ =	shalt  }
0x45: {  	_ =	shalt  }
0x46: {  	_ =	shalt  }
0x47: {  	_ =	shalt  }
0x48: {  	_ =	shalt  }
0x49: {  	_ =	shalt  }
0x4a: {  	_ =	shalt  }
0x4b: {  	_ =	shalt  }
0x4c: {  	_ =	shalt  }
0x4d: {  	_ =	shalt  }
0x4e: {  	_ =	shalt  }
0x4f: {  	_ =	shalt  }
0x50: {  	_ =	shalt  }
0x51: {  	_ =	shalt  }
0x52: {  	_ =	shalt  }
0x53: {  	_ =	shalt  }
0x54: {  	_ =	shalt  }
0x55: {  	_ =	shalt  }
0x56: {  	_ =	shalt  }
0x57: {  	_ =	shalt  }
0x58: {  	_ =	shalt  }
0x59: {  	_ =	shalt  }
0x5a: {  	_ =	shalt  }
0x5b: {  	_ =	shalt  }
0x5c: {  	_ =	shalt  }
0x5d: {  	_ =	shalt  }
0x5e: {  	_ =	shalt  }
0x5f: {  	_ =	shalt  }
0x60: {  	_ =	shalt  }
0x61: {  	_ =	shalt  }
0x62: {  	_ =	shalt  }
0x63: {  	_ =	shalt  }
0x64: {  	_ =	shalt  }
0x65: {  	_ =	shalt  }
0x66: {  	_ =	shalt  }
0x67: {  	_ =	shalt  }
0x68: {  	_ =	shalt  }
0x69: {  	_ =	shalt  }
0x6a: {  	_ =	shalt  }
0x6b: {  	_ =	shalt  }
0x6c: {  	_ =	shalt  }
0x6d: {  	_ =	shalt  }
0x6e: {  	_ =	shalt  }
0x6f: {  	_ =	shalt  }
0x70: {  	_ =	shalt  }
0x71: {  	_ =	shalt  }
0x72: {  	_ =	shalt  }
0x73: {  	_ =	shalt  }
0x74: {  	_ =	shalt  }
0x75: {  	_ =	shalt  }
0x76: {  	_ =	shalt  }
0x77: {  	_ =	shalt  }
0x78: {  	_ =	shalt  }
0x79: {  	_ =	shalt  }
0x7a: {  	_ =	shalt  }
0x7b: {  	_ =	shalt  }
0x7c: {  	_ =	shalt  }
0x7d: {  	_ =	shalt  }
0x7e: {  	_ =	shalt  }
0x7f: {  	_ =	shalt  }
0x80: {  	_ =	shalt  }
0x81: {  	_ =	shalt  }
0x82: {  	_ =	shalt  }
0x83: {  	_ =	shalt  }
0x84: {  	_ =	shalt  }
0x85: {  	_ =	shalt  }
0x86: {  	_ =	shalt  }
0x87: {  	_ =	shalt  }
.Lfunc_end0:
.L_simem_size_0:
called_computation_lowered:
.L_overlay_start_0:
0x88: {  	s2 =	sld [smem:$0x3FD9]  }
0x89: {  	s3 =	sld [smem:$0x3FFE];
	_ =	sdelay $0x1  }
0x8a: {  	s1 =	srdreg.scid  }
0x8b: {  	s0 =	sand.u32 $0x1, s1  }
0x8c: {  	s17 =	sshll.u32 s0, $0xA;
	s2 =	sadd.s32 s3, s2  }
0x8d: {  	s2 =	sadd.s32 s2, s17  }
0x8e: {  	[smem:$0x3FBC] =	sst s2  }
0x8f: {  	_ = 	snop  }
0x90: {  	s2 =	sld [smem:$0x3FD0];
	(tm) =	ssettm $0x1  }
0x91: {  	s18 =	sld [smem:$0x3FFB];
	_ =	sdelay $0x3  }
0x92: {  	_ =	strace s18  }
0x93: {  	s3 =	sld [smem:$0x3FFC];
	_ =	sdelay $0x3  }
0x94: {  	_ =	strace s3  }
0x95: {  	s3 =	sld [smem:$0x3FFD];
	_ =	sdelay $0x3  }
0x96: {  	_ =	strace s3  }
0x97: {  	_ =	strace $0x8FFFFFFF  }
0x98: {  	s19 =	sld [smem:$0x3FDB];
	_ =	sdelay $0x1  }
0x99: {  	s4 =	simm.s32 $_scs_section_size  }
0x9a: {  	s5 =	simm.s32 $_size__tile_overlayer_lowered;
	s6 =	simm.s32 $_tile_overlayer_lowered  }
0x9b: {  	s22 =	simm.s32 $0x1BFF;
	s21 =	sshll.u32 s6, $0x1;
	s3 =	sadd.s32 s4, s19  }
0x9c: {  	s7 =	simm.s32 $0x0;
	s20 =	sshll.u32 s5, $0x1;
	s5 =	sadd.s32 s21, s3  }
0x9d: {  	[timem:s7], [sflag:s22] =	dma.local [hbm:s5], s20  }
0x9e: {  	_ =	swait.ge [sflag:s22], s20  }
0x9f: {  	s4 =	ssub.s32 $0x0, s20;
	[sflag:s22] =	ssyncset.done $0x0  }
0xa0: {  	[sflag:s22] =	ssyncadd.s32 s4;
	_ =	sdelay $0x1  }
0xa1: {  	s23 =	simm.s32 $0x1B8B  }
0xa2: {  	_ =	swait.ge [sflag:s23], $0x1  }
0xa3: {  	[sflag:s23] =	ssyncset.done $0x0  }
0xa4: {  	s25 =	simm.s32 $0x1B8E;
	s24 =	sld [smem:$0x3FFE];
	[sflag:s23] =	ssyncadd.s32 $0xFFFFFFFF  }
0xa5: {  	s26 =	simm.s32 $execute0_lowered;
	[smem:$0x3FD2] =	sst s25  }
0xa6: {  	s5 =	sshll.u32 s26, $0x1;
	_ =	strace $0x80000046;
	[dreg:$0x1] =	wrdreg $0xFFFFFFFF  }
0xa7: {  	s28 =	simm.s32 $_size_execute0_lowered;
	s3 =	sadd.s32 s3, s5;
	[dreg:$0x0] =	wrdreg $0x0  }
0xa8: {  	s5 =	sshll.u32 s28, $0x1;
	[dreg:$0x2] =	wrdreg s3  }
0xa9: {  	[dreg:$0x3] =	wrdreg s5  }
0xaa: {  	[dreg:$0x4] =	wrdreg $0xC0  }
0xab: {  	_ =	task [dreg:s7], $0x5FFFF  }
0xac: {  	[dreg:$0x1] =	wrdreg $0xFFFFFFFF  }
0xad: {  	[dreg:$0x0] =	wrdreg $0x60  }
0xae: {  	[dreg:$0x2] =	wrdreg s24  }
0xaf: {  	[dreg:$0x3] =	wrdreg s2  }
0xb0: {  	[dreg:$0x4] =	wrdreg $0x5800  }
0xb1: {  	[dreg:$0x5] =	wrdreg $0x9  }
0xb2: {  	_ =	task.clear_ibuf [dreg:s7], $0x6FFFF;
	_ =	strace $0x90000046  }
0xb3: {  	s29 =	simm.s32 $0x9;
	_ =	strace $0x80000048  }
0xb4: {  	_ =	swait.ge [sflag:s29], $0x1  }
0xb5: {  	[sflag:s29] =	ssyncadd.s32 $0xFFFFFFFF  }
0xb6: {  	_ =	strace $0x90000048  }
0xb7: {  	_ =	sfence  }
0xb8: {  	s30 =	sld [smem:$0x0];
	_ =	sdelay $0x2  }
0xb9: {  	s31 =	sshll.u32 s1, $0xD;
	s1 =	sshrl.u32 s1, $0x2  }
0xba: {  	s3 =	sand.u32 $0x4000, s31;
	s1 =	sadd.s32 s1, s30  }
0xbb: {  	s0 =	sor.u32 s3, s0;
	s1 =	sshll.u32 s1, $0x11  }
0xbc: {  	s0 =	sor.u32 s1, s0  }
0xbd: {  	s0 =	sadd.s32 $0x8F2B, s0  }
0xbe: {  	[sflag:s0] =	ssyncadd.remote.s32 $0x1  }
0xbf: {  	_ =	sfence.sel $0xFFFF  }
0xc0: {  	[dreg:$0x0] =	wrdreg $0xFFFFFFFF;
	(pc) =	sbr.abs _section_cstart, $3  }
0xc1: {  	[dreg:$0x1] =	wrdreg $0xFFFFFFFF  }
0xc2: {  	_ =	task.clear_ibuf [dreg:s7], $0x2FFFF;
	_ =	strace $0x9FFFFFFF  }
0xc3: {  	(tm) =	ssettm $0x7FFFFFFF  }
tec
execute0_lowered:
.L_overlay_start_1:
0x0: {  	(tag) =	ssettag $0x1  }
0x1: {  	s0 =	rddreg [dreg:$0x0]  }
0x2: {  	s1 =	srdreg.scid;
	s7 =	rddreg [dreg:$0x1]  }
0x3: {  	s2 =	rddreg [dreg:$0x2];
	s10 =	stileid.u32;
	s3 =	simm.s32 $0x0  }
0x4: {  	s28 =	simm.s32 $0x3;
	s29 =	simm.s32 $0x4;
	s30 =	simm.s32 $0x5  }
0x5: {  	s31 =	simm.s32 $0x6;
	s1 =	sand.u32 $0x1, s1;
	s8 =	smul.u32 $0x280, s10  }
0x6: {  	[smem:$0x7FF] =	sst s3;
	s4 =	sshll.u32 s1, $0x4;
	s9 =	smul.u32 $0x27100, s1  }
0x7: {  	_ =	strace $0x80000047;
	s6 =	ssub.s32 $0x2, s1;
	s1 =	smul.u32 $0x2800, s1  }
0x8: {  	s4 =	sor.u32 s10, s4;
	s17 =	sshrl.u32 s6, $0x1;
	s10 =	smul.u32 $0x2710, s10  }
0x9: {  	s5 =	smul.u32 $0x2710, s4;
	s4 =	sadd.s32 $0xC600, s0;
	s0 =	ssub.s32 s6, s17  }
0xa: {  	s1 =	sadd.s32 s8, s1;
	s17 =	simm.s32 $0x300;
	s9 =	sadd.s32 s10, s9  }
0xb: {  	s1 =	sshrl.u32 s1, $0x3;
	s0 =	smax.u32 s0, $0x1;
	s18 =	sshrl.u32 s5, $0x3  }
0xc: {  	s5 =	sadd.s32 s8, s2;
	s21 =	sadd.s32 $0x2D0, s9;
	s1 =	sadd.s32 s7, s1  }
0xd: {  	[dreg:$0xb] =	wrdreg s0;
	s23 =	sadd.s32 $0x280, s9;
	s24 =	sadd.s32 $0x230, s9  }
0xe: {  	s25 =	sadd.s32 $0x1E0, s9;
	s16 =	sadd.s32 $0x190, s9;
	s7 =	simm.s32 $0x9  }
0xf: {  	s9 =	simm.s32 $0x0;
	s6 =	sadd.s32 s4, s18;
	s8 =	sshrl.u32 s21, $0x3  }
0x10: {  	[dreg:$0xa] =	wrdreg s1;
	s0 =	sshrl.u32 s23, $0x3;
	s1 =	sshrl.u32 s24, $0x3  }
0x11: {  	s26 =	sshrl.u32 s25, $0x3;
	s18 =	simm.s32 $0xB;
	s21 =	simm.s32 $0x180  }
0x12: {  	s23 =	simm.s32 $0x1;
	s24 =	simm.s32 $0x50;
	s25 =	simm.s32 $0x280  }
0x13: {  	s11 =	sadd.s32 $0xA, s6;
	s19 =	sadd.s32 $0x14, s6;
	[dreg:$0x5] =	wrdreg s6  }
0x14: {  	s20 =	sadd.s32 $0x1E, s6;
	s6 =	sadd.s32 $0x28, s6;
	[dreg:$0x6] =	wrdreg s11  }
0x15: {  	s22 =	sadd.s32 s8, s4;
	s13 =	sadd.s32 s0, s4;
	[dreg:$0x7] =	wrdreg s19  }
0x16: {  	s14 =	sadd.s32 s1, s4;
	s15 =	sadd.s32 s26, s4;
	[dreg:$0x8] =	wrdreg s20  }
0x17: {  	s26 =	simm.s32 $0x2;
	s0 =	simm.s32 $0x7;
	[dreg:$0x9] =	wrdreg s6  }
0x18: {  	s1 =	simm.s32 $0x8;
	s8 =	simm.s32 $0xA;
	[dreg:$0x4] =	wrdreg s22  }
0x19: {  	v0 =	vimm.f32 $1.000000000e+00;
	v1 =	vimm.f32 $0.0e+00;
	s19 =	simm.s32 $0x80;
	s20 =	simm.s32 $0x100;
	s22 =	simm.s32 $0x200  }
.LBB2_1:
0x1a: {  	[tilespmem:$0x280] =	vst v0  }
0x1b: {  	[tilespmem:$0x290] =	vst v0  }
0x1c: {  	[tilespmem:$0x2A0] =	vst v0  }
0x1d: {  	[tilespmem:$0x2B0] =	vst v0  }
0x1e: {  	[tilespmem:$0x2C0] =	vst v0  }
0x1f: {  	[tilespmem:$0x300] =	vst v1  }
0x20: {  	[tilespmem:$0x310] =	vst v1  }
0x21: {  	[tilespmem:$0x320] =	vst v1  }
0x22: {  	[tilespmem:$0x330] =	vst v1  }
0x23: {  	[tilespmem:$0x340] =	vst v1  }
0x24: {  	[tilespmem:$0x350] =	vst v1  }
0x25: {  	[tilespmem:$0x360] =	vst v1  }
0x26: {  	[tilespmem:$0x370] =	vst v1  }
0x27: {  	[tilespmem:$0x380] =	vst v1  }
0x28: {  	[tilespmem:$0x390] =	vst v1  }
0x29: {  	[tilespmem:$0x3A0] =	vst v1  }
0x2a: {  	[tilespmem:$0x3B0] =	vst v1  }
0x2b: {  	[tilespmem:$0x3C0] =	vst v1  }
0x2c: {  	[tilespmem:$0x3D0] =	vst v1  }
0x2d: {  	[tilespmem:$0x3E0] =	vst v1  }
0x2e: {  	[tilespmem:$0x3F0] =	vst v1  }
0x2f: {  	[tilespmem:$0x400] =	vst v1  }
0x30: {  	[tilespmem:$0x410] =	vst v1  }
0x31: {  	[tilespmem:$0x420] =	vst v1  }
0x32: {  	[tilespmem:$0x430] =	vst v1  }
0x33: {  	[tilespmem:$0x440] =	vst v1  }
0x34: {  	[tilespmem:$0x450] =	vst v1  }
0x35: {  	[tilespmem:$0x460] =	vst v1  }
0x36: {  	[tilespmem:$0x470] =	vst v1  }
0x37: {  	[tilespmem:$0x480] =	vst v1  }
0x38: {  	[tilespmem:$0x490] =	vst v1  }
0x39: {  	[tilespmem:$0x4A0] =	vst v1  }
0x3a: {  	[tilespmem:$0x4B0] =	vst v1  }
0x3b: {  	[tilespmem:$0x4C0] =	vst v1  }
0x3c: {  	[tilespmem:$0x4D0] =	vst v1  }
0x3d: {  	[tilespmem:$0x4E0] =	vst v1  }
0x3e: {  	[tilespmem:$0x4F0] =	vst v1  }
0x3f: {  	[tilespmem:$0x500] =	vst v1  }
0x40: {  	[tilespmem:$0x510] =	vst v1  }
0x41: {  	[tilespmem:$0x520] =	vst v1  }
0x42: {  	[tilespmem:$0x530] =	vst v1  }
0x43: {  	[tilespmem:$0x540] =	vst v1  }
0x44: {  	[tilespmem:$0x550] =	vst v1  }
0x45: {  	[tilespmem:$0x560] =	vst v1  }
0x46: {  	[tilespmem:$0x570] =	vst v1  }
0x47: {  	[spmem:s5] =	stream.linear.scatter [tilespmem:s17], [sflag:$0xB], $0x280, $0x38;
	[tilespmem:$0x800] =	vst v63  }
0x48: {  	_ =	swait.ge [sflag:s18], $0x280  }
0x49: {  	[sflag:s18] =	ssyncset.done $0x0  }
0x4a: {  	[sflag:s18] =	ssyncadd.s32 $0xFFFFFD80  }
0x4b: {  	[bflag:$0x0] =	sbarrier.arrive $0xFFFF  }
0x4c: {  	s6 =	rddreg [dreg:$0x5]  }
0x4d: {  	[tilespmem:s3], [sflag:$0x1] =	stream.linear.gather [hbm4b:s6+s3], $0x50, $0x38;
	[tilespmem:$0x800] =	vst v63  }
0x4e: {  	s11 =	rddreg [dreg:$0x6]  }
0x4f: {  	[tilespmem:s19], [sflag:$0x2] =	stream.linear.gather [hbm4b:s11+s3], $0x50, $0x38;
	[tilespmem:$0x800] =	vst v63  }
0x50: {  	s12 =	rddreg [dreg:$0x7]  }
0x51: {  	[tilespmem:s20], [sflag:$0x3] =	stream.linear.gather [hbm4b:s12+s3], $0x50, $0x38;
	[tilespmem:$0x800] =	vst v63  }
0x52: {  	s10 =	rddreg [dreg:$0x8]  }
0x53: {  	[tilespmem:s21], [sflag:$0x4] =	stream.linear.gather [hbm4b:s10+s3], $0x50, $0x38;
	[tilespmem:$0x800] =	vst v63  }
0x54: {  	s11 =	rddreg [dreg:$0x9]  }
0x55: {  	[tilespmem:s22], [sflag:$0x5] =	stream.linear.gather [hbm4b:s11+s3], $0x50, $0x38;
	[tilespmem:$0x800] =	vst v63  }
0x56: {  	_ =	swait.ge [sflag:s23], $0x50  }
0x57: {  	[sflag:s23] =	ssyncset.done $0x0  }
0x58: {  	[sflag:s23] =	ssyncadd.s32 $0xFFFFFFB0  }
0x59: {  	[spmem:s2] =	stream.indirect.scatter.add.f32 [tilespmem:s25], [sflag:$0x6], $0x1, s3, s24, $0xb8;
	[tilespmem:$0x800] =	vst v63  }
0x5a: {  	_ =	swait.ge [sflag:s26], $0x50  }
0x5b: {  	[sflag:s26] =	ssyncset.done $0x0  }
0x5c: {  	[sflag:s26] =	ssyncadd.s32 $0xFFFFFFB0  }
0x5d: {  	[spmem:s2] =	stream.indirect.scatter.add.f32 [tilespmem:s25], [sflag:$0x7], $0x1, s19, s24, $0xb8;
	[tilespmem:$0x800] =	vst v63  }
0x5e: {  	_ =	swait.ge [sflag:s28], $0x50  }
0x5f: {  	[sflag:s28] =	ssyncset.done $0x0  }
0x60: {  	[sflag:s28] =	ssyncadd.s32 $0xFFFFFFB0  }
0x61: {  	[spmem:s2] =	stream.indirect.scatter.add.f32 [tilespmem:s25], [sflag:$0x8], $0x1, s20, s24, $0xb8;
	[tilespmem:$0x800] =	vst v63  }
0x62: {  	_ =	swait.ge [sflag:s29], $0x50  }
0x63: {  	[sflag:s29] =	ssyncset.done $0x0  }
0x64: {  	[sflag:s29] =	ssyncadd.s32 $0xFFFFFFB0  }
0x65: {  	[spmem:s2] =	stream.indirect.scatter.add.f32 [tilespmem:s25], [sflag:$0x9], $0x1, s21, s24, $0xb8;
	[tilespmem:$0x800] =	vst v63  }
0x66: {  	_ =	swait.ge [sflag:s30], $0x50  }
0x67: {  	[sflag:s30] =	ssyncset.done $0x0  }
0x68: {  	[sflag:s30] =	ssyncadd.s32 $0xFFFFFFB0  }
0x69: {  	[spmem:s2] =	stream.indirect.scatter.add.f32 [tilespmem:s25], [sflag:$0xA], $0x1, s22, s24, $0xb8;
	[tilespmem:$0x800] =	vst v63  }
0x6a: {  	_ =	swait.ge [sflag:s31], $0x50  }
0x6b: {  	s10 =	sshrl.u32 s16, $0x3;
	[sflag:s31] =	ssyncset.done $0x0  }
0x6c: {  	s10 =	sadd.s32 s4, s10;
	[sflag:s31] =	ssyncadd.s32 $0xFFFFFFB0  }
0x6d: {  	[tilespmem:s3], [sflag:$0x1] =	stream.linear.gather [hbm4b:s10+s3], $0x50, $0x38;
	[tilespmem:$0x800] =	vst v63  }
0x6e: {  	_ =	swait.ge [sflag:s0], $0x50  }
0x6f: {  	[sflag:s0] =	ssyncset.done $0x0  }
0x70: {  	s12 =	sadd.s32 $0x0, s15;
	[sflag:s0] =	ssyncadd.s32 $0xFFFFFFB0  }
0x71: {  	[tilespmem:s19], [sflag:$0x2] =	stream.linear.gather [hbm4b:s12+s3], $0x50, $0x38;
	[tilespmem:$0x800] =	vst v63  }
0x72: {  	_ =	swait.ge [sflag:s1], $0x50  }
0x73: {  	[sflag:s1] =	ssyncset.done $0x0  }
0x74: {  	s6 =	sadd.s32 $0x0, s14;
	[sflag:s1] =	ssyncadd.s32 $0xFFFFFFB0  }
0x75: {  	[tilespmem:s20], [sflag:$0x3] =	stream.linear.gather [hbm4b:s6+s3], $0x50, $0x38;
	[tilespmem:$0x800] =	vst v63  }
0x76: {  	_ =	swait.ge [sflag:s7], $0x50  }
0x77: {  	[sflag:s7] =	ssyncset.done $0x0  }
0x78: {  	s11 =	sadd.s32 $0x0, s13;
	[sflag:s7] =	ssyncadd.s32 $0xFFFFFFB0  }
0x79: {  	[tilespmem:s21], [sflag:$0x4] =	stream.linear.gather [hbm4b:s11+s3], $0x50, $0x38;
	[tilespmem:$0x800] =	vst v63  }
0x7a: {  	_ =	swait.ge [sflag:s8], $0x50  }
0x7b: {  	s12 =	rddreg [dreg:$0x4];
	[sflag:s8] =	ssyncset.done $0x0  }
0x7c: {  	[sflag:s8] =	ssyncadd.s32 $0xFFFFFFB0;
	s10 =	sadd.s32 $0x0, s12  }
0x7d: {  	[tilespmem:s22], [sflag:$0x5] =	stream.linear.gather [hbm4b:s10+s3], $0x50, $0x38;
	[tilespmem:$0x800] =	vst v63  }
0x7e: {  	_ =	swait.ge [sflag:s23], $0x50  }
0x7f: {  	[sflag:s23] =	ssyncset.done $0x0  }
0x80: {  	[sflag:s23] =	ssyncadd.s32 $0xFFFFFFB0  }
0x81: {  	[spmem:s2] =	stream.indirect.scatter.add.f32 [tilespmem:s25], [sflag:$0x6], $0x1, s3, s24, $0xb8;
	[tilespmem:$0x800] =	vst v63  }
0x82: {  	_ =	swait.ge [sflag:s26], $0x50  }
0x83: {  	[sflag:s26] =	ssyncset.done $0x0  }
0x84: {  	[sflag:s26] =	ssyncadd.s32 $0xFFFFFFB0  }
0x85: {  	[spmem:s2] =	stream.indirect.scatter.add.f32 [tilespmem:s25], [sflag:$0x7], $0x1, s19, s24, $0xb8;
	[tilespmem:$0x800] =	vst v63  }
0x86: {  	_ =	swait.ge [sflag:s28], $0x50  }
0x87: {  	[sflag:s28] =	ssyncset.done $0x0  }
0x88: {  	[sflag:s28] =	ssyncadd.s32 $0xFFFFFFB0  }
0x89: {  	[spmem:s2] =	stream.indirect.scatter.add.f32 [tilespmem:s25], [sflag:$0x8], $0x1, s20, s24, $0xb8;
	[tilespmem:$0x800] =	vst v63  }
0x8a: {  	_ =	swait.ge [sflag:s29], $0x50  }
0x8b: {  	[sflag:s29] =	ssyncset.done $0x0  }
0x8c: {  	[sflag:s29] =	ssyncadd.s32 $0xFFFFFFB0  }
0x8d: {  	[spmem:s2] =	stream.indirect.scatter.add.f32 [tilespmem:s25], [sflag:$0x9], $0x1, s21, s24, $0xb8;
	[tilespmem:$0x800] =	vst v63  }
0x8e: {  	_ =	swait.ge [sflag:s30], $0x50  }
0x8f: {  	[sflag:s30] =	ssyncset.done $0x0  }
0x90: {  	s11 =	sadd.s32 $0x190, s16;
	s10 =	simm.s32 $0x32;
	[sflag:s30] =	ssyncadd.s32 $0xFFFFFFB0  }
.LBB2_2:
0x91: {  	[spmem:s2] =	stream.indirect.scatter.add.f32 [tilespmem:s25], [sflag:$0xA], $0x1, s22, s24, $0xb8;
	[tilespmem:$0x800] =	vst v63  }
0x92: {  	_ =	swait.ge [sflag:s31], $0x50  }
0x93: {  	s6 =	sshrl.u32 s11, $0x3;
	[sflag:s31] =	ssyncset.done $0x0  }
0x94: {  	s6 =	sadd.s32 s4, s6;
	[sflag:s31] =	ssyncadd.s32 $0xFFFFFFB0  }
0x95: {  	[tilespmem:s3], [sflag:$0x1] =	stream.linear.gather [hbm4b:s6+s3], $0x50, $0x38;
	[tilespmem:$0x800] =	vst v63  }
0x96: {  	_ =	swait.ge [sflag:s0], $0x50  }
0x97: {  	s12 =	smov.u32 s10;
	[sflag:s0] =	ssyncset.done $0x0  }
0x98: {  	s6 =	sadd.s32 s12, s15;
	[sflag:s0] =	ssyncadd.s32 $0xFFFFFFB0  }
0x99: {  	[tilespmem:s19], [sflag:$0x2] =	stream.linear.gather [hbm4b:s6+s3], $0x50, $0x38;
	[tilespmem:$0x800] =	vst v63  }
0x9a: {  	_ =	swait.ge [sflag:s1], $0x50  }
0x9b: {  	[sflag:s1] =	ssyncset.done $0x0  }
0x9c: {  	s6 =	sadd.s32 s12, s14;
	[sflag:s1] =	ssyncadd.s32 $0xFFFFFFB0  }
0x9d: {  	[tilespmem:s20], [sflag:$0x3] =	stream.linear.gather [hbm4b:s6+s3], $0x50, $0x38;
	[tilespmem:$0x800] =	vst v63  }
0x9e: {  	_ =	swait.ge [sflag:s7], $0x50  }
0x9f: {  	[sflag:s7] =	ssyncset.done $0x0  }
0xa0: {  	s6 =	sadd.s32 s12, s13;
	[sflag:s7] =	ssyncadd.s32 $0xFFFFFFB0  }
0xa1: {  	[tilespmem:s21], [sflag:$0x4] =	stream.linear.gather [hbm4b:s6+s3], $0x50, $0x38;
	[tilespmem:$0x800] =	vst v63  }
0xa2: {  	_ =	swait.ge [sflag:s8], $0x50  }
0xa3: {  	s6 =	rddreg [dreg:$0x4];
	[sflag:s8] =	ssyncset.done $0x0  }
0xa4: {  	[sflag:s8] =	ssyncadd.s32 $0xFFFFFFB0;
	s6 =	sadd.s32 s12, s6  }
0xa5: {  	[tilespmem:s22], [sflag:$0x5] =	stream.linear.gather [hbm4b:s6+s3], $0x50, $0x38;
	[tilespmem:$0x800] =	vst v63  }
0xa6: {  	_ =	swait.ge [sflag:s23], $0x50  }
0xa7: {  	[sflag:s23] =	ssyncset.done $0x0  }
0xa8: {  	[sflag:s23] =	ssyncadd.s32 $0xFFFFFFB0  }
0xa9: {  	[spmem:s2] =	stream.indirect.scatter.add.f32 [tilespmem:s25], [sflag:$0x6], $0x1, s3, s24, $0xb8;
	[tilespmem:$0x800] =	vst v63  }
0xaa: {  	_ =	swait.ge [sflag:s26], $0x50  }
0xab: {  	[sflag:s26] =	ssyncset.done $0x0  }
0xac: {  	[sflag:s26] =	ssyncadd.s32 $0xFFFFFFB0  }
0xad: {  	[spmem:s2] =	stream.indirect.scatter.add.f32 [tilespmem:s25], [sflag:$0x7], $0x1, s19, s24, $0xb8;
	[tilespmem:$0x800] =	vst v63  }
0xae: {  	_ =	swait.ge [sflag:s28], $0x50  }
0xaf: {  	[sflag:s28] =	ssyncset.done $0x0  }
0xb0: {  	[sflag:s28] =	ssyncadd.s32 $0xFFFFFFB0  }
0xb1: {  	[spmem:s2] =	stream.indirect.scatter.add.f32 [tilespmem:s25], [sflag:$0x8], $0x1, s20, s24, $0xb8;
	[tilespmem:$0x800] =	vst v63  }
0xb2: {  	_ =	swait.ge [sflag:s29], $0x50  }
0xb3: {  	p0 =	sne.s32 s10, $0x47E;
	[sflag:s29] =	ssyncset.done $0x0  }
.Ltmp0:
0xb4: {  	[sflag:s29] =	ssyncadd.s32 $0xFFFFFFB0;
	(pc) =	sbr.rel @p0 .LBB2_2-.Ltmp0, $4  }
0xb5: {  	[spmem:s2] =	stream.indirect.scatter.add.f32 [tilespmem:s25], [sflag:$0x9], $0x1, s21, s24, $0xb8;
	[tilespmem:$0x800] =	vst v63  }
0xb6: {  	_ =	swait.ge [sflag:s30], $0x50  }
0xb7: {  	[sflag:s30] =	ssyncset.done $0x0  }
0xb8: {  	s10 =	sadd.s32 $0x32, s10;
	s11 =	sadd.s32 $0x190, s11;
	[sflag:s30] =	ssyncadd.s32 $0xFFFFFFB0  }
0xb9: {  	[spmem:s2] =	stream.indirect.scatter.add.f32 [tilespmem:s25], [sflag:$0xA], $0x1, s22, s24, $0xb8;
	[tilespmem:$0x800] =	vst v63  }
0xba: {  	_ =	swait.ge [sflag:s31], $0x50  }
0xbb: {  	[sflag:s31] =	ssyncset.done $0x0  }
0xbc: {  	[sflag:s31] =	ssyncadd.s32 $0xFFFFFFB0  }
0xbd: {  	_ =	swait.ge [sflag:s0], $0x50  }
0xbe: {  	[sflag:s0] =	ssyncset.done $0x0  }
0xbf: {  	[sflag:s0] =	ssyncadd.s32 $0xFFFFFFB0  }
0xc0: {  	_ =	swait.ge [sflag:s1], $0x50  }
0xc1: {  	[sflag:s1] =	ssyncset.done $0x0  }
0xc2: {  	[sflag:s1] =	ssyncadd.s32 $0xFFFFFFB0  }
0xc3: {  	_ =	swait.ge [sflag:s7], $0x50  }
0xc4: {  	[sflag:s7] =	ssyncset.done $0x0  }
0xc5: {  	[sflag:s7] =	ssyncadd.s32 $0xFFFFFFB0  }
0xc6: {  	_ =	swait.ge [sflag:s8], $0x50  }
0xc7: {  	[sflag:s8] =	ssyncset.done $0x0  }
0xc8: {  	[sflag:s8] =	ssyncadd.s32 $0xFFFFFFB0  }
0xc9: {  	[bflag:$0x0] =	sbarrier.arrive $0xFFFF  }
0xca: {  	[tilespmem:s17], [sflag:$0xB] =	stream.linear.gather [spmem:s5], $0x280, $0x38;
	[tilespmem:$0x800] =	vst v63  }
0xcb: {  	_ =	swait.ge [sflag:s18], $0x280  }
0xcc: {  	[sflag:s18] =	ssyncset.done $0x0  }
0xcd: {  	s6 =	rddreg [dreg:$0xa];
	[sflag:s18] =	ssyncadd.s32 $0xFFFFFD80  }
0xce: {  	[hbm4b:s6+s3] =	stream.linear.scatter [tilespmem:s17], [sflag:$0xB], $0x280, $0x38;
	[tilespmem:$0x800] =	vst v63  }
0xcf: {  	_ =	swait.ge [sflag:s18], $0x280  }
0xd0: {  	s9 =	sadd.s32 $0x1, s9;
	s12 =	rddreg [dreg:$0xb]  }
0xd1: {  	p0 =	sne.s32 s9, s12  }
.Ltmp1:
0xd2: {  	_ = 	snop;
	(pc) =	sbr.rel @p0 .LBB2_1-.Ltmp1, $3  }
0xd3: {  	_ =	sdelay $0x1  }
0xd4: {  	[sflag:s18] =	ssyncset.done $0x0  }
0xd5: {  	[sflag:s18] =	ssyncadd.s32 $0xFFFFFD80  }
0xd6: {  	_ =	sfence.sel $0x180000  }
0xd7: {  	[bflag:$0x0] =	sbarrier.arrive $0xFFFF  }
0xd8: {  	_ =	strace $0x90000047  }
0xd9: {  	s0 =	stileid.u32;
	[bflag:$0x2] =	sbarrier.arrive $0xFFFF  }
0xda: {  	p0 =	sne.s32 s0, $0x0;
	s0 =	rddreg [dreg:$0x3]  }
0xdb: {  	s0 =	sadd.s32 @!p0 $0x100000, s0  }
0xdc: {  	[sflag:s0] =	ssyncadd.tile.s32 @!p0 $0x1;
	_ =	shalt  }
.Lfunc_end2:
_tile_overlayer_lowered:
.L_overlay_start_2:
0xdd: {  	(tag) =	ssettag $0x2  }
0xde: {  	s0 =	rddreg [dreg:$0x0];
	s2 =	stileid.u32  }
0xdf: {  	s1 =	rddreg [dreg:$0x1];
	p0 =	sne.s32 s2, $0x0  }
0xe0: {  	s3 =	rddreg [dreg:$0x2];
	[bflag:$0x3] =	sbarrier.arrive $0xFFFF;
	s2 =	simm.s32 @!p0 $0x1C0B  }
0xe1: {  	[timem:s3], [sflag:s2] =	dma.local @!p0 [hbm:s0], s1  }
0xe2: {  	s0 =	simm.s32 @!p0 $0xB  }
0xe3: {  	_ =	swait.ge @!p0 [sflag:s0], s1  }
0xe4: {  	s1 =	ssub.s32 @!p0 $0x0, s1;
	[sflag:s0] =	ssyncset.done @!p0 $0x0  }
0xe5: {  	[sflag:s0] =	ssyncadd.s32 @!p0 s1  }
0xe6: {  	[bflag:$0x3] =	sbarrier.arrive $0xFFFF  }
0xe7: {  	_ =	shalt  }

// kernel: kernel.9.cloned.1.call-start
scs
__scs_entry_jumppad:
0x0: {  	(pc) =	sbr.rel $0x88, $3  }
0x1: {  	(tag) =	ssettag $0x0;
	lr =	simm.s32 $0x1  }
0x2: {  	[smem:$0x3F95] =	sst lr;
	_ =	strace $0xD0000000  }
0x3: {  	_ = 	snop  }
0x4: {  	_ = 	snop  }
0x5: {  	_ = 	snop  }
0x6: {  	_ = 	snop  }
0x7: {  	_ = 	snop  }
__scs_overlays_trampoline_lowered:
0x8: {  	[smem:$0x3FA4] =	sst s0  }
0x9: {  	[smem:$0x3FA5] =	sst s1  }
0xa: {  	[smem:$0x3FA6] =	sst s2  }
0xb: {  	[smem:$0x3FA7] =	sst s3  }
0xc: {  	[smem:$0x3FA8] =	sst s4  }
0xd: {  	[smem:$0x3FA9] =	sst s5  }
0xe: {  	[smem:$0x3FAA] =	sst s6  }
0xf: {  	[smem:$0x3FAB] =	sst s7  }
0x10: {  	[smem:$0x3FAC] =	sst s8  }
0x11: {  	[smem:$0x3FAD] =	sst s9;
	s0 =	simm.s32 @!p0 $0x0  }
0x12: {  	s1 =	sld [smem:$0x3F93];
	s0 =	simm.s32 @p0 $0x1  }
0x13: {  	[smem:$0x3FAE] =	sst s0;
	s0 =	simm.s32 @!p1 $0x0  }
0x14: {  	s2 =	sld [smem:$0x3F92];
	s0 =	simm.s32 @p1 $0x1  }
0x15: {  	[smem:$0x3FAF] =	sst s0;
	s0 =	simm.s32 @!p2 $0x0  }
0x16: {  	s3 =	sld [smem:$0x3FDB];
	s0 =	simm.s32 @p2 $0x1  }
0x17: {  	s4 =	simm.s32 $0x1BF5;
	[smem:$0x3FB1] =	sst s0  }
0x18: {  	s0 =	sld [smem:$0x3F94];
	_ =	swait.ge [sflag:s4], $0x0  }
0x19: {  	s7 =	sld [smem:$0x3F95]  }
0x1a: {  	s8 =	sadd.s32 $0xFFFFE003, lr  }
0x1b: {  	s9 =	sadd.s32 $0xFFFFFEF7, lr;
	s5 =	simm.s32 $0xFFFFFFFF;
	p2 =	slt.u32 s8, $0xFFFFF086  }
0x1c: {  	p1 =	slt.u32 s9, $0xF7A;
	s5 =	simm.s32 @!p2 $0x0  }
0x1d: {  	s5 =	simm.s32 @p1 $0x1;
	p0 =	seq.s32 s7, s2  }
0x1e: {  	s7 =	smul.u32 @!p0 $0xF7A, s2;
	p2 =	seq.s32 @!p0 s5, $0x0  }
0x1f: {  	s9 =	smul.u32 $0xF7A, s1;
	s8 =	simm.s32 @!p0 $0x1BF5;
	p2 =	por !p2, p0  }
0x20: {  	[sflag:s8] =	ssyncset.s32 @!p0 $0xFFFFF086;
	s6 =	sadd.s32 @!p0 s3, s7;
	s7 =	simm.s32 @!p0 $0x108  }
0x21: {  	s3 =	sadd.s32 s3, s9;
	s6 =	sadd.s32 @!p0 $0x88, s6;
	s7 =	simm.s32 @p2 $0x1082  }
0x22: {  	[simem:s7], [sflag:s8] =	dma.local @!p0 [hbm:s6], $0xF7A  }
0x23: {  	s9 =	sor.u32 $0xD0000000, s2;
	s6 =	simm.s32 $0x108;
	_ =	swait.ge @!p0 [sflag:s8], $0x0  }
0x24: {  	s3 =	sadd.s32 $0x88, s3;
	s6 =	simm.s32 @!p1 $0x1082;
	[sflag:s4] =	ssyncset.s32 $0xFFFFF086  }
0x25: {  	[simem:s6], [sflag:s4] =	dma.local [hbm:s3], $0xF7A  }
0x26: {  	[smem:$0x3F95] =	sst s1;
	(tag) =	ssettag s2;
	_ =	strace s9  }
0x27: {  	s1 =	sld [smem:$0x3FA5]  }
0x28: {  	s2 =	sld [smem:$0x3FA6]  }
0x29: {  	s4 =	sld [smem:$0x3FA8]  }
0x2a: {  	p0 =	seq.s32 s5, $0x0;
	s5 =	sld [smem:$0x3FA9]  }
0x2b: {  	s6 =	sld [smem:$0x3FAA]  }
0x2c: {  	s7 =	sld [smem:$0x3FAB]  }
0x2d: {  	s3 =	simm.s32 $0x108;
	s8 =	sld [smem:$0x3FAC]  }
0x2e: {  	s3 =	simm.s32 @!p0 $0x1082;
	s9 =	sld [smem:$0x3FAD]  }
0x2f: {  	lr =	sadd.s32 s0, s3;
	s0 =	sld [smem:$0x3FA4]  }
0x30: {  	s3 =	sld [smem:$0x3FA7]  }
0x31: {  	[smem:$0x3FB0] =	sst s10  }
0x32: {  	s10 =	sld [smem:$0x3FAE];
	_ =	sdelay $0x3  }
0x33: {  	p0 =	seq.s32 s10, $0x1;
	s10 =	sld [smem:$0x3FB0];
	_ =	sdelay $0x3  }
0x34: {  	[smem:$0x3FB0] =	sst s10  }
0x35: {  	s10 =	sld [smem:$0x3FAF];
	_ =	sdelay $0x3  }
0x36: {  	p1 =	seq.s32 s10, $0x1;
	s10 =	sld [smem:$0x3FB0];
	_ =	sdelay $0x3  }
0x37: {  	[smem:$0x3FB0] =	sst s10  }
0x38: {  	s10 =	sld [smem:$0x3FB1]  }
0x39: {  	_ = 	snop;
	(pc) =	sbr.ind lr, $3  }
0x3a: {  	_ = 	snop  }
0x3b: {  	_ = 	snop  }
0x3c: {  	p2 =	seq.s32 s10, $0x1;
	s10 =	sld [smem:$0x3FB0]  }
0x3d: {  	_ =	shalt  }
0x3e: {  	_ =	shalt  }
0x3f: {  	_ =	shalt  }
0x40: {  	_ =	shalt  }
0x41: {  	_ =	shalt  }
0x42: {  	_ =	shalt  }
0x43: {  	_ =	shalt  }
0x44: {  	_ =	shalt  }
0x45: {  	_ =	shalt  }
0x46: {  	_ =	shalt  }
0x47: {  	_ =	shalt  }
0x48: {  	_ =	shalt  }
0x49: {  	_ =	shalt  }
0x4a: {  	_ =	shalt  }
0x4b: {  	_ =	shalt  }
0x4c: {  	_ =	shalt  }
0x4d: {  	_ =	shalt  }
0x4e: {  	_ =	shalt  }
0x4f: {  	_ =	shalt  }
0x50: {  	_ =	shalt  }
0x51: {  	_ =	shalt  }
0x52: {  	_ =	shalt  }
0x53: {  	_ =	shalt  }
0x54: {  	_ =	shalt  }
0x55: {  	_ =	shalt  }
0x56: {  	_ =	shalt  }
0x57: {  	_ =	shalt  }
0x58: {  	_ =	shalt  }
0x59: {  	_ =	shalt  }
0x5a: {  	_ =	shalt  }
0x5b: {  	_ =	shalt  }
0x5c: {  	_ =	shalt  }
0x5d: {  	_ =	shalt  }
0x5e: {  	_ =	shalt  }
0x5f: {  	_ =	shalt  }
0x60: {  	_ =	shalt  }
0x61: {  	_ =	shalt  }
0x62: {  	_ =	shalt  }
0x63: {  	_ =	shalt  }
0x64: {  	_ =	shalt  }
0x65: {  	_ =	shalt  }
0x66: {  	_ =	shalt  }
0x67: {  	_ =	shalt  }
0x68: {  	_ =	shalt  }
0x69: {  	_ =	shalt  }
0x6a: {  	_ =	shalt  }
0x6b: {  	_ =	shalt  }
0x6c: {  	_ =	shalt  }
0x6d: {  	_ =	shalt  }
0x6e: {  	_ =	shalt  }
0x6f: {  	_ =	shalt  }
0x70: {  	_ =	shalt  }
0x71: {  	_ =	shalt  }
0x72: {  	_ =	shalt  }
0x73: {  	_ =	shalt  }
0x74: {  	_ =	shalt  }
0x75: {  	_ =	shalt  }
0x76: {  	_ =	shalt  }
0x77: {  	_ =	shalt  }
0x78: {  	_ =	shalt  }
0x79: {  	_ =	shalt  }
0x7a: {  	_ =	shalt  }
0x7b: {  	_ =	shalt  }
0x7c: {  	_ =	shalt  }
0x7d: {  	_ =	shalt  }
0x7e: {  	_ =	shalt  }
0x7f: {  	_ =	shalt  }
0x80: {  	_ =	shalt  }
0x81: {  	_ =	shalt  }
0x82: {  	_ =	shalt  }
0x83: {  	_ =	shalt  }
0x84: {  	_ =	shalt  }
0x85: {  	_ =	shalt  }
0x86: {  	_ =	shalt  }
0x87: {  	_ =	shalt  }
.Lfunc_end0:
.L_simem_size_0:
called_computation.1_lowered:
.L_overlay_start_0:
0x88: {  	s2 =	sld [smem:$0x3FD9]  }
0x89: {  	s3 =	sld [smem:$0x3FFE];
	_ =	sdelay $0x1  }
0x8a: {  	s1 =	srdreg.scid  }
0x8b: {  	s0 =	sand.u32 $0x1, s1  }
0x8c: {  	s17 =	sshll.u32 s0, $0xA;
	s2 =	sadd.s32 s3, s2  }
0x8d: {  	s2 =	sadd.s32 s2, s17  }
0x8e: {  	[smem:$0x3FBC] =	sst s2  }
0x8f: {  	_ = 	snop  }
0x90: {  	s2 =	sld [smem:$0x3FD0];
	(tm) =	ssettm $0x1  }
0x91: {  	s18 =	sld [smem:$0x3FFB];
	_ =	sdelay $0x3  }
0x92: {  	_ =	strace s18  }
0x93: {  	s3 =	sld [smem:$0x3FFC];
	_ =	sdelay $0x3  }
0x94: {  	_ =	strace s3  }
0x95: {  	s3 =	sld [smem:$0x3FFD];
	_ =	sdelay $0x3  }
0x96: {  	_ =	strace s3  }
0x97: {  	_ =	strace $0x8FFFFFFF  }
0x98: {  	s19 =	sld [smem:$0x3FDB];
	_ =	sdelay $0x1  }
0x99: {  	s4 =	simm.s32 $_scs_section_size  }
0x9a: {  	s5 =	simm.s32 $_size__tile_overlayer_lowered;
	s6 =	simm.s32 $_tile_overlayer_lowered  }
0x9b: {  	s22 =	simm.s32 $0x1BFF;
	s21 =	sshll.u32 s6, $0x1;
	s3 =	sadd.s32 s4, s19  }
0x9c: {  	s7 =	simm.s32 $0x0;
	s20 =	sshll.u32 s5, $0x1;
	s5 =	sadd.s32 s21, s3  }
0x9d: {  	[timem:s7], [sflag:s22] =	dma.local [hbm:s5], s20  }
0x9e: {  	_ =	swait.ge [sflag:s22], s20  }
0x9f: {  	s4 =	ssub.s32 $0x0, s20;
	[sflag:s22] =	ssyncset.done $0x0  }
0xa0: {  	[sflag:s22] =	ssyncadd.s32 s4;
	_ =	sdelay $0x1  }
0xa1: {  	s23 =	simm.s32 $0x1B8B  }
0xa2: {  	_ =	swait.ge [sflag:s23], $0x1  }
0xa3: {  	[sflag:s23] =	ssyncset.done $0x0  }
0xa4: {  	s25 =	simm.s32 $0x1B8E;
	s24 =	sld [smem:$0x3FFE];
	[sflag:s23] =	ssyncadd.s32 $0xFFFFFFFF  }
0xa5: {  	s26 =	simm.s32 $execute0_lowered;
	[smem:$0x3FD2] =	sst s25  }
0xa6: {  	s5 =	sshll.u32 s26, $0x1;
	_ =	strace $0x80000049;
	[dreg:$0x1] =	wrdreg $0xFFFFFFFF  }
0xa7: {  	s28 =	simm.s32 $_size_execute0_lowered;
	s3 =	sadd.s32 s3, s5;
	[dreg:$0x0] =	wrdreg $0x0  }
0xa8: {  	s5 =	sshll.u32 s28, $0x1;
	[dreg:$0x2] =	wrdreg s3  }
0xa9: {  	[dreg:$0x3] =	wrdreg s5  }
0xaa: {  	[dreg:$0x4] =	wrdreg $0xC0  }
0xab: {  	_ =	task [dreg:s7], $0x5FFFF  }
0xac: {  	[dreg:$0x1] =	wrdreg $0xFFFFFFFF  }
0xad: {  	[dreg:$0x0] =	wrdreg $0x60  }
0xae: {  	[dreg:$0x2] =	wrdreg s24  }
0xaf: {  	[dreg:$0x3] =	wrdreg s2  }
0xb0: {  	[dreg:$0x4] =	wrdreg $0xA6000  }
0xb1: {  	[dreg:$0x5] =	wrdreg $0x9  }
0xb2: {  	_ =	task.clear_ibuf [dreg:s7], $0x6FFFF;
	_ =	strace $0x90000049  }
0xb3: {  	s29 =	simm.s32 $0x9;
	_ =	strace $0x8000004B  }
0xb4: {  	_ =	swait.ge [sflag:s29], $0x1  }
0xb5: {  	[sflag:s29] =	ssyncadd.s32 $0xFFFFFFFF  }
0xb6: {  	_ =	strace $0x9000004B  }
0xb7: {  	_ =	sfence  }
0xb8: {  	s30 =	sld [smem:$0x0];
	_ =	sdelay $0x2  }
0xb9: {  	s31 =	sshll.u32 s1, $0xD;
	s1 =	sshrl.u32 s1, $0x2  }
0xba: {  	s3 =	sand.u32 $0x4000, s31;
	s1 =	sadd.s32 s1, s30  }
0xbb: {  	s0 =	sor.u32 s3, s0;
	s1 =	sshll.u32 s1, $0x11  }
0xbc: {  	s0 =	sor.u32 s1, s0  }
0xbd: {  	s0 =	sadd.s32 $0x8F2B, s0  }
0xbe: {  	[sflag:s0] =	ssyncadd.remote.s32 $0x1  }
0xbf: {  	_ =	sfence.sel $0xFFFF  }
0xc0: {  	[dreg:$0x0] =	wrdreg $0xFFFFFFFF;
	(pc) =	sbr.abs _section_cstart, $3  }
0xc1: {  	[dreg:$0x1] =	wrdreg $0xFFFFFFFF  }
0xc2: {  	_ =	task.clear_ibuf [dreg:s7], $0x2FFFF;
	_ =	strace $0x9FFFFFFF  }
0xc3: {  	(tm) =	ssettm $0x7FFFFFFF  }
tec
execute0_lowered:
.L_overlay_start_1:
0x0: {  	(tag) =	ssettag $0x1  }
0x1: {  	s0 =	rddreg [dreg:$0x0]  }
0x2: {  	s21 =	rddreg [dreg:$0x1]  }
0x3: {  	s23 =	rddreg [dreg:$0x2]  }
0x4: {  	s3 =	simm.s32 $0x0;
	s4 =	srdreg.scid;
	s20 =	stileid.u32  }
0x5: {  	[smem:$0x7FF] =	sst s3;
	s12 =	sand.u32 $0x1, s4;
	s15 =	smul.u32 $0x280, s20  }
0x6: {  	s2 =	sadd.s32 $0x2800, s0;
	s1 =	sadd.s32 $0xC600, s0;
	s16 =	smul.u32 $0x2710, s20  }
0x7: {  	s13 =	sadd.s32 $0x16400, s0;
	_ =	strace $0x8000004A;
	s14 =	smul.u32 $0x2800, s12  }
0x8: {  	s4 =	ssub.s32 $0x2, s12;
	s31 =	smul.u32 $0x27100, s12;
	s12 =	sshll.u32 s12, $0x4  }
0x9: {  	s5 =	sshrl.u32 s4, $0x1;
	s10 =	sor.u32 $0x50, s15;
	s11 =	sadd.s32 $0xA0, s15  }
0xa: {  	s8 =	sadd.s32 $0xF0, s15;
	s7 =	sadd.s32 $0x140, s15;
	s9 =	sadd.s32 $0x190, s15  }
0xb: {  	s6 =	sadd.s32 $0x230, s15;
	s12 =	sor.u32 s20, s12;
	s0 =	ssub.s32 s4, s5  }
0xc: {  	s5 =	sadd.s32 $0x1E0, s15;
	s15 =	sadd.s32 s15, s14;
	s17 =	sadd.s32 s14, s10  }
0xd: {  	s4 =	sadd.s32 s16, s31;
	s22 =	sadd.s32 s14, s11;
	s12 =	smul.u32 $0x2710, s12  }
0xe: {  	s10 =	sshll.u32 s10, $0x7;
	s11 =	sshll.u32 s11, $0x7;
	s15 =	sshll.u32 s15, $0x4  }
0xf: {  	s17 =	sshll.u32 s17, $0x4;
	s19 =	sadd.s32 $0x2D0, s4;
	s24 =	sadd.s32 $0x3C0, s4  }
0x10: {  	s28 =	sadd.s32 $0x460, s4;
	s30 =	sadd.s32 $0x4B0, s4;
	s31 =	sadd.s32 $0x370, s4  }
0x11: {  	s16 =	sshll.u32 s22, $0x4;
	s10 =	sadd.s32 s10, s23;
	s0 =	smax.u32 s0, $0x1  }
0x12: {  	s15 =	sadd.s32 s13, s15;
	s18 =	sadd.s32 s13, s17;
	[dreg:$0x1d] =	wrdreg s10  }
0x13: {  	s17 =	sshrl.u32 s24, $0x3;
	s29 =	sshrl.u32 s28, $0x3;
	[smem:$0x7F2] =	sst s0  }
0x14: {  	s16 =	sadd.s32 s13, s16;
	s24 =	sadd.s32 $0x230, s4;
	[dreg:$0x14] =	wrdreg s15  }
0x15: {  	s10 =	sshll.u32 s9, $0x7;
	[dreg:$0x15] =	wrdreg s18;
	s15 =	sshrl.u32 s19, $0x3  }
0x16: {  	s19 =	sadd.s32 $0x410, s4;
	s17 =	sadd.s32 s17, s2;
	[dreg:$0x16] =	wrdreg s16  }
0x17: {  	s16 =	sshrl.u32 s24, $0x3;
	s18 =	sadd.s32 s15, s1;
	[dreg:$0x5] =	wrdreg s17  }
0x18: {  	s25 =	sshrl.u32 s19, $0x3;
	s17 =	sadd.s32 s29, s2;
	[dreg:$0x4] =	wrdreg s18  }
0x19: {  	s19 =	sshrl.u32 s31, $0x3;
	s16 =	sadd.s32 s16, s1;
	[dreg:$0x7] =	wrdreg s17  }
0x1a: {  	s29 =	sadd.s32 s14, s8;
	s15 =	sadd.s32 s15, s2;
	[dreg:$0xb] =	wrdreg s16  }
0x1b: {  	s31 =	sadd.s32 $0x1E0, s4;
	s26 =	sadd.s32 s25, s2;
	[dreg:$0xf] =	wrdreg s15  }
0x1c: {  	s8 =	sshll.u32 s8, $0x7;
	s22 =	sadd.s32 s19, s1;
	[dreg:$0x6] =	wrdreg s26  }
0x1d: {  	s18 =	sshrl.u32 s30, $0x3;
	s25 =	sadd.s32 s19, s2;
	[dreg:$0x9] =	wrdreg s22  }
0x1e: {  	s16 =	sshrl.u32 s31, $0x3;
	s31 =	sadd.s32 s11, s23;
	[dreg:$0xa] =	wrdreg s25  }
0x1f: {  	s19 =	sadd.s32 s14, s9;
	s8 =	sadd.s32 s8, s23;
	[dreg:$0x1e] =	wrdreg s31  }
0x20: {  	s11 =	sadd.s32 s10, s23;
	s18 =	sadd.s32 s18, s2;
	[dreg:$0x1f] =	wrdreg s8  }
0x21: {  	s26 =	sadd.s32 $0x320, s4;
	s16 =	sadd.s32 s16, s1;
	[smem:$0x7DF] =	sst s11  }
0x22: {  	s22 =	sadd.s32 s14, s5;
	s25 =	sadd.s32 $0x190, s4;
	[dreg:$0x8] =	wrdreg s18  }
0x23: {  	s5 =	sshll.u32 s5, $0x7;
	s8 =	smov.u32 s2;
	[dreg:$0xe] =	wrdreg s16  }
0x24: {  	s28 =	sshrl.u32 s26, $0x3;
	s5 =	sadd.s32 s5, s23;
	[dreg:$0x13] =	wrdreg s8  }
0x25: {  	s18 =	sshll.u32 s29, $0x4;
	s30 =	sadd.s32 s28, s1;
	[smem:$0x7E0] =	sst s5  }
0x26: {  	s16 =	sshll.u32 s19, $0x4;
	s18 =	sadd.s32 s13, s18;
	[dreg:$0xc] =	wrdreg s30  }
0x27: {  	s24 =	sshll.u32 s22, $0x4;
	s17 =	sadd.s32 s28, s2;
	[dreg:$0x17] =	wrdreg s18  }
0x28: {  	s26 =	sadd.s32 $0x140, s4;
	s16 =	sadd.s32 s13, s16;
	[dreg:$0xd] =	wrdreg s17  }
0x29: {  	s28 =	smul.u32 $0x50000, s20;
	s18 =	sadd.s32 s14, s7;
	[dreg:$0x19] =	wrdreg s16  }
0x2a: {  	s14 =	sadd.s32 s14, s6;
	s16 =	sadd.s32 s13, s24;
	s7 =	sshll.u32 s7, $0x7  }
0x2b: {  	s17 =	sshll.u32 s18, $0x4;
	[dreg:$0x1a] =	wrdreg s16;
	s7 =	sadd.s32 s7, s23  }
0x2c: {  	s14 =	sshll.u32 s14, $0x4;
	s17 =	sadd.s32 s13, s17;
	[smem:$0x7DE] =	sst s7  }
0x2d: {  	s13 =	sadd.s32 s13, s14;
	s14 =	sshrl.u32 s26, $0x3;
	[dreg:$0x18] =	wrdreg s17  }
0x2e: {  	[dreg:$0x1b] =	wrdreg s13;
	s13 =	sshrl.u32 s25, $0x3;
	s29 =	sadd.s32 s14, s1  }
0x2f: {  	s14 =	sshrl.u32 s12, $0x3;
	s13 =	sadd.s32 s13, s1;
	[dreg:$0x11] =	wrdreg s29  }
0x30: {  	s30 =	sshrl.u32 s28, $0x2;
	s28 =	sadd.s32 s2, s14;
	[dreg:$0x10] =	wrdreg s13  }
0x31: {  	s9 =	sadd.s32 s1, s14;
	[smem:$0x7F7] =	sst s28  }
0x32: {  	s15 =	sadd.s32 $0x4D8, s14;
	s13 =	sadd.s32 s30, s23;
	[smem:$0x7FC] =	sst s9  }
0x33: {  	s16 =	sadd.s32 $0xA, s14;
	s17 =	sadd.s32 s1, s15;
	[dreg:$0x1c] =	wrdreg s13  }
0x34: {  	s18 =	sadd.s32 s1, s16;
	[smem:$0x7E2] =	sst s17  }
0x35: {  	s20 =	sadd.s32 $0x14, s14;
	s19 =	sadd.s32 s2, s16;
	[smem:$0x7E4] =	sst s18  }
0x36: {  	s22 =	sadd.s32 $0x1E, s14;
	s24 =	sadd.s32 s1, s20;
	[smem:$0x7E5] =	sst s19  }
0x37: {  	s25 =	sadd.s32 s1, s22;
	[smem:$0x7E6] =	sst s24  }
0x38: {  	s29 =	sadd.s32 $0x4B0, s14;
	s26 =	sadd.s32 s2, s22;
	[smem:$0x7E8] =	sst s25  }
0x39: {  	s31 =	sadd.s32 $0x4C4, s14;
	s12 =	sadd.s32 s2, s29;
	[smem:$0x7E9] =	sst s26  }
0x3a: {  	s30 =	sadd.s32 $0x4BA, s14;
	s16 =	sadd.s32 s2, s31;
	[smem:$0x7EA] =	sst s12  }
0x3b: {  	s22 =	sadd.s32 $0x28, s28;
	s13 =	sshll.u32 s6, $0x7;
	[smem:$0x7EE] =	sst s16  }
0x3c: {  	s6 =	sadd.s32 $0x4CE, s14;
	s14 =	sadd.s32 s1, s30;
	[smem:$0x7F4] =	sst s22  }
0x3d: {  	s17 =	sadd.s32 s1, s31;
	[smem:$0x7ED] =	sst s14  }
0x3e: {  	s24 =	sadd.s32 $0x32, s28;
	[smem:$0x7EF] =	sst s17  }
0x3f: {  	s25 =	sadd.s32 $0x3C, s28;
	[smem:$0x7F5] =	sst s24  }
0x40: {  	s26 =	sadd.s32 $0x46, s28;
	[smem:$0x7F6] =	sst s25  }
0x41: {  	s28 =	sadd.s32 $0x488, s9;
	[smem:$0x7F8] =	sst s26  }
0x42: {  	s31 =	sadd.s32 $0x4A6, s9;
	[smem:$0x7F9] =	sst s28  }
0x43: {  	s5 =	sadd.s32 s13, s23;
	[smem:$0x7FD] =	sst s31  }
0x44: {  	s13 =	sadd.s32 s2, s30;
	[smem:$0x7E1] =	sst s5  }
0x45: {  	s18 =	sadd.s32 s2, s6;
	[smem:$0x7EC] =	sst s13  }
0x46: {  	s19 =	sadd.s32 s1, s6;
	[smem:$0x7F0] =	sst s18  }
0x47: {  	s30 =	sadd.s32 $0x49C, s9;
	[smem:$0x7F1] =	sst s19  }
0x48: {  	s0 =	simm.s32 $0x0;
	s5 =	sadd.s32 s2, s15;
	[smem:$0x7FB] =	sst s30  }
0x49: {  	s10 =	simm.s32 $0xA000;
	s15 =	smov.u32 s1;
	[smem:$0x7E3] =	sst s5  }
0x4a: {  	s11 =	simm.s32 $0x2800;
	s5 =	sadd.s32 s2, s20;
	[dreg:$0x12] =	wrdreg s15  }
0x4b: {  	s7 =	simm.s32 $0x15;
	s20 =	sadd.s32 $0x280, s4;
	[smem:$0x7E7] =	sst s5  }
0x4c: {  	s14 =	simm.s32 $0x50;
	s5 =	sadd.s32 s1, s29;
	[smem:$0x7F3] =	sst s20  }
0x4d: {  	s19 =	simm.s32 $0x1;
	s29 =	sadd.s32 $0x492, s9;
	[smem:$0x7EB] =	sst s5  }
0x4e: {  	v0 =	vimm.f32 $0.0e+00;
	s2 =	simm.s32 $0x5;
	s1 =	simm.s32 $0x11;
	[smem:$0x7FA] =	sst s29  }
.LBB2_1:
0x4f: {  	s12 =	sand.u32 $0xFE00, s3  }
0x50: {  	[smem:$0x7DD] =	sst s0;
	s16 =	sand.u32 $0x70, s3;
	s18 =	sshrl.u32 s12, $0x2  }
0x51: {  	s12 =	simm.s32 $0x40;
	s18 =	sor.u32 s16, s18;
	s16 =	simm.s32 $0x0  }
.LBB2_2:
0x52: {  	p0 =	sne.s32 s12, $0x9FC0  }
0x53: {  	[tilespmem:s18+$0x0] =	vst v0;
	s16 =	sadd.s32 $0x10, s16;
	s18 =	smov.u32 s12;
	s12 =	sadd.s32 $0x40, s12  }
.Ltmp0:
0x54: {  	(pc) =	sbr.rel @p0 .LBB2_2-.Ltmp0, $4  }
0x55: {  	_ = 	snop  }
0x56: {  	s18 =	sand.u32 $0xFE00, s18  }
0x57: {  	s20 =	sand.u32 $0x70, s16;
	s18 =	sshrl.u32 s18, $0x2  }
0x58: {  	s18 =	sor.u32 s20, s18  }
0x59: {  	[tilespmem:s18+$0x0] =	vst v0;
	s12 =	simm.s32 $0x0;
	s4 =	rddreg [dreg:$0x1c]  }
0x5a: {  	[spmem:s4] =	stream.linear.scatter [tilespmem:s12], [sflag:$0x15], $0x2800, $0x38;
	[tilespmem:$0x1E600] =	vst v63  }
0x5b: {  	_ =	swait.ge [sflag:s7], $0x2800  }
0x5c: {  	[sflag:s7] =	ssyncset.done $0x0  }
0x5d: {  	s30 =	rddreg [dreg:$0x1d];
	[sflag:s7] =	ssyncadd.s32 $0xFFFFD800  }
0x5e: {  	[spmem:s30] =	stream.linear.scatter [tilespmem:s12], [sflag:$0x15], $0x2800, $0x38;
	[tilespmem:$0x1E600] =	vst v63  }
0x5f: {  	_ =	swait.ge [sflag:s7], $0x2800  }
0x60: {  	[sflag:s7] =	ssyncset.done $0x0  }
0x61: {  	s0 =	rddreg [dreg:$0x1e];
	[sflag:s7] =	ssyncadd.s32 $0xFFFFD800  }
0x62: {  	[spmem:s0] =	stream.linear.scatter [tilespmem:s12], [sflag:$0x15], $0x2800, $0x38;
	[tilespmem:$0x1E600] =	vst v63  }
0x63: {  	_ =	swait.ge [sflag:s7], $0x2800  }
0x64: {  	[sflag:s7] =	ssyncset.done $0x0  }
0x65: {  	s5 =	rddreg [dreg:$0x1f];
	[sflag:s7] =	ssyncadd.s32 $0xFFFFD800  }
0x66: {  	[spmem:s5] =	stream.linear.scatter [tilespmem:s12], [sflag:$0x15], $0x2800, $0x38;
	[tilespmem:$0x1E600] =	vst v63  }
0x67: {  	_ =	swait.ge [sflag:s7], $0x2800  }
0x68: {  	s6 =	sld [smem:$0x7DE]  }
0x69: {  	[sflag:s7] =	ssyncset.done $0x0  }
0x6a: {  	[sflag:s7] =	ssyncadd.s32 $0xFFFFD800  }
0x6b: {  	[spmem:s6] =	stream.linear.scatter [tilespmem:s12], [sflag:$0x15], $0x2800, $0x38;
	[tilespmem:$0x1E600] =	vst v63  }
0x6c: {  	_ =	swait.ge [sflag:s7], $0x2800  }
0x6d: {  	s9 =	sld [smem:$0x7DF]  }
0x6e: {  	[sflag:s7] =	ssyncset.done $0x0  }
0x6f: {  	[sflag:s7] =	ssyncadd.s32 $0xFFFFD800  }
0x70: {  	[spmem:s9] =	stream.linear.scatter [tilespmem:s12], [sflag:$0x15], $0x2800, $0x38;
	[tilespmem:$0x1E600] =	vst v63  }
0x71: {  	_ =	swait.ge [sflag:s7], $0x2800  }
0x72: {  	s13 =	sld [smem:$0x7E0]  }
0x73: {  	[sflag:s7] =	ssyncset.done $0x0  }
0x74: {  	[sflag:s7] =	ssyncadd.s32 $0xFFFFD800  }
0x75: {  	[spmem:s13] =	stream.linear.scatter [tilespmem:s12], [sflag:$0x15], $0x2800, $0x38;
	[tilespmem:$0x1E600] =	vst v63  }
0x76: {  	_ =	swait.ge [sflag:s7], $0x2800  }
0x77: {  	s15 =	sld [smem:$0x7E1]  }
0x78: {  	[sflag:s7] =	ssyncset.done $0x0  }
0x79: {  	[sflag:s7] =	ssyncadd.s32 $0xFFFFD800  }
0x7a: {  	[spmem:s15] =	stream.linear.scatter [tilespmem:s12], [sflag:$0x15], $0x2800, $0x38;
	[tilespmem:$0x1E600] =	vst v63  }
0x7b: {  	_ =	swait.ge [sflag:s7], $0x2800  }
0x7c: {  	[sflag:s7] =	ssyncset.done $0x0  }
0x7d: {  	[sflag:s7] =	ssyncadd.s32 $0xFFFFD800  }
0x7e: {  	[bflag:$0x0] =	sbarrier.arrive $0xFFFF  }
0x7f: {  	s16 =	sld [smem:$0x7E2];
	_ =	sdelay $0x1  }
0x80: {  	s17 =	sld [smem:$0x7E3]  }
0x81: {  	[tilespmem:s10], [sflag:$0x5] =	stream.linear.gather [hbm4b:s16+s12], $0x50, $0x38;
	[tilespmem:$0x1E600] =	vst v63  }
0x82: {  	s0 =	simm.s32 $0xA200  }
0x83: {  	[tilespmem:s0], [sflag:$0x9] =	stream.linear.gather [hbm4b:s17+s12], $0x50, $0x38;
	[tilespmem:$0x1E600] =	vst v63  }
0x84: {  	s17 =	simm.s32 $0x9  }
0x85: {  	_ =	swait.ge [sflag:s17], $0x50  }
0x86: {  	[sflag:s17] =	ssyncset.done $0x0  }
0x87: {  	[sflag:s17] =	ssyncadd.s32 $0xFFFFFFB0  }
0x88: {  	[tilespmem:s12], [sflag:$0x1] =	stream.indirect.gather [hbm4b:s21+s14], $0x80, s0, s14, $0xb8;
	[tilespmem:$0x1E600] =	vst v63  }
0x89: {  	_ =	swait.ge [sflag:s2], $0x50  }
0x8a: {  	[sflag:s2] =	ssyncset.done $0x0  }
0x8b: {  	[sflag:s2] =	ssyncadd.s32 $0xFFFFFFB0  }
0x8c: {  	_ =	swait.ge [sflag:s19], $0x2800  }
0x8d: {  	[sflag:s19] =	ssyncset.done $0x0  }
0x8e: {  	[sflag:s19] =	ssyncadd.s32 $0xFFFFD800  }
0x8f: {  	[spmem:s23] =	stream.indirect.scatter.add.f32 [tilespmem:s12], [sflag:$0x11], $0x80, s10, s14, $0xb8;
	[tilespmem:$0x1E600] =	vst v63  }
0x90: {  	_ =	swait.ge [sflag:s1], $0x2800  }
0x91: {  	s20 =	sld [smem:$0x7FC]  }
0x92: {  	[sflag:s1] =	ssyncset.done $0x0  }
0x93: {  	s22 =	sld [smem:$0x7F7];
	[sflag:s1] =	ssyncadd.s32 $0xFFFFD800  }
0x94: {  	[tilespmem:s10], [sflag:$0x5] =	stream.linear.gather [hbm4b:s20+s12], $0x50, $0x38;
	[tilespmem:$0x1E600] =	vst v63  }
0x95: {  	s18 =	simm.s32 $0xA200;
	s24 =	sld [smem:$0x7F4]  }
0x96: {  	[tilespmem:s18], [sflag:$0x9] =	stream.linear.gather [hbm4b:s22+s12], $0x50, $0x38;
	[tilespmem:$0x1E600] =	vst v63  }
0x97: {  	s25 =	simm.s32 $0xA400;
	s26 =	sld [smem:$0x7E4]  }
0x98: {  	[tilespmem:s25], [sflag:$0xD] =	stream.linear.gather [hbm4b:s24+s12], $0x50, $0x38;
	[tilespmem:$0x1E600] =	vst v63  }
0x99: {  	s28 =	simm.s32 $0xA080;
	s29 =	sld [smem:$0x7E5]  }
0x9a: {  	[tilespmem:s28], [sflag:$0x6] =	stream.linear.gather [hbm4b:s26+s12], $0x50, $0x38;
	[tilespmem:$0x1E600] =	vst v63  }
0x9b: {  	s30 =	simm.s32 $0xA280;
	s5 =	sld [smem:$0x7F5]  }
0x9c: {  	[tilespmem:s30], [sflag:$0xA] =	stream.linear.gather [hbm4b:s29+s12], $0x50, $0x38;
	[tilespmem:$0x1E600] =	vst v63  }
0x9d: {  	s7 =	simm.s32 $0xA480;
	s9 =	sld [smem:$0x7E6]  }
0x9e: {  	[tilespmem:s7], [sflag:$0xE] =	stream.linear.gather [hbm4b:s5+s12], $0x50, $0x38;
	[tilespmem:$0x1E600] =	vst v63  }
0x9f: {  	s13 =	sld [smem:$0x7E7];
	s10 =	simm.s32 $0xA100  }
0xa0: {  	[tilespmem:s10], [sflag:$0x7] =	stream.linear.gather [hbm4b:s9+s12], $0x50, $0x38;
	[tilespmem:$0x1E600] =	vst v63  }
0xa1: {  	s15 =	simm.s32 $0xA300;
	s19 =	sld [smem:$0x7F6]  }
0xa2: {  	[tilespmem:s15], [sflag:$0xB] =	stream.linear.gather [hbm4b:s13+s12], $0x50, $0x38;
	[tilespmem:$0x1E600] =	vst v63  }
0xa3: {  	s20 =	simm.s32 $0xA500;
	s22 =	sld [smem:$0x7E8]  }
0xa4: {  	[tilespmem:s20], [sflag:$0xF] =	stream.linear.gather [hbm4b:s19+s12], $0x50, $0x38;
	[tilespmem:$0x1E600] =	vst v63  }
0xa5: {  	s24 =	simm.s32 $0xA180;
	s25 =	sld [smem:$0x7E9]  }
0xa6: {  	[tilespmem:s24], [sflag:$0x8] =	stream.linear.gather [hbm4b:s22+s12], $0x50, $0x38;
	[tilespmem:$0x1E600] =	vst v63  }
0xa7: {  	s26 =	simm.s32 $0xA380;
	s29 =	sld [smem:$0x7F8]  }
0xa8: {  	[tilespmem:s26], [sflag:$0xC] =	stream.linear.gather [hbm4b:s25+s12], $0x50, $0x38;
	[tilespmem:$0x1E600] =	vst v63  }
0xa9: {  	s5 =	simm.s32 $0xA580  }
0xaa: {  	[tilespmem:s5], [sflag:$0x10] =	stream.linear.gather [hbm4b:s29+s12], $0x50, $0x38;
	[tilespmem:$0x1E600] =	vst v63  }
0xab: {  	_ =	swait.ge [sflag:s17], $0x50  }
0xac: {  	[sflag:s17] =	ssyncset.done $0x0  }
0xad: {  	s6 =	simm.s32 $0xA200;
	s30 =	simm.s32 $0xA;
	[sflag:s17] =	ssyncadd.s32 $0xFFFFFFB0  }
0xae: {  	[tilespmem:s12], [sflag:$0x1] =	stream.indirect.gather [hbm4b:s21+s14], $0x80, s6, s14, $0xb8;
	[tilespmem:$0x1E600] =	vst v63  }
0xaf: {  	_ =	swait.ge [sflag:s30], $0x50  }
0xb0: {  	[sflag:s30] =	ssyncset.done $0x0  }
0xb1: {  	s1 =	simm.s32 $0xA280;
	s5 =	simm.s32 $0xB;
	[sflag:s30] =	ssyncadd.s32 $0xFFFFFFB0  }
0xb2: {  	[tilespmem:s11], [sflag:$0x2] =	stream.indirect.gather [hbm4b:s21+s14], $0x80, s1, s14, $0xb8;
	[tilespmem:$0x1E600] =	vst v63  }
0xb3: {  	_ =	swait.ge [sflag:s5], $0x50  }
0xb4: {  	s16 =	simm.s32 $0xA300;
	[sflag:s5] =	ssyncset.done $0x0  }
0xb5: {  	s19 =	simm.s32 $0xC;
	s6 =	simm.s32 $0x5000;
	[sflag:s5] =	ssyncadd.s32 $0xFFFFFFB0  }
0xb6: {  	[tilespmem:s6], [sflag:$0x3] =	stream.indirect.gather [hbm4b:s21+s14], $0x80, s16, s14, $0xb8;
	[tilespmem:$0x1E600] =	vst v63  }
0xb7: {  	_ =	swait.ge [sflag:s19], $0x50  }
0xb8: {  	s28 =	simm.s32 $0xA380;
	[sflag:s19] =	ssyncset.done $0x0  }
0xb9: {  	s10 =	simm.s32 $0x7800;
	s13 =	simm.s32 $0x5;
	[sflag:s19] =	ssyncadd.s32 $0xFFFFFFB0  }
0xba: {  	[tilespmem:s10], [sflag:$0x4] =	stream.indirect.gather [hbm4b:s21+s14], $0x80, s28, s14, $0xb8;
	[tilespmem:$0x1E600] =	vst v63  }
0xbb: {  	_ =	swait.ge [sflag:s13], $0x50  }
0xbc: {  	[sflag:s13] =	ssyncset.done $0x0  }
0xbd: {  	s15 =	simm.s32 $0x1;
	[sflag:s13] =	ssyncadd.s32 $0xFFFFFFB0  }
0xbe: {  	_ =	swait.ge [sflag:s15], $0x2800  }
0xbf: {  	s9 =	simm.s32 $0xA000;
	[sflag:s15] =	ssyncset.done $0x0  }
0xc0: {  	s22 =	smov.u32 s23;
	s24 =	simm.s32 $0x6;
	[sflag:s15] =	ssyncadd.s32 $0xFFFFD800  }
0xc1: {  	[spmem:s22] =	stream.indirect.scatter.add.f32 [tilespmem:s12], [sflag:$0x11], $0x80, s9, s14, $0xb8;
	[tilespmem:$0x1E600] =	vst v63  }
0xc2: {  	_ =	swait.ge [sflag:s24], $0x50  }
0xc3: {  	[sflag:s24] =	ssyncset.done $0x0  }
0xc4: {  	s9 =	simm.s32 $0x2;
	[sflag:s24] =	ssyncadd.s32 $0xFFFFFFB0  }
0xc5: {  	_ =	swait.ge [sflag:s9], $0x2800  }
0xc6: {  	s31 =	smov.u32 s21;
	[sflag:s9] =	ssyncset.done $0x0  }
0xc7: {  	s25 =	simm.s32 $0xA080;
	s21 =	simm.s32 $0x7;
	[sflag:s9] =	ssyncadd.s32 $0xFFFFD800  }
0xc8: {  	[spmem:s22] =	stream.indirect.scatter.add.f32 [tilespmem:s11], [sflag:$0x12], $0x80, s25, s14, $0xb8;
	[tilespmem:$0x1E600] =	vst v63  }
0xc9: {  	_ =	swait.ge [sflag:s21], $0x50  }
0xca: {  	[sflag:s21] =	ssyncset.done $0x0  }
0xcb: {  	s11 =	simm.s32 $0x3;
	[sflag:s21] =	ssyncadd.s32 $0xFFFFFFB0  }
0xcc: {  	_ =	swait.ge [sflag:s11], $0x2800  }
0xcd: {  	s0 =	simm.s32 $0xA100;
	[sflag:s11] =	ssyncset.done $0x0  }
0xce: {  	s7 =	simm.s32 $0x5000;
	s26 =	simm.s32 $0x8;
	[sflag:s11] =	ssyncadd.s32 $0xFFFFD800  }
0xcf: {  	[spmem:s22] =	stream.indirect.scatter.add.f32 [tilespmem:s7], [sflag:$0x13], $0x80, s0, s14, $0xb8;
	[tilespmem:$0x1E600] =	vst v63  }
0xd0: {  	_ =	swait.ge [sflag:s26], $0x50  }
0xd1: {  	[sflag:s26] =	ssyncset.done $0x0  }
0xd2: {  	s29 =	simm.s32 $0x4;
	[sflag:s26] =	ssyncadd.s32 $0xFFFFFFB0  }
0xd3: {  	_ =	swait.ge [sflag:s29], $0x2800  }
0xd4: {  	s2 =	simm.s32 $0x11;
	[sflag:s29] =	ssyncset.done $0x0  }
0xd5: {  	s5 =	simm.s32 $0xA180;
	s16 =	simm.s32 $0x7800;
	[sflag:s29] =	ssyncadd.s32 $0xFFFFD800  }
0xd6: {  	[spmem:s22] =	stream.indirect.scatter.add.f32 [tilespmem:s16], [sflag:$0x14], $0x80, s5, s14, $0xb8;
	[tilespmem:$0x1E600] =	vst v63  }
0xd7: {  	_ =	swait.ge [sflag:s2], $0x2800  }
0xd8: {  	s28 =	rddreg [dreg:$0x11]  }
0xd9: {  	[sflag:s2] =	ssyncset.done $0x0;
	s16 =	sadd.s32 $0x0, s28;
	s28 =	sld [smem:$0x7F3]  }
0xda: {  	s20 =	simm.s32 $0xA000;
	[sflag:s2] =	ssyncadd.s32 $0xFFFFD800  }
0xdb: {  	[tilespmem:s20], [sflag:$0x5] =	stream.linear.gather [hbm4b:s16+s3], $0x50, $0x38;
	[tilespmem:$0x1E600] =	vst v63  }
0xdc: {  	s12 =	sshrl.u32 s28, $0x3  }
0xdd: {  	s18 =	simm.s32 $0xA200;
	s1 =	sadd.s32 s8, s12  }
0xde: {  	[tilespmem:s18], [sflag:$0x9] =	stream.linear.gather [hbm4b:s1+s3], $0x50, $0x38;
	[tilespmem:$0x1E600] =	vst v63  }
0xdf: {  	s1 =	simm.s32 $0x12  }
0xe0: {  	_ =	swait.ge [sflag:s1], $0x2800  }
0xe1: {  	s6 =	rddreg [dreg:$0x10];
	[sflag:s1] =	ssyncset.done $0x0  }
0xe2: {  	s7 =	rddreg [dreg:$0xf];
	[sflag:s1] =	ssyncadd.s32 $0xFFFFD800;
	s16 =	sadd.s32 $0x0, s6  }
0xe3: {  	[tilespmem:s25], [sflag:$0x6] =	stream.linear.gather [hbm4b:s16+s3], $0x50, $0x38;
	[tilespmem:$0x1E600] =	vst v63  }
0xe4: {  	s30 =	simm.s32 $0xA280;
	s18 =	sadd.s32 $0x0, s7  }
0xe5: {  	[tilespmem:s30], [sflag:$0xA] =	stream.linear.gather [hbm4b:s18+s3], $0x50, $0x38;
	[tilespmem:$0x1E600] =	vst v63  }
0xe6: {  	s30 =	simm.s32 $0x13  }
0xe7: {  	_ =	swait.ge [sflag:s30], $0x2800  }
0xe8: {  	s20 =	rddreg [dreg:$0xe];
	[sflag:s30] =	ssyncset.done $0x0  }
0xe9: {  	s25 =	rddreg [dreg:$0xd];
	[sflag:s30] =	ssyncadd.s32 $0xFFFFD800;
	s16 =	sadd.s32 $0x0, s20  }
0xea: {  	[tilespmem:s0], [sflag:$0x7] =	stream.linear.gather [hbm4b:s16+s3], $0x50, $0x38;
	[tilespmem:$0x1E600] =	vst v63  }
0xeb: {  	s4 =	simm.s32 $0xA300;
	s0 =	sadd.s32 $0x0, s25  }
0xec: {  	[tilespmem:s4], [sflag:$0xB] =	stream.linear.gather [hbm4b:s0+s3], $0x50, $0x38;
	[tilespmem:$0x1E600] =	vst v63  }
0xed: {  	s0 =	simm.s32 $0x14  }
0xee: {  	_ =	swait.ge [sflag:s0], $0x2800  }
0xef: {  	s4 =	rddreg [dreg:$0xb];
	[sflag:s0] =	ssyncset.done $0x0  }
0xf0: {  	s6 =	rddreg [dreg:$0xa];
	[sflag:s0] =	ssyncadd.s32 $0xFFFFD800;
	s16 =	sadd.s32 $0x0, s4  }
0xf1: {  	[tilespmem:s5], [sflag:$0x8] =	stream.linear.gather [hbm4b:s16+s3], $0x50, $0x38;
	[tilespmem:$0x1E600] =	vst v63  }
0xf2: {  	s23 =	simm.s32 $0xA380;
	s10 =	simm.s32 $0xD;
	s7 =	sadd.s32 $0x0, s6  }
0xf3: {  	[tilespmem:s23], [sflag:$0xC] =	stream.linear.gather [hbm4b:s7+s3], $0x50, $0x38;
	[tilespmem:$0x1E600] =	vst v63  }
0xf4: {  	_ =	swait.ge [sflag:s10], $0x50  }
0xf5: {  	[sflag:s10] =	ssyncset.done $0x0  }
0xf6: {  	s18 =	simm.s32 $0xE;
	[sflag:s10] =	ssyncadd.s32 $0xFFFFFFB0;
	s10 =	simm.s32 $0xA400  }
0xf7: {  	[tilespmem:s3], [sflag:$0x1] =	stream.indirect.gather [hbm4b:s31+s14], $0x80, s10, s14, $0xb8;
	[tilespmem:$0x1E600] =	vst v63  }
0xf8: {  	_ =	swait.ge [sflag:s18], $0x50  }
0xf9: {  	s25 =	simm.s32 $0xA480;
	[sflag:s18] =	ssyncset.done $0x0  }
0xfa: {  	s5 =	simm.s32 $0xF;
	s23 =	simm.s32 $0x2800;
	[sflag:s18] =	ssyncadd.s32 $0xFFFFFFB0  }
0xfb: {  	[tilespmem:s23], [sflag:$0x2] =	stream.indirect.gather [hbm4b:s31+s14], $0x80, s25, s14, $0xb8;
	[tilespmem:$0x1E600] =	vst v63  }
0xfc: {  	_ =	swait.ge [sflag:s5], $0x50  }
0xfd: {  	s6 =	simm.s32 $0x10;
	[sflag:s5] =	ssyncset.done $0x0  }
0xfe: {  	s7 =	simm.s32 $0x5000;
	s18 =	simm.s32 $0xA500;
	[sflag:s5] =	ssyncadd.s32 $0xFFFFFFB0  }
0xff: {  	[tilespmem:s7], [sflag:$0x3] =	stream.indirect.gather [hbm4b:s31+s14], $0x80, s18, s14, $0xb8;
	[tilespmem:$0x1E600] =	vst v63  }
0x100: {  	_ =	swait.ge [sflag:s6], $0x50  }
0x101: {  	[sflag:s6] =	ssyncset.done $0x0  }
0x102: {  	s16 =	simm.s32 $0x7800;
	s25 =	simm.s32 $0xA580;
	[sflag:s6] =	ssyncadd.s32 $0xFFFFFFB0  }
0x103: {  	[tilespmem:s16], [sflag:$0x4] =	stream.indirect.gather [hbm4b:s31+s14], $0x80, s25, s14, $0xb8;
	[tilespmem:$0x1E600] =	vst v63  }
0x104: {  	_ =	swait.ge [sflag:s13], $0x50  }
0x105: {  	[sflag:s13] =	ssyncset.done $0x0  }
0x106: {  	[sflag:s13] =	ssyncadd.s32 $0xFFFFFFB0  }
0x107: {  	_ =	swait.ge [sflag:s15], $0x2800  }
0x108: {  	[sflag:s15] =	ssyncset.done $0x0  }
0x109: {  	s4 =	simm.s32 $0xA000;
	[sflag:s15] =	ssyncadd.s32 $0xFFFFD800  }
0x10a: {  	[spmem:s22] =	stream.indirect.scatter.add.f32 [tilespmem:s3], [sflag:$0x11], $0x80, s4, s14, $0xb8;
	[tilespmem:$0x1E600] =	vst v63  }
0x10b: {  	_ =	swait.ge [sflag:s24], $0x50  }
0x10c: {  	[sflag:s24] =	ssyncset.done $0x0  }
0x10d: {  	[sflag:s24] =	ssyncadd.s32 $0xFFFFFFB0  }
0x10e: {  	_ =	swait.ge [sflag:s9], $0x2800  }
0x10f: {  	[sflag:s9] =	ssyncset.done $0x0  }
0x110: {  	s5 =	simm.s32 $0xA080;
	[sflag:s9] =	ssyncadd.s32 $0xFFFFD800  }
0x111: {  	[spmem:s22] =	stream.indirect.scatter.add.f32 [tilespmem:s23], [sflag:$0x12], $0x80, s5, s14, $0xb8;
	[tilespmem:$0x1E600] =	vst v63  }
0x112: {  	_ =	swait.ge [sflag:s21], $0x50  }
0x113: {  	[sflag:s21] =	ssyncset.done $0x0  }
0x114: {  	[sflag:s21] =	ssyncadd.s32 $0xFFFFFFB0  }
0x115: {  	_ =	swait.ge [sflag:s11], $0x2800  }
0x116: {  	[sflag:s11] =	ssyncset.done $0x0  }
0x117: {  	s6 =	simm.s32 $0xA100;
	[sflag:s11] =	ssyncadd.s32 $0xFFFFD800  }
0x118: {  	[spmem:s22] =	stream.indirect.scatter.add.f32 [tilespmem:s7], [sflag:$0x13], $0x80, s6, s14, $0xb8;
	[tilespmem:$0x1E600] =	vst v63  }
0x119: {  	_ =	swait.ge [sflag:s26], $0x50  }
0x11a: {  	[sflag:s26] =	ssyncset.done $0x0  }
0x11b: {  	[sflag:s26] =	ssyncadd.s32 $0xFFFFFFB0  }
0x11c: {  	_ =	swait.ge [sflag:s29], $0x2800  }
0x11d: {  	[sflag:s29] =	ssyncset.done $0x0  }
0x11e: {  	s7 =	simm.s32 $0xA180;
	[sflag:s29] =	ssyncadd.s32 $0xFFFFD800  }
0x11f: {  	[spmem:s22] =	stream.indirect.scatter.add.f32 [tilespmem:s16], [sflag:$0x14], $0x80, s7, s14, $0xb8;
	[tilespmem:$0x1E600] =	vst v63  }
0x120: {  	_ =	swait.ge [sflag:s2], $0x2800  }
0x121: {  	[sflag:s2] =	ssyncset.done $0x0  }
0x122: {  	[sflag:s2] =	ssyncadd.s32 $0xFFFFD800;
	s2 =	rddreg [dreg:$0x12]  }
0x123: {  	s16 =	rddreg [dreg:$0x5];
	s12 =	sadd.s32 s2, s12  }
0x124: {  	[tilespmem:s4], [sflag:$0x5] =	stream.linear.gather [hbm4b:s12+s3], $0x50, $0x38;
	[tilespmem:$0x1E600] =	vst v63  }
0x125: {  	s16 =	sadd.s32 $0x0, s16  }
0x126: {  	[tilespmem:s10], [sflag:$0xD] =	stream.linear.gather [hbm4b:s16+s3], $0x50, $0x38;
	[tilespmem:$0x1E600] =	vst v63  }
0x127: {  	_ =	swait.ge [sflag:s1], $0x2800  }
0x128: {  	s2 =	rddreg [dreg:$0x4];
	[sflag:s1] =	ssyncset.done $0x0  }
0x129: {  	s10 =	rddreg [dreg:$0x6];
	[sflag:s1] =	ssyncadd.s32 $0xFFFFD800;
	s12 =	sadd.s32 $0x0, s2  }
0x12a: {  	[tilespmem:s5], [sflag:$0x6] =	stream.linear.gather [hbm4b:s12+s3], $0x50, $0x38;
	[tilespmem:$0x1E600] =	vst v63  }
0x12b: {  	s16 =	sadd.s32 $0x0, s10;
	s2 =	simm.s32 $0xA480  }
0x12c: {  	[tilespmem:s2], [sflag:$0xE] =	stream.linear.gather [hbm4b:s16+s3], $0x50, $0x38;
	[tilespmem:$0x1E600] =	vst v63  }
0x12d: {  	_ =	swait.ge [sflag:s30], $0x2800  }
0x12e: {  	s5 =	rddreg [dreg:$0xc];
	[sflag:s30] =	ssyncset.done $0x0  }
0x12f: {  	s10 =	rddreg [dreg:$0x7];
	[sflag:s30] =	ssyncadd.s32 $0xFFFFD800;
	s12 =	sadd.s32 $0x0, s5  }
0x130: {  	[tilespmem:s6], [sflag:$0x7] =	stream.linear.gather [hbm4b:s12+s3], $0x50, $0x38;
	[tilespmem:$0x1E600] =	vst v63  }
0x131: {  	s30 =	sadd.s32 $0x0, s10  }
0x132: {  	[tilespmem:s18], [sflag:$0xF] =	stream.linear.gather [hbm4b:s30+s3], $0x50, $0x38;
	[tilespmem:$0x1E600] =	vst v63  }
0x133: {  	_ =	swait.ge [sflag:s0], $0x2800  }
0x134: {  	s2 =	rddreg [dreg:$0x9];
	[sflag:s0] =	ssyncset.done $0x0  }
0x135: {  	s6 =	rddreg [dreg:$0x8];
	[sflag:s0] =	ssyncadd.s32 $0xFFFFD800;
	s12 =	sadd.s32 $0x0, s2  }
0x136: {  	[tilespmem:s7], [sflag:$0x8] =	stream.linear.gather [hbm4b:s12+s3], $0x50, $0x38;
	[tilespmem:$0x1E600] =	vst v63  }
0x137: {  	s10 =	sadd.s32 $0x0, s6  }
0x138: {  	[tilespmem:s25], [sflag:$0x10] =	stream.linear.gather [hbm4b:s10+s3], $0x50, $0x38;
	[tilespmem:$0x1E600] =	vst v63  }
0x139: {  	_ =	swait.ge [sflag:s17], $0x50  }
0x13a: {  	[sflag:s17] =	ssyncset.done $0x0  }
0x13b: {  	s20 =	simm.s32 $0xA;
	s16 =	simm.s32 $0xA200;
	[sflag:s17] =	ssyncadd.s32 $0xFFFFFFB0  }
0x13c: {  	[tilespmem:s3], [sflag:$0x1] =	stream.indirect.gather [hbm4b:s31+s14], $0x80, s16, s14, $0xb8;
	[tilespmem:$0x1E600] =	vst v63  }
0x13d: {  	_ =	swait.ge [sflag:s20], $0x50  }
0x13e: {  	[sflag:s20] =	ssyncset.done $0x0  }
0x13f: {  	s12 =	simm.s32 $0xB;
	s17 =	simm.s32 $0xA280;
	[sflag:s20] =	ssyncadd.s32 $0xFFFFFFB0  }
0x140: {  	[tilespmem:s23], [sflag:$0x2] =	stream.indirect.gather [hbm4b:s31+s14], $0x80, s17, s14, $0xb8;
	[tilespmem:$0x1E600] =	vst v63  }
0x141: {  	_ =	swait.ge [sflag:s12], $0x50  }
0x142: {  	[sflag:s12] =	ssyncset.done $0x0  }
0x143: {  	s18 =	simm.s32 $0xA300;
	s20 =	simm.s32 $0x5000;
	[sflag:s12] =	ssyncadd.s32 $0xFFFFFFB0  }
0x144: {  	[tilespmem:s20], [sflag:$0x3] =	stream.indirect.gather [hbm4b:s31+s14], $0x80, s18, s14, $0xb8;
	[tilespmem:$0x1E600] =	vst v63  }
0x145: {  	_ =	swait.ge [sflag:s19], $0x50  }
0x146: {  	[sflag:s19] =	ssyncset.done $0x0  }
0x147: {  	s30 =	simm.s32 $0x7800;
	s25 =	simm.s32 $0xA380;
	[sflag:s19] =	ssyncadd.s32 $0xFFFFFFB0  }
0x148: {  	[tilespmem:s30], [sflag:$0x4] =	stream.indirect.gather [hbm4b:s31+s14], $0x80, s25, s14, $0xb8;
	[tilespmem:$0x1E600] =	vst v63  }
0x149: {  	_ =	swait.ge [sflag:s13], $0x50  }
0x14a: {  	[sflag:s13] =	ssyncset.done $0x0  }
0x14b: {  	[sflag:s13] =	ssyncadd.s32 $0xFFFFFFB0  }
0x14c: {  	_ =	swait.ge [sflag:s15], $0x2800  }
0x14d: {  	[sflag:s15] =	ssyncset.done $0x0  }
0x14e: {  	s4 =	simm.s32 $0xA000;
	[sflag:s15] =	ssyncadd.s32 $0xFFFFD800  }
0x14f: {  	[spmem:s22] =	stream.indirect.scatter.add.f32 [tilespmem:s3], [sflag:$0x11], $0x80, s4, s14, $0xb8;
	[tilespmem:$0x1E600] =	vst v63  }
0x150: {  	_ =	swait.ge [sflag:s24], $0x50  }
0x151: {  	[sflag:s24] =	ssyncset.done $0x0  }
0x152: {  	[sflag:s24] =	ssyncadd.s32 $0xFFFFFFB0  }
0x153: {  	_ =	swait.ge [sflag:s9], $0x2800  }
0x154: {  	[sflag:s9] =	ssyncset.done $0x0  }
0x155: {  	s1 =	simm.s32 $0xA080;
	[sflag:s9] =	ssyncadd.s32 $0xFFFFD800  }
0x156: {  	[spmem:s22] =	stream.indirect.scatter.add.f32 [tilespmem:s23], [sflag:$0x12], $0x80, s1, s14, $0xb8;
	[tilespmem:$0x1E600] =	vst v63  }
0x157: {  	_ =	swait.ge [sflag:s21], $0x50  }
0x158: {  	[sflag:s21] =	ssyncset.done $0x0  }
0x159: {  	[sflag:s21] =	ssyncadd.s32 $0xFFFFFFB0  }
0x15a: {  	_ =	swait.ge [sflag:s11], $0x2800  }
0x15b: {  	[sflag:s11] =	ssyncset.done $0x0  }
0x15c: {  	s5 =	simm.s32 $0xA100;
	[sflag:s11] =	ssyncadd.s32 $0xFFFFD800  }
0x15d: {  	[spmem:s22] =	stream.indirect.scatter.add.f32 [tilespmem:s20], [sflag:$0x13], $0x80, s5, s14, $0xb8;
	[tilespmem:$0x1E600] =	vst v63  }
0x15e: {  	_ =	swait.ge [sflag:s26], $0x50  }
0x15f: {  	[sflag:s26] =	ssyncset.done $0x0  }
0x160: {  	[sflag:s26] =	ssyncadd.s32 $0xFFFFFFB0  }
0x161: {  	_ =	swait.ge [sflag:s29], $0x2800  }
0x162: {  	s16 =	sadd.s32 $0x280, s28;
	[sflag:s29] =	ssyncset.done $0x0  }
0x163: {  	s12 =	simm.s32 $0x50;
	s23 =	smov.u32 s22;
	[sflag:s29] =	ssyncadd.s32 $0xFFFFD800  }
.LBB2_4:
0x164: {  	s10 =	simm.s32 $0xA180;
	s0 =	simm.s32 $0x7800;
	s25 =	simm.s32 $0x11  }
0x165: {  	[spmem:s23] =	stream.indirect.scatter.add.f32 [tilespmem:s0], [sflag:$0x14], $0x80, s10, s14, $0xb8;
	[tilespmem:$0x1E600] =	vst v63  }
0x166: {  	s18 =	smov.u32 s12;
	_ =	swait.ge [sflag:s25], $0x2800  }
0x167: {  	s23 =	simm.s32 $0xA000;
	s20 =	rddreg [dreg:$0x11];
	[sflag:s25] =	ssyncset.done $0x0  }
0x168: {  	[sflag:s25] =	ssyncadd.s32 $0xFFFFD800;
	s7 =	sadd.s32 s18, s20;
	s20 =	sshrl.u32 s16, $0x3  }
0x169: {  	[tilespmem:s23], [sflag:$0x5] =	stream.linear.gather [hbm4b:s7+s3], $0x50, $0x38;
	[tilespmem:$0x1E600] =	vst v63  }
0x16a: {  	s26 =	simm.s32 $0xA200;
	s1 =	simm.s32 $0x12;
	s24 =	sadd.s32 s8, s20  }
0x16b: {  	[tilespmem:s26], [sflag:$0x9] =	stream.linear.gather [hbm4b:s24+s3], $0x50, $0x38;
	[tilespmem:$0x1E600] =	vst v63  }
0x16c: {  	_ =	swait.ge [sflag:s1], $0x2800  }
0x16d: {  	s30 =	simm.s32 $0xA080;
	s28 =	rddreg [dreg:$0x10];
	[sflag:s1] =	ssyncset.done $0x0  }
0x16e: {  	s29 =	rddreg [dreg:$0xf];
	[sflag:s1] =	ssyncadd.s32 $0xFFFFD800;
	s7 =	sadd.s32 s18, s28  }
0x16f: {  	[tilespmem:s30], [sflag:$0x6] =	stream.linear.gather [hbm4b:s7+s3], $0x50, $0x38;
	[tilespmem:$0x1E600] =	vst v63  }
0x170: {  	s2 =	simm.s32 $0xA280;
	s0 =	sadd.s32 s18, s29  }
0x171: {  	[tilespmem:s2], [sflag:$0xA] =	stream.linear.gather [hbm4b:s0+s3], $0x50, $0x38;
	[tilespmem:$0x1E600] =	vst v63  }
0x172: {  	s0 =	simm.s32 $0x13  }
0x173: {  	_ =	swait.ge [sflag:s0], $0x2800  }
0x174: {  	s2 =	simm.s32 $0xA100;
	s4 =	rddreg [dreg:$0xe];
	[sflag:s0] =	ssyncset.done $0x0  }
0x175: {  	s5 =	rddreg [dreg:$0xd];
	[sflag:s0] =	ssyncadd.s32 $0xFFFFD800;
	s7 =	sadd.s32 s18, s4  }
0x176: {  	[tilespmem:s2], [sflag:$0x7] =	stream.linear.gather [hbm4b:s7+s3], $0x50, $0x38;
	[tilespmem:$0x1E600] =	vst v63  }
0x177: {  	s8 =	simm.s32 $0xA300;
	s6 =	sadd.s32 s18, s5;
	s2 =	simm.s32 $0x14  }
0x178: {  	[tilespmem:s8], [sflag:$0xB] =	stream.linear.gather [hbm4b:s6+s3], $0x50, $0x38;
	[tilespmem:$0x1E600] =	vst v63  }
0x179: {  	_ =	swait.ge [sflag:s2], $0x2800  }
0x17a: {  	s9 =	rddreg [dreg:$0xb];
	[sflag:s2] =	ssyncset.done $0x0  }
0x17b: {  	s11 =	rddreg [dreg:$0xa];
	[sflag:s2] =	ssyncadd.s32 $0xFFFFD800;
	s7 =	sadd.s32 s18, s9  }
0x17c: {  	[tilespmem:s10], [sflag:$0x8] =	stream.linear.gather [hbm4b:s7+s3], $0x50, $0x38;
	[tilespmem:$0x1E600] =	vst v63  }
0x17d: {  	s4 =	simm.s32 $0xA380;
	s5 =	simm.s32 $0xD;
	s13 =	sadd.s32 s18, s11  }
0x17e: {  	[tilespmem:s4], [sflag:$0xC] =	stream.linear.gather [hbm4b:s13+s3], $0x50, $0x38;
	[tilespmem:$0x1E600] =	vst v63  }
0x17f: {  	_ =	swait.ge [sflag:s5], $0x50  }
0x180: {  	[sflag:s5] =	ssyncset.done $0x0  }
0x181: {  	s17 =	simm.s32 $0xA400;
	s15 =	simm.s32 $0xE;
	[sflag:s5] =	ssyncadd.s32 $0xFFFFFFB0  }
0x182: {  	[tilespmem:s3], [sflag:$0x1] =	stream.indirect.gather [hbm4b:s31+s14], $0x80, s17, s14, $0xb8;
	[tilespmem:$0x1E600] =	vst v63  }
0x183: {  	_ =	swait.ge [sflag:s15], $0x50  }
0x184: {  	s21 =	simm.s32 $0xA480;
	[sflag:s15] =	ssyncset.done $0x0  }
0x185: {  	s19 =	simm.s32 $0xF;
	s23 =	simm.s32 $0x2800;
	[sflag:s15] =	ssyncadd.s32 $0xFFFFFFB0  }
0x186: {  	[tilespmem:s23], [sflag:$0x2] =	stream.indirect.gather [hbm4b:s31+s14], $0x80, s21, s14, $0xb8;
	[tilespmem:$0x1E600] =	vst v63  }
0x187: {  	_ =	swait.ge [sflag:s19], $0x50  }
0x188: {  	s24 =	simm.s32 $0x10;
	[sflag:s19] =	ssyncset.done $0x0  }
0x189: {  	s4 =	simm.s32 $0xA500;
	[sflag:s19] =	ssyncadd.s32 $0xFFFFFFB0;
	s19 =	simm.s32 $0x5000  }
0x18a: {  	[tilespmem:s19], [sflag:$0x3] =	stream.indirect.gather [hbm4b:s31+s14], $0x80, s4, s14, $0xb8;
	[tilespmem:$0x1E600] =	vst v63  }
0x18b: {  	_ =	swait.ge [sflag:s24], $0x50  }
0x18c: {  	s6 =	simm.s32 $0x5;
	[sflag:s24] =	ssyncset.done $0x0  }
0x18d: {  	s7 =	simm.s32 $0x7800;
	s13 =	simm.s32 $0xA580;
	[sflag:s24] =	ssyncadd.s32 $0xFFFFFFB0  }
0x18e: {  	[tilespmem:s7], [sflag:$0x4] =	stream.indirect.gather [hbm4b:s31+s14], $0x80, s13, s14, $0xb8;
	[tilespmem:$0x1E600] =	vst v63  }
0x18f: {  	_ =	swait.ge [sflag:s6], $0x50  }
0x190: {  	[sflag:s6] =	ssyncset.done $0x0  }
0x191: {  	s5 =	simm.s32 $0x1;
	[sflag:s6] =	ssyncadd.s32 $0xFFFFFFB0  }
0x192: {  	_ =	swait.ge [sflag:s5], $0x2800  }
0x193: {  	[sflag:s5] =	ssyncset.done $0x0  }
0x194: {  	s26 =	simm.s32 $0x6;
	s15 =	simm.s32 $0xA000;
	[sflag:s5] =	ssyncadd.s32 $0xFFFFD800  }
0x195: {  	[spmem:s22] =	stream.indirect.scatter.add.f32 [tilespmem:s3], [sflag:$0x11], $0x80, s15, s14, $0xb8;
	[tilespmem:$0x1E600] =	vst v63  }
0x196: {  	_ =	swait.ge [sflag:s26], $0x50  }
0x197: {  	[sflag:s26] =	ssyncset.done $0x0  }
0x198: {  	s11 =	simm.s32 $0x2;
	[sflag:s26] =	ssyncadd.s32 $0xFFFFFFB0  }
0x199: {  	_ =	swait.ge [sflag:s11], $0x2800  }
0x19a: {  	s8 =	simm.s32 $0x50;
	[sflag:s11] =	ssyncset.done $0x0  }
0x19b: {  	s9 =	simm.s32 $0x7;
	s14 =	simm.s32 $0xA080;
	[sflag:s11] =	ssyncadd.s32 $0xFFFFD800  }
0x19c: {  	[spmem:s22] =	stream.indirect.scatter.add.f32 [tilespmem:s23], [sflag:$0x12], $0x80, s14, s8, $0xb8;
	[tilespmem:$0x1E600] =	vst v63  }
0x19d: {  	_ =	swait.ge [sflag:s9], $0x50  }
0x19e: {  	[sflag:s9] =	ssyncset.done $0x0  }
0x19f: {  	s24 =	simm.s32 $0x3;
	[sflag:s9] =	ssyncadd.s32 $0xFFFFFFB0  }
0x1a0: {  	_ =	swait.ge [sflag:s24], $0x2800  }
0x1a1: {  	[sflag:s24] =	ssyncset.done $0x0  }
0x1a2: {  	s29 =	simm.s32 $0x8;
	s3 =	simm.s32 $0xA100;
	[sflag:s24] =	ssyncadd.s32 $0xFFFFD800  }
0x1a3: {  	[spmem:s22] =	stream.indirect.scatter.add.f32 [tilespmem:s19], [sflag:$0x13], $0x80, s3, s8, $0xb8;
	[tilespmem:$0x1E600] =	vst v63  }
0x1a4: {  	_ =	swait.ge [sflag:s29], $0x50  }
0x1a5: {  	[sflag:s29] =	ssyncset.done $0x0  }
0x1a6: {  	s30 =	simm.s32 $0x4;
	[sflag:s29] =	ssyncadd.s32 $0xFFFFFFB0  }
0x1a7: {  	_ =	swait.ge [sflag:s30], $0x2800  }
0x1a8: {  	[sflag:s30] =	ssyncset.done $0x0  }
0x1a9: {  	[sflag:s30] =	ssyncadd.s32 $0xFFFFD800  }
0x1aa: {  	[spmem:s22] =	stream.indirect.scatter.add.f32 [tilespmem:s7], [sflag:$0x14], $0x80, s10, s8, $0xb8;
	[tilespmem:$0x1E600] =	vst v63  }
0x1ab: {  	_ =	swait.ge [sflag:s25], $0x2800  }
0x1ac: {  	[sflag:s25] =	ssyncset.done $0x0  }
0x1ad: {  	[sflag:s25] =	ssyncadd.s32 $0xFFFFD800;
	s25 =	rddreg [dreg:$0x12]  }
0x1ae: {  	s28 =	simm.s32 $0x0;
	s7 =	rddreg [dreg:$0x5];
	s8 =	sadd.s32 s25, s20  }
0x1af: {  	[tilespmem:s15], [sflag:$0x5] =	stream.linear.gather [hbm4b:s8+s28], $0x50, $0x38;
	[tilespmem:$0x1E600] =	vst v63  }
0x1b0: {  	s7 =	sadd.s32 s18, s7  }
0x1b1: {  	[tilespmem:s17], [sflag:$0xD] =	stream.linear.gather [hbm4b:s7+s28], $0x50, $0x38;
	[tilespmem:$0x1E600] =	vst v63  }
0x1b2: {  	_ =	swait.ge [sflag:s1], $0x2800  }
0x1b3: {  	s15 =	rddreg [dreg:$0x4];
	[sflag:s1] =	ssyncset.done $0x0  }
0x1b4: {  	s17 =	rddreg [dreg:$0x6];
	[sflag:s1] =	ssyncadd.s32 $0xFFFFD800;
	s7 =	sadd.s32 s18, s15  }
0x1b5: {  	[tilespmem:s14], [sflag:$0x6] =	stream.linear.gather [hbm4b:s7+s28], $0x50, $0x38;
	[tilespmem:$0x1E600] =	vst v63  }
0x1b6: {  	s8 =	sadd.s32 s18, s17  }
0x1b7: {  	[tilespmem:s21], [sflag:$0xE] =	stream.linear.gather [hbm4b:s8+s28], $0x50, $0x38;
	[tilespmem:$0x1E600] =	vst v63  }
0x1b8: {  	_ =	swait.ge [sflag:s0], $0x2800  }
0x1b9: {  	s17 =	rddreg [dreg:$0xc];
	[sflag:s0] =	ssyncset.done $0x0  }
0x1ba: {  	s21 =	rddreg [dreg:$0x7];
	[sflag:s0] =	ssyncadd.s32 $0xFFFFD800;
	s7 =	sadd.s32 s18, s17  }
0x1bb: {  	[tilespmem:s3], [sflag:$0x7] =	stream.linear.gather [hbm4b:s7+s28], $0x50, $0x38;
	[tilespmem:$0x1E600] =	vst v63  }
0x1bc: {  	s21 =	sadd.s32 s18, s21;
	s3 =	simm.s32 $0x0  }
0x1bd: {  	[tilespmem:s4], [sflag:$0xF] =	stream.linear.gather [hbm4b:s21+s3], $0x50, $0x38;
	[tilespmem:$0x1E600] =	vst v63  }
0x1be: {  	_ =	swait.ge [sflag:s2], $0x2800  }
0x1bf: {  	s28 =	rddreg [dreg:$0x9];
	[sflag:s2] =	ssyncset.done $0x0  }
0x1c0: {  	s4 =	rddreg [dreg:$0x8];
	[sflag:s2] =	ssyncadd.s32 $0xFFFFD800;
	s7 =	sadd.s32 s18, s28  }
0x1c1: {  	[tilespmem:s10], [sflag:$0x8] =	stream.linear.gather [hbm4b:s7+s3], $0x50, $0x38;
	[tilespmem:$0x1E600] =	vst v63  }
0x1c2: {  	s20 =	simm.s32 $0x9;
	s10 =	sadd.s32 s18, s4  }
0x1c3: {  	[tilespmem:s13], [sflag:$0x10] =	stream.linear.gather [hbm4b:s10+s3], $0x50, $0x38;
	[tilespmem:$0x1E600] =	vst v63  }
0x1c4: {  	s8 =	rddreg [dreg:$0x13];
	_ =	swait.ge [sflag:s20], $0x50  }
0x1c5: {  	s14 =	simm.s32 $0x50;
	[sflag:s20] =	ssyncset.done $0x0  }
0x1c6: {  	s21 =	simm.s32 $0xA200;
	s18 =	simm.s32 $0xA;
	[sflag:s20] =	ssyncadd.s32 $0xFFFFFFB0  }
0x1c7: {  	[tilespmem:s3], [sflag:$0x1] =	stream.indirect.gather [hbm4b:s31+s14], $0x80, s21, s14, $0xb8;
	[tilespmem:$0x1E600] =	vst v63  }
0x1c8: {  	_ =	swait.ge [sflag:s18], $0x50  }
0x1c9: {  	[sflag:s18] =	ssyncset.done $0x0  }
0x1ca: {  	s28 =	simm.s32 $0xA280;
	s7 =	simm.s32 $0xB;
	[sflag:s18] =	ssyncadd.s32 $0xFFFFFFB0  }
0x1cb: {  	[tilespmem:s23], [sflag:$0x2] =	stream.indirect.gather [hbm4b:s31+s14], $0x80, s28, s14, $0xb8;
	[tilespmem:$0x1E600] =	vst v63  }
0x1cc: {  	_ =	swait.ge [sflag:s7], $0x50  }
0x1cd: {  	[sflag:s7] =	ssyncset.done $0x0  }
0x1ce: {  	s10 =	simm.s32 $0xA300;
	s13 =	simm.s32 $0xC;
	[sflag:s7] =	ssyncadd.s32 $0xFFFFFFB0  }
0x1cf: {  	[tilespmem:s19], [sflag:$0x3] =	stream.indirect.gather [hbm4b:s31+s14], $0x80, s10, s14, $0xb8;
	[tilespmem:$0x1E600] =	vst v63  }
0x1d0: {  	_ =	swait.ge [sflag:s13], $0x50  }
0x1d1: {  	[sflag:s13] =	ssyncset.done $0x0  }
0x1d2: {  	s21 =	simm.s32 $0xA380;
	s28 =	simm.s32 $0x7800;
	[sflag:s13] =	ssyncadd.s32 $0xFFFFFFB0  }
0x1d3: {  	[tilespmem:s28], [sflag:$0x4] =	stream.indirect.gather [hbm4b:s31+s14], $0x80, s21, s14, $0xb8;
	[tilespmem:$0x1E600] =	vst v63  }
0x1d4: {  	_ =	swait.ge [sflag:s6], $0x50  }
0x1d5: {  	[sflag:s6] =	ssyncset.done $0x0  }
0x1d6: {  	[sflag:s6] =	ssyncadd.s32 $0xFFFFFFB0  }
0x1d7: {  	_ =	swait.ge [sflag:s5], $0x2800  }
0x1d8: {  	[sflag:s5] =	ssyncset.done $0x0  }
0x1d9: {  	s25 =	simm.s32 $0xA000;
	[sflag:s5] =	ssyncadd.s32 $0xFFFFD800  }
0x1da: {  	[spmem:s22] =	stream.indirect.scatter.add.f32 [tilespmem:s3], [sflag:$0x11], $0x80, s25, s14, $0xb8;
	[tilespmem:$0x1E600] =	vst v63  }
0x1db: {  	_ =	swait.ge [sflag:s26], $0x50  }
0x1dc: {  	[sflag:s26] =	ssyncset.done $0x0  }
0x1dd: {  	[sflag:s26] =	ssyncadd.s32 $0xFFFFFFB0  }
0x1de: {  	_ =	swait.ge [sflag:s11], $0x2800  }
0x1df: {  	[sflag:s11] =	ssyncset.done $0x0  }
0x1e0: {  	s15 =	simm.s32 $0xA080;
	[sflag:s11] =	ssyncadd.s32 $0xFFFFD800  }
0x1e1: {  	[spmem:s22] =	stream.indirect.scatter.add.f32 [tilespmem:s23], [sflag:$0x12], $0x80, s15, s14, $0xb8;
	[tilespmem:$0x1E600] =	vst v63  }
0x1e2: {  	_ =	swait.ge [sflag:s9], $0x50  }
0x1e3: {  	[sflag:s9] =	ssyncset.done $0x0  }
0x1e4: {  	[sflag:s9] =	ssyncadd.s32 $0xFFFFFFB0  }
0x1e5: {  	_ =	swait.ge [sflag:s24], $0x2800  }
0x1e6: {  	[sflag:s24] =	ssyncset.done $0x0  }
0x1e7: {  	s17 =	simm.s32 $0xA100;
	[sflag:s24] =	ssyncadd.s32 $0xFFFFD800  }
0x1e8: {  	[spmem:s22] =	stream.indirect.scatter.add.f32 [tilespmem:s19], [sflag:$0x13], $0x80, s17, s14, $0xb8;
	[tilespmem:$0x1E600] =	vst v63  }
0x1e9: {  	p0 =	sne.s32 s12, $0x410;
	_ =	swait.ge [sflag:s29], $0x50  }
.Ltmp1:
0x1ea: {  	[sflag:s29] =	ssyncset.done $0x0;
	(pc) =	sbr.rel @p0 .LBB2_4-.Ltmp1, $4  }
0x1eb: {  	[sflag:s29] =	ssyncadd.s32 $0xFFFFFFB0  }
0x1ec: {  	s12 =	sadd.s32 $0x50, s12;
	s16 =	sadd.s32 $0x280, s16;
	_ =	swait.ge [sflag:s30], $0x2800  }
0x1ed: {  	s1 =	simm.s32 $0xA480;
	s0 =	simm.s32 $0xA500;
	[sflag:s30] =	ssyncset.done $0x0  }
0x1ee: {  	s2 =	simm.s32 $0xA580;
	s23 =	smov.u32 s22;
	[sflag:s30] =	ssyncadd.s32 $0xFFFFD800  }
0x1ef: {  	s12 =	simm.s32 $0xA180;
	s16 =	simm.s32 $0x7800;
	s13 =	simm.s32 $0x11  }
0x1f0: {  	[spmem:s23] =	stream.indirect.scatter.add.f32 [tilespmem:s16], [sflag:$0x14], $0x80, s12, s14, $0xb8;
	[tilespmem:$0x1E600] =	vst v63  }
0x1f1: {  	_ =	swait.ge [sflag:s13], $0x2800  }
0x1f2: {  	s4 =	sld [smem:$0x7F9]  }
0x1f3: {  	[sflag:s13] =	ssyncset.done $0x0  }
0x1f4: {  	s17 =	simm.s32 $0xA000;
	s28 =	sld [smem:$0x7EA];
	[sflag:s13] =	ssyncadd.s32 $0xFFFFD800  }
0x1f5: {  	[tilespmem:s17], [sflag:$0x5] =	stream.linear.gather [hbm4b:s4+s3], $0x50, $0x38;
	[tilespmem:$0x1E600] =	vst v63  }
0x1f6: {  	s5 =	simm.s32 $0xA200;
	s10 =	simm.s32 $0x12  }
0x1f7: {  	[tilespmem:s5], [sflag:$0x9] =	stream.linear.gather [hbm4b:s28+s3], $0x50, $0x38;
	[tilespmem:$0x1E600] =	vst v63  }
0x1f8: {  	_ =	swait.ge [sflag:s10], $0x2800  }
0x1f9: {  	s29 =	sld [smem:$0x7FA]  }
0x1fa: {  	[sflag:s10] =	ssyncset.done $0x0  }
0x1fb: {  	s15 =	simm.s32 $0xA080;
	s30 =	sld [smem:$0x7EC];
	[sflag:s10] =	ssyncadd.s32 $0xFFFFD800  }
0x1fc: {  	[tilespmem:s15], [sflag:$0x6] =	stream.linear.gather [hbm4b:s29+s3], $0x50, $0x38;
	[tilespmem:$0x1E600] =	vst v63  }
0x1fd: {  	s21 =	smov.u32 s31;
	s31 =	simm.s32 $0xA280  }
0x1fe: {  	[tilespmem:s31], [sflag:$0xA] =	stream.linear.gather [hbm4b:s30+s3], $0x50, $0x38;
	[tilespmem:$0x1E600] =	vst v63  }
0x1ff: {  	s30 =	simm.s32 $0x13  }
0x200: {  	_ =	swait.ge [sflag:s30], $0x2800  }
0x201: {  	s5 =	sld [smem:$0x7FB]  }
0x202: {  	[sflag:s30] =	ssyncset.done $0x0  }
0x203: {  	s22 =	simm.s32 $0xA100;
	s6 =	sld [smem:$0x7EE];
	[sflag:s30] =	ssyncadd.s32 $0xFFFFD800  }
0x204: {  	[tilespmem:s22], [sflag:$0x7] =	stream.linear.gather [hbm4b:s5+s3], $0x50, $0x38;
	[tilespmem:$0x1E600] =	vst v63  }
0x205: {  	s9 =	simm.s32 $0xA300;
	s31 =	simm.s32 $0x14  }
0x206: {  	[tilespmem:s9], [sflag:$0xB] =	stream.linear.gather [hbm4b:s6+s3], $0x50, $0x38;
	[tilespmem:$0x1E600] =	vst v63  }
0x207: {  	_ =	swait.ge [sflag:s31], $0x2800  }
0x208: {  	s11 =	sld [smem:$0x7FD]  }
0x209: {  	[sflag:s31] =	ssyncset.done $0x0  }
0x20a: {  	s19 =	sld [smem:$0x7F0];
	[sflag:s31] =	ssyncadd.s32 $0xFFFFD800  }
0x20b: {  	[tilespmem:s12], [sflag:$0x8] =	stream.linear.gather [hbm4b:s11+s3], $0x50, $0x38;
	[tilespmem:$0x1E600] =	vst v63  }
0x20c: {  	s24 =	simm.s32 $0xA380;
	s25 =	simm.s32 $0xD  }
0x20d: {  	[tilespmem:s24], [sflag:$0xC] =	stream.linear.gather [hbm4b:s19+s3], $0x50, $0x38;
	[tilespmem:$0x1E600] =	vst v63  }
0x20e: {  	_ =	swait.ge [sflag:s25], $0x50  }
0x20f: {  	[sflag:s25] =	ssyncset.done $0x0  }
0x210: {  	s26 =	simm.s32 $0xA400;
	s28 =	simm.s32 $0xE;
	[sflag:s25] =	ssyncadd.s32 $0xFFFFFFB0  }
0x211: {  	[tilespmem:s3], [sflag:$0x1] =	stream.indirect.gather [hbm4b:s21+s14], $0x80, s26, s14, $0xb8;
	[tilespmem:$0x1E600] =	vst v63  }
0x212: {  	_ =	swait.ge [sflag:s28], $0x50  }
0x213: {  	[sflag:s28] =	ssyncset.done $0x0  }
0x214: {  	s29 =	simm.s32 $0xF;
	s25 =	simm.s32 $0x2800;
	[sflag:s28] =	ssyncadd.s32 $0xFFFFFFB0  }
0x215: {  	[tilespmem:s25], [sflag:$0x2] =	stream.indirect.gather [hbm4b:s21+s14], $0x80, s1, s14, $0xb8;
	[tilespmem:$0x1E600] =	vst v63  }
0x216: {  	_ =	swait.ge [sflag:s29], $0x50  }
0x217: {  	[sflag:s29] =	ssyncset.done $0x0  }
0x218: {  	s19 =	simm.s32 $0x5000;
	s1 =	simm.s32 $0x10;
	[sflag:s29] =	ssyncadd.s32 $0xFFFFFFB0  }
0x219: {  	[tilespmem:s19], [sflag:$0x3] =	stream.indirect.gather [hbm4b:s21+s14], $0x80, s0, s14, $0xb8;
	[tilespmem:$0x1E600] =	vst v63  }
0x21a: {  	_ =	swait.ge [sflag:s1], $0x50  }
0x21b: {  	[sflag:s1] =	ssyncset.done $0x0  }
0x21c: {  	s6 =	simm.s32 $0x5;
	[sflag:s1] =	ssyncadd.s32 $0xFFFFFFB0  }
0x21d: {  	[tilespmem:s16], [sflag:$0x4] =	stream.indirect.gather [hbm4b:s21+s14], $0x80, s2, s14, $0xb8;
	[tilespmem:$0x1E600] =	vst v63  }
0x21e: {  	_ =	swait.ge [sflag:s6], $0x50  }
0x21f: {  	[sflag:s6] =	ssyncset.done $0x0  }
0x220: {  	s5 =	simm.s32 $0x1;
	[sflag:s6] =	ssyncadd.s32 $0xFFFFFFB0  }
0x221: {  	_ =	swait.ge [sflag:s5], $0x2800  }
0x222: {  	[sflag:s5] =	ssyncset.done $0x0  }
0x223: {  	s26 =	simm.s32 $0x6;
	[sflag:s5] =	ssyncadd.s32 $0xFFFFD800  }
0x224: {  	[spmem:s23] =	stream.indirect.scatter.add.f32 [tilespmem:s3], [sflag:$0x11], $0x80, s17, s14, $0xb8;
	[tilespmem:$0x1E600] =	vst v63  }
0x225: {  	_ =	swait.ge [sflag:s26], $0x50  }
0x226: {  	[sflag:s26] =	ssyncset.done $0x0  }
0x227: {  	s11 =	simm.s32 $0x2;
	[sflag:s26] =	ssyncadd.s32 $0xFFFFFFB0  }
0x228: {  	_ =	swait.ge [sflag:s11], $0x2800  }
0x229: {  	[sflag:s11] =	ssyncset.done $0x0  }
0x22a: {  	s9 =	simm.s32 $0x7;
	[sflag:s11] =	ssyncadd.s32 $0xFFFFD800  }
0x22b: {  	[spmem:s23] =	stream.indirect.scatter.add.f32 [tilespmem:s25], [sflag:$0x12], $0x80, s15, s14, $0xb8;
	[tilespmem:$0x1E600] =	vst v63  }
0x22c: {  	_ =	swait.ge [sflag:s9], $0x50  }
0x22d: {  	[sflag:s9] =	ssyncset.done $0x0  }
0x22e: {  	s24 =	simm.s32 $0x3;
	[sflag:s9] =	ssyncadd.s32 $0xFFFFFFB0  }
0x22f: {  	_ =	swait.ge [sflag:s24], $0x2800  }
0x230: {  	[sflag:s24] =	ssyncset.done $0x0  }
0x231: {  	s28 =	simm.s32 $0x8;
	[sflag:s24] =	ssyncadd.s32 $0xFFFFD800  }
0x232: {  	[spmem:s23] =	stream.indirect.scatter.add.f32 [tilespmem:s19], [sflag:$0x13], $0x80, s22, s14, $0xb8;
	[tilespmem:$0x1E600] =	vst v63  }
0x233: {  	_ =	swait.ge [sflag:s28], $0x50  }
0x234: {  	[sflag:s28] =	ssyncset.done $0x0  }
0x235: {  	s29 =	simm.s32 $0x4;
	[sflag:s28] =	ssyncadd.s32 $0xFFFFFFB0  }
0x236: {  	_ =	swait.ge [sflag:s29], $0x2800  }
0x237: {  	[sflag:s29] =	ssyncset.done $0x0  }
0x238: {  	[sflag:s29] =	ssyncadd.s32 $0xFFFFD800  }
0x239: {  	[spmem:s23] =	stream.indirect.scatter.add.f32 [tilespmem:s16], [sflag:$0x14], $0x80, s12, s14, $0xb8;
	[tilespmem:$0x1E600] =	vst v63  }
0x23a: {  	_ =	swait.ge [sflag:s13], $0x2800  }
0x23b: {  	s2 =	sld [smem:$0x7EB]  }
0x23c: {  	[sflag:s13] =	ssyncset.done $0x0  }
0x23d: {  	[sflag:s13] =	ssyncadd.s32 $0xFFFFD800  }
0x23e: {  	[tilespmem:s17], [sflag:$0x5] =	stream.linear.gather [hbm4b:s2+s3], $0x50, $0x38;
	[tilespmem:$0x1E600] =	vst v63  }
0x23f: {  	_ =	swait.ge [sflag:s10], $0x2800  }
0x240: {  	s0 =	sld [smem:$0x7ED]  }
0x241: {  	[sflag:s10] =	ssyncset.done $0x0  }
0x242: {  	[sflag:s10] =	ssyncadd.s32 $0xFFFFD800  }
0x243: {  	[tilespmem:s15], [sflag:$0x6] =	stream.linear.gather [hbm4b:s0+s3], $0x50, $0x38;
	[tilespmem:$0x1E600] =	vst v63  }
0x244: {  	_ =	swait.ge [sflag:s30], $0x2800  }
0x245: {  	s1 =	sld [smem:$0x7EF]  }
0x246: {  	[sflag:s30] =	ssyncset.done $0x0  }
0x247: {  	[sflag:s30] =	ssyncadd.s32 $0xFFFFD800  }
0x248: {  	[tilespmem:s22], [sflag:$0x7] =	stream.linear.gather [hbm4b:s1+s3], $0x50, $0x38;
	[tilespmem:$0x1E600] =	vst v63  }
0x249: {  	_ =	swait.ge [sflag:s31], $0x2800  }
0x24a: {  	s2 =	sld [smem:$0x7F1]  }
0x24b: {  	[sflag:s31] =	ssyncset.done $0x0  }
0x24c: {  	[sflag:s31] =	ssyncadd.s32 $0xFFFFD800  }
0x24d: {  	[tilespmem:s12], [sflag:$0x8] =	stream.linear.gather [hbm4b:s2+s3], $0x50, $0x38;
	[tilespmem:$0x1E600] =	vst v63  }
0x24e: {  	_ =	swait.ge [sflag:s20], $0x50  }
0x24f: {  	[sflag:s20] =	ssyncset.done $0x0  }
0x250: {  	[sflag:s20] =	ssyncadd.s32 $0xFFFFFFB0;
	s20 =	simm.s32 $0xA200  }
0x251: {  	[tilespmem:s3], [sflag:$0x1] =	stream.indirect.gather [hbm4b:s21+s14], $0x80, s20, s14, $0xb8;
	[tilespmem:$0x1E600] =	vst v63  }
0x252: {  	_ =	swait.ge [sflag:s18], $0x50  }
0x253: {  	[sflag:s18] =	ssyncset.done $0x0  }
0x254: {  	s1 =	simm.s32 $0xA280;
	[sflag:s18] =	ssyncadd.s32 $0xFFFFFFB0  }
0x255: {  	[tilespmem:s25], [sflag:$0x2] =	stream.indirect.gather [hbm4b:s21+s14], $0x80, s1, s14, $0xb8;
	[tilespmem:$0x1E600] =	vst v63  }
0x256: {  	_ =	swait.ge [sflag:s7], $0x50  }
0x257: {  	[sflag:s7] =	ssyncset.done $0x0  }
0x258: {  	s4 =	simm.s32 $0xC;
	s2 =	simm.s32 $0xA300;
	[sflag:s7] =	ssyncadd.s32 $0xFFFFFFB0  }
0x259: {  	[tilespmem:s19], [sflag:$0x3] =	stream.indirect.gather [hbm4b:s21+s14], $0x80, s2, s14, $0xb8;
	[tilespmem:$0x1E600] =	vst v63  }
0x25a: {  	_ =	swait.ge [sflag:s4], $0x50  }
0x25b: {  	[sflag:s4] =	ssyncset.done $0x0  }
0x25c: {  	s7 =	simm.s32 $0xA380;
	[sflag:s4] =	ssyncadd.s32 $0xFFFFFFB0  }
0x25d: {  	[tilespmem:s16], [sflag:$0x4] =	stream.indirect.gather [hbm4b:s21+s14], $0x80, s7, s14, $0xb8;
	[tilespmem:$0x1E600] =	vst v63  }
0x25e: {  	_ =	swait.ge [sflag:s6], $0x50  }
0x25f: {  	[sflag:s6] =	ssyncset.done $0x0  }
0x260: {  	[sflag:s6] =	ssyncadd.s32 $0xFFFFFFB0  }
0x261: {  	_ =	swait.ge [sflag:s5], $0x2800  }
0x262: {  	[sflag:s5] =	ssyncset.done $0x0  }
0x263: {  	[sflag:s5] =	ssyncadd.s32 $0xFFFFD800  }
0x264: {  	[spmem:s23] =	stream.indirect.scatter.add.f32 [tilespmem:s3], [sflag:$0x11], $0x80, s17, s14, $0xb8;
	[tilespmem:$0x1E600] =	vst v63  }
0x265: {  	_ =	swait.ge [sflag:s26], $0x50  }
0x266: {  	[sflag:s26] =	ssyncset.done $0x0  }
0x267: {  	[sflag:s26] =	ssyncadd.s32 $0xFFFFFFB0  }
0x268: {  	_ =	swait.ge [sflag:s11], $0x2800  }
0x269: {  	[sflag:s11] =	ssyncset.done $0x0  }
0x26a: {  	[sflag:s11] =	ssyncadd.s32 $0xFFFFD800  }
0x26b: {  	[spmem:s23] =	stream.indirect.scatter.add.f32 [tilespmem:s25], [sflag:$0x12], $0x80, s15, s14, $0xb8;
	[tilespmem:$0x1E600] =	vst v63  }
0x26c: {  	_ =	swait.ge [sflag:s9], $0x50  }
0x26d: {  	[sflag:s9] =	ssyncset.done $0x0  }
0x26e: {  	[sflag:s9] =	ssyncadd.s32 $0xFFFFFFB0  }
0x26f: {  	_ =	swait.ge [sflag:s24], $0x2800  }
0x270: {  	[sflag:s24] =	ssyncset.done $0x0  }
0x271: {  	[sflag:s24] =	ssyncadd.s32 $0xFFFFD800  }
0x272: {  	[spmem:s23] =	stream.indirect.scatter.add.f32 [tilespmem:s19], [sflag:$0x13], $0x80, s22, s14, $0xb8;
	[tilespmem:$0x1E600] =	vst v63  }
0x273: {  	_ =	swait.ge [sflag:s28], $0x50  }
0x274: {  	[sflag:s28] =	ssyncset.done $0x0  }
0x275: {  	[sflag:s28] =	ssyncadd.s32 $0xFFFFFFB0  }
0x276: {  	_ =	swait.ge [sflag:s29], $0x2800  }
0x277: {  	[sflag:s29] =	ssyncset.done $0x0  }
0x278: {  	[sflag:s29] =	ssyncadd.s32 $0xFFFFD800  }
0x279: {  	[spmem:s23] =	stream.indirect.scatter.add.f32 [tilespmem:s16], [sflag:$0x14], $0x80, s12, s14, $0xb8;
	[tilespmem:$0x1E600] =	vst v63  }
0x27a: {  	_ =	swait.ge [sflag:s13], $0x2800  }
0x27b: {  	[sflag:s13] =	ssyncset.done $0x0  }
0x27c: {  	[sflag:s13] =	ssyncadd.s32 $0xFFFFD800  }
0x27d: {  	_ =	swait.ge [sflag:s10], $0x2800  }
0x27e: {  	[sflag:s10] =	ssyncset.done $0x0  }
0x27f: {  	[sflag:s10] =	ssyncadd.s32 $0xFFFFD800  }
0x280: {  	_ =	swait.ge [sflag:s30], $0x2800  }
0x281: {  	[sflag:s30] =	ssyncset.done $0x0  }
0x282: {  	[sflag:s30] =	ssyncadd.s32 $0xFFFFD800  }
0x283: {  	_ =	swait.ge [sflag:s31], $0x2800  }
0x284: {  	[sflag:s31] =	ssyncset.done $0x0  }
0x285: {  	[sflag:s31] =	ssyncadd.s32 $0xFFFFD800  }
0x286: {  	[bflag:$0x0] =	sbarrier.arrive $0xFFFF  }
0x287: {  	s7 =	simm.s32 $0x15;
	s10 =	rddreg [dreg:$0x1c]  }
0x288: {  	[tilespmem:s3], [sflag:$0x15] =	stream.linear.gather [spmem:s10], $0x2800, $0x38;
	[tilespmem:$0x1E600] =	vst v63  }
0x289: {  	_ =	swait.ge [sflag:s7], $0x2800  }
0x28a: {  	[sflag:s7] =	ssyncset.done $0x0  }
0x28b: {  	s11 =	rddreg [dreg:$0x14];
	[sflag:s7] =	ssyncadd.s32 $0xFFFFD800  }
0x28c: {  	[hbm4b:s11+s3] =	stream.linear.scatter [tilespmem:s3], [sflag:$0x15], $0x2800, $0x38;
	[tilespmem:$0x1E600] =	vst v63  }
0x28d: {  	_ =	swait.ge [sflag:s7], $0x2800  }
0x28e: {  	[sflag:s7] =	ssyncset.done $0x0  }
0x28f: {  	s12 =	rddreg [dreg:$0x1d];
	[sflag:s7] =	ssyncadd.s32 $0xFFFFD800  }
0x290: {  	[tilespmem:s3], [sflag:$0x15] =	stream.linear.gather [spmem:s12], $0x2800, $0x38;
	[tilespmem:$0x1E600] =	vst v63  }
0x291: {  	_ =	swait.ge [sflag:s7], $0x2800  }
0x292: {  	[sflag:s7] =	ssyncset.done $0x0  }
0x293: {  	s13 =	rddreg [dreg:$0x15];
	[sflag:s7] =	ssyncadd.s32 $0xFFFFD800  }
0x294: {  	[hbm4b:s13+s3] =	stream.linear.scatter [tilespmem:s3], [sflag:$0x15], $0x2800, $0x38;
	[tilespmem:$0x1E600] =	vst v63  }
0x295: {  	_ =	swait.ge [sflag:s7], $0x2800  }
0x296: {  	[sflag:s7] =	ssyncset.done $0x0  }
0x297: {  	s15 =	rddreg [dreg:$0x1e];
	[sflag:s7] =	ssyncadd.s32 $0xFFFFD800  }
0x298: {  	[tilespmem:s3], [sflag:$0x15] =	stream.linear.gather [spmem:s15], $0x2800, $0x38;
	[tilespmem:$0x1E600] =	vst v63  }
0x299: {  	_ =	swait.ge [sflag:s7], $0x2800  }
0x29a: {  	[sflag:s7] =	ssyncset.done $0x0  }
0x29b: {  	s16 =	rddreg [dreg:$0x16];
	[sflag:s7] =	ssyncadd.s32 $0xFFFFD800  }
0x29c: {  	[hbm4b:s16+s3] =	stream.linear.scatter [tilespmem:s3], [sflag:$0x15], $0x2800, $0x38;
	[tilespmem:$0x1E600] =	vst v63  }
0x29d: {  	_ =	swait.ge [sflag:s7], $0x2800  }
0x29e: {  	[sflag:s7] =	ssyncset.done $0x0  }
0x29f: {  	s17 =	rddreg [dreg:$0x1f];
	[sflag:s7] =	ssyncadd.s32 $0xFFFFD800  }
0x2a0: {  	[tilespmem:s3], [sflag:$0x15] =	stream.linear.gather [spmem:s17], $0x2800, $0x38;
	[tilespmem:$0x1E600] =	vst v63  }
0x2a1: {  	_ =	swait.ge [sflag:s7], $0x2800  }
0x2a2: {  	[sflag:s7] =	ssyncset.done $0x0  }
0x2a3: {  	s18 =	rddreg [dreg:$0x17];
	[sflag:s7] =	ssyncadd.s32 $0xFFFFD800  }
0x2a4: {  	[hbm4b:s18+s3] =	stream.linear.scatter [tilespmem:s3], [sflag:$0x15], $0x2800, $0x38;
	[tilespmem:$0x1E600] =	vst v63  }
0x2a5: {  	_ =	swait.ge [sflag:s7], $0x2800  }
0x2a6: {  	s19 =	sld [smem:$0x7DE]  }
0x2a7: {  	[sflag:s7] =	ssyncset.done $0x0  }
0x2a8: {  	[sflag:s7] =	ssyncadd.s32 $0xFFFFD800  }
0x2a9: {  	[tilespmem:s3], [sflag:$0x15] =	stream.linear.gather [spmem:s19], $0x2800, $0x38;
	[tilespmem:$0x1E600] =	vst v63  }
0x2aa: {  	_ =	swait.ge [sflag:s7], $0x2800  }
0x2ab: {  	[sflag:s7] =	ssyncset.done $0x0  }
0x2ac: {  	s20 =	rddreg [dreg:$0x18];
	[sflag:s7] =	ssyncadd.s32 $0xFFFFD800  }
0x2ad: {  	[hbm4b:s20+s3] =	stream.linear.scatter [tilespmem:s3], [sflag:$0x15], $0x2800, $0x38;
	[tilespmem:$0x1E600] =	vst v63  }
0x2ae: {  	_ =	swait.ge [sflag:s7], $0x2800  }
0x2af: {  	s22 =	sld [smem:$0x7DF]  }
0x2b0: {  	[sflag:s7] =	ssyncset.done $0x0  }
0x2b1: {  	[sflag:s7] =	ssyncadd.s32 $0xFFFFD800  }
0x2b2: {  	[tilespmem:s3], [sflag:$0x15] =	stream.linear.gather [spmem:s22], $0x2800, $0x38;
	[tilespmem:$0x1E600] =	vst v63  }
0x2b3: {  	_ =	swait.ge [sflag:s7], $0x2800  }
0x2b4: {  	[sflag:s7] =	ssyncset.done $0x0  }
0x2b5: {  	s24 =	rddreg [dreg:$0x19];
	[sflag:s7] =	ssyncadd.s32 $0xFFFFD800  }
0x2b6: {  	[hbm4b:s24+s3] =	stream.linear.scatter [tilespmem:s3], [sflag:$0x15], $0x2800, $0x38;
	[tilespmem:$0x1E600] =	vst v63  }
0x2b7: {  	_ =	swait.ge [sflag:s7], $0x2800  }
0x2b8: {  	s25 =	sld [smem:$0x7E0]  }
0x2b9: {  	[sflag:s7] =	ssyncset.done $0x0  }
0x2ba: {  	[sflag:s7] =	ssyncadd.s32 $0xFFFFD800  }
0x2bb: {  	[tilespmem:s3], [sflag:$0x15] =	stream.linear.gather [spmem:s25], $0x2800, $0x38;
	[tilespmem:$0x1E600] =	vst v63  }
0x2bc: {  	_ =	swait.ge [sflag:s7], $0x2800  }
0x2bd: {  	[sflag:s7] =	ssyncset.done $0x0  }
0x2be: {  	s26 =	rddreg [dreg:$0x1a];
	[sflag:s7] =	ssyncadd.s32 $0xFFFFD800  }
0x2bf: {  	[hbm4b:s26+s3] =	stream.linear.scatter [tilespmem:s3], [sflag:$0x15], $0x2800, $0x38;
	[tilespmem:$0x1E600] =	vst v63  }
0x2c0: {  	_ =	swait.ge [sflag:s7], $0x2800  }
0x2c1: {  	s28 =	sld [smem:$0x7E1]  }
0x2c2: {  	[sflag:s7] =	ssyncset.done $0x0  }
0x2c3: {  	[sflag:s7] =	ssyncadd.s32 $0xFFFFD800  }
0x2c4: {  	[tilespmem:s3], [sflag:$0x15] =	stream.linear.gather [spmem:s28], $0x2800, $0x38;
	[tilespmem:$0x1E600] =	vst v63  }
0x2c5: {  	_ =	swait.ge [sflag:s7], $0x2800  }
0x2c6: {  	[sflag:s7] =	ssyncset.done $0x0  }
0x2c7: {  	s29 =	rddreg [dreg:$0x1b];
	[sflag:s7] =	ssyncadd.s32 $0xFFFFD800  }
0x2c8: {  	[hbm4b:s29+s3] =	stream.linear.scatter [tilespmem:s3], [sflag:$0x15], $0x2800, $0x38;
	[tilespmem:$0x1E600] =	vst v63  }
0x2c9: {  	_ =	swait.ge [sflag:s7], $0x2800  }
0x2ca: {  	s30 =	sld [smem:$0x7DD]  }
0x2cb: {  	s31 =	sld [smem:$0x7F2];
	_ =	sdelay $0x1  }
0x2cc: {  	s0 =	sadd.s32 $0x1, s30  }
0x2cd: {  	p0 =	sne.s32 s0, s31  }
.Ltmp2:
0x2ce: {  	_ = 	snop;
	(pc) =	sbr.rel @p0 .LBB2_1-.Ltmp2, $4  }
0x2cf: {  	_ = 	snop  }
0x2d0: {  	s1 =	simm.s32 $0x11  }
0x2d1: {  	s2 =	simm.s32 $0x5;
	s10 =	simm.s32 $0xA000;
	[sflag:s7] =	ssyncset.done $0x0  }
0x2d2: {  	s11 =	simm.s32 $0x2800;
	s19 =	simm.s32 $0x1;
	[sflag:s7] =	ssyncadd.s32 $0xFFFFD800  }
0x2d3: {  	_ =	sfence.sel $0x180000  }
0x2d4: {  	[bflag:$0x0] =	sbarrier.arrive $0xFFFF  }
0x2d5: {  	_ =	strace $0x9000004A  }
0x2d6: {  	s0 =	stileid.u32;
	[bflag:$0x2] =	sbarrier.arrive $0xFFFF  }
0x2d7: {  	p0 =	sne.s32 s0, $0x0;
	s0 =	rddreg [dreg:$0x3]  }
0x2d8: {  	s0 =	sadd.s32 @!p0 $0x100000, s0  }
0x2d9: {  	[sflag:s0] =	ssyncadd.tile.s32 @!p0 $0x1;
	_ =	shalt  }
.Lfunc_end2:
_tile_overlayer_lowered:
.L_overlay_start_2:
0x2da: {  	(tag) =	ssettag $0x2  }
0x2db: {  	s0 =	rddreg [dreg:$0x0];
	s2 =	stileid.u32  }
0x2dc: {  	s1 =	rddreg [dreg:$0x1];
	p0 =	sne.s32 s2, $0x0  }
0x2dd: {  	s3 =	rddreg [dreg:$0x2];
	[bflag:$0x3] =	sbarrier.arrive $0xFFFF;
	s2 =	simm.s32 @!p0 $0x1C15  }
0x2de: {  	[timem:s3], [sflag:s2] =	dma.local @!p0 [hbm:s0], s1  }
0x2df: {  	s0 =	simm.s32 @!p0 $0x15  }
0x2e0: {  	_ =	swait.ge @!p0 [sflag:s0], s1  }
0x2e1: {  	s1 =	ssub.s32 @!p0 $0x0, s1;
	[sflag:s0] =	ssyncset.done @!p0 $0x0  }
0x2e2: {  	[sflag:s0] =	ssyncadd.s32 @!p0 s1  }
0x2e3: {  	[bflag:$0x3] =	sbarrier.arrive $0xFFFF  }
0x2e4: {  	_ =	shalt  }

</sc_bundles>
